<compile_context>
chip_gen: v7x
topology: tpu7x:2x2x1
jax: 0.10.2.dev20260603
libtpu: 0.0.44.dev20260713+nightly
codegen_flags: <defaults>
</compile_context>

<pallas_src>
import jax
import jax.numpy as jnp
from jax import lax
from jax.experimental import pallas as pl
from jax.experimental.pallas import tpu as pltpu
from jax.experimental.pallas import tpu_sc as plsc

_B = 128
_L = 512
_D = 64
_HB = 1024
_NTILES = 32
_RPT = _B // _NTILES
_NC = 2


def _sc_counts_body(ids_hbm, nbp_hbm, out_hbm, x2d, ids_v, hist_v, outv,
                    sem_in, sem_out):
    c = lax.axis_index("c")
    s = lax.axis_index("s")
    wid = s * _NC + c

    pltpu.async_copy(nbp_hbm.at[wid * _RPT], x2d.at[0], sem_in)
    pltpu.sync_copy(ids_hbm, ids_v)

    pending = []

    for j in range(_RPT):
        r = wid * _RPT + j
        jb = j % 2

        @pl.loop(0, 2 * _HB // 16)
        def _(i):
            hist_v[pl.ds(i * 16, 16)] = jnp.zeros((16,), jnp.int32)

        pltpu.make_async_copy(nbp_hbm.at[r], x2d.at[jb], sem_in).wait()
        if j + 1 < _RPT:
            pltpu.async_copy(nbp_hbm.at[r + 1], x2d.at[1 - jb], sem_in)

        for jj in range(8):
            bias = 0 if jj < 4 else _HB

            @pl.loop(0, 8)
            def _(k):
                x = x2d[jb, jj, pl.ds(k * 16, 16)] + bias
                cnt, last = plsc.scan_count(x)
                plsc.addupdate_scatter(hist_v, [x], cnt, mask=last)

        rvec = jnp.full((16,), r, jnp.int32)
        src_sp = plsc.load_gather(ids_v, [rvec])
        dst_sp = plsc.load_gather(ids_v, [rvec + _B])
        c1 = plsc.load_gather(hist_v, [src_sp + _HB])
        c2 = plsc.load_gather(hist_v, [dst_sp])
        ovr = jnp.where((src_sp == dst_sp) & (c1 > 0), c1, c2)

        while pending and pending[0][0] == jb:
            _, ch, oref = pending.pop(0)
            pltpu.make_async_copy(outv.at[jb, pl.ds(ch * _L, _L)], oref,
                                  sem_out).wait()

        for jj in range(4):
            @pl.loop(0, 8)
            def _(k):
                o = jj * 128 + k * 16
                xc = x2d[jb, jj, pl.ds(k * 16, 16)]
                ass = plsc.load_gather(hist_v, [xc])
                asd = plsc.load_gather(hist_v, [xc + _HB])
                col2 = jnp.where(xc == dst_sp, ovr, asd)
                outv[jb, pl.ds(o, 16)] = ass.astype(jnp.float32)
                outv[jb, pl.ds(_L + o, 16)] = col2.astype(jnp.float32)
                yc = x2d[jb, jj + 4, pl.ds(k * 16, 16)]
                add_ = plsc.load_gather(hist_v, [yc + _HB])
                ads = plsc.load_gather(hist_v, [yc])
                col1 = jnp.where(yc == src_sp, c1, ads)
                outv[jb, pl.ds(2 * _L + o, 16)] = col1.astype(jnp.float32)
                outv[jb, pl.ds(3 * _L + o, 16)] = add_.astype(jnp.float32)

        for ch in range(4):
            pltpu.async_copy(outv.at[jb, pl.ds(ch * _L, _L)],
                             out_hbm.at[ch, r], sem_out)
            pending.append((jb, ch, out_hbm.at[ch, r]))

    for jb, ch, oref in pending:
        pltpu.make_async_copy(outv.at[jb, pl.ds(ch * _L, _L)], oref,
                              sem_out).wait()


def _sc_counts(ids_packed, nb_packed):
    mesh = plsc.VectorSubcoreMesh(core_axis_name="c", subcore_axis_name="s",
                                  num_cores=_NC, num_subcores=16)
    f = pl.kernel(
        _sc_counts_body,
        out_type=jax.ShapeDtypeStruct((4, _B, _L), jnp.float32),
        mesh=mesh,
        scratch_types=[
            pltpu.VMEM((2, 8, 128), jnp.int32),
            pltpu.VMEM((2 * _B,), jnp.int32),
            pltpu.VMEM((2 * _HB,), jnp.int32),
            pltpu.VMEM((2, 4 * _L), jnp.float32),
            pltpu.SemaphoreType.DMA,
            pltpu.SemaphoreType.DMA,
        ],
        compiler_params=pltpu.CompilerParams(needs_layout_passes=False),
    )
    return f(ids_packed, nb_packed)


_BLK = 16
_MB = _BLK * _L


def _tc_mlp_body(c_ref, w1_ref, b1_ref, w2_ref, b2_ref, src_out, dst_out):
    w1 = w1_ref[...].astype(jnp.bfloat16)
    w2 = w2_ref[...].astype(jnp.bfloat16)
    b1c = b1_ref[...]
    b2c = b2_ref[...]
    dt = (((0,), (0,)), ((), ()))

    def hidden(ch):
        a = c_ref[...][ch].astype(jnp.bfloat16)
        pre = lax.dot_general(w1, a, dt, preferred_element_type=jnp.float32)
        return jnp.maximum(pre + b1c, 0.0)

    def feat(ch0, ch1):
        hs = (hidden(ch0) + hidden(ch1)).astype(jnp.bfloat16)
        ot = lax.dot_general(w2, hs, dt,
                             preferred_element_type=jnp.float32) + 2.0 * b2c
        return jnp.swapaxes(ot, 0, 1).reshape(_BLK, _L, _D)

    src_out[...] = feat(0, 1)
    dst_out[...] = feat(2, 3)


def _tc_mlp(counts, W1, b1, W2, b2):
    c3 = counts.reshape(4, 1, _B * _L)
    cnt_spec = pl.BlockSpec((4, 1, _MB), lambda i: (0, 0, i))
    out_spec = pl.BlockSpec((_BLK, _L, _D), lambda i: (i, 0, 0))
    out_sd = jax.ShapeDtypeStruct((_B, _L, _D), jnp.float32)
    return pl.pallas_call(
        _tc_mlp_body,
        grid=(_B // _BLK,),
        in_specs=[cnt_spec,
                  pl.BlockSpec((1, _D), lambda i: (0, 0)),
                  pl.BlockSpec((_D, 1), lambda i: (0, 0)),
                  pl.BlockSpec((_D, _D), lambda i: (0, 0)),
                  pl.BlockSpec((_D, 1), lambda i: (0, 0))],
        out_specs=(out_spec, out_spec),
        out_shape=(out_sd, out_sd),
    )(c3, W1, b1.reshape(_D, 1), W2, b2.reshape(_D, 1))


def kernel(src_node_ids, dst_node_ids, src_nodes_neighbor_ids,
           dst_nodes_neighbor_ids, W1, b1, W2, b2):
    ids_packed = jnp.concatenate(
        [src_node_ids.astype(jnp.int32), dst_node_ids.astype(jnp.int32)])
    nb_packed = jnp.concatenate(
        [src_nodes_neighbor_ids.astype(jnp.int32).reshape(_B, 4, 128),
         dst_nodes_neighbor_ids.astype(jnp.int32).reshape(_B, 4, 128)], axis=1)

    counts = _sc_counts(ids_packed, nb_packed)
    src_feat, dst_feat = _tc_mlp(counts, W1, b1, W2, b2)
    return (src_feat, dst_feat)

# --- scband reference (transcript-rebuilt; emitter-appended) ---
"""Pipeline reference for scband-nifencoder-18940805775845 (READ-ONLY COPY).

The authoritative reference and input builder live on the scoring server;
editing this copy changes nothing except your own understanding.
"""

import jax, jax.numpy as jnp
import numpy as np

B = 128
L = 512
D = 64
NUM_NODES = 1000


def setup_inputs(seed: int = 0) -> dict:
    key = jax.random.key(seed)
    k1, k2, k3, k4, k5, k6, k7, k8 = jax.random.split(key, 8)
    src_node_ids = jax.random.randint(k1, (B,), 0, NUM_NODES, dtype=jnp.int64 if jax.config.jax_enable_x64 else jnp.int32)
    dst_node_ids = jax.random.randint(k2, (B,), 0, NUM_NODES, dtype=src_node_ids.dtype)
    src_nodes_neighbor_ids = jax.random.randint(k3, (B, L), 0, NUM_NODES, dtype=src_node_ids.dtype)
    dst_nodes_neighbor_ids = jax.random.randint(k4, (B, L), 0, NUM_NODES, dtype=src_node_ids.dtype)
    W1 = jax.random.normal(k5, (1, D), dtype=jnp.float32) * 0.5
    b1 = jax.random.normal(k6, (D,), dtype=jnp.float32) * 0.1
    W2 = jax.random.normal(k7, (D, D), dtype=jnp.float32) * (1.0 / np.sqrt(D))
    b2 = jax.random.normal(k8, (D,), dtype=jnp.float32) * 0.1
    return {
        "src_node_ids": src_node_ids,
        "dst_node_ids": dst_node_ids,
        "src_nodes_neighbor_ids": src_nodes_neighbor_ids,
        "dst_nodes_neighbor_ids": dst_nodes_neighbor_ids,
        "W1": W1, "b1": b1, "W2": W2, "b2": b2,
    }


def _appearances(src_ids, dst_ids, src_nb, dst_nb):
    # counts of each neighbor within its own sequence (np.unique counts + inverse)
    cnt_src_in_src = jnp.sum(src_nb[:, :, None] == src_nb[:, None, :], axis=-1)
    cnt_dst_in_dst = jnp.sum(dst_nb[:, :, None] == dst_nb[:, None, :], axis=-1)
    # cross counts (dict .get(neighbor, 0) lookups)
    cnt_src_in_dst = jnp.sum(src_nb[:, :, None] == dst_nb[:, None, :], axis=-1)
    cnt_dst_in_src = jnp.sum(dst_nb[:, :, None] == src_nb[:, None, :], axis=-1)
    # c1 = count of src_node_id in dst neighbors; c2 = count of dst_node_id in src neighbors
    c1 = jnp.sum(dst_nb == src_ids[:, None], axis=-1)
    c2 = jnp.sum(src_nb == dst_ids[:, None], axis=-1)
    same = (src_ids == dst_ids)
    # dict-override semantics of count_nodes_appearances:
    # - dst_mapping_dict[dst_node_id] is overwritten with src_mapping_dict[dst_node_id],
    #   where src_mapping_dict[src_node_id] may itself have been overwritten by c1.
    override_val = jnp.where(same & (c1 > 0), c1, c2)
    src_col2 = jnp.where(src_nb == dst_ids[:, None], override_val[:, None], cnt_src_in_dst)
    # - src_mapping_dict[src_node_id] overwritten with c1 (whenever src_node_id appears in dst)
    dst_col1 = jnp.where(dst_nb == src_ids[:, None], c1[:, None], cnt_dst_in_src)
    src_app = jnp.stack([cnt_src_in_src, src_col2], axis=2).astype(jnp.float32)
    dst_app = jnp.stack([dst_col1, cnt_dst_in_dst], axis=2).astype(jnp.float32)
    return src_app, dst_app


def _nif_encode(app, W1, b1, W2, b2):
    # app: [B, L, 2] -> unsqueeze(-1) -> Linear(1,D) -> ReLU -> Linear(D,D) -> sum over dim 2
    h = app[..., None] @ W1 + b1          # [B, L, 2, D]
    h = jax.nn.relu(h)
    out = h @ W2 + b2                     # [B, L, 2, D]
    return out.sum(axis=2)                # [B, L, D]


def reference(src_node_ids, dst_node_ids, src_nodes_neighbor_ids, dst_nodes_neighbor_ids, W1, b1, W2, b2):
    src_app, dst_app = _appearances(src_node_ids, dst_node_ids, src_nodes_neighbor_ids, dst_nodes_neighbor_ids)
    src_feat = _nif_encode(src_app, W1, b1, W2, b2)
    dst_feat = _nif_encode(dst_app, W1, b1, W2, b2)
    return (src_feat, dst_feat)

if __name__ == "__main__":
    import jax
    _d = setup_inputs()
    print(jax.jit(kernel)(*tuple(_d.values())))

</pallas_src>

<mosaic_0001>
#map = affine_map<(d0, d1) -> (0)>
#map1 = affine_map<(d0, d1) -> (0, 0, 0)>
module attributes {stable_mosaic.version = 14 : i64} {
  func.func @_sc_counts_body(%arg0: i32, %arg1: i32, %arg2: memref<256xi32, #tpu.memory_space<hbm>>, %arg3: memref<128x8x128xi32, #tpu.memory_space<hbm>>, %arg4: memref<4x128x512xf32, #tpu.memory_space<hbm>>, %arg5: memref<2x8x128xi32, #tpu.memory_space<vmem>>, %arg6: memref<256xi32, #tpu.memory_space<vmem>>, %arg7: memref<2048xi32, #tpu.memory_space<vmem>>, %arg8: memref<2x2048xf32, #tpu.memory_space<vmem>>, %arg9: memref<!tpu.dma_semaphore, #tpu.memory_space<semaphore_mem>>, %arg10: memref<!tpu.dma_semaphore, #tpu.memory_space<semaphore_mem>>) attributes {dimension_semantics = [#tpu.dimension_semantics<core_parallel>, #tpu.dimension_semantics<subcore_parallel>], iteration_bounds = array<i64: 2, 16>, scalar_prefetch = 0 : i64, scratch_operands = 6 : i64, tpu.core_type = #tpu.core_type<sc_vector_subcore>, window_params = [{transform_indices = #map}, {transform_indices = #map1}, {transform_indices = #map1}]} {
    %mul3A = arith.constant 2 : i32
    %mul3A_0 = arith.muli %arg1, %mul3A : i32
    %add3A = arith.addi %mul3A_0, %arg0 : i32
    %mul3A_1 = arith.constant 4 : i32
    %mul3A_2 = arith.muli %add3A, %mul3A_1 : i32
    %dma_start3A = arith.constant 0 : i32
    %dma_start3A_3 = arith.constant 0 : i32
    %dma_start3A_4 = arith.constant 0 : i32
    %dma_start3A_5 = tpu.memref_slice %arg5[%dma_start3A, %dma_start3A_3, %dma_start3A_4] : memref<2x8x128xi32, #tpu.memory_space<vmem>> -> memref<1x8x128xi32, #tpu.memory_space<vmem>>
    %dma_start3A_6 = tpu.memref_squeeze %dma_start3A_5 : memref<1x8x128xi32, #tpu.memory_space<vmem>> -> memref<8x128xi32, #tpu.memory_space<vmem>>
    %dma_start3A_7 = arith.constant 0 : i32
    %dma_start3A_8 = arith.constant 0 : i32
    %dma_start3A_9 = tpu.memref_slice %arg3[%mul3A_2, %dma_start3A_7, %dma_start3A_8] : memref<128x8x128xi32, #tpu.memory_space<hbm>> -> memref<1x8x128xi32, #tpu.memory_space<hbm>>
    %dma_start3A_10 = tpu.memref_squeeze %dma_start3A_9 : memref<1x8x128xi32, #tpu.memory_space<hbm>> -> memref<8x128xi32, #tpu.memory_space<hbm>>
    %dma_start3A_11 = arith.constant 0 : i32
    %dma_start3A_12 = arith.constant 0 : i32
    %dma_start3A_13 = tpu.memref_slice %arg5[%dma_start3A, %dma_start3A_11, %dma_start3A_12] : memref<2x8x128xi32, #tpu.memory_space<vmem>> -> memref<1x8x128xi32, #tpu.memory_space<vmem>>
    %dma_start3A_14 = tpu.memref_squeeze %dma_start3A_13 : memref<1x8x128xi32, #tpu.memory_space<vmem>> -> memref<8x128xi32, #tpu.memory_space<vmem>>
    %dma_start3A_15 = arith.constant 0 : i32
    %dma_start3A_16 = arith.constant 0 : i32
    %dma_start3A_17 = tpu.memref_slice %arg3[%mul3A_2, %dma_start3A_15, %dma_start3A_16] : memref<128x8x128xi32, #tpu.memory_space<hbm>> -> memref<1x8x128xi32, #tpu.memory_space<hbm>>
    %dma_start3A_18 = tpu.memref_squeeze %dma_start3A_17 : memref<1x8x128xi32, #tpu.memory_space<hbm>> -> memref<8x128xi32, #tpu.memory_space<hbm>>
    tpu.enqueue_dma source(%dma_start3A_18 : memref<8x128xi32, #tpu.memory_space<hbm>>) target(%dma_start3A_14 : memref<8x128xi32, #tpu.memory_space<vmem>>) target_semaphore(%arg9 : memref<!tpu.dma_semaphore, #tpu.memory_space<semaphore_mem>>)
    "tpu.region"() ({
      %run_scoped3A = tpu.sem_alloc : memref<!tpu.dma_semaphore, #tpu.memory_space<semaphore_mem>>
      tpu.enqueue_dma source(%arg2 : memref<256xi32, #tpu.memory_space<hbm>>) target(%arg6 : memref<256xi32, #tpu.memory_space<vmem>>) target_semaphore(%run_scoped3A : memref<!tpu.dma_semaphore, #tpu.memory_space<semaphore_mem>>)
      tpu.wait_dma2 semaphore(%run_scoped3A : memref<!tpu.dma_semaphore, #tpu.memory_space<semaphore_mem>>) src(%arg2 : memref<256xi32, #tpu.memory_space<hbm>>) dst(%arg6 : memref<256xi32, #tpu.memory_space<vmem>>)
      tpu.yield
    }) : () -> ()
    %mul3A_19 = arith.constant 4 : i32
    %mul3A_20 = arith.muli %add3A, %mul3A_19 : i32
    %add3A_21 = arith.constant 0 : i32
    %add3A_22 = arith.addi %mul3A_20, %add3A_21 : i32
    %scan3A = arith.constant 0 : i32
    %scan3A_23 = arith.constant 128 : i32
    %scan3A_24 = arith.addi %scan3A, %scan3A_23 : i32
    %scan3A_25 = arith.constant 1 : i32
    scf.for %scan3A_928 = %scan3A to %scan3A_24 step %scan3A_25  : i32 {
      %mul3A_929 = arith.constant 1 : i32
      %mul3A_930 = arith.muli %scan3A_928, %mul3A_929 : i32
      %add3A_931 = arith.constant 0 : i32
      %add3A_932 = arith.addi %add3A_931, %mul3A_930 : i32
      %broadcast_in_dim3A_933 = arith.constant 0 : i32
      %broadcast_in_dim3A_934 = vector.broadcast %broadcast_in_dim3A_933 : i32 to vector<16xi32>
      %mul3A_935 = arith.constant 16 : i32
      %mul3A_936 = arith.muli %add3A_932, %mul3A_935 : i32
      %swap3A = arith.index_cast %mul3A_936 : i32 to index
      %swap3A_937 = tpu.vector_load %arg7[%swap3A] {strides = array<i32>} : memref<2048xi32, #tpu.memory_space<vmem>>, vector<16xi32>,
      tpu.vector_store %arg7[%swap3A], %broadcast_in_dim3A_934 {strides = array<i32>} : memref<2048xi32, #tpu.memory_space<vmem>>, vector<16xi32>,
    }
    %scan3A_26 = arith.constant 128 : i32
    %dma_wait3A = arith.constant 0 : i32
    %dma_wait3A_27 = arith.constant 0 : i32
    %dma_wait3A_28 = arith.constant 0 : i32
    %dma_wait3A_29 = tpu.memref_slice %arg5[%dma_wait3A, %dma_wait3A_27, %dma_wait3A_28] : memref<2x8x128xi32, #tpu.memory_space<vmem>> -> memref<1x8x128xi32, #tpu.memory_space<vmem>>
    %dma_wait3A_30 = tpu.memref_squeeze %dma_wait3A_29 : memref<1x8x128xi32, #tpu.memory_space<vmem>> -> memref<8x128xi32, #tpu.memory_space<vmem>>
    %dma_wait3A_31 = arith.constant 0 : i32
    %dma_wait3A_32 = arith.constant 0 : i32
    %dma_wait3A_33 = tpu.memref_slice %arg3[%add3A_22, %dma_wait3A_31, %dma_wait3A_32] : memref<128x8x128xi32, #tpu.memory_space<hbm>> -> memref<1x8x128xi32, #tpu.memory_space<hbm>>
    %dma_wait3A_34 = tpu.memref_squeeze %dma_wait3A_33 : memref<1x8x128xi32, #tpu.memory_space<hbm>> -> memref<8x128xi32, #tpu.memory_space<hbm>>
    %dma_wait3A_35 = arith.constant 0 : i32
    %dma_wait3A_36 = arith.constant 0 : i32
    %dma_wait3A_37 = tpu.memref_slice %arg5[%dma_wait3A, %dma_wait3A_35, %dma_wait3A_36] : memref<2x8x128xi32, #tpu.memory_space<vmem>> -> memref<1x8x128xi32, #tpu.memory_space<vmem>>
    %dma_wait3A_38 = tpu.memref_squeeze %dma_wait3A_37 : memref<1x8x128xi32, #tpu.memory_space<vmem>> -> memref<8x128xi32, #tpu.memory_space<vmem>>
    %dma_wait3A_39 = arith.constant 0 : i32
    %dma_wait3A_40 = arith.constant 0 : i32
    %dma_wait3A_41 = tpu.memref_slice %arg3[%add3A_22, %dma_wait3A_39, %dma_wait3A_40] : memref<128x8x128xi32, #tpu.memory_space<hbm>> -> memref<1x8x128xi32, #tpu.memory_space<hbm>>
    %dma_wait3A_42 = tpu.memref_squeeze %dma_wait3A_41 : memref<1x8x128xi32, #tpu.memory_space<hbm>> -> memref<8x128xi32, #tpu.memory_space<hbm>>
    tpu.wait_dma2 semaphore(%arg9 : memref<!tpu.dma_semaphore, #tpu.memory_space<semaphore_mem>>) src(%dma_wait3A_42 : memref<8x128xi32, #tpu.memory_space<hbm>>) dst(%dma_wait3A_38 : memref<8x128xi32, #tpu.memory_space<vmem>>)
    %add3A_43 = arith.constant 1 : i32
    %add3A_44 = arith.addi %add3A_22, %add3A_43 : i32
    %dma_start3A_45 = arith.constant 1 : i32
    %dma_start3A_46 = arith.constant 0 : i32
    %dma_start3A_47 = arith.constant 0 : i32
    %dma_start3A_48 = tpu.memref_slice %arg5[%dma_start3A_45, %dma_start3A_46, %dma_start3A_47] : memref<2x8x128xi32, #tpu.memory_space<vmem>> -> memref<1x8x128xi32, #tpu.memory_space<vmem>>
    %dma_start3A_49 = tpu.memref_squeeze %dma_start3A_48 : memref<1x8x128xi32, #tpu.memory_space<vmem>> -> memref<8x128xi32, #tpu.memory_space<vmem>>
    %dma_start3A_50 = arith.constant 0 : i32
    %dma_start3A_51 = arith.constant 0 : i32
    %dma_start3A_52 = tpu.memref_slice %arg3[%add3A_44, %dma_start3A_50, %dma_start3A_51] : memref<128x8x128xi32, #tpu.memory_space<hbm>> -> memref<1x8x128xi32, #tpu.memory_space<hbm>>
    %dma_start3A_53 = tpu.memref_squeeze %dma_start3A_52 : memref<1x8x128xi32, #tpu.memory_space<hbm>> -> memref<8x128xi32, #tpu.memory_space<hbm>>
    %dma_start3A_54 = arith.constant 0 : i32
    %dma_start3A_55 = arith.constant 0 : i32
    %dma_start3A_56 = tpu.memref_slice %arg5[%dma_start3A_45, %dma_start3A_54, %dma_start3A_55] : memref<2x8x128xi32, #tpu.memory_space<vmem>> -> memref<1x8x128xi32, #tpu.memory_space<vmem>>
    %dma_start3A_57 = tpu.memref_squeeze %dma_start3A_56 : memref<1x8x128xi32, #tpu.memory_space<vmem>> -> memref<8x128xi32, #tpu.memory_space<vmem>>
    %dma_start3A_58 = arith.constant 0 : i32
    %dma_start3A_59 = arith.constant 0 : i32
    %dma_start3A_60 = tpu.memref_slice %arg3[%add3A_44, %dma_start3A_58, %dma_start3A_59] : memref<128x8x128xi32, #tpu.memory_space<hbm>> -> memref<1x8x128xi32, #tpu.memory_space<hbm>>
    %dma_start3A_61 = tpu.memref_squeeze %dma_start3A_60 : memref<1x8x128xi32, #tpu.memory_space<hbm>> -> memref<8x128xi32, #tpu.memory_space<hbm>>
    tpu.enqueue_dma source(%dma_start3A_61 : memref<8x128xi32, #tpu.memory_space<hbm>>) target(%dma_start3A_57 : memref<8x128xi32, #tpu.memory_space<vmem>>) target_semaphore(%arg9 : memref<!tpu.dma_semaphore, #tpu.memory_space<semaphore_mem>>)
    %scan3A_62 = arith.constant 0 : i32
    %scan3A_63 = arith.constant 8 : i32
    %scan3A_64 = arith.addi %scan3A_62, %scan3A_63 : i32
    %scan3A_65 = arith.constant 1 : i32
    scf.for %scan3A_928 = %scan3A_62 to %scan3A_64 step %scan3A_65  : i32 {
      %mul3A_929 = arith.constant 1 : i32
      %mul3A_930 = arith.muli %scan3A_928, %mul3A_929 : i32
      %add3A_931 = arith.constant 0 : i32
      %add3A_932 = arith.addi %add3A_931, %mul3A_930 : i32
      %mul3A_933 = arith.constant 16 : i32
      %mul3A_934 = arith.muli %add3A_932, %mul3A_933 : i32
      %get3A = arith.constant 0 : i32
      %get3A_935 = arith.constant 0 : i32
      %get3A_936 = arith.index_cast %get3A : i32 to index
      %get3A_937 = arith.index_cast %get3A_935 : i32 to index
      %get3A_938 = arith.index_cast %mul3A_934 : i32 to index
      %get3A_939 = tpu.vector_load %arg5[%get3A_936, %get3A_937, %get3A_938] {strides = array<i32>} : memref<2x8x128xi32, #tpu.memory_space<vmem>>, vector<16xi32>,
      %add3A_940 = arith.constant 0 : i32
      %add3A_941 = vector.broadcast %add3A_940 : i32 to vector<16xi32>
      %add3A_942 = arith.addi %get3A_939, %add3A_941 : vector<16xi32>
      %broadcast_in_dim3A_943 = arith.constant true
      %broadcast_in_dim3A_944 = vector.broadcast %broadcast_in_dim3A_943 : i1 to vector<16xi1>
      %unique3A, %unique3A_945 = tpu.scan_count mask(%broadcast_in_dim3A_944 : vector<16xi1>) value(%add3A_942 : vector<16xi32>) : vector<16xi1>, vector<16xi32>
      tpu.vector_store_idx %arg7[%add3A_942], %unique3A_945 masked %unique3A {add = true} : memref<2048xi32, #tpu.memory_space<vmem>>[vector<16xi32>], vector<16xi32>, vector<16xi1>
    }
    %scan3A_66 = arith.constant 8 : i32
    %scan3A_67 = arith.constant 0 : i32
    %scan3A_68 = arith.constant 8 : i32
    %scan3A_69 = arith.addi %scan3A_67, %scan3A_68 : i32
    %scan3A_70 = arith.constant 1 : i32
    scf.for %scan3A_928 = %scan3A_67 to %scan3A_69 step %scan3A_70  : i32 {
      %mul3A_929 = arith.constant 1 : i32
      %mul3A_930 = arith.muli %scan3A_928, %mul3A_929 : i32
      %add3A_931 = arith.constant 0 : i32
      %add3A_932 = arith.addi %add3A_931, %mul3A_930 : i32
      %mul3A_933 = arith.constant 16 : i32
      %mul3A_934 = arith.muli %add3A_932, %mul3A_933 : i32
      %get3A = arith.constant 0 : i32
      %get3A_935 = arith.constant 1 : i32
      %get3A_936 = arith.index_cast %get3A : i32 to index
      %get3A_937 = arith.index_cast %get3A_935 : i32 to index
      %get3A_938 = arith.index_cast %mul3A_934 : i32 to index
      %get3A_939 = tpu.vector_load %arg5[%get3A_936, %get3A_937, %get3A_938] {strides = array<i32>} : memref<2x8x128xi32, #tpu.memory_space<vmem>>, vector<16xi32>,
      %add3A_940 = arith.constant 0 : i32
      %add3A_941 = vector.broadcast %add3A_940 : i32 to vector<16xi32>
      %add3A_942 = arith.addi %get3A_939, %add3A_941 : vector<16xi32>
      %broadcast_in_dim3A_943 = arith.constant true
      %broadcast_in_dim3A_944 = vector.broadcast %broadcast_in_dim3A_943 : i1 to vector<16xi1>
      %unique3A, %unique3A_945 = tpu.scan_count mask(%broadcast_in_dim3A_944 : vector<16xi1>) value(%add3A_942 : vector<16xi32>) : vector<16xi1>, vector<16xi32>
      tpu.vector_store_idx %arg7[%add3A_942], %unique3A_945 masked %unique3A {add = true} : memref<2048xi32, #tpu.memory_space<vmem>>[vector<16xi32>], vector<16xi32>, vector<16xi1>
    }
    %scan3A_71 = arith.constant 8 : i32
    %scan3A_72 = arith.constant 0 : i32
    %scan3A_73 = arith.constant 8 : i32
    %scan3A_74 = arith.addi %scan3A_72, %scan3A_73 : i32
    %scan3A_75 = arith.constant 1 : i32
    scf.for %scan3A_928 = %scan3A_72 to %scan3A_74 step %scan3A_75  : i32 {
      %mul3A_929 = arith.constant 1 : i32
      %mul3A_930 = arith.muli %scan3A_928, %mul3A_929 : i32
      %add3A_931 = arith.constant 0 : i32
      %add3A_932 = arith.addi %add3A_931, %mul3A_930 : i32
      %mul3A_933 = arith.constant 16 : i32
      %mul3A_934 = arith.muli %add3A_932, %mul3A_933 : i32
      %get3A = arith.constant 0 : i32
      %get3A_935 = arith.constant 2 : i32
      %get3A_936 = arith.index_cast %get3A : i32 to index
      %get3A_937 = arith.index_cast %get3A_935 : i32 to index
      %get3A_938 = arith.index_cast %mul3A_934 : i32 to index
      %get3A_939 = tpu.vector_load %arg5[%get3A_936, %get3A_937, %get3A_938] {strides = array<i32>} : memref<2x8x128xi32, #tpu.memory_space<vmem>>, vector<16xi32>,
      %add3A_940 = arith.constant 0 : i32
      %add3A_941 = vector.broadcast %add3A_940 : i32 to vector<16xi32>
      %add3A_942 = arith.addi %get3A_939, %add3A_941 : vector<16xi32>
      %broadcast_in_dim3A_943 = arith.constant true
      %broadcast_in_dim3A_944 = vector.broadcast %broadcast_in_dim3A_943 : i1 to vector<16xi1>
      %unique3A, %unique3A_945 = tpu.scan_count mask(%broadcast_in_dim3A_944 : vector<16xi1>) value(%add3A_942 : vector<16xi32>) : vector<16xi1>, vector<16xi32>
      tpu.vector_store_idx %arg7[%add3A_942], %unique3A_945 masked %unique3A {add = true} : memref<2048xi32, #tpu.memory_space<vmem>>[vector<16xi32>], vector<16xi32>, vector<16xi1>
    }
    %scan3A_76 = arith.constant 8 : i32
    %scan3A_77 = arith.constant 0 : i32
    %scan3A_78 = arith.constant 8 : i32
    %scan3A_79 = arith.addi %scan3A_77, %scan3A_78 : i32
    %scan3A_80 = arith.constant 1 : i32
    scf.for %scan3A_928 = %scan3A_77 to %scan3A_79 step %scan3A_80  : i32 {
      %mul3A_929 = arith.constant 1 : i32
      %mul3A_930 = arith.muli %scan3A_928, %mul3A_929 : i32
      %add3A_931 = arith.constant 0 : i32
      %add3A_932 = arith.addi %add3A_931, %mul3A_930 : i32
      %mul3A_933 = arith.constant 16 : i32
      %mul3A_934 = arith.muli %add3A_932, %mul3A_933 : i32
      %get3A = arith.constant 0 : i32
      %get3A_935 = arith.constant 3 : i32
      %get3A_936 = arith.index_cast %get3A : i32 to index
      %get3A_937 = arith.index_cast %get3A_935 : i32 to index
      %get3A_938 = arith.index_cast %mul3A_934 : i32 to index
      %get3A_939 = tpu.vector_load %arg5[%get3A_936, %get3A_937, %get3A_938] {strides = array<i32>} : memref<2x8x128xi32, #tpu.memory_space<vmem>>, vector<16xi32>,
      %add3A_940 = arith.constant 0 : i32
      %add3A_941 = vector.broadcast %add3A_940 : i32 to vector<16xi32>
      %add3A_942 = arith.addi %get3A_939, %add3A_941 : vector<16xi32>
      %broadcast_in_dim3A_943 = arith.constant true
      %broadcast_in_dim3A_944 = vector.broadcast %broadcast_in_dim3A_943 : i1 to vector<16xi1>
      %unique3A, %unique3A_945 = tpu.scan_count mask(%broadcast_in_dim3A_944 : vector<16xi1>) value(%add3A_942 : vector<16xi32>) : vector<16xi1>, vector<16xi32>
      tpu.vector_store_idx %arg7[%add3A_942], %unique3A_945 masked %unique3A {add = true} : memref<2048xi32, #tpu.memory_space<vmem>>[vector<16xi32>], vector<16xi32>, vector<16xi1>
    }
    %scan3A_81 = arith.constant 8 : i32
    %scan3A_82 = arith.constant 0 : i32
    %scan3A_83 = arith.constant 8 : i32
    %scan3A_84 = arith.addi %scan3A_82, %scan3A_83 : i32
    %scan3A_85 = arith.constant 1 : i32
    scf.for %scan3A_928 = %scan3A_82 to %scan3A_84 step %scan3A_85  : i32 {
      %mul3A_929 = arith.constant 1 : i32
      %mul3A_930 = arith.muli %scan3A_928, %mul3A_929 : i32
      %add3A_931 = arith.constant 0 : i32
      %add3A_932 = arith.addi %add3A_931, %mul3A_930 : i32
      %mul3A_933 = arith.constant 16 : i32
      %mul3A_934 = arith.muli %add3A_932, %mul3A_933 : i32
      %get3A = arith.constant 0 : i32
      %get3A_935 = arith.constant 4 : i32
      %get3A_936 = arith.index_cast %get3A : i32 to index
      %get3A_937 = arith.index_cast %get3A_935 : i32 to index
      %get3A_938 = arith.index_cast %mul3A_934 : i32 to index
      %get3A_939 = tpu.vector_load %arg5[%get3A_936, %get3A_937, %get3A_938] {strides = array<i32>} : memref<2x8x128xi32, #tpu.memory_space<vmem>>, vector<16xi32>,
      %add3A_940 = arith.constant 1024 : i32
      %add3A_941 = vector.broadcast %add3A_940 : i32 to vector<16xi32>
      %add3A_942 = arith.addi %get3A_939, %add3A_941 : vector<16xi32>
      %broadcast_in_dim3A_943 = arith.constant true
      %broadcast_in_dim3A_944 = vector.broadcast %broadcast_in_dim3A_943 : i1 to vector<16xi1>
      %unique3A, %unique3A_945 = tpu.scan_count mask(%broadcast_in_dim3A_944 : vector<16xi1>) value(%add3A_942 : vector<16xi32>) : vector<16xi1>, vector<16xi32>
      tpu.vector_store_idx %arg7[%add3A_942], %unique3A_945 masked %unique3A {add = true} : memref<2048xi32, #tpu.memory_space<vmem>>[vector<16xi32>], vector<16xi32>, vector<16xi1>
    }
    %scan3A_86 = arith.constant 8 : i32
    %scan3A_87 = arith.constant 0 : i32
    %scan3A_88 = arith.constant 8 : i32
    %scan3A_89 = arith.addi %scan3A_87, %scan3A_88 : i32
    %scan3A_90 = arith.constant 1 : i32
    scf.for %scan3A_928 = %scan3A_87 to %scan3A_89 step %scan3A_90  : i32 {
      %mul3A_929 = arith.constant 1 : i32
      %mul3A_930 = arith.muli %scan3A_928, %mul3A_929 : i32
      %add3A_931 = arith.constant 0 : i32
      %add3A_932 = arith.addi %add3A_931, %mul3A_930 : i32
      %mul3A_933 = arith.constant 16 : i32
      %mul3A_934 = arith.muli %add3A_932, %mul3A_933 : i32
      %get3A = arith.constant 0 : i32
      %get3A_935 = arith.constant 5 : i32
      %get3A_936 = arith.index_cast %get3A : i32 to index
      %get3A_937 = arith.index_cast %get3A_935 : i32 to index
      %get3A_938 = arith.index_cast %mul3A_934 : i32 to index
      %get3A_939 = tpu.vector_load %arg5[%get3A_936, %get3A_937, %get3A_938] {strides = array<i32>} : memref<2x8x128xi32, #tpu.memory_space<vmem>>, vector<16xi32>,
      %add3A_940 = arith.constant 1024 : i32
      %add3A_941 = vector.broadcast %add3A_940 : i32 to vector<16xi32>
      %add3A_942 = arith.addi %get3A_939, %add3A_941 : vector<16xi32>
      %broadcast_in_dim3A_943 = arith.constant true
      %broadcast_in_dim3A_944 = vector.broadcast %broadcast_in_dim3A_943 : i1 to vector<16xi1>
      %unique3A, %unique3A_945 = tpu.scan_count mask(%broadcast_in_dim3A_944 : vector<16xi1>) value(%add3A_942 : vector<16xi32>) : vector<16xi1>, vector<16xi32>
      tpu.vector_store_idx %arg7[%add3A_942], %unique3A_945 masked %unique3A {add = true} : memref<2048xi32, #tpu.memory_space<vmem>>[vector<16xi32>], vector<16xi32>, vector<16xi1>
    }
    %scan3A_91 = arith.constant 8 : i32
    %scan3A_92 = arith.constant 0 : i32
    %scan3A_93 = arith.constant 8 : i32
    %scan3A_94 = arith.addi %scan3A_92, %scan3A_93 : i32
    %scan3A_95 = arith.constant 1 : i32
    scf.for %scan3A_928 = %scan3A_92 to %scan3A_94 step %scan3A_95  : i32 {
      %mul3A_929 = arith.constant 1 : i32
      %mul3A_930 = arith.muli %scan3A_928, %mul3A_929 : i32
      %add3A_931 = arith.constant 0 : i32
      %add3A_932 = arith.addi %add3A_931, %mul3A_930 : i32
      %mul3A_933 = arith.constant 16 : i32
      %mul3A_934 = arith.muli %add3A_932, %mul3A_933 : i32
      %get3A = arith.constant 0 : i32
      %get3A_935 = arith.constant 6 : i32
      %get3A_936 = arith.index_cast %get3A : i32 to index
      %get3A_937 = arith.index_cast %get3A_935 : i32 to index
      %get3A_938 = arith.index_cast %mul3A_934 : i32 to index
      %get3A_939 = tpu.vector_load %arg5[%get3A_936, %get3A_937, %get3A_938] {strides = array<i32>} : memref<2x8x128xi32, #tpu.memory_space<vmem>>, vector<16xi32>,
      %add3A_940 = arith.constant 1024 : i32
      %add3A_941 = vector.broadcast %add3A_940 : i32 to vector<16xi32>
      %add3A_942 = arith.addi %get3A_939, %add3A_941 : vector<16xi32>
      %broadcast_in_dim3A_943 = arith.constant true
      %broadcast_in_dim3A_944 = vector.broadcast %broadcast_in_dim3A_943 : i1 to vector<16xi1>
      %unique3A, %unique3A_945 = tpu.scan_count mask(%broadcast_in_dim3A_944 : vector<16xi1>) value(%add3A_942 : vector<16xi32>) : vector<16xi1>, vector<16xi32>
      tpu.vector_store_idx %arg7[%add3A_942], %unique3A_945 masked %unique3A {add = true} : memref<2048xi32, #tpu.memory_space<vmem>>[vector<16xi32>], vector<16xi32>, vector<16xi1>
    }
    %scan3A_96 = arith.constant 8 : i32
    %scan3A_97 = arith.constant 0 : i32
    %scan3A_98 = arith.constant 8 : i32
    %scan3A_99 = arith.addi %scan3A_97, %scan3A_98 : i32
    %scan3A_100 = arith.constant 1 : i32
    scf.for %scan3A_928 = %scan3A_97 to %scan3A_99 step %scan3A_100  : i32 {
      %mul3A_929 = arith.constant 1 : i32
      %mul3A_930 = arith.muli %scan3A_928, %mul3A_929 : i32
      %add3A_931 = arith.constant 0 : i32
      %add3A_932 = arith.addi %add3A_931, %mul3A_930 : i32
      %mul3A_933 = arith.constant 16 : i32
      %mul3A_934 = arith.muli %add3A_932, %mul3A_933 : i32
      %get3A = arith.constant 0 : i32
      %get3A_935 = arith.constant 7 : i32
      %get3A_936 = arith.index_cast %get3A : i32 to index
      %get3A_937 = arith.index_cast %get3A_935 : i32 to index
      %get3A_938 = arith.index_cast %mul3A_934 : i32 to index
      %get3A_939 = tpu.vector_load %arg5[%get3A_936, %get3A_937, %get3A_938] {strides = array<i32>} : memref<2x8x128xi32, #tpu.memory_space<vmem>>, vector<16xi32>,
      %add3A_940 = arith.constant 1024 : i32
      %add3A_941 = vector.broadcast %add3A_940 : i32 to vector<16xi32>
      %add3A_942 = arith.addi %get3A_939, %add3A_941 : vector<16xi32>
      %broadcast_in_dim3A_943 = arith.constant true
      %broadcast_in_dim3A_944 = vector.broadcast %broadcast_in_dim3A_943 : i1 to vector<16xi1>
      %unique3A, %unique3A_945 = tpu.scan_count mask(%broadcast_in_dim3A_944 : vector<16xi1>) value(%add3A_942 : vector<16xi32>) : vector<16xi1>, vector<16xi32>
      tpu.vector_store_idx %arg7[%add3A_942], %unique3A_945 masked %unique3A {add = true} : memref<2048xi32, #tpu.memory_space<vmem>>[vector<16xi32>], vector<16xi32>, vector<16xi1>
    }
    %scan3A_101 = arith.constant 8 : i32
    %broadcast_in_dim3A = vector.broadcast %add3A_22 : i32 to vector<16xi32>
    %gather3A = tpu.vector_load_idx %arg6[%broadcast_in_dim3A] : memref<256xi32, #tpu.memory_space<vmem>>[vector<16xi32>], vector<16xi32>,
    %add3A_102 = arith.constant 128 : i32
    %add3A_103 = vector.broadcast %add3A_102 : i32 to vector<16xi32>
    %add3A_104 = arith.addi %broadcast_in_dim3A, %add3A_103 : vector<16xi32>
    %gather3A_105 = tpu.vector_load_idx %arg6[%add3A_104] : memref<256xi32, #tpu.memory_space<vmem>>[vector<16xi32>], vector<16xi32>,
    %add3A_106 = arith.constant 1024 : i32
    %add3A_107 = vector.broadcast %add3A_106 : i32 to vector<16xi32>
    %add3A_108 = arith.addi %gather3A, %add3A_107 : vector<16xi32>
    %gather3A_109 = tpu.vector_load_idx %arg7[%add3A_108] : memref<2048xi32, #tpu.memory_space<vmem>>[vector<16xi32>], vector<16xi32>,
    %gather3A_110 = tpu.vector_load_idx %arg7[%gather3A_105] : memref<2048xi32, #tpu.memory_space<vmem>>[vector<16xi32>], vector<16xi32>,
    %eq3A = arith.cmpi eq, %gather3A, %gather3A_105 : vector<16xi32>
    %gt3A = arith.constant 0 : i32
    %gt3A_111 = vector.broadcast %gt3A : i32 to vector<16xi32>
    %gt3A_112 = arith.cmpi sgt, %gather3A_109, %gt3A_111 : vector<16xi32>
    %and3A = arith.andi %eq3A, %gt3A_112 : vector<16xi1>
    %select_n3A = arith.select %and3A, %gather3A_109, %gather3A_110 : vector<16xi1>, vector<16xi32>
    %scan3A_113 = arith.constant 0 : i32
    %scan3A_114 = arith.constant 8 : i32
    %scan3A_115 = arith.addi %scan3A_113, %scan3A_114 : i32
    %scan3A_116 = arith.constant 1 : i32
    scf.for %scan3A_928 = %scan3A_113 to %scan3A_115 step %scan3A_116  : i32 {
      %mul3A_929 = arith.constant 1 : i32
      %mul3A_930 = arith.muli %scan3A_928, %mul3A_929 : i32
      %add3A_931 = arith.constant 0 : i32
      %add3A_932 = arith.addi %add3A_931, %mul3A_930 : i32
      %mul3A_933 = arith.constant 16 : i32
      %mul3A_934 = arith.muli %add3A_932, %mul3A_933 : i32
      %add3A_935 = arith.constant 0 : i32
      %add3A_936 = arith.addi %add3A_935, %mul3A_934 : i32
      %mul3A_937 = arith.constant 16 : i32
      %mul3A_938 = arith.muli %add3A_932, %mul3A_937 : i32
      %get3A = arith.constant 0 : i32
      %get3A_939 = arith.constant 0 : i32
      %get3A_940 = arith.index_cast %get3A : i32 to index
      %get3A_941 = arith.index_cast %get3A_939 : i32 to index
      %get3A_942 = arith.index_cast %mul3A_938 : i32 to index
      %get3A_943 = tpu.vector_load %arg5[%get3A_940, %get3A_941, %get3A_942] {strides = array<i32>} : memref<2x8x128xi32, #tpu.memory_space<vmem>>, vector<16xi32>,
      %gather3A_944 = tpu.vector_load_idx %arg7[%get3A_943] : memref<2048xi32, #tpu.memory_space<vmem>>[vector<16xi32>], vector<16xi32>,
      %add3A_945 = arith.constant 1024 : i32
      %add3A_946 = vector.broadcast %add3A_945 : i32 to vector<16xi32>
      %add3A_947 = arith.addi %get3A_943, %add3A_946 : vector<16xi32>
      %gather3A_948 = tpu.vector_load_idx %arg7[%add3A_947] : memref<2048xi32, #tpu.memory_space<vmem>>[vector<16xi32>], vector<16xi32>,
      %eq3A_949 = arith.cmpi eq, %get3A_943, %gather3A_105 : vector<16xi32>
      %select_n3A_950 = arith.select %eq3A_949, %select_n3A, %gather3A_948 : vector<16xi1>, vector<16xi32>
      %convert_element_type3A = arith.sitofp %gather3A_944 : vector<16xi32> to vector<16xf32>
      %swap3A = arith.constant 0 : i32
      %swap3A_951 = arith.index_cast %swap3A : i32 to index
      %swap3A_952 = arith.index_cast %add3A_936 : i32 to index
      %swap3A_953 = tpu.vector_load %arg8[%swap3A_951, %swap3A_952] {strides = array<i32>} : memref<2x2048xf32, #tpu.memory_space<vmem>>, vector<16xf32>,
      tpu.vector_store %arg8[%swap3A_951, %swap3A_952], %convert_element_type3A {strides = array<i32>} : memref<2x2048xf32, #tpu.memory_space<vmem>>, vector<16xf32>,
      %convert_element_type3A_954 = arith.sitofp %select_n3A_950 : vector<16xi32> to vector<16xf32>
      %add3A_955 = arith.constant 512 : i32
      %add3A_956 = arith.addi %add3A_955, %add3A_936 : i32
      %swap3A_957 = arith.constant 0 : i32
      %swap3A_958 = arith.index_cast %swap3A_957 : i32 to index
      %swap3A_959 = arith.index_cast %add3A_956 : i32 to index
      %swap3A_960 = tpu.vector_load %arg8[%swap3A_958, %swap3A_959] {strides = array<i32>} : memref<2x2048xf32, #tpu.memory_space<vmem>>, vector<16xf32>,
      tpu.vector_store %arg8[%swap3A_958, %swap3A_959], %convert_element_type3A_954 {strides = array<i32>} : memref<2x2048xf32, #tpu.memory_space<vmem>>, vector<16xf32>,
      %mul3A_961 = arith.constant 16 : i32
      %mul3A_962 = arith.muli %add3A_932, %mul3A_961 : i32
      %get3A_963 = arith.constant 0 : i32
      %get3A_964 = arith.constant 4 : i32
      %get3A_965 = arith.index_cast %get3A_963 : i32 to index
      %get3A_966 = arith.index_cast %get3A_964 : i32 to index
      %get3A_967 = arith.index_cast %mul3A_962 : i32 to index
      %get3A_968 = tpu.vector_load %arg5[%get3A_965, %get3A_966, %get3A_967] {strides = array<i32>} : memref<2x8x128xi32, #tpu.memory_space<vmem>>, vector<16xi32>,
      %add3A_969 = arith.constant 1024 : i32
      %add3A_970 = vector.broadcast %add3A_969 : i32 to vector<16xi32>
      %add3A_971 = arith.addi %get3A_968, %add3A_970 : vector<16xi32>
      %gather3A_972 = tpu.vector_load_idx %arg7[%add3A_971] : memref<2048xi32, #tpu.memory_space<vmem>>[vector<16xi32>], vector<16xi32>,
      %gather3A_973 = tpu.vector_load_idx %arg7[%get3A_968] : memref<2048xi32, #tpu.memory_space<vmem>>[vector<16xi32>], vector<16xi32>,
      %eq3A_974 = arith.cmpi eq, %get3A_968, %gather3A : vector<16xi32>
      %select_n3A_975 = arith.select %eq3A_974, %gather3A_109, %gather3A_973 : vector<16xi1>, vector<16xi32>
      %convert_element_type3A_976 = arith.sitofp %select_n3A_975 : vector<16xi32> to vector<16xf32>
      %add3A_977 = arith.constant 1024 : i32
      %add3A_978 = arith.addi %add3A_977, %add3A_936 : i32
      %swap3A_979 = arith.constant 0 : i32
      %swap3A_980 = arith.index_cast %swap3A_979 : i32 to index
      %swap3A_981 = arith.index_cast %add3A_978 : i32 to index
      %swap3A_982 = tpu.vector_load %arg8[%swap3A_980, %swap3A_981] {strides = array<i32>} : memref<2x2048xf32, #tpu.memory_space<vmem>>, vector<16xf32>,
      tpu.vector_store %arg8[%swap3A_980, %swap3A_981], %convert_element_type3A_976 {strides = array<i32>} : memref<2x2048xf32, #tpu.memory_space<vmem>>, vector<16xf32>,
      %convert_element_type3A_983 = arith.sitofp %gather3A_972 : vector<16xi32> to vector<16xf32>
      %add3A_984 = arith.constant 1536 : i32
      %add3A_985 = arith.addi %add3A_984, %add3A_936 : i32
      %swap3A_986 = arith.constant 0 : i32
      %swap3A_987 = arith.index_cast %swap3A_986 : i32 to index
      %swap3A_988 = arith.index_cast %add3A_985 : i32 to index
      %swap3A_989 = tpu.vector_load %arg8[%swap3A_987, %swap3A_988] {strides = array<i32>} : memref<2x2048xf32, #tpu.memory_space<vmem>>, vector<16xf32>,
      tpu.vector_store %arg8[%swap3A_987, %swap3A_988], %convert_element_type3A_983 {strides = array<i32>} : memref<2x2048xf32, #tpu.memory_space<vmem>>, vector<16xf32>,
    }
    %scan3A_117 = arith.constant 8 : i32
    %scan3A_118 = arith.constant 0 : i32
    %scan3A_119 = arith.constant 8 : i32
    %scan3A_120 = arith.addi %scan3A_118, %scan3A_119 : i32
    %scan3A_121 = arith.constant 1 : i32
    scf.for %scan3A_928 = %scan3A_118 to %scan3A_120 step %scan3A_121  : i32 {
      %mul3A_929 = arith.constant 1 : i32
      %mul3A_930 = arith.muli %scan3A_928, %mul3A_929 : i32
      %add3A_931 = arith.constant 0 : i32
      %add3A_932 = arith.addi %add3A_931, %mul3A_930 : i32
      %mul3A_933 = arith.constant 16 : i32
      %mul3A_934 = arith.muli %add3A_932, %mul3A_933 : i32
      %add3A_935 = arith.constant 128 : i32
      %add3A_936 = arith.addi %add3A_935, %mul3A_934 : i32
      %mul3A_937 = arith.constant 16 : i32
      %mul3A_938 = arith.muli %add3A_932, %mul3A_937 : i32
      %get3A = arith.constant 0 : i32
      %get3A_939 = arith.constant 1 : i32
      %get3A_940 = arith.index_cast %get3A : i32 to index
      %get3A_941 = arith.index_cast %get3A_939 : i32 to index
      %get3A_942 = arith.index_cast %mul3A_938 : i32 to index
      %get3A_943 = tpu.vector_load %arg5[%get3A_940, %get3A_941, %get3A_942] {strides = array<i32>} : memref<2x8x128xi32, #tpu.memory_space<vmem>>, vector<16xi32>,
      %gather3A_944 = tpu.vector_load_idx %arg7[%get3A_943] : memref<2048xi32, #tpu.memory_space<vmem>>[vector<16xi32>], vector<16xi32>,
      %add3A_945 = arith.constant 1024 : i32
      %add3A_946 = vector.broadcast %add3A_945 : i32 to vector<16xi32>
      %add3A_947 = arith.addi %get3A_943, %add3A_946 : vector<16xi32>
      %gather3A_948 = tpu.vector_load_idx %arg7[%add3A_947] : memref<2048xi32, #tpu.memory_space<vmem>>[vector<16xi32>], vector<16xi32>,
      %eq3A_949 = arith.cmpi eq, %get3A_943, %gather3A_105 : vector<16xi32>
      %select_n3A_950 = arith.select %eq3A_949, %select_n3A, %gather3A_948 : vector<16xi1>, vector<16xi32>
      %convert_element_type3A = arith.sitofp %gather3A_944 : vector<16xi32> to vector<16xf32>
      %swap3A = arith.constant 0 : i32
      %swap3A_951 = arith.index_cast %swap3A : i32 to index
      %swap3A_952 = arith.index_cast %add3A_936 : i32 to index
      %swap3A_953 = tpu.vector_load %arg8[%swap3A_951, %swap3A_952] {strides = array<i32>} : memref<2x2048xf32, #tpu.memory_space<vmem>>, vector<16xf32>,
      tpu.vector_store %arg8[%swap3A_951, %swap3A_952], %convert_element_type3A {strides = array<i32>} : memref<2x2048xf32, #tpu.memory_space<vmem>>, vector<16xf32>,
      %convert_element_type3A_954 = arith.sitofp %select_n3A_950 : vector<16xi32> to vector<16xf32>
      %add3A_955 = arith.constant 512 : i32
      %add3A_956 = arith.addi %add3A_955, %add3A_936 : i32
      %swap3A_957 = arith.constant 0 : i32
      %swap3A_958 = arith.index_cast %swap3A_957 : i32 to index
      %swap3A_959 = arith.index_cast %add3A_956 : i32 to index
      %swap3A_960 = tpu.vector_load %arg8[%swap3A_958, %swap3A_959] {strides = array<i32>} : memref<2x2048xf32, #tpu.memory_space<vmem>>, vector<16xf32>,
      tpu.vector_store %arg8[%swap3A_958, %swap3A_959], %convert_element_type3A_954 {strides = array<i32>} : memref<2x2048xf32, #tpu.memory_space<vmem>>, vector<16xf32>,
      %mul3A_961 = arith.constant 16 : i32
      %mul3A_962 = arith.muli %add3A_932, %mul3A_961 : i32
      %get3A_963 = arith.constant 0 : i32
      %get3A_964 = arith.constant 5 : i32
      %get3A_965 = arith.index_cast %get3A_963 : i32 to index
      %get3A_966 = arith.index_cast %get3A_964 : i32 to index
      %get3A_967 = arith.index_cast %mul3A_962 : i32 to index
      %get3A_968 = tpu.vector_load %arg5[%get3A_965, %get3A_966, %get3A_967] {strides = array<i32>} : memref<2x8x128xi32, #tpu.memory_space<vmem>>, vector<16xi32>,
      %add3A_969 = arith.constant 1024 : i32
      %add3A_970 = vector.broadcast %add3A_969 : i32 to vector<16xi32>
      %add3A_971 = arith.addi %get3A_968, %add3A_970 : vector<16xi32>
      %gather3A_972 = tpu.vector_load_idx %arg7[%add3A_971] : memref<2048xi32, #tpu.memory_space<vmem>>[vector<16xi32>], vector<16xi32>,
      %gather3A_973 = tpu.vector_load_idx %arg7[%get3A_968] : memref<2048xi32, #tpu.memory_space<vmem>>[vector<16xi32>], vector<16xi32>,
      %eq3A_974 = arith.cmpi eq, %get3A_968, %gather3A : vector<16xi32>
      %select_n3A_975 = arith.select %eq3A_974, %gather3A_109, %gather3A_973 : vector<16xi1>, vector<16xi32>
      %convert_element_type3A_976 = arith.sitofp %select_n3A_975 : vector<16xi32> to vector<16xf32>
      %add3A_977 = arith.constant 1024 : i32
      %add3A_978 = arith.addi %add3A_977, %add3A_936 : i32
      %swap3A_979 = arith.constant 0 : i32
      %swap3A_980 = arith.index_cast %swap3A_979 : i32 to index
      %swap3A_981 = arith.index_cast %add3A_978 : i32 to index
      %swap3A_982 = tpu.vector_load %arg8[%swap3A_980, %swap3A_981] {strides = array<i32>} : memref<2x2048xf32, #tpu.memory_space<vmem>>, vector<16xf32>,
      tpu.vector_store %arg8[%swap3A_980, %swap3A_981], %convert_element_type3A_976 {strides = array<i32>} : memref<2x2048xf32, #tpu.memory_space<vmem>>, vector<16xf32>,
      %convert_element_type3A_983 = arith.sitofp %gather3A_972 : vector<16xi32> to vector<16xf32>
      %add3A_984 = arith.constant 1536 : i32
      %add3A_985 = arith.addi %add3A_984, %add3A_936 : i32
      %swap3A_986 = arith.constant 0 : i32
      %swap3A_987 = arith.index_cast %swap3A_986 : i32 to index
      %swap3A_988 = arith.index_cast %add3A_985 : i32 to index
      %swap3A_989 = tpu.vector_load %arg8[%swap3A_987, %swap3A_988] {strides = array<i32>} : memref<2x2048xf32, #tpu.memory_space<vmem>>, vector<16xf32>,
      tpu.vector_store %arg8[%swap3A_987, %swap3A_988], %convert_element_type3A_983 {strides = array<i32>} : memref<2x2048xf32, #tpu.memory_space<vmem>>, vector<16xf32>,
    }
    %scan3A_122 = arith.constant 8 : i32
    %scan3A_123 = arith.constant 0 : i32
    %scan3A_124 = arith.constant 8 : i32
    %scan3A_125 = arith.addi %scan3A_123, %scan3A_124 : i32
    %scan3A_126 = arith.constant 1 : i32
    scf.for %scan3A_928 = %scan3A_123 to %scan3A_125 step %scan3A_126  : i32 {
      %mul3A_929 = arith.constant 1 : i32
      %mul3A_930 = arith.muli %scan3A_928, %mul3A_929 : i32
      %add3A_931 = arith.constant 0 : i32
      %add3A_932 = arith.addi %add3A_931, %mul3A_930 : i32
      %mul3A_933 = arith.constant 16 : i32
      %mul3A_934 = arith.muli %add3A_932, %mul3A_933 : i32
      %add3A_935 = arith.constant 256 : i32
      %add3A_936 = arith.addi %add3A_935, %mul3A_934 : i32
      %mul3A_937 = arith.constant 16 : i32
      %mul3A_938 = arith.muli %add3A_932, %mul3A_937 : i32
      %get3A = arith.constant 0 : i32
      %get3A_939 = arith.constant 2 : i32
      %get3A_940 = arith.index_cast %get3A : i32 to index
      %get3A_941 = arith.index_cast %get3A_939 : i32 to index
      %get3A_942 = arith.index_cast %mul3A_938 : i32 to index
      %get3A_943 = tpu.vector_load %arg5[%get3A_940, %get3A_941, %get3A_942] {strides = array<i32>} : memref<2x8x128xi32, #tpu.memory_space<vmem>>, vector<16xi32>,
      %gather3A_944 = tpu.vector_load_idx %arg7[%get3A_943] : memref<2048xi32, #tpu.memory_space<vmem>>[vector<16xi32>], vector<16xi32>,
      %add3A_945 = arith.constant 1024 : i32
      %add3A_946 = vector.broadcast %add3A_945 : i32 to vector<16xi32>
      %add3A_947 = arith.addi %get3A_943, %add3A_946 : vector<16xi32>
      %gather3A_948 = tpu.vector_load_idx %arg7[%add3A_947] : memref<2048xi32, #tpu.memory_space<vmem>>[vector<16xi32>], vector<16xi32>,
      %eq3A_949 = arith.cmpi eq, %get3A_943, %gather3A_105 : vector<16xi32>
      %select_n3A_950 = arith.select %eq3A_949, %select_n3A, %gather3A_948 : vector<16xi1>, vector<16xi32>
      %convert_element_type3A = arith.sitofp %gather3A_944 : vector<16xi32> to vector<16xf32>
      %swap3A = arith.constant 0 : i32
      %swap3A_951 = arith.index_cast %swap3A : i32 to index
      %swap3A_952 = arith.index_cast %add3A_936 : i32 to index
      %swap3A_953 = tpu.vector_load %arg8[%swap3A_951, %swap3A_952] {strides = array<i32>} : memref<2x2048xf32, #tpu.memory_space<vmem>>, vector<16xf32>,
      tpu.vector_store %arg8[%swap3A_951, %swap3A_952], %convert_element_type3A {strides = array<i32>} : memref<2x2048xf32, #tpu.memory_space<vmem>>, vector<16xf32>,
      %convert_element_type3A_954 = arith.sitofp %select_n3A_950 : vector<16xi32> to vector<16xf32>
      %add3A_955 = arith.constant 512 : i32
      %add3A_956 = arith.addi %add3A_955, %add3A_936 : i32
      %swap3A_957 = arith.constant 0 : i32
      %swap3A_958 = arith.index_cast %swap3A_957 : i32 to index
      %swap3A_959 = arith.index_cast %add3A_956 : i32 to index
      %swap3A_960 = tpu.vector_load %arg8[%swap3A_958, %swap3A_959] {strides = array<i32>} : memref<2x2048xf32, #tpu.memory_space<vmem>>, vector<16xf32>,
      tpu.vector_store %arg8[%swap3A_958, %swap3A_959], %convert_element_type3A_954 {strides = array<i32>} : memref<2x2048xf32, #tpu.memory_space<vmem>>, vector<16xf32>,
      %mul3A_961 = arith.constant 16 : i32
      %mul3A_962 = arith.muli %add3A_932, %mul3A_961 : i32
      %get3A_963 = arith.constant 0 : i32
      %get3A_964 = arith.constant 6 : i32
      %get3A_965 = arith.index_cast %get3A_963 : i32 to index
      %get3A_966 = arith.index_cast %get3A_964 : i32 to index
      %get3A_967 = arith.index_cast %mul3A_962 : i32 to index
      %get3A_968 = tpu.vector_load %arg5[%get3A_965, %get3A_966, %get3A_967] {strides = array<i32>} : memref<2x8x128xi32, #tpu.memory_space<vmem>>, vector<16xi32>,
      %add3A_969 = arith.constant 1024 : i32
      %add3A_970 = vector.broadcast %add3A_969 : i32 to vector<16xi32>
      %add3A_971 = arith.addi %get3A_968, %add3A_970 : vector<16xi32>
      %gather3A_972 = tpu.vector_load_idx %arg7[%add3A_971] : memref<2048xi32, #tpu.memory_space<vmem>>[vector<16xi32>], vector<16xi32>,
      %gather3A_973 = tpu.vector_load_idx %arg7[%get3A_968] : memref<2048xi32, #tpu.memory_space<vmem>>[vector<16xi32>], vector<16xi32>,
      %eq3A_974 = arith.cmpi eq, %get3A_968, %gather3A : vector<16xi32>
      %select_n3A_975 = arith.select %eq3A_974, %gather3A_109, %gather3A_973 : vector<16xi1>, vector<16xi32>
      %convert_element_type3A_976 = arith.sitofp %select_n3A_975 : vector<16xi32> to vector<16xf32>
      %add3A_977 = arith.constant 1024 : i32
      %add3A_978 = arith.addi %add3A_977, %add3A_936 : i32
      %swap3A_979 = arith.constant 0 : i32
      %swap3A_980 = arith.index_cast %swap3A_979 : i32 to index
      %swap3A_981 = arith.index_cast %add3A_978 : i32 to index
      %swap3A_982 = tpu.vector_load %arg8[%swap3A_980, %swap3A_981] {strides = array<i32>} : memref<2x2048xf32, #tpu.memory_space<vmem>>, vector<16xf32>,
      tpu.vector_store %arg8[%swap3A_980, %swap3A_981], %convert_element_type3A_976 {strides = array<i32>} : memref<2x2048xf32, #tpu.memory_space<vmem>>, vector<16xf32>,
      %convert_element_type3A_983 = arith.sitofp %gather3A_972 : vector<16xi32> to vector<16xf32>
      %add3A_984 = arith.constant 1536 : i32
      %add3A_985 = arith.addi %add3A_984, %add3A_936 : i32
      %swap3A_986 = arith.constant 0 : i32
      %swap3A_987 = arith.index_cast %swap3A_986 : i32 to index
      %swap3A_988 = arith.index_cast %add3A_985 : i32 to index
      %swap3A_989 = tpu.vector_load %arg8[%swap3A_987, %swap3A_988] {strides = array<i32>} : memref<2x2048xf32, #tpu.memory_space<vmem>>, vector<16xf32>,
      tpu.vector_store %arg8[%swap3A_987, %swap3A_988], %convert_element_type3A_983 {strides = array<i32>} : memref<2x2048xf32, #tpu.memory_space<vmem>>, vector<16xf32>,
    }
    %scan3A_127 = arith.constant 8 : i32
    %scan3A_128 = arith.constant 0 : i32
    %scan3A_129 = arith.constant 8 : i32
    %scan3A_130 = arith.addi %scan3A_128, %scan3A_129 : i32
    %scan3A_131 = arith.constant 1 : i32
    scf.for %scan3A_928 = %scan3A_128 to %scan3A_130 step %scan3A_131  : i32 {
      %mul3A_929 = arith.constant 1 : i32
      %mul3A_930 = arith.muli %scan3A_928, %mul3A_929 : i32
      %add3A_931 = arith.constant 0 : i32
      %add3A_932 = arith.addi %add3A_931, %mul3A_930 : i32
      %mul3A_933 = arith.constant 16 : i32
      %mul3A_934 = arith.muli %add3A_932, %mul3A_933 : i32
      %add3A_935 = arith.constant 384 : i32
      %add3A_936 = arith.addi %add3A_935, %mul3A_934 : i32
      %mul3A_937 = arith.constant 16 : i32
      %mul3A_938 = arith.muli %add3A_932, %mul3A_937 : i32
      %get3A = arith.constant 0 : i32
      %get3A_939 = arith.constant 3 : i32
      %get3A_940 = arith.index_cast %get3A : i32 to index
      %get3A_941 = arith.index_cast %get3A_939 : i32 to index
      %get3A_942 = arith.index_cast %mul3A_938 : i32 to index
      %get3A_943 = tpu.vector_load %arg5[%get3A_940, %get3A_941, %get3A_942] {strides = array<i32>} : memref<2x8x128xi32, #tpu.memory_space<vmem>>, vector<16xi32>,
      %gather3A_944 = tpu.vector_load_idx %arg7[%get3A_943] : memref<2048xi32, #tpu.memory_space<vmem>>[vector<16xi32>], vector<16xi32>,
      %add3A_945 = arith.constant 1024 : i32
      %add3A_946 = vector.broadcast %add3A_945 : i32 to vector<16xi32>
      %add3A_947 = arith.addi %get3A_943, %add3A_946 : vector<16xi32>
      %gather3A_948 = tpu.vector_load_idx %arg7[%add3A_947] : memref<2048xi32, #tpu.memory_space<vmem>>[vector<16xi32>], vector<16xi32>,
      %eq3A_949 = arith.cmpi eq, %get3A_943, %gather3A_105 : vector<16xi32>
      %select_n3A_950 = arith.select %eq3A_949, %select_n3A, %gather3A_948 : vector<16xi1>, vector<16xi32>
      %convert_element_type3A = arith.sitofp %gather3A_944 : vector<16xi32> to vector<16xf32>
      %swap3A = arith.constant 0 : i32
      %swap3A_951 = arith.index_cast %swap3A : i32 to index
      %swap3A_952 = arith.index_cast %add3A_936 : i32 to index
      %swap3A_953 = tpu.vector_load %arg8[%swap3A_951, %swap3A_952] {strides = array<i32>} : memref<2x2048xf32, #tpu.memory_space<vmem>>, vector<16xf32>,
      tpu.vector_store %arg8[%swap3A_951, %swap3A_952], %convert_element_type3A {strides = array<i32>} : memref<2x2048xf32, #tpu.memory_space<vmem>>, vector<16xf32>,
      %convert_element_type3A_954 = arith.sitofp %select_n3A_950 : vector<16xi32> to vector<16xf32>
      %add3A_955 = arith.constant 512 : i32
      %add3A_956 = arith.addi %add3A_955, %add3A_936 : i32
      %swap3A_957 = arith.constant 0 : i32
      %swap3A_958 = arith.index_cast %swap3A_957 : i32 to index
      %swap3A_959 = arith.index_cast %add3A_956 : i32 to index
      %swap3A_960 = tpu.vector_load %arg8[%swap3A_958, %swap3A_959] {strides = array<i32>} : memref<2x2048xf32, #tpu.memory_space<vmem>>, vector<16xf32>,
      tpu.vector_store %arg8[%swap3A_958, %swap3A_959], %convert_element_type3A_954 {strides = array<i32>} : memref<2x2048xf32, #tpu.memory_space<vmem>>, vector<16xf32>,
      %mul3A_961 = arith.constant 16 : i32
      %mul3A_962 = arith.muli %add3A_932, %mul3A_961 : i32
      %get3A_963 = arith.constant 0 : i32
      %get3A_964 = arith.constant 7 : i32
      %get3A_965 = arith.index_cast %get3A_963 : i32 to index
      %get3A_966 = arith.index_cast %get3A_964 : i32 to index
      %get3A_967 = arith.index_cast %mul3A_962 : i32 to index
      %get3A_968 = tpu.vector_load %arg5[%get3A_965, %get3A_966, %get3A_967] {strides = array<i32>} : memref<2x8x128xi32, #tpu.memory_space<vmem>>, vector<16xi32>,
      %add3A_969 = arith.constant 1024 : i32
      %add3A_970 = vector.broadcast %add3A_969 : i32 to vector<16xi32>
      %add3A_971 = arith.addi %get3A_968, %add3A_970 : vector<16xi32>
      %gather3A_972 = tpu.vector_load_idx %arg7[%add3A_971] : memref<2048xi32, #tpu.memory_space<vmem>>[vector<16xi32>], vector<16xi32>,
      %gather3A_973 = tpu.vector_load_idx %arg7[%get3A_968] : memref<2048xi32, #tpu.memory_space<vmem>>[vector<16xi32>], vector<16xi32>,
      %eq3A_974 = arith.cmpi eq, %get3A_968, %gather3A : vector<16xi32>
      %select_n3A_975 = arith.select %eq3A_974, %gather3A_109, %gather3A_973 : vector<16xi1>, vector<16xi32>
      %convert_element_type3A_976 = arith.sitofp %select_n3A_975 : vector<16xi32> to vector<16xf32>
      %add3A_977 = arith.constant 1024 : i32
      %add3A_978 = arith.addi %add3A_977, %add3A_936 : i32
      %swap3A_979 = arith.constant 0 : i32
      %swap3A_980 = arith.index_cast %swap3A_979 : i32 to index
      %swap3A_981 = arith.index_cast %add3A_978 : i32 to index
      %swap3A_982 = tpu.vector_load %arg8[%swap3A_980, %swap3A_981] {strides = array<i32>} : memref<2x2048xf32, #tpu.memory_space<vmem>>, vector<16xf32>,
      tpu.vector_store %arg8[%swap3A_980, %swap3A_981], %convert_element_type3A_976 {strides = array<i32>} : memref<2x2048xf32, #tpu.memory_space<vmem>>, vector<16xf32>,
      %convert_element_type3A_983 = arith.sitofp %gather3A_972 : vector<16xi32> to vector<16xf32>
      %add3A_984 = arith.constant 1536 : i32
      %add3A_985 = arith.addi %add3A_984, %add3A_936 : i32
      %swap3A_986 = arith.constant 0 : i32
      %swap3A_987 = arith.index_cast %swap3A_986 : i32 to index
      %swap3A_988 = arith.index_cast %add3A_985 : i32 to index
      %swap3A_989 = tpu.vector_load %arg8[%swap3A_987, %swap3A_988] {strides = array<i32>} : memref<2x2048xf32, #tpu.memory_space<vmem>>, vector<16xf32>,
      tpu.vector_store %arg8[%swap3A_987, %swap3A_988], %convert_element_type3A_983 {strides = array<i32>} : memref<2x2048xf32, #tpu.memory_space<vmem>>, vector<16xf32>,
    }
    %scan3A_132 = arith.constant 8 : i32
    %dma_start3A_133 = arith.constant 0 : i32
    %dma_start3A_134 = arith.constant 0 : i32
    %dma_start3A_135 = arith.constant 0 : i32
    %dma_start3A_136 = tpu.memref_slice %arg8[%dma_start3A_133, %dma_start3A_135] : memref<2x2048xf32, #tpu.memory_space<vmem>> -> memref<1x512xf32, #tpu.memory_space<vmem>>
    %dma_start3A_137 = tpu.memref_squeeze %dma_start3A_136 : memref<1x512xf32, #tpu.memory_space<vmem>> -> memref<512xf32, #tpu.memory_space<vmem>>
    %dma_start3A_138 = arith.constant 0 : i32
    %dma_start3A_139 = tpu.memref_slice %arg4[%dma_start3A_134, %add3A_22, %dma_start3A_138] : memref<4x128x512xf32, #tpu.memory_space<hbm>> -> memref<1x1x512xf32, #tpu.memory_space<hbm>>
    %dma_start3A_140 = tpu.memref_squeeze %dma_start3A_139 : memref<1x1x512xf32, #tpu.memory_space<hbm>> -> memref<512xf32, #tpu.memory_space<hbm>>
    %dma_start3A_141 = arith.constant 0 : i32
    %dma_start3A_142 = tpu.memref_slice %arg4[%dma_start3A_134, %add3A_22, %dma_start3A_141] : memref<4x128x512xf32, #tpu.memory_space<hbm>> -> memref<1x1x512xf32, #tpu.memory_space<hbm>>
    %dma_start3A_143 = tpu.memref_squeeze %dma_start3A_142 : memref<1x1x512xf32, #tpu.memory_space<hbm>> -> memref<512xf32, #tpu.memory_space<hbm>>
    %dma_start3A_144 = arith.constant 0 : i32
    %dma_start3A_145 = tpu.memref_slice %arg8[%dma_start3A_133, %dma_start3A_144] : memref<2x2048xf32, #tpu.memory_space<vmem>> -> memref<1x512xf32, #tpu.memory_space<vmem>>
    %dma_start3A_146 = tpu.memref_squeeze %dma_start3A_145 : memref<1x512xf32, #tpu.memory_space<vmem>> -> memref<512xf32, #tpu.memory_space<vmem>>
    tpu.enqueue_dma source(%dma_start3A_146 : memref<512xf32, #tpu.memory_space<vmem>>) target(%dma_start3A_143 : memref<512xf32, #tpu.memory_space<hbm>>) target_semaphore(%arg10 : memref<!tpu.dma_semaphore, #tpu.memory_space<semaphore_mem>>)
    %dma_start3A_147 = arith.constant 0 : i32
    %dma_start3A_148 = arith.constant 1 : i32
    %dma_start3A_149 = arith.constant 512 : i32
    %dma_start3A_150 = tpu.memref_slice %arg8[%dma_start3A_147, %dma_start3A_149] : memref<2x2048xf32, #tpu.memory_space<vmem>> -> memref<1x512xf32, #tpu.memory_space<vmem>>
    %dma_start3A_151 = tpu.memref_squeeze %dma_start3A_150 : memref<1x512xf32, #tpu.memory_space<vmem>> -> memref<512xf32, #tpu.memory_space<vmem>>
    %dma_start3A_152 = arith.constant 0 : i32
    %dma_start3A_153 = tpu.memref_slice %arg4[%dma_start3A_148, %add3A_22, %dma_start3A_152] : memref<4x128x512xf32, #tpu.memory_space<hbm>> -> memref<1x1x512xf32, #tpu.memory_space<hbm>>
    %dma_start3A_154 = tpu.memref_squeeze %dma_start3A_153 : memref<1x1x512xf32, #tpu.memory_space<hbm>> -> memref<512xf32, #tpu.memory_space<hbm>>
    %dma_start3A_155 = arith.constant 0 : i32
    %dma_start3A_156 = tpu.memref_slice %arg4[%dma_start3A_148, %add3A_22, %dma_start3A_155] : memref<4x128x512xf32, #tpu.memory_space<hbm>> -> memref<1x1x512xf32, #tpu.memory_space<hbm>>
    %dma_start3A_157 = tpu.memref_squeeze %dma_start3A_156 : memref<1x1x512xf32, #tpu.memory_space<hbm>> -> memref<512xf32, #tpu.memory_space<hbm>>
    %dma_start3A_158 = arith.constant 512 : i32
    %dma_start3A_159 = tpu.memref_slice %arg8[%dma_start3A_147, %dma_start3A_158] : memref<2x2048xf32, #tpu.memory_space<vmem>> -> memref<1x512xf32, #tpu.memory_space<vmem>>
    %dma_start3A_160 = tpu.memref_squeeze %dma_start3A_159 : memref<1x512xf32, #tpu.memory_space<vmem>> -> memref<512xf32, #tpu.memory_space<vmem>>
    tpu.enqueue_dma source(%dma_start3A_160 : memref<512xf32, #tpu.memory_space<vmem>>) target(%dma_start3A_157 : memref<512xf32, #tpu.memory_space<hbm>>) target_semaphore(%arg10 : memref<!tpu.dma_semaphore, #tpu.memory_space<semaphore_mem>>)
    %dma_start3A_161 = arith.constant 0 : i32
    %dma_start3A_162 = arith.constant 2 : i32
    %dma_start3A_163 = arith.constant 1024 : i32
    %dma_start3A_164 = tpu.memref_slice %arg8[%dma_start3A_161, %dma_start3A_163] : memref<2x2048xf32, #tpu.memory_space<vmem>> -> memref<1x512xf32, #tpu.memory_space<vmem>>
    %dma_start3A_165 = tpu.memref_squeeze %dma_start3A_164 : memref<1x512xf32, #tpu.memory_space<vmem>> -> memref<512xf32, #tpu.memory_space<vmem>>
    %dma_start3A_166 = arith.constant 0 : i32
    %dma_start3A_167 = tpu.memref_slice %arg4[%dma_start3A_162, %add3A_22, %dma_start3A_166] : memref<4x128x512xf32, #tpu.memory_space<hbm>> -> memref<1x1x512xf32, #tpu.memory_space<hbm>>
    %dma_start3A_168 = tpu.memref_squeeze %dma_start3A_167 : memref<1x1x512xf32, #tpu.memory_space<hbm>> -> memref<512xf32, #tpu.memory_space<hbm>>
    %dma_start3A_169 = arith.constant 0 : i32
    %dma_start3A_170 = tpu.memref_slice %arg4[%dma_start3A_162, %add3A_22, %dma_start3A_169] : memref<4x128x512xf32, #tpu.memory_space<hbm>> -> memref<1x1x512xf32, #tpu.memory_space<hbm>>
    %dma_start3A_171 = tpu.memref_squeeze %dma_start3A_170 : memref<1x1x512xf32, #tpu.memory_space<hbm>> -> memref<512xf32, #tpu.memory_space<hbm>>
    %dma_start3A_172 = arith.constant 1024 : i32
    %dma_start3A_173 = tpu.memref_slice %arg8[%dma_start3A_161, %dma_start3A_172] : memref<2x2048xf32, #tpu.memory_space<vmem>> -> memref<1x512xf32, #tpu.memory_space<vmem>>
    %dma_start3A_174 = tpu.memref_squeeze %dma_start3A_173 : memref<1x512xf32, #tpu.memory_space<vmem>> -> memref<512xf32, #tpu.memory_space<vmem>>
    tpu.enqueue_dma source(%dma_start3A_174 : memref<512xf32, #tpu.memory_space<vmem>>) target(%dma_start3A_171 : memref<512xf32, #tpu.memory_space<hbm>>) target_semaphore(%arg10 : memref<!tpu.dma_semaphore, #tpu.memory_space<semaphore_mem>>)
    %dma_start3A_175 = arith.constant 0 : i32
    %dma_start3A_176 = arith.constant 3 : i32
    %dma_start3A_177 = arith.constant 1536 : i32
    %dma_start3A_178 = tpu.memref_slice %arg8[%dma_start3A_175, %dma_start3A_177] : memref<2x2048xf32, #tpu.memory_space<vmem>> -> memref<1x512xf32, #tpu.memory_space<vmem>>
    %dma_start3A_179 = tpu.memref_squeeze %dma_start3A_178 : memref<1x512xf32, #tpu.memory_space<vmem>> -> memref<512xf32, #tpu.memory_space<vmem>>
    %dma_start3A_180 = arith.constant 0 : i32
    %dma_start3A_181 = tpu.memref_slice %arg4[%dma_start3A_176, %add3A_22, %dma_start3A_180] : memref<4x128x512xf32, #tpu.memory_space<hbm>> -> memref<1x1x512xf32, #tpu.memory_space<hbm>>
    %dma_start3A_182 = tpu.memref_squeeze %dma_start3A_181 : memref<1x1x512xf32, #tpu.memory_space<hbm>> -> memref<512xf32, #tpu.memory_space<hbm>>
    %dma_start3A_183 = arith.constant 0 : i32
    %dma_start3A_184 = tpu.memref_slice %arg4[%dma_start3A_176, %add3A_22, %dma_start3A_183] : memref<4x128x512xf32, #tpu.memory_space<hbm>> -> memref<1x1x512xf32, #tpu.memory_space<hbm>>
    %dma_start3A_185 = tpu.memref_squeeze %dma_start3A_184 : memref<1x1x512xf32, #tpu.memory_space<hbm>> -> memref<512xf32, #tpu.memory_space<hbm>>
    %dma_start3A_186 = arith.constant 1536 : i32
    %dma_start3A_187 = tpu.memref_slice %arg8[%dma_start3A_175, %dma_start3A_186] : memref<2x2048xf32, #tpu.memory_space<vmem>> -> memref<1x512xf32, #tpu.memory_space<vmem>>
    %dma_start3A_188 = tpu.memref_squeeze %dma_start3A_187 : memref<1x512xf32, #tpu.memory_space<vmem>> -> memref<512xf32, #tpu.memory_space<vmem>>
    tpu.enqueue_dma source(%dma_start3A_188 : memref<512xf32, #tpu.memory_space<vmem>>) target(%dma_start3A_185 : memref<512xf32, #tpu.memory_space<hbm>>) target_semaphore(%arg10 : memref<!tpu.dma_semaphore, #tpu.memory_space<semaphore_mem>>)
    %mul3A_189 = arith.constant 4 : i32
    %mul3A_190 = arith.muli %add3A, %mul3A_189 : i32
    %add3A_191 = arith.constant 1 : i32
    %add3A_192 = arith.addi %mul3A_190, %add3A_191 : i32
    %scan3A_193 = arith.constant 0 : i32
    %scan3A_194 = arith.constant 128 : i32
    %scan3A_195 = arith.addi %scan3A_193, %scan3A_194 : i32
    %scan3A_196 = arith.constant 1 : i32
    scf.for %scan3A_928 = %scan3A_193 to %scan3A_195 step %scan3A_196  : i32 {
      %mul3A_929 = arith.constant 1 : i32
      %mul3A_930 = arith.muli %scan3A_928, %mul3A_929 : i32
      %add3A_931 = arith.constant 0 : i32
      %add3A_932 = arith.addi %add3A_931, %mul3A_930 : i32
      %broadcast_in_dim3A_933 = arith.constant 0 : i32
      %broadcast_in_dim3A_934 = vector.broadcast %broadcast_in_dim3A_933 : i32 to vector<16xi32>
      %mul3A_935 = arith.constant 16 : i32
      %mul3A_936 = arith.muli %add3A_932, %mul3A_935 : i32
      %swap3A = arith.index_cast %mul3A_936 : i32 to index
      %swap3A_937 = tpu.vector_load %arg7[%swap3A] {strides = array<i32>} : memref<2048xi32, #tpu.memory_space<vmem>>, vector<16xi32>,
      tpu.vector_store %arg7[%swap3A], %broadcast_in_dim3A_934 {strides = array<i32>} : memref<2048xi32, #tpu.memory_space<vmem>>, vector<16xi32>,
    }
    %scan3A_197 = arith.constant 128 : i32
    %dma_wait3A_198 = arith.constant 1 : i32
    %dma_wait3A_199 = arith.constant 0 : i32
    %dma_wait3A_200 = arith.constant 0 : i32
    %dma_wait3A_201 = tpu.memref_slice %arg5[%dma_wait3A_198, %dma_wait3A_199, %dma_wait3A_200] : memref<2x8x128xi32, #tpu.memory_space<vmem>> -> memref<1x8x128xi32, #tpu.memory_space<vmem>>
    %dma_wait3A_202 = tpu.memref_squeeze %dma_wait3A_201 : memref<1x8x128xi32, #tpu.memory_space<vmem>> -> memref<8x128xi32, #tpu.memory_space<vmem>>
    %dma_wait3A_203 = arith.constant 0 : i32
    %dma_wait3A_204 = arith.constant 0 : i32
    %dma_wait3A_205 = tpu.memref_slice %arg3[%add3A_192, %dma_wait3A_203, %dma_wait3A_204] : memref<128x8x128xi32, #tpu.memory_space<hbm>> -> memref<1x8x128xi32, #tpu.memory_space<hbm>>
    %dma_wait3A_206 = tpu.memref_squeeze %dma_wait3A_205 : memref<1x8x128xi32, #tpu.memory_space<hbm>> -> memref<8x128xi32, #tpu.memory_space<hbm>>
    %dma_wait3A_207 = arith.constant 0 : i32
    %dma_wait3A_208 = arith.constant 0 : i32
    %dma_wait3A_209 = tpu.memref_slice %arg5[%dma_wait3A_198, %dma_wait3A_207, %dma_wait3A_208] : memref<2x8x128xi32, #tpu.memory_space<vmem>> -> memref<1x8x128xi32, #tpu.memory_space<vmem>>
    %dma_wait3A_210 = tpu.memref_squeeze %dma_wait3A_209 : memref<1x8x128xi32, #tpu.memory_space<vmem>> -> memref<8x128xi32, #tpu.memory_space<vmem>>
    %dma_wait3A_211 = arith.constant 0 : i32
    %dma_wait3A_212 = arith.constant 0 : i32
    %dma_wait3A_213 = tpu.memref_slice %arg3[%add3A_192, %dma_wait3A_211, %dma_wait3A_212] : memref<128x8x128xi32, #tpu.memory_space<hbm>> -> memref<1x8x128xi32, #tpu.memory_space<hbm>>
    %dma_wait3A_214 = tpu.memref_squeeze %dma_wait3A_213 : memref<1x8x128xi32, #tpu.memory_space<hbm>> -> memref<8x128xi32, #tpu.memory_space<hbm>>
    tpu.wait_dma2 semaphore(%arg9 : memref<!tpu.dma_semaphore, #tpu.memory_space<semaphore_mem>>) src(%dma_wait3A_214 : memref<8x128xi32, #tpu.memory_space<hbm>>) dst(%dma_wait3A_210 : memref<8x128xi32, #tpu.memory_space<vmem>>)
    %add3A_215 = arith.constant 1 : i32
    %add3A_216 = arith.addi %add3A_192, %add3A_215 : i32
    %dma_start3A_217 = arith.constant 0 : i32
    %dma_start3A_218 = arith.constant 0 : i32
    %dma_start3A_219 = arith.constant 0 : i32
    %dma_start3A_220 = tpu.memref_slice %arg5[%dma_start3A_217, %dma_start3A_218, %dma_start3A_219] : memref<2x8x128xi32, #tpu.memory_space<vmem>> -> memref<1x8x128xi32, #tpu.memory_space<vmem>>
    %dma_start3A_221 = tpu.memref_squeeze %dma_start3A_220 : memref<1x8x128xi32, #tpu.memory_space<vmem>> -> memref<8x128xi32, #tpu.memory_space<vmem>>
    %dma_start3A_222 = arith.constant 0 : i32
    %dma_start3A_223 = arith.constant 0 : i32
    %dma_start3A_224 = tpu.memref_slice %arg3[%add3A_216, %dma_start3A_222, %dma_start3A_223] : memref<128x8x128xi32, #tpu.memory_space<hbm>> -> memref<1x8x128xi32, #tpu.memory_space<hbm>>
    %dma_start3A_225 = tpu.memref_squeeze %dma_start3A_224 : memref<1x8x128xi32, #tpu.memory_space<hbm>> -> memref<8x128xi32, #tpu.memory_space<hbm>>
    %dma_start3A_226 = arith.constant 0 : i32
    %dma_start3A_227 = arith.constant 0 : i32
    %dma_start3A_228 = tpu.memref_slice %arg5[%dma_start3A_217, %dma_start3A_226, %dma_start3A_227] : memref<2x8x128xi32, #tpu.memory_space<vmem>> -> memref<1x8x128xi32, #tpu.memory_space<vmem>>
    %dma_start3A_229 = tpu.memref_squeeze %dma_start3A_228 : memref<1x8x128xi32, #tpu.memory_space<vmem>> -> memref<8x128xi32, #tpu.memory_space<vmem>>
    %dma_start3A_230 = arith.constant 0 : i32
    %dma_start3A_231 = arith.constant 0 : i32
    %dma_start3A_232 = tpu.memref_slice %arg3[%add3A_216, %dma_start3A_230, %dma_start3A_231] : memref<128x8x128xi32, #tpu.memory_space<hbm>> -> memref<1x8x128xi32, #tpu.memory_space<hbm>>
    %dma_start3A_233 = tpu.memref_squeeze %dma_start3A_232 : memref<1x8x128xi32, #tpu.memory_space<hbm>> -> memref<8x128xi32, #tpu.memory_space<hbm>>
    tpu.enqueue_dma source(%dma_start3A_233 : memref<8x128xi32, #tpu.memory_space<hbm>>) target(%dma_start3A_229 : memref<8x128xi32, #tpu.memory_space<vmem>>) target_semaphore(%arg9 : memref<!tpu.dma_semaphore, #tpu.memory_space<semaphore_mem>>)
    %scan3A_234 = arith.constant 0 : i32
    %scan3A_235 = arith.constant 8 : i32
    %scan3A_236 = arith.addi %scan3A_234, %scan3A_235 : i32
    %scan3A_237 = arith.constant 1 : i32
    scf.for %scan3A_928 = %scan3A_234 to %scan3A_236 step %scan3A_237  : i32 {
      %mul3A_929 = arith.constant 1 : i32
      %mul3A_930 = arith.muli %scan3A_928, %mul3A_929 : i32
      %add3A_931 = arith.constant 0 : i32
      %add3A_932 = arith.addi %add3A_931, %mul3A_930 : i32
      %mul3A_933 = arith.constant 16 : i32
      %mul3A_934 = arith.muli %add3A_932, %mul3A_933 : i32
      %get3A = arith.constant 1 : i32
      %get3A_935 = arith.constant 0 : i32
      %get3A_936 = arith.index_cast %get3A : i32 to index
      %get3A_937 = arith.index_cast %get3A_935 : i32 to index
      %get3A_938 = arith.index_cast %mul3A_934 : i32 to index
      %get3A_939 = tpu.vector_load %arg5[%get3A_936, %get3A_937, %get3A_938] {strides = array<i32>} : memref<2x8x128xi32, #tpu.memory_space<vmem>>, vector<16xi32>,
      %add3A_940 = arith.constant 0 : i32
      %add3A_941 = vector.broadcast %add3A_940 : i32 to vector<16xi32>
      %add3A_942 = arith.addi %get3A_939, %add3A_941 : vector<16xi32>
      %broadcast_in_dim3A_943 = arith.constant true
      %broadcast_in_dim3A_944 = vector.broadcast %broadcast_in_dim3A_943 : i1 to vector<16xi1>
      %unique3A, %unique3A_945 = tpu.scan_count mask(%broadcast_in_dim3A_944 : vector<16xi1>) value(%add3A_942 : vector<16xi32>) : vector<16xi1>, vector<16xi32>
      tpu.vector_store_idx %arg7[%add3A_942], %unique3A_945 masked %unique3A {add = true} : memref<2048xi32, #tpu.memory_space<vmem>>[vector<16xi32>], vector<16xi32>, vector<16xi1>
    }
    %scan3A_238 = arith.constant 8 : i32
    %scan3A_239 = arith.constant 0 : i32
    %scan3A_240 = arith.constant 8 : i32
    %scan3A_241 = arith.addi %scan3A_239, %scan3A_240 : i32
    %scan3A_242 = arith.constant 1 : i32
    scf.for %scan3A_928 = %scan3A_239 to %scan3A_241 step %scan3A_242  : i32 {
      %mul3A_929 = arith.constant 1 : i32
      %mul3A_930 = arith.muli %scan3A_928, %mul3A_929 : i32
      %add3A_931 = arith.constant 0 : i32
      %add3A_932 = arith.addi %add3A_931, %mul3A_930 : i32
      %mul3A_933 = arith.constant 16 : i32
      %mul3A_934 = arith.muli %add3A_932, %mul3A_933 : i32
      %get3A = arith.constant 1 : i32
      %get3A_935 = arith.constant 1 : i32
      %get3A_936 = arith.index_cast %get3A : i32 to index
      %get3A_937 = arith.index_cast %get3A_935 : i32 to index
      %get3A_938 = arith.index_cast %mul3A_934 : i32 to index
      %get3A_939 = tpu.vector_load %arg5[%get3A_936, %get3A_937, %get3A_938] {strides = array<i32>} : memref<2x8x128xi32, #tpu.memory_space<vmem>>, vector<16xi32>,
      %add3A_940 = arith.constant 0 : i32
      %add3A_941 = vector.broadcast %add3A_940 : i32 to vector<16xi32>
      %add3A_942 = arith.addi %get3A_939, %add3A_941 : vector<16xi32>
      %broadcast_in_dim3A_943 = arith.constant true
      %broadcast_in_dim3A_944 = vector.broadcast %broadcast_in_dim3A_943 : i1 to vector<16xi1>
      %unique3A, %unique3A_945 = tpu.scan_count mask(%broadcast_in_dim3A_944 : vector<16xi1>) value(%add3A_942 : vector<16xi32>) : vector<16xi1>, vector<16xi32>
      tpu.vector_store_idx %arg7[%add3A_942], %unique3A_945 masked %unique3A {add = true} : memref<2048xi32, #tpu.memory_space<vmem>>[vector<16xi32>], vector<16xi32>, vector<16xi1>
    }
    %scan3A_243 = arith.constant 8 : i32
    %scan3A_244 = arith.constant 0 : i32
    %scan3A_245 = arith.constant 8 : i32
    %scan3A_246 = arith.addi %scan3A_244, %scan3A_245 : i32
    %scan3A_247 = arith.constant 1 : i32
    scf.for %scan3A_928 = %scan3A_244 to %scan3A_246 step %scan3A_247  : i32 {
      %mul3A_929 = arith.constant 1 : i32
      %mul3A_930 = arith.muli %scan3A_928, %mul3A_929 : i32
      %add3A_931 = arith.constant 0 : i32
      %add3A_932 = arith.addi %add3A_931, %mul3A_930 : i32
      %mul3A_933 = arith.constant 16 : i32
      %mul3A_934 = arith.muli %add3A_932, %mul3A_933 : i32
      %get3A = arith.constant 1 : i32
      %get3A_935 = arith.constant 2 : i32
      %get3A_936 = arith.index_cast %get3A : i32 to index
      %get3A_937 = arith.index_cast %get3A_935 : i32 to index
      %get3A_938 = arith.index_cast %mul3A_934 : i32 to index
      %get3A_939 = tpu.vector_load %arg5[%get3A_936, %get3A_937, %get3A_938] {strides = array<i32>} : memref<2x8x128xi32, #tpu.memory_space<vmem>>, vector<16xi32>,
      %add3A_940 = arith.constant 0 : i32
      %add3A_941 = vector.broadcast %add3A_940 : i32 to vector<16xi32>
      %add3A_942 = arith.addi %get3A_939, %add3A_941 : vector<16xi32>
      %broadcast_in_dim3A_943 = arith.constant true
      %broadcast_in_dim3A_944 = vector.broadcast %broadcast_in_dim3A_943 : i1 to vector<16xi1>
      %unique3A, %unique3A_945 = tpu.scan_count mask(%broadcast_in_dim3A_944 : vector<16xi1>) value(%add3A_942 : vector<16xi32>) : vector<16xi1>, vector<16xi32>
      tpu.vector_store_idx %arg7[%add3A_942], %unique3A_945 masked %unique3A {add = true} : memref<2048xi32, #tpu.memory_space<vmem>>[vector<16xi32>], vector<16xi32>, vector<16xi1>
    }
    %scan3A_248 = arith.constant 8 : i32
    %scan3A_249 = arith.constant 0 : i32
    %scan3A_250 = arith.constant 8 : i32
    %scan3A_251 = arith.addi %scan3A_249, %scan3A_250 : i32
    %scan3A_252 = arith.constant 1 : i32
    scf.for %scan3A_928 = %scan3A_249 to %scan3A_251 step %scan3A_252  : i32 {
      %mul3A_929 = arith.constant 1 : i32
      %mul3A_930 = arith.muli %scan3A_928, %mul3A_929 : i32
      %add3A_931 = arith.constant 0 : i32
      %add3A_932 = arith.addi %add3A_931, %mul3A_930 : i32
      %mul3A_933 = arith.constant 16 : i32
      %mul3A_934 = arith.muli %add3A_932, %mul3A_933 : i32
      %get3A = arith.constant 1 : i32
      %get3A_935 = arith.constant 3 : i32
      %get3A_936 = arith.index_cast %get3A : i32 to index
      %get3A_937 = arith.index_cast %get3A_935 : i32 to index
      %get3A_938 = arith.index_cast %mul3A_934 : i32 to index
      %get3A_939 = tpu.vector_load %arg5[%get3A_936, %get3A_937, %get3A_938] {strides = array<i32>} : memref<2x8x128xi32, #tpu.memory_space<vmem>>, vector<16xi32>,
      %add3A_940 = arith.constant 0 : i32
      %add3A_941 = vector.broadcast %add3A_940 : i32 to vector<16xi32>
      %add3A_942 = arith.addi %get3A_939, %add3A_941 : vector<16xi32>
      %broadcast_in_dim3A_943 = arith.constant true
      %broadcast_in_dim3A_944 = vector.broadcast %broadcast_in_dim3A_943 : i1 to vector<16xi1>
      %unique3A, %unique3A_945 = tpu.scan_count mask(%broadcast_in_dim3A_944 : vector<16xi1>) value(%add3A_942 : vector<16xi32>) : vector<16xi1>, vector<16xi32>
      tpu.vector_store_idx %arg7[%add3A_942], %unique3A_945 masked %unique3A {add = true} : memref<2048xi32, #tpu.memory_space<vmem>>[vector<16xi32>], vector<16xi32>, vector<16xi1>
    }
    %scan3A_253 = arith.constant 8 : i32
    %scan3A_254 = arith.constant 0 : i32
    %scan3A_255 = arith.constant 8 : i32
    %scan3A_256 = arith.addi %scan3A_254, %scan3A_255 : i32
    %scan3A_257 = arith.constant 1 : i32
    scf.for %scan3A_928 = %scan3A_254 to %scan3A_256 step %scan3A_257  : i32 {
      %mul3A_929 = arith.constant 1 : i32
      %mul3A_930 = arith.muli %scan3A_928, %mul3A_929 : i32
      %add3A_931 = arith.constant 0 : i32
      %add3A_932 = arith.addi %add3A_931, %mul3A_930 : i32
      %mul3A_933 = arith.constant 16 : i32
      %mul3A_934 = arith.muli %add3A_932, %mul3A_933 : i32
      %get3A = arith.constant 1 : i32
      %get3A_935 = arith.constant 4 : i32
      %get3A_936 = arith.index_cast %get3A : i32 to index
      %get3A_937 = arith.index_cast %get3A_935 : i32 to index
      %get3A_938 = arith.index_cast %mul3A_934 : i32 to index
      %get3A_939 = tpu.vector_load %arg5[%get3A_936, %get3A_937, %get3A_938] {strides = array<i32>} : memref<2x8x128xi32, #tpu.memory_space<vmem>>, vector<16xi32>,
      %add3A_940 = arith.constant 1024 : i32
      %add3A_941 = vector.broadcast %add3A_940 : i32 to vector<16xi32>
      %add3A_942 = arith.addi %get3A_939, %add3A_941 : vector<16xi32>
      %broadcast_in_dim3A_943 = arith.constant true
      %broadcast_in_dim3A_944 = vector.broadcast %broadcast_in_dim3A_943 : i1 to vector<16xi1>
      %unique3A, %unique3A_945 = tpu.scan_count mask(%broadcast_in_dim3A_944 : vector<16xi1>) value(%add3A_942 : vector<16xi32>) : vector<16xi1>, vector<16xi32>
      tpu.vector_store_idx %arg7[%add3A_942], %unique3A_945 masked %unique3A {add = true} : memref<2048xi32, #tpu.memory_space<vmem>>[vector<16xi32>], vector<16xi32>, vector<16xi1>
    }
    %scan3A_258 = arith.constant 8 : i32
    %scan3A_259 = arith.constant 0 : i32
    %scan3A_260 = arith.constant 8 : i32
    %scan3A_261 = arith.addi %scan3A_259, %scan3A_260 : i32
    %scan3A_262 = arith.constant 1 : i32
    scf.for %scan3A_928 = %scan3A_259 to %scan3A_261 step %scan3A_262  : i32 {
      %mul3A_929 = arith.constant 1 : i32
      %mul3A_930 = arith.muli %scan3A_928, %mul3A_929 : i32
      %add3A_931 = arith.constant 0 : i32
      %add3A_932 = arith.addi %add3A_931, %mul3A_930 : i32
      %mul3A_933 = arith.constant 16 : i32
      %mul3A_934 = arith.muli %add3A_932, %mul3A_933 : i32
      %get3A = arith.constant 1 : i32
      %get3A_935 = arith.constant 5 : i32
      %get3A_936 = arith.index_cast %get3A : i32 to index
      %get3A_937 = arith.index_cast %get3A_935 : i32 to index
      %get3A_938 = arith.index_cast %mul3A_934 : i32 to index
      %get3A_939 = tpu.vector_load %arg5[%get3A_936, %get3A_937, %get3A_938] {strides = array<i32>} : memref<2x8x128xi32, #tpu.memory_space<vmem>>, vector<16xi32>,
      %add3A_940 = arith.constant 1024 : i32
      %add3A_941 = vector.broadcast %add3A_940 : i32 to vector<16xi32>
      %add3A_942 = arith.addi %get3A_939, %add3A_941 : vector<16xi32>
      %broadcast_in_dim3A_943 = arith.constant true
      %broadcast_in_dim3A_944 = vector.broadcast %broadcast_in_dim3A_943 : i1 to vector<16xi1>
      %unique3A, %unique3A_945 = tpu.scan_count mask(%broadcast_in_dim3A_944 : vector<16xi1>) value(%add3A_942 : vector<16xi32>) : vector<16xi1>, vector<16xi32>
      tpu.vector_store_idx %arg7[%add3A_942], %unique3A_945 masked %unique3A {add = true} : memref<2048xi32, #tpu.memory_space<vmem>>[vector<16xi32>], vector<16xi32>, vector<16xi1>
    }
    %scan3A_263 = arith.constant 8 : i32
    %scan3A_264 = arith.constant 0 : i32
    %scan3A_265 = arith.constant 8 : i32
    %scan3A_266 = arith.addi %scan3A_264, %scan3A_265 : i32
    %scan3A_267 = arith.constant 1 : i32
    scf.for %scan3A_928 = %scan3A_264 to %scan3A_266 step %scan3A_267  : i32 {
      %mul3A_929 = arith.constant 1 : i32
      %mul3A_930 = arith.muli %scan3A_928, %mul3A_929 : i32
      %add3A_931 = arith.constant 0 : i32
      %add3A_932 = arith.addi %add3A_931, %mul3A_930 : i32
      %mul3A_933 = arith.constant 16 : i32
      %mul3A_934 = arith.muli %add3A_932, %mul3A_933 : i32
      %get3A = arith.constant 1 : i32
      %get3A_935 = arith.constant 6 : i32
      %get3A_936 = arith.index_cast %get3A : i32 to index
      %get3A_937 = arith.index_cast %get3A_935 : i32 to index
      %get3A_938 = arith.index_cast %mul3A_934 : i32 to index
      %get3A_939 = tpu.vector_load %arg5[%get3A_936, %get3A_937, %get3A_938] {strides = array<i32>} : memref<2x8x128xi32, #tpu.memory_space<vmem>>, vector<16xi32>,
      %add3A_940 = arith.constant 1024 : i32
      %add3A_941 = vector.broadcast %add3A_940 : i32 to vector<16xi32>
      %add3A_942 = arith.addi %get3A_939, %add3A_941 : vector<16xi32>
      %broadcast_in_dim3A_943 = arith.constant true
      %broadcast_in_dim3A_944 = vector.broadcast %broadcast_in_dim3A_943 : i1 to vector<16xi1>
      %unique3A, %unique3A_945 = tpu.scan_count mask(%broadcast_in_dim3A_944 : vector<16xi1>) value(%add3A_942 : vector<16xi32>) : vector<16xi1>, vector<16xi32>
      tpu.vector_store_idx %arg7[%add3A_942], %unique3A_945 masked %unique3A {add = true} : memref<2048xi32, #tpu.memory_space<vmem>>[vector<16xi32>], vector<16xi32>, vector<16xi1>
    }
    %scan3A_268 = arith.constant 8 : i32
    %scan3A_269 = arith.constant 0 : i32
    %scan3A_270 = arith.constant 8 : i32
    %scan3A_271 = arith.addi %scan3A_269, %scan3A_270 : i32
    %scan3A_272 = arith.constant 1 : i32
    scf.for %scan3A_928 = %scan3A_269 to %scan3A_271 step %scan3A_272  : i32 {
      %mul3A_929 = arith.constant 1 : i32
      %mul3A_930 = arith.muli %scan3A_928, %mul3A_929 : i32
      %add3A_931 = arith.constant 0 : i32
      %add3A_932 = arith.addi %add3A_931, %mul3A_930 : i32
      %mul3A_933 = arith.constant 16 : i32
      %mul3A_934 = arith.muli %add3A_932, %mul3A_933 : i32
      %get3A = arith.constant 1 : i32
      %get3A_935 = arith.constant 7 : i32
      %get3A_936 = arith.index_cast %get3A : i32 to index
      %get3A_937 = arith.index_cast %get3A_935 : i32 to index
      %get3A_938 = arith.index_cast %mul3A_934 : i32 to index
      %get3A_939 = tpu.vector_load %arg5[%get3A_936, %get3A_937, %get3A_938] {strides = array<i32>} : memref<2x8x128xi32, #tpu.memory_space<vmem>>, vector<16xi32>,
      %add3A_940 = arith.constant 1024 : i32
      %add3A_941 = vector.broadcast %add3A_940 : i32 to vector<16xi32>
      %add3A_942 = arith.addi %get3A_939, %add3A_941 : vector<16xi32>
      %broadcast_in_dim3A_943 = arith.constant true
      %broadcast_in_dim3A_944 = vector.broadcast %broadcast_in_dim3A_943 : i1 to vector<16xi1>
      %unique3A, %unique3A_945 = tpu.scan_count mask(%broadcast_in_dim3A_944 : vector<16xi1>) value(%add3A_942 : vector<16xi32>) : vector<16xi1>, vector<16xi32>
      tpu.vector_store_idx %arg7[%add3A_942], %unique3A_945 masked %unique3A {add = true} : memref<2048xi32, #tpu.memory_space<vmem>>[vector<16xi32>], vector<16xi32>, vector<16xi1>
    }
    %scan3A_273 = arith.constant 8 : i32
    %broadcast_in_dim3A_274 = vector.broadcast %add3A_192 : i32 to vector<16xi32>
    %gather3A_275 = tpu.vector_load_idx %arg6[%broadcast_in_dim3A_274] : memref<256xi32, #tpu.memory_space<vmem>>[vector<16xi32>], vector<16xi32>,
    %add3A_276 = arith.constant 128 : i32
    %add3A_277 = vector.broadcast %add3A_276 : i32 to vector<16xi32>
    %add3A_278 = arith.addi %broadcast_in_dim3A_274, %add3A_277 : vector<16xi32>
    %gather3A_279 = tpu.vector_load_idx %arg6[%add3A_278] : memref<256xi32, #tpu.memory_space<vmem>>[vector<16xi32>], vector<16xi32>,
    %add3A_280 = arith.constant 1024 : i32
    %add3A_281 = vector.broadcast %add3A_280 : i32 to vector<16xi32>
    %add3A_282 = arith.addi %gather3A_275, %add3A_281 : vector<16xi32>
    %gather3A_283 = tpu.vector_load_idx %arg7[%add3A_282] : memref<2048xi32, #tpu.memory_space<vmem>>[vector<16xi32>], vector<16xi32>,
    %gather3A_284 = tpu.vector_load_idx %arg7[%gather3A_279] : memref<2048xi32, #tpu.memory_space<vmem>>[vector<16xi32>], vector<16xi32>,
    %eq3A_285 = arith.cmpi eq, %gather3A_275, %gather3A_279 : vector<16xi32>
    %gt3A_286 = arith.constant 0 : i32
    %gt3A_287 = vector.broadcast %gt3A_286 : i32 to vector<16xi32>
    %gt3A_288 = arith.cmpi sgt, %gather3A_283, %gt3A_287 : vector<16xi32>
    %and3A_289 = arith.andi %eq3A_285, %gt3A_288 : vector<16xi1>
    %select_n3A_290 = arith.select %and3A_289, %gather3A_283, %gather3A_284 : vector<16xi1>, vector<16xi32>
    %scan3A_291 = arith.constant 0 : i32
    %scan3A_292 = arith.constant 8 : i32
    %scan3A_293 = arith.addi %scan3A_291, %scan3A_292 : i32
    %scan3A_294 = arith.constant 1 : i32
    scf.for %scan3A_928 = %scan3A_291 to %scan3A_293 step %scan3A_294  : i32 {
      %mul3A_929 = arith.constant 1 : i32
      %mul3A_930 = arith.muli %scan3A_928, %mul3A_929 : i32
      %add3A_931 = arith.constant 0 : i32
      %add3A_932 = arith.addi %add3A_931, %mul3A_930 : i32
      %mul3A_933 = arith.constant 16 : i32
      %mul3A_934 = arith.muli %add3A_932, %mul3A_933 : i32
      %add3A_935 = arith.constant 0 : i32
      %add3A_936 = arith.addi %add3A_935, %mul3A_934 : i32
      %mul3A_937 = arith.constant 16 : i32
      %mul3A_938 = arith.muli %add3A_932, %mul3A_937 : i32
      %get3A = arith.constant 1 : i32
      %get3A_939 = arith.constant 0 : i32
      %get3A_940 = arith.index_cast %get3A : i32 to index
      %get3A_941 = arith.index_cast %get3A_939 : i32 to index
      %get3A_942 = arith.index_cast %mul3A_938 : i32 to index
      %get3A_943 = tpu.vector_load %arg5[%get3A_940, %get3A_941, %get3A_942] {strides = array<i32>} : memref<2x8x128xi32, #tpu.memory_space<vmem>>, vector<16xi32>,
      %gather3A_944 = tpu.vector_load_idx %arg7[%get3A_943] : memref<2048xi32, #tpu.memory_space<vmem>>[vector<16xi32>], vector<16xi32>,
      %add3A_945 = arith.constant 1024 : i32
      %add3A_946 = vector.broadcast %add3A_945 : i32 to vector<16xi32>
      %add3A_947 = arith.addi %get3A_943, %add3A_946 : vector<16xi32>
      %gather3A_948 = tpu.vector_load_idx %arg7[%add3A_947] : memref<2048xi32, #tpu.memory_space<vmem>>[vector<16xi32>], vector<16xi32>,
      %eq3A_949 = arith.cmpi eq, %get3A_943, %gather3A_279 : vector<16xi32>
      %select_n3A_950 = arith.select %eq3A_949, %select_n3A_290, %gather3A_948 : vector<16xi1>, vector<16xi32>
      %convert_element_type3A = arith.sitofp %gather3A_944 : vector<16xi32> to vector<16xf32>
      %swap3A = arith.constant 1 : i32
      %swap3A_951 = arith.index_cast %swap3A : i32 to index
      %swap3A_952 = arith.index_cast %add3A_936 : i32 to index
      %swap3A_953 = tpu.vector_load %arg8[%swap3A_951, %swap3A_952] {strides = array<i32>} : memref<2x2048xf32, #tpu.memory_space<vmem>>, vector<16xf32>,
      tpu.vector_store %arg8[%swap3A_951, %swap3A_952], %convert_element_type3A {strides = array<i32>} : memref<2x2048xf32, #tpu.memory_space<vmem>>, vector<16xf32>,
      %convert_element_type3A_954 = arith.sitofp %select_n3A_950 : vector<16xi32> to vector<16xf32>
      %add3A_955 = arith.constant 512 : i32
      %add3A_956 = arith.addi %add3A_955, %add3A_936 : i32
      %swap3A_957 = arith.constant 1 : i32
      %swap3A_958 = arith.index_cast %swap3A_957 : i32 to index
      %swap3A_959 = arith.index_cast %add3A_956 : i32 to index
      %swap3A_960 = tpu.vector_load %arg8[%swap3A_958, %swap3A_959] {strides = array<i32>} : memref<2x2048xf32, #tpu.memory_space<vmem>>, vector<16xf32>,
      tpu.vector_store %arg8[%swap3A_958, %swap3A_959], %convert_element_type3A_954 {strides = array<i32>} : memref<2x2048xf32, #tpu.memory_space<vmem>>, vector<16xf32>,
      %mul3A_961 = arith.constant 16 : i32
      %mul3A_962 = arith.muli %add3A_932, %mul3A_961 : i32
      %get3A_963 = arith.constant 1 : i32
      %get3A_964 = arith.constant 4 : i32
      %get3A_965 = arith.index_cast %get3A_963 : i32 to index
      %get3A_966 = arith.index_cast %get3A_964 : i32 to index
      %get3A_967 = arith.index_cast %mul3A_962 : i32 to index
      %get3A_968 = tpu.vector_load %arg5[%get3A_965, %get3A_966, %get3A_967] {strides = array<i32>} : memref<2x8x128xi32, #tpu.memory_space<vmem>>, vector<16xi32>,
      %add3A_969 = arith.constant 1024 : i32
      %add3A_970 = vector.broadcast %add3A_969 : i32 to vector<16xi32>
      %add3A_971 = arith.addi %get3A_968, %add3A_970 : vector<16xi32>
      %gather3A_972 = tpu.vector_load_idx %arg7[%add3A_971] : memref<2048xi32, #tpu.memory_space<vmem>>[vector<16xi32>], vector<16xi32>,
      %gather3A_973 = tpu.vector_load_idx %arg7[%get3A_968] : memref<2048xi32, #tpu.memory_space<vmem>>[vector<16xi32>], vector<16xi32>,
      %eq3A_974 = arith.cmpi eq, %get3A_968, %gather3A_275 : vector<16xi32>
      %select_n3A_975 = arith.select %eq3A_974, %gather3A_283, %gather3A_973 : vector<16xi1>, vector<16xi32>
      %convert_element_type3A_976 = arith.sitofp %select_n3A_975 : vector<16xi32> to vector<16xf32>
      %add3A_977 = arith.constant 1024 : i32
      %add3A_978 = arith.addi %add3A_977, %add3A_936 : i32
      %swap3A_979 = arith.constant 1 : i32
      %swap3A_980 = arith.index_cast %swap3A_979 : i32 to index
      %swap3A_981 = arith.index_cast %add3A_978 : i32 to index
      %swap3A_982 = tpu.vector_load %arg8[%swap3A_980, %swap3A_981] {strides = array<i32>} : memref<2x2048xf32, #tpu.memory_space<vmem>>, vector<16xf32>,
      tpu.vector_store %arg8[%swap3A_980, %swap3A_981], %convert_element_type3A_976 {strides = array<i32>} : memref<2x2048xf32, #tpu.memory_space<vmem>>, vector<16xf32>,
      %convert_element_type3A_983 = arith.sitofp %gather3A_972 : vector<16xi32> to vector<16xf32>
      %add3A_984 = arith.constant 1536 : i32
      %add3A_985 = arith.addi %add3A_984, %add3A_936 : i32
      %swap3A_986 = arith.constant 1 : i32
      %swap3A_987 = arith.index_cast %swap3A_986 : i32 to index
      %swap3A_988 = arith.index_cast %add3A_985 : i32 to index
      %swap3A_989 = tpu.vector_load %arg8[%swap3A_987, %swap3A_988] {strides = array<i32>} : memref<2x2048xf32, #tpu.memory_space<vmem>>, vector<16xf32>,
      tpu.vector_store %arg8[%swap3A_987, %swap3A_988], %convert_element_type3A_983 {strides = array<i32>} : memref<2x2048xf32, #tpu.memory_space<vmem>>, vector<16xf32>,
    }
    %scan3A_295 = arith.constant 8 : i32
    %scan3A_296 = arith.constant 0 : i32
    %scan3A_297 = arith.constant 8 : i32
    %scan3A_298 = arith.addi %scan3A_296, %scan3A_297 : i32
    %scan3A_299 = arith.constant 1 : i32
    scf.for %scan3A_928 = %scan3A_296 to %scan3A_298 step %scan3A_299  : i32 {
      %mul3A_929 = arith.constant 1 : i32
      %mul3A_930 = arith.muli %scan3A_928, %mul3A_929 : i32
      %add3A_931 = arith.constant 0 : i32
      %add3A_932 = arith.addi %add3A_931, %mul3A_930 : i32
      %mul3A_933 = arith.constant 16 : i32
      %mul3A_934 = arith.muli %add3A_932, %mul3A_933 : i32
      %add3A_935 = arith.constant 128 : i32
      %add3A_936 = arith.addi %add3A_935, %mul3A_934 : i32
      %mul3A_937 = arith.constant 16 : i32
      %mul3A_938 = arith.muli %add3A_932, %mul3A_937 : i32
      %get3A = arith.constant 1 : i32
      %get3A_939 = arith.constant 1 : i32
      %get3A_940 = arith.index_cast %get3A : i32 to index
      %get3A_941 = arith.index_cast %get3A_939 : i32 to index
      %get3A_942 = arith.index_cast %mul3A_938 : i32 to index
      %get3A_943 = tpu.vector_load %arg5[%get3A_940, %get3A_941, %get3A_942] {strides = array<i32>} : memref<2x8x128xi32, #tpu.memory_space<vmem>>, vector<16xi32>,
      %gather3A_944 = tpu.vector_load_idx %arg7[%get3A_943] : memref<2048xi32, #tpu.memory_space<vmem>>[vector<16xi32>], vector<16xi32>,
      %add3A_945 = arith.constant 1024 : i32
      %add3A_946 = vector.broadcast %add3A_945 : i32 to vector<16xi32>
      %add3A_947 = arith.addi %get3A_943, %add3A_946 : vector<16xi32>
      %gather3A_948 = tpu.vector_load_idx %arg7[%add3A_947] : memref<2048xi32, #tpu.memory_space<vmem>>[vector<16xi32>], vector<16xi32>,
      %eq3A_949 = arith.cmpi eq, %get3A_943, %gather3A_279 : vector<16xi32>
      %select_n3A_950 = arith.select %eq3A_949, %select_n3A_290, %gather3A_948 : vector<16xi1>, vector<16xi32>
      %convert_element_type3A = arith.sitofp %gather3A_944 : vector<16xi32> to vector<16xf32>
      %swap3A = arith.constant 1 : i32
      %swap3A_951 = arith.index_cast %swap3A : i32 to index
      %swap3A_952 = arith.index_cast %add3A_936 : i32 to index
      %swap3A_953 = tpu.vector_load %arg8[%swap3A_951, %swap3A_952] {strides = array<i32>} : memref<2x2048xf32, #tpu.memory_space<vmem>>, vector<16xf32>,
      tpu.vector_store %arg8[%swap3A_951, %swap3A_952], %convert_element_type3A {strides = array<i32>} : memref<2x2048xf32, #tpu.memory_space<vmem>>, vector<16xf32>,
      %convert_element_type3A_954 = arith.sitofp %select_n3A_950 : vector<16xi32> to vector<16xf32>
      %add3A_955 = arith.constant 512 : i32
      %add3A_956 = arith.addi %add3A_955, %add3A_936 : i32
      %swap3A_957 = arith.constant 1 : i32
      %swap3A_958 = arith.index_cast %swap3A_957 : i32 to index
      %swap3A_959 = arith.index_cast %add3A_956 : i32 to index
      %swap3A_960 = tpu.vector_load %arg8[%swap3A_958, %swap3A_959] {strides = array<i32>} : memref<2x2048xf32, #tpu.memory_space<vmem>>, vector<16xf32>,
      tpu.vector_store %arg8[%swap3A_958, %swap3A_959], %convert_element_type3A_954 {strides = array<i32>} : memref<2x2048xf32, #tpu.memory_space<vmem>>, vector<16xf32>,
      %mul3A_961 = arith.constant 16 : i32
      %mul3A_962 = arith.muli %add3A_932, %mul3A_961 : i32
      %get3A_963 = arith.constant 1 : i32
      %get3A_964 = arith.constant 5 : i32
      %get3A_965 = arith.index_cast %get3A_963 : i32 to index
      %get3A_966 = arith.index_cast %get3A_964 : i32 to index
      %get3A_967 = arith.index_cast %mul3A_962 : i32 to index
      %get3A_968 = tpu.vector_load %arg5[%get3A_965, %get3A_966, %get3A_967] {strides = array<i32>} : memref<2x8x128xi32, #tpu.memory_space<vmem>>, vector<16xi32>,
      %add3A_969 = arith.constant 1024 : i32
      %add3A_970 = vector.broadcast %add3A_969 : i32 to vector<16xi32>
      %add3A_971 = arith.addi %get3A_968, %add3A_970 : vector<16xi32>
      %gather3A_972 = tpu.vector_load_idx %arg7[%add3A_971] : memref<2048xi32, #tpu.memory_space<vmem>>[vector<16xi32>], vector<16xi32>,
      %gather3A_973 = tpu.vector_load_idx %arg7[%get3A_968] : memref<2048xi32, #tpu.memory_space<vmem>>[vector<16xi32>], vector<16xi32>,
      %eq3A_974 = arith.cmpi eq, %get3A_968, %gather3A_275 : vector<16xi32>
      %select_n3A_975 = arith.select %eq3A_974, %gather3A_283, %gather3A_973 : vector<16xi1>, vector<16xi32>
      %convert_element_type3A_976 = arith.sitofp %select_n3A_975 : vector<16xi32> to vector<16xf32>
      %add3A_977 = arith.constant 1024 : i32
      %add3A_978 = arith.addi %add3A_977, %add3A_936 : i32
      %swap3A_979 = arith.constant 1 : i32
      %swap3A_980 = arith.index_cast %swap3A_979 : i32 to index
      %swap3A_981 = arith.index_cast %add3A_978 : i32 to index
      %swap3A_982 = tpu.vector_load %arg8[%swap3A_980, %swap3A_981] {strides = array<i32>} : memref<2x2048xf32, #tpu.memory_space<vmem>>, vector<16xf32>,
      tpu.vector_store %arg8[%swap3A_980, %swap3A_981], %convert_element_type3A_976 {strides = array<i32>} : memref<2x2048xf32, #tpu.memory_space<vmem>>, vector<16xf32>,
      %convert_element_type3A_983 = arith.sitofp %gather3A_972 : vector<16xi32> to vector<16xf32>
      %add3A_984 = arith.constant 1536 : i32
      %add3A_985 = arith.addi %add3A_984, %add3A_936 : i32
      %swap3A_986 = arith.constant 1 : i32
      %swap3A_987 = arith.index_cast %swap3A_986 : i32 to index
      %swap3A_988 = arith.index_cast %add3A_985 : i32 to index
      %swap3A_989 = tpu.vector_load %arg8[%swap3A_987, %swap3A_988] {strides = array<i32>} : memref<2x2048xf32, #tpu.memory_space<vmem>>, vector<16xf32>,
      tpu.vector_store %arg8[%swap3A_987, %swap3A_988], %convert_element_type3A_983 {strides = array<i32>} : memref<2x2048xf32, #tpu.memory_space<vmem>>, vector<16xf32>,
    }
    %scan3A_300 = arith.constant 8 : i32
    %scan3A_301 = arith.constant 0 : i32
    %scan3A_302 = arith.constant 8 : i32
    %scan3A_303 = arith.addi %scan3A_301, %scan3A_302 : i32
    %scan3A_304 = arith.constant 1 : i32
    scf.for %scan3A_928 = %scan3A_301 to %scan3A_303 step %scan3A_304  : i32 {
      %mul3A_929 = arith.constant 1 : i32
      %mul3A_930 = arith.muli %scan3A_928, %mul3A_929 : i32
      %add3A_931 = arith.constant 0 : i32
      %add3A_932 = arith.addi %add3A_931, %mul3A_930 : i32
      %mul3A_933 = arith.constant 16 : i32
      %mul3A_934 = arith.muli %add3A_932, %mul3A_933 : i32
      %add3A_935 = arith.constant 256 : i32
      %add3A_936 = arith.addi %add3A_935, %mul3A_934 : i32
      %mul3A_937 = arith.constant 16 : i32
      %mul3A_938 = arith.muli %add3A_932, %mul3A_937 : i32
      %get3A = arith.constant 1 : i32
      %get3A_939 = arith.constant 2 : i32
      %get3A_940 = arith.index_cast %get3A : i32 to index
      %get3A_941 = arith.index_cast %get3A_939 : i32 to index
      %get3A_942 = arith.index_cast %mul3A_938 : i32 to index
      %get3A_943 = tpu.vector_load %arg5[%get3A_940, %get3A_941, %get3A_942] {strides = array<i32>} : memref<2x8x128xi32, #tpu.memory_space<vmem>>, vector<16xi32>,
      %gather3A_944 = tpu.vector_load_idx %arg7[%get3A_943] : memref<2048xi32, #tpu.memory_space<vmem>>[vector<16xi32>], vector<16xi32>,
      %add3A_945 = arith.constant 1024 : i32
      %add3A_946 = vector.broadcast %add3A_945 : i32 to vector<16xi32>
      %add3A_947 = arith.addi %get3A_943, %add3A_946 : vector<16xi32>
      %gather3A_948 = tpu.vector_load_idx %arg7[%add3A_947] : memref<2048xi32, #tpu.memory_space<vmem>>[vector<16xi32>], vector<16xi32>,
      %eq3A_949 = arith.cmpi eq, %get3A_943, %gather3A_279 : vector<16xi32>
      %select_n3A_950 = arith.select %eq3A_949, %select_n3A_290, %gather3A_948 : vector<16xi1>, vector<16xi32>
      %convert_element_type3A = arith.sitofp %gather3A_944 : vector<16xi32> to vector<16xf32>
      %swap3A = arith.constant 1 : i32
      %swap3A_951 = arith.index_cast %swap3A : i32 to index
      %swap3A_952 = arith.index_cast %add3A_936 : i32 to index
      %swap3A_953 = tpu.vector_load %arg8[%swap3A_951, %swap3A_952] {strides = array<i32>} : memref<2x2048xf32, #tpu.memory_space<vmem>>, vector<16xf32>,
      tpu.vector_store %arg8[%swap3A_951, %swap3A_952], %convert_element_type3A {strides = array<i32>} : memref<2x2048xf32, #tpu.memory_space<vmem>>, vector<16xf32>,
      %convert_element_type3A_954 = arith.sitofp %select_n3A_950 : vector<16xi32> to vector<16xf32>
      %add3A_955 = arith.constant 512 : i32
      %add3A_956 = arith.addi %add3A_955, %add3A_936 : i32
      %swap3A_957 = arith.constant 1 : i32
      %swap3A_958 = arith.index_cast %swap3A_957 : i32 to index
      %swap3A_959 = arith.index_cast %add3A_956 : i32 to index
      %swap3A_960 = tpu.vector_load %arg8[%swap3A_958, %swap3A_959] {strides = array<i32>} : memref<2x2048xf32, #tpu.memory_space<vmem>>, vector<16xf32>,
      tpu.vector_store %arg8[%swap3A_958, %swap3A_959], %convert_element_type3A_954 {strides = array<i32>} : memref<2x2048xf32, #tpu.memory_space<vmem>>, vector<16xf32>,
      %mul3A_961 = arith.constant 16 : i32
      %mul3A_962 = arith.muli %add3A_932, %mul3A_961 : i32
      %get3A_963 = arith.constant 1 : i32
      %get3A_964 = arith.constant 6 : i32
      %get3A_965 = arith.index_cast %get3A_963 : i32 to index
      %get3A_966 = arith.index_cast %get3A_964 : i32 to index
      %get3A_967 = arith.index_cast %mul3A_962 : i32 to index
      %get3A_968 = tpu.vector_load %arg5[%get3A_965, %get3A_966, %get3A_967] {strides = array<i32>} : memref<2x8x128xi32, #tpu.memory_space<vmem>>, vector<16xi32>,
      %add3A_969 = arith.constant 1024 : i32
      %add3A_970 = vector.broadcast %add3A_969 : i32 to vector<16xi32>
      %add3A_971 = arith.addi %get3A_968, %add3A_970 : vector<16xi32>
      %gather3A_972 = tpu.vector_load_idx %arg7[%add3A_971] : memref<2048xi32, #tpu.memory_space<vmem>>[vector<16xi32>], vector<16xi32>,
      %gather3A_973 = tpu.vector_load_idx %arg7[%get3A_968] : memref<2048xi32, #tpu.memory_space<vmem>>[vector<16xi32>], vector<16xi32>,
      %eq3A_974 = arith.cmpi eq, %get3A_968, %gather3A_275 : vector<16xi32>
      %select_n3A_975 = arith.select %eq3A_974, %gather3A_283, %gather3A_973 : vector<16xi1>, vector<16xi32>
      %convert_element_type3A_976 = arith.sitofp %select_n3A_975 : vector<16xi32> to vector<16xf32>
      %add3A_977 = arith.constant 1024 : i32
      %add3A_978 = arith.addi %add3A_977, %add3A_936 : i32
      %swap3A_979 = arith.constant 1 : i32
      %swap3A_980 = arith.index_cast %swap3A_979 : i32 to index
      %swap3A_981 = arith.index_cast %add3A_978 : i32 to index
      %swap3A_982 = tpu.vector_load %arg8[%swap3A_980, %swap3A_981] {strides = array<i32>} : memref<2x2048xf32, #tpu.memory_space<vmem>>, vector<16xf32>,
      tpu.vector_store %arg8[%swap3A_980, %swap3A_981], %convert_element_type3A_976 {strides = array<i32>} : memref<2x2048xf32, #tpu.memory_space<vmem>>, vector<16xf32>,
      %convert_element_type3A_983 = arith.sitofp %gather3A_972 : vector<16xi32> to vector<16xf32>
      %add3A_984 = arith.constant 1536 : i32
      %add3A_985 = arith.addi %add3A_984, %add3A_936 : i32
      %swap3A_986 = arith.constant 1 : i32
      %swap3A_987 = arith.index_cast %swap3A_986 : i32 to index
      %swap3A_988 = arith.index_cast %add3A_985 : i32 to index
      %swap3A_989 = tpu.vector_load %arg8[%swap3A_987, %swap3A_988] {strides = array<i32>} : memref<2x2048xf32, #tpu.memory_space<vmem>>, vector<16xf32>,
      tpu.vector_store %arg8[%swap3A_987, %swap3A_988], %convert_element_type3A_983 {strides = array<i32>} : memref<2x2048xf32, #tpu.memory_space<vmem>>, vector<16xf32>,
    }
    %scan3A_305 = arith.constant 8 : i32
    %scan3A_306 = arith.constant 0 : i32
    %scan3A_307 = arith.constant 8 : i32
    %scan3A_308 = arith.addi %scan3A_306, %scan3A_307 : i32
    %scan3A_309 = arith.constant 1 : i32
    scf.for %scan3A_928 = %scan3A_306 to %scan3A_308 step %scan3A_309  : i32 {
      %mul3A_929 = arith.constant 1 : i32
      %mul3A_930 = arith.muli %scan3A_928, %mul3A_929 : i32
      %add3A_931 = arith.constant 0 : i32
      %add3A_932 = arith.addi %add3A_931, %mul3A_930 : i32
      %mul3A_933 = arith.constant 16 : i32
      %mul3A_934 = arith.muli %add3A_932, %mul3A_933 : i32
      %add3A_935 = arith.constant 384 : i32
      %add3A_936 = arith.addi %add3A_935, %mul3A_934 : i32
      %mul3A_937 = arith.constant 16 : i32
      %mul3A_938 = arith.muli %add3A_932, %mul3A_937 : i32
      %get3A = arith.constant 1 : i32
      %get3A_939 = arith.constant 3 : i32
      %get3A_940 = arith.index_cast %get3A : i32 to index
      %get3A_941 = arith.index_cast %get3A_939 : i32 to index
      %get3A_942 = arith.index_cast %mul3A_938 : i32 to index
      %get3A_943 = tpu.vector_load %arg5[%get3A_940, %get3A_941, %get3A_942] {strides = array<i32>} : memref<2x8x128xi32, #tpu.memory_space<vmem>>, vector<16xi32>,
      %gather3A_944 = tpu.vector_load_idx %arg7[%get3A_943] : memref<2048xi32, #tpu.memory_space<vmem>>[vector<16xi32>], vector<16xi32>,
      %add3A_945 = arith.constant 1024 : i32
      %add3A_946 = vector.broadcast %add3A_945 : i32 to vector<16xi32>
      %add3A_947 = arith.addi %get3A_943, %add3A_946 : vector<16xi32>
      %gather3A_948 = tpu.vector_load_idx %arg7[%add3A_947] : memref<2048xi32, #tpu.memory_space<vmem>>[vector<16xi32>], vector<16xi32>,
      %eq3A_949 = arith.cmpi eq, %get3A_943, %gather3A_279 : vector<16xi32>
      %select_n3A_950 = arith.select %eq3A_949, %select_n3A_290, %gather3A_948 : vector<16xi1>, vector<16xi32>
      %convert_element_type3A = arith.sitofp %gather3A_944 : vector<16xi32> to vector<16xf32>
      %swap3A = arith.constant 1 : i32
      %swap3A_951 = arith.index_cast %swap3A : i32 to index
      %swap3A_952 = arith.index_cast %add3A_936 : i32 to index
      %swap3A_953 = tpu.vector_load %arg8[%swap3A_951, %swap3A_952] {strides = array<i32>} : memref<2x2048xf32, #tpu.memory_space<vmem>>, vector<16xf32>,
      tpu.vector_store %arg8[%swap3A_951, %swap3A_952], %convert_element_type3A {strides = array<i32>} : memref<2x2048xf32, #tpu.memory_space<vmem>>, vector<16xf32>,
      %convert_element_type3A_954 = arith.sitofp %select_n3A_950 : vector<16xi32> to vector<16xf32>
      %add3A_955 = arith.constant 512 : i32
      %add3A_956 = arith.addi %add3A_955, %add3A_936 : i32
      %swap3A_957 = arith.constant 1 : i32
      %swap3A_958 = arith.index_cast %swap3A_957 : i32 to index
      %swap3A_959 = arith.index_cast %add3A_956 : i32 to index
      %swap3A_960 = tpu.vector_load %arg8[%swap3A_958, %swap3A_959] {strides = array<i32>} : memref<2x2048xf32, #tpu.memory_space<vmem>>, vector<16xf32>,
      tpu.vector_store %arg8[%swap3A_958, %swap3A_959], %convert_element_type3A_954 {strides = array<i32>} : memref<2x2048xf32, #tpu.memory_space<vmem>>, vector<16xf32>,
      %mul3A_961 = arith.constant 16 : i32
      %mul3A_962 = arith.muli %add3A_932, %mul3A_961 : i32
      %get3A_963 = arith.constant 1 : i32
      %get3A_964 = arith.constant 7 : i32
      %get3A_965 = arith.index_cast %get3A_963 : i32 to index
      %get3A_966 = arith.index_cast %get3A_964 : i32 to index
      %get3A_967 = arith.index_cast %mul3A_962 : i32 to index
      %get3A_968 = tpu.vector_load %arg5[%get3A_965, %get3A_966, %get3A_967] {strides = array<i32>} : memref<2x8x128xi32, #tpu.memory_space<vmem>>, vector<16xi32>,
      %add3A_969 = arith.constant 1024 : i32
      %add3A_970 = vector.broadcast %add3A_969 : i32 to vector<16xi32>
      %add3A_971 = arith.addi %get3A_968, %add3A_970 : vector<16xi32>
      %gather3A_972 = tpu.vector_load_idx %arg7[%add3A_971] : memref<2048xi32, #tpu.memory_space<vmem>>[vector<16xi32>], vector<16xi32>,
      %gather3A_973 = tpu.vector_load_idx %arg7[%get3A_968] : memref<2048xi32, #tpu.memory_space<vmem>>[vector<16xi32>], vector<16xi32>,
      %eq3A_974 = arith.cmpi eq, %get3A_968, %gather3A_275 : vector<16xi32>
      %select_n3A_975 = arith.select %eq3A_974, %gather3A_283, %gather3A_973 : vector<16xi1>, vector<16xi32>
      %convert_element_type3A_976 = arith.sitofp %select_n3A_975 : vector<16xi32> to vector<16xf32>
      %add3A_977 = arith.constant 1024 : i32
      %add3A_978 = arith.addi %add3A_977, %add3A_936 : i32
      %swap3A_979 = arith.constant 1 : i32
      %swap3A_980 = arith.index_cast %swap3A_979 : i32 to index
      %swap3A_981 = arith.index_cast %add3A_978 : i32 to index
      %swap3A_982 = tpu.vector_load %arg8[%swap3A_980, %swap3A_981] {strides = array<i32>} : memref<2x2048xf32, #tpu.memory_space<vmem>>, vector<16xf32>,
      tpu.vector_store %arg8[%swap3A_980, %swap3A_981], %convert_element_type3A_976 {strides = array<i32>} : memref<2x2048xf32, #tpu.memory_space<vmem>>, vector<16xf32>,
      %convert_element_type3A_983 = arith.sitofp %gather3A_972 : vector<16xi32> to vector<16xf32>
      %add3A_984 = arith.constant 1536 : i32
      %add3A_985 = arith.addi %add3A_984, %add3A_936 : i32
      %swap3A_986 = arith.constant 1 : i32
      %swap3A_987 = arith.index_cast %swap3A_986 : i32 to index
      %swap3A_988 = arith.index_cast %add3A_985 : i32 to index
      %swap3A_989 = tpu.vector_load %arg8[%swap3A_987, %swap3A_988] {strides = array<i32>} : memref<2x2048xf32, #tpu.memory_space<vmem>>, vector<16xf32>,
      tpu.vector_store %arg8[%swap3A_987, %swap3A_988], %convert_element_type3A_983 {strides = array<i32>} : memref<2x2048xf32, #tpu.memory_space<vmem>>, vector<16xf32>,
    }
    %scan3A_310 = arith.constant 8 : i32
    %dma_start3A_311 = arith.constant 1 : i32
    %dma_start3A_312 = arith.constant 0 : i32
    %dma_start3A_313 = arith.constant 0 : i32
    %dma_start3A_314 = tpu.memref_slice %arg8[%dma_start3A_311, %dma_start3A_313] : memref<2x2048xf32, #tpu.memory_space<vmem>> -> memref<1x512xf32, #tpu.memory_space<vmem>>
    %dma_start3A_315 = tpu.memref_squeeze %dma_start3A_314 : memref<1x512xf32, #tpu.memory_space<vmem>> -> memref<512xf32, #tpu.memory_space<vmem>>
    %dma_start3A_316 = arith.constant 0 : i32
    %dma_start3A_317 = tpu.memref_slice %arg4[%dma_start3A_312, %add3A_192, %dma_start3A_316] : memref<4x128x512xf32, #tpu.memory_space<hbm>> -> memref<1x1x512xf32, #tpu.memory_space<hbm>>
    %dma_start3A_318 = tpu.memref_squeeze %dma_start3A_317 : memref<1x1x512xf32, #tpu.memory_space<hbm>> -> memref<512xf32, #tpu.memory_space<hbm>>
    %dma_start3A_319 = arith.constant 0 : i32
    %dma_start3A_320 = tpu.memref_slice %arg4[%dma_start3A_312, %add3A_192, %dma_start3A_319] : memref<4x128x512xf32, #tpu.memory_space<hbm>> -> memref<1x1x512xf32, #tpu.memory_space<hbm>>
    %dma_start3A_321 = tpu.memref_squeeze %dma_start3A_320 : memref<1x1x512xf32, #tpu.memory_space<hbm>> -> memref<512xf32, #tpu.memory_space<hbm>>
    %dma_start3A_322 = arith.constant 0 : i32
    %dma_start3A_323 = tpu.memref_slice %arg8[%dma_start3A_311, %dma_start3A_322] : memref<2x2048xf32, #tpu.memory_space<vmem>> -> memref<1x512xf32, #tpu.memory_space<vmem>>
    %dma_start3A_324 = tpu.memref_squeeze %dma_start3A_323 : memref<1x512xf32, #tpu.memory_space<vmem>> -> memref<512xf32, #tpu.memory_space<vmem>>
    tpu.enqueue_dma source(%dma_start3A_324 : memref<512xf32, #tpu.memory_space<vmem>>) target(%dma_start3A_321 : memref<512xf32, #tpu.memory_space<hbm>>) target_semaphore(%arg10 : memref<!tpu.dma_semaphore, #tpu.memory_space<semaphore_mem>>)
    %dma_start3A_325 = arith.constant 1 : i32
    %dma_start3A_326 = arith.constant 1 : i32
    %dma_start3A_327 = arith.constant 512 : i32
    %dma_start3A_328 = tpu.memref_slice %arg8[%dma_start3A_325, %dma_start3A_327] : memref<2x2048xf32, #tpu.memory_space<vmem>> -> memref<1x512xf32, #tpu.memory_space<vmem>>
    %dma_start3A_329 = tpu.memref_squeeze %dma_start3A_328 : memref<1x512xf32, #tpu.memory_space<vmem>> -> memref<512xf32, #tpu.memory_space<vmem>>
    %dma_start3A_330 = arith.constant 0 : i32
    %dma_start3A_331 = tpu.memref_slice %arg4[%dma_start3A_326, %add3A_192, %dma_start3A_330] : memref<4x128x512xf32, #tpu.memory_space<hbm>> -> memref<1x1x512xf32, #tpu.memory_space<hbm>>
    %dma_start3A_332 = tpu.memref_squeeze %dma_start3A_331 : memref<1x1x512xf32, #tpu.memory_space<hbm>> -> memref<512xf32, #tpu.memory_space<hbm>>
    %dma_start3A_333 = arith.constant 0 : i32
    %dma_start3A_334 = tpu.memref_slice %arg4[%dma_start3A_326, %add3A_192, %dma_start3A_333] : memref<4x128x512xf32, #tpu.memory_space<hbm>> -> memref<1x1x512xf32, #tpu.memory_space<hbm>>
    %dma_start3A_335 = tpu.memref_squeeze %dma_start3A_334 : memref<1x1x512xf32, #tpu.memory_space<hbm>> -> memref<512xf32, #tpu.memory_space<hbm>>
    %dma_start3A_336 = arith.constant 512 : i32
    %dma_start3A_337 = tpu.memref_slice %arg8[%dma_start3A_325, %dma_start3A_336] : memref<2x2048xf32, #tpu.memory_space<vmem>> -> memref<1x512xf32, #tpu.memory_space<vmem>>
    %dma_start3A_338 = tpu.memref_squeeze %dma_start3A_337 : memref<1x512xf32, #tpu.memory_space<vmem>> -> memref<512xf32, #tpu.memory_space<vmem>>
    tpu.enqueue_dma source(%dma_start3A_338 : memref<512xf32, #tpu.memory_space<vmem>>) target(%dma_start3A_335 : memref<512xf32, #tpu.memory_space<hbm>>) target_semaphore(%arg10 : memref<!tpu.dma_semaphore, #tpu.memory_space<semaphore_mem>>)
    %dma_start3A_339 = arith.constant 1 : i32
    %dma_start3A_340 = arith.constant 2 : i32
    %dma_start3A_341 = arith.constant 1024 : i32
    %dma_start3A_342 = tpu.memref_slice %arg8[%dma_start3A_339, %dma_start3A_341] : memref<2x2048xf32, #tpu.memory_space<vmem>> -> memref<1x512xf32, #tpu.memory_space<vmem>>
    %dma_start3A_343 = tpu.memref_squeeze %dma_start3A_342 : memref<1x512xf32, #tpu.memory_space<vmem>> -> memref<512xf32, #tpu.memory_space<vmem>>
    %dma_start3A_344 = arith.constant 0 : i32
    %dma_start3A_345 = tpu.memref_slice %arg4[%dma_start3A_340, %add3A_192, %dma_start3A_344] : memref<4x128x512xf32, #tpu.memory_space<hbm>> -> memref<1x1x512xf32, #tpu.memory_space<hbm>>
    %dma_start3A_346 = tpu.memref_squeeze %dma_start3A_345 : memref<1x1x512xf32, #tpu.memory_space<hbm>> -> memref<512xf32, #tpu.memory_space<hbm>>
    %dma_start3A_347 = arith.constant 0 : i32
    %dma_start3A_348 = tpu.memref_slice %arg4[%dma_start3A_340, %add3A_192, %dma_start3A_347] : memref<4x128x512xf32, #tpu.memory_space<hbm>> -> memref<1x1x512xf32, #tpu.memory_space<hbm>>
    %dma_start3A_349 = tpu.memref_squeeze %dma_start3A_348 : memref<1x1x512xf32, #tpu.memory_space<hbm>> -> memref<512xf32, #tpu.memory_space<hbm>>
    %dma_start3A_350 = arith.constant 1024 : i32
    %dma_start3A_351 = tpu.memref_slice %arg8[%dma_start3A_339, %dma_start3A_350] : memref<2x2048xf32, #tpu.memory_space<vmem>> -> memref<1x512xf32, #tpu.memory_space<vmem>>
    %dma_start3A_352 = tpu.memref_squeeze %dma_start3A_351 : memref<1x512xf32, #tpu.memory_space<vmem>> -> memref<512xf32, #tpu.memory_space<vmem>>
    tpu.enqueue_dma source(%dma_start3A_352 : memref<512xf32, #tpu.memory_space<vmem>>) target(%dma_start3A_349 : memref<512xf32, #tpu.memory_space<hbm>>) target_semaphore(%arg10 : memref<!tpu.dma_semaphore, #tpu.memory_space<semaphore_mem>>)
    %dma_start3A_353 = arith.constant 1 : i32
    %dma_start3A_354 = arith.constant 3 : i32
    %dma_start3A_355 = arith.constant 1536 : i32
    %dma_start3A_356 = tpu.memref_slice %arg8[%dma_start3A_353, %dma_start3A_355] : memref<2x2048xf32, #tpu.memory_space<vmem>> -> memref<1x512xf32, #tpu.memory_space<vmem>>
    %dma_start3A_357 = tpu.memref_squeeze %dma_start3A_356 : memref<1x512xf32, #tpu.memory_space<vmem>> -> memref<512xf32, #tpu.memory_space<vmem>>
    %dma_start3A_358 = arith.constant 0 : i32
    %dma_start3A_359 = tpu.memref_slice %arg4[%dma_start3A_354, %add3A_192, %dma_start3A_358] : memref<4x128x512xf32, #tpu.memory_space<hbm>> -> memref<1x1x512xf32, #tpu.memory_space<hbm>>
    %dma_start3A_360 = tpu.memref_squeeze %dma_start3A_359 : memref<1x1x512xf32, #tpu.memory_space<hbm>> -> memref<512xf32, #tpu.memory_space<hbm>>
    %dma_start3A_361 = arith.constant 0 : i32
    %dma_start3A_362 = tpu.memref_slice %arg4[%dma_start3A_354, %add3A_192, %dma_start3A_361] : memref<4x128x512xf32, #tpu.memory_space<hbm>> -> memref<1x1x512xf32, #tpu.memory_space<hbm>>
    %dma_start3A_363 = tpu.memref_squeeze %dma_start3A_362 : memref<1x1x512xf32, #tpu.memory_space<hbm>> -> memref<512xf32, #tpu.memory_space<hbm>>
    %dma_start3A_364 = arith.constant 1536 : i32
    %dma_start3A_365 = tpu.memref_slice %arg8[%dma_start3A_353, %dma_start3A_364] : memref<2x2048xf32, #tpu.memory_space<vmem>> -> memref<1x512xf32, #tpu.memory_space<vmem>>
    %dma_start3A_366 = tpu.memref_squeeze %dma_start3A_365 : memref<1x512xf32, #tpu.memory_space<vmem>> -> memref<512xf32, #tpu.memory_space<vmem>>
    tpu.enqueue_dma source(%dma_start3A_366 : memref<512xf32, #tpu.memory_space<vmem>>) target(%dma_start3A_363 : memref<512xf32, #tpu.memory_space<hbm>>) target_semaphore(%arg10 : memref<!tpu.dma_semaphore, #tpu.memory_space<semaphore_mem>>)
    %mul3A_367 = arith.constant 4 : i32
    %mul3A_368 = arith.muli %add3A, %mul3A_367 : i32
    %add3A_369 = arith.constant 2 : i32
    %add3A_370 = arith.addi %mul3A_368, %add3A_369 : i32
    %scan3A_371 = arith.constant 0 : i32
    %scan3A_372 = arith.constant 128 : i32
    %scan3A_373 = arith.addi %scan3A_371, %scan3A_372 : i32
    %scan3A_374 = arith.constant 1 : i32
    scf.for %scan3A_928 = %scan3A_371 to %scan3A_373 step %scan3A_374  : i32 {
      %mul3A_929 = arith.constant 1 : i32
      %mul3A_930 = arith.muli %scan3A_928, %mul3A_929 : i32
      %add3A_931 = arith.constant 0 : i32
      %add3A_932 = arith.addi %add3A_931, %mul3A_930 : i32
      %broadcast_in_dim3A_933 = arith.constant 0 : i32
      %broadcast_in_dim3A_934 = vector.broadcast %broadcast_in_dim3A_933 : i32 to vector<16xi32>
      %mul3A_935 = arith.constant 16 : i32
      %mul3A_936 = arith.muli %add3A_932, %mul3A_935 : i32
      %swap3A = arith.index_cast %mul3A_936 : i32 to index
      %swap3A_937 = tpu.vector_load %arg7[%swap3A] {strides = array<i32>} : memref<2048xi32, #tpu.memory_space<vmem>>, vector<16xi32>,
      tpu.vector_store %arg7[%swap3A], %broadcast_in_dim3A_934 {strides = array<i32>} : memref<2048xi32, #tpu.memory_space<vmem>>, vector<16xi32>,
    }
    %scan3A_375 = arith.constant 128 : i32
    %dma_wait3A_376 = arith.constant 0 : i32
    %dma_wait3A_377 = arith.constant 0 : i32
    %dma_wait3A_378 = arith.constant 0 : i32
    %dma_wait3A_379 = tpu.memref_slice %arg5[%dma_wait3A_376, %dma_wait3A_377, %dma_wait3A_378] : memref<2x8x128xi32, #tpu.memory_space<vmem>> -> memref<1x8x128xi32, #tpu.memory_space<vmem>>
    %dma_wait3A_380 = tpu.memref_squeeze %dma_wait3A_379 : memref<1x8x128xi32, #tpu.memory_space<vmem>> -> memref<8x128xi32, #tpu.memory_space<vmem>>
    %dma_wait3A_381 = arith.constant 0 : i32
    %dma_wait3A_382 = arith.constant 0 : i32
    %dma_wait3A_383 = tpu.memref_slice %arg3[%add3A_370, %dma_wait3A_381, %dma_wait3A_382] : memref<128x8x128xi32, #tpu.memory_space<hbm>> -> memref<1x8x128xi32, #tpu.memory_space<hbm>>
    %dma_wait3A_384 = tpu.memref_squeeze %dma_wait3A_383 : memref<1x8x128xi32, #tpu.memory_space<hbm>> -> memref<8x128xi32, #tpu.memory_space<hbm>>
    %dma_wait3A_385 = arith.constant 0 : i32
    %dma_wait3A_386 = arith.constant 0 : i32
    %dma_wait3A_387 = tpu.memref_slice %arg5[%dma_wait3A_376, %dma_wait3A_385, %dma_wait3A_386] : memref<2x8x128xi32, #tpu.memory_space<vmem>> -> memref<1x8x128xi32, #tpu.memory_space<vmem>>
    %dma_wait3A_388 = tpu.memref_squeeze %dma_wait3A_387 : memref<1x8x128xi32, #tpu.memory_space<vmem>> -> memref<8x128xi32, #tpu.memory_space<vmem>>
    %dma_wait3A_389 = arith.constant 0 : i32
    %dma_wait3A_390 = arith.constant 0 : i32
    %dma_wait3A_391 = tpu.memref_slice %arg3[%add3A_370, %dma_wait3A_389, %dma_wait3A_390] : memref<128x8x128xi32, #tpu.memory_space<hbm>> -> memref<1x8x128xi32, #tpu.memory_space<hbm>>
    %dma_wait3A_392 = tpu.memref_squeeze %dma_wait3A_391 : memref<1x8x128xi32, #tpu.memory_space<hbm>> -> memref<8x128xi32, #tpu.memory_space<hbm>>
    tpu.wait_dma2 semaphore(%arg9 : memref<!tpu.dma_semaphore, #tpu.memory_space<semaphore_mem>>) src(%dma_wait3A_392 : memref<8x128xi32, #tpu.memory_space<hbm>>) dst(%dma_wait3A_388 : memref<8x128xi32, #tpu.memory_space<vmem>>)
    %add3A_393 = arith.constant 1 : i32
    %add3A_394 = arith.addi %add3A_370, %add3A_393 : i32
    %dma_start3A_395 = arith.constant 1 : i32
    %dma_start3A_396 = arith.constant 0 : i32
    %dma_start3A_397 = arith.constant 0 : i32
    %dma_start3A_398 = tpu.memref_slice %arg5[%dma_start3A_395, %dma_start3A_396, %dma_start3A_397] : memref<2x8x128xi32, #tpu.memory_space<vmem>> -> memref<1x8x128xi32, #tpu.memory_space<vmem>>
    %dma_start3A_399 = tpu.memref_squeeze %dma_start3A_398 : memref<1x8x128xi32, #tpu.memory_space<vmem>> -> memref<8x128xi32, #tpu.memory_space<vmem>>
    %dma_start3A_400 = arith.constant 0 : i32
    %dma_start3A_401 = arith.constant 0 : i32
    %dma_start3A_402 = tpu.memref_slice %arg3[%add3A_394, %dma_start3A_400, %dma_start3A_401] : memref<128x8x128xi32, #tpu.memory_space<hbm>> -> memref<1x8x128xi32, #tpu.memory_space<hbm>>
    %dma_start3A_403 = tpu.memref_squeeze %dma_start3A_402 : memref<1x8x128xi32, #tpu.memory_space<hbm>> -> memref<8x128xi32, #tpu.memory_space<hbm>>
    %dma_start3A_404 = arith.constant 0 : i32
    %dma_start3A_405 = arith.constant 0 : i32
    %dma_start3A_406 = tpu.memref_slice %arg5[%dma_start3A_395, %dma_start3A_404, %dma_start3A_405] : memref<2x8x128xi32, #tpu.memory_space<vmem>> -> memref<1x8x128xi32, #tpu.memory_space<vmem>>
    %dma_start3A_407 = tpu.memref_squeeze %dma_start3A_406 : memref<1x8x128xi32, #tpu.memory_space<vmem>> -> memref<8x128xi32, #tpu.memory_space<vmem>>
    %dma_start3A_408 = arith.constant 0 : i32
    %dma_start3A_409 = arith.constant 0 : i32
    %dma_start3A_410 = tpu.memref_slice %arg3[%add3A_394, %dma_start3A_408, %dma_start3A_409] : memref<128x8x128xi32, #tpu.memory_space<hbm>> -> memref<1x8x128xi32, #tpu.memory_space<hbm>>
    %dma_start3A_411 = tpu.memref_squeeze %dma_start3A_410 : memref<1x8x128xi32, #tpu.memory_space<hbm>> -> memref<8x128xi32, #tpu.memory_space<hbm>>
    tpu.enqueue_dma source(%dma_start3A_411 : memref<8x128xi32, #tpu.memory_space<hbm>>) target(%dma_start3A_407 : memref<8x128xi32, #tpu.memory_space<vmem>>) target_semaphore(%arg9 : memref<!tpu.dma_semaphore, #tpu.memory_space<semaphore_mem>>)
    %scan3A_412 = arith.constant 0 : i32
    %scan3A_413 = arith.constant 8 : i32
    %scan3A_414 = arith.addi %scan3A_412, %scan3A_413 : i32
    %scan3A_415 = arith.constant 1 : i32
    scf.for %scan3A_928 = %scan3A_412 to %scan3A_414 step %scan3A_415  : i32 {
      %mul3A_929 = arith.constant 1 : i32
      %mul3A_930 = arith.muli %scan3A_928, %mul3A_929 : i32
      %add3A_931 = arith.constant 0 : i32
      %add3A_932 = arith.addi %add3A_931, %mul3A_930 : i32
      %mul3A_933 = arith.constant 16 : i32
      %mul3A_934 = arith.muli %add3A_932, %mul3A_933 : i32
      %get3A = arith.constant 0 : i32
      %get3A_935 = arith.constant 0 : i32
      %get3A_936 = arith.index_cast %get3A : i32 to index
      %get3A_937 = arith.index_cast %get3A_935 : i32 to index
      %get3A_938 = arith.index_cast %mul3A_934 : i32 to index
      %get3A_939 = tpu.vector_load %arg5[%get3A_936, %get3A_937, %get3A_938] {strides = array<i32>} : memref<2x8x128xi32, #tpu.memory_space<vmem>>, vector<16xi32>,
      %add3A_940 = arith.constant 0 : i32
      %add3A_941 = vector.broadcast %add3A_940 : i32 to vector<16xi32>
      %add3A_942 = arith.addi %get3A_939, %add3A_941 : vector<16xi32>
      %broadcast_in_dim3A_943 = arith.constant true
      %broadcast_in_dim3A_944 = vector.broadcast %broadcast_in_dim3A_943 : i1 to vector<16xi1>
      %unique3A, %unique3A_945 = tpu.scan_count mask(%broadcast_in_dim3A_944 : vector<16xi1>) value(%add3A_942 : vector<16xi32>) : vector<16xi1>, vector<16xi32>
      tpu.vector_store_idx %arg7[%add3A_942], %unique3A_945 masked %unique3A {add = true} : memref<2048xi32, #tpu.memory_space<vmem>>[vector<16xi32>], vector<16xi32>, vector<16xi1>
    }
    %scan3A_416 = arith.constant 8 : i32
    %scan3A_417 = arith.constant 0 : i32
    %scan3A_418 = arith.constant 8 : i32
    %scan3A_419 = arith.addi %scan3A_417, %scan3A_418 : i32
    %scan3A_420 = arith.constant 1 : i32
    scf.for %scan3A_928 = %scan3A_417 to %scan3A_419 step %scan3A_420  : i32 {
      %mul3A_929 = arith.constant 1 : i32
      %mul3A_930 = arith.muli %scan3A_928, %mul3A_929 : i32
      %add3A_931 = arith.constant 0 : i32
      %add3A_932 = arith.addi %add3A_931, %mul3A_930 : i32
      %mul3A_933 = arith.constant 16 : i32
      %mul3A_934 = arith.muli %add3A_932, %mul3A_933 : i32
      %get3A = arith.constant 0 : i32
      %get3A_935 = arith.constant 1 : i32
      %get3A_936 = arith.index_cast %get3A : i32 to index
      %get3A_937 = arith.index_cast %get3A_935 : i32 to index
      %get3A_938 = arith.index_cast %mul3A_934 : i32 to index
      %get3A_939 = tpu.vector_load %arg5[%get3A_936, %get3A_937, %get3A_938] {strides = array<i32>} : memref<2x8x128xi32, #tpu.memory_space<vmem>>, vector<16xi32>,
      %add3A_940 = arith.constant 0 : i32
      %add3A_941 = vector.broadcast %add3A_940 : i32 to vector<16xi32>
      %add3A_942 = arith.addi %get3A_939, %add3A_941 : vector<16xi32>
      %broadcast_in_dim3A_943 = arith.constant true
      %broadcast_in_dim3A_944 = vector.broadcast %broadcast_in_dim3A_943 : i1 to vector<16xi1>
      %unique3A, %unique3A_945 = tpu.scan_count mask(%broadcast_in_dim3A_944 : vector<16xi1>) value(%add3A_942 : vector<16xi32>) : vector<16xi1>, vector<16xi32>
      tpu.vector_store_idx %arg7[%add3A_942], %unique3A_945 masked %unique3A {add = true} : memref<2048xi32, #tpu.memory_space<vmem>>[vector<16xi32>], vector<16xi32>, vector<16xi1>
    }
    %scan3A_421 = arith.constant 8 : i32
    %scan3A_422 = arith.constant 0 : i32
    %scan3A_423 = arith.constant 8 : i32
    %scan3A_424 = arith.addi %scan3A_422, %scan3A_423 : i32
    %scan3A_425 = arith.constant 1 : i32
    scf.for %scan3A_928 = %scan3A_422 to %scan3A_424 step %scan3A_425  : i32 {
      %mul3A_929 = arith.constant 1 : i32
      %mul3A_930 = arith.muli %scan3A_928, %mul3A_929 : i32
      %add3A_931 = arith.constant 0 : i32
      %add3A_932 = arith.addi %add3A_931, %mul3A_930 : i32
      %mul3A_933 = arith.constant 16 : i32
      %mul3A_934 = arith.muli %add3A_932, %mul3A_933 : i32
      %get3A = arith.constant 0 : i32
      %get3A_935 = arith.constant 2 : i32
      %get3A_936 = arith.index_cast %get3A : i32 to index
      %get3A_937 = arith.index_cast %get3A_935 : i32 to index
      %get3A_938 = arith.index_cast %mul3A_934 : i32 to index
      %get3A_939 = tpu.vector_load %arg5[%get3A_936, %get3A_937, %get3A_938] {strides = array<i32>} : memref<2x8x128xi32, #tpu.memory_space<vmem>>, vector<16xi32>,
      %add3A_940 = arith.constant 0 : i32
      %add3A_941 = vector.broadcast %add3A_940 : i32 to vector<16xi32>
      %add3A_942 = arith.addi %get3A_939, %add3A_941 : vector<16xi32>
      %broadcast_in_dim3A_943 = arith.constant true
      %broadcast_in_dim3A_944 = vector.broadcast %broadcast_in_dim3A_943 : i1 to vector<16xi1>
      %unique3A, %unique3A_945 = tpu.scan_count mask(%broadcast_in_dim3A_944 : vector<16xi1>) value(%add3A_942 : vector<16xi32>) : vector<16xi1>, vector<16xi32>
      tpu.vector_store_idx %arg7[%add3A_942], %unique3A_945 masked %unique3A {add = true} : memref<2048xi32, #tpu.memory_space<vmem>>[vector<16xi32>], vector<16xi32>, vector<16xi1>
    }
    %scan3A_426 = arith.constant 8 : i32
    %scan3A_427 = arith.constant 0 : i32
    %scan3A_428 = arith.constant 8 : i32
    %scan3A_429 = arith.addi %scan3A_427, %scan3A_428 : i32
    %scan3A_430 = arith.constant 1 : i32
    scf.for %scan3A_928 = %scan3A_427 to %scan3A_429 step %scan3A_430  : i32 {
      %mul3A_929 = arith.constant 1 : i32
      %mul3A_930 = arith.muli %scan3A_928, %mul3A_929 : i32
      %add3A_931 = arith.constant 0 : i32
      %add3A_932 = arith.addi %add3A_931, %mul3A_930 : i32
      %mul3A_933 = arith.constant 16 : i32
      %mul3A_934 = arith.muli %add3A_932, %mul3A_933 : i32
      %get3A = arith.constant 0 : i32
      %get3A_935 = arith.constant 3 : i32
      %get3A_936 = arith.index_cast %get3A : i32 to index
      %get3A_937 = arith.index_cast %get3A_935 : i32 to index
      %get3A_938 = arith.index_cast %mul3A_934 : i32 to index
      %get3A_939 = tpu.vector_load %arg5[%get3A_936, %get3A_937, %get3A_938] {strides = array<i32>} : memref<2x8x128xi32, #tpu.memory_space<vmem>>, vector<16xi32>,
      %add3A_940 = arith.constant 0 : i32
      %add3A_941 = vector.broadcast %add3A_940 : i32 to vector<16xi32>
      %add3A_942 = arith.addi %get3A_939, %add3A_941 : vector<16xi32>
      %broadcast_in_dim3A_943 = arith.constant true
      %broadcast_in_dim3A_944 = vector.broadcast %broadcast_in_dim3A_943 : i1 to vector<16xi1>
      %unique3A, %unique3A_945 = tpu.scan_count mask(%broadcast_in_dim3A_944 : vector<16xi1>) value(%add3A_942 : vector<16xi32>) : vector<16xi1>, vector<16xi32>
      tpu.vector_store_idx %arg7[%add3A_942], %unique3A_945 masked %unique3A {add = true} : memref<2048xi32, #tpu.memory_space<vmem>>[vector<16xi32>], vector<16xi32>, vector<16xi1>
    }
    %scan3A_431 = arith.constant 8 : i32
    %scan3A_432 = arith.constant 0 : i32
    %scan3A_433 = arith.constant 8 : i32
    %scan3A_434 = arith.addi %scan3A_432, %scan3A_433 : i32
    %scan3A_435 = arith.constant 1 : i32
    scf.for %scan3A_928 = %scan3A_432 to %scan3A_434 step %scan3A_435  : i32 {
      %mul3A_929 = arith.constant 1 : i32
      %mul3A_930 = arith.muli %scan3A_928, %mul3A_929 : i32
      %add3A_931 = arith.constant 0 : i32
      %add3A_932 = arith.addi %add3A_931, %mul3A_930 : i32
      %mul3A_933 = arith.constant 16 : i32
      %mul3A_934 = arith.muli %add3A_932, %mul3A_933 : i32
      %get3A = arith.constant 0 : i32
      %get3A_935 = arith.constant 4 : i32
      %get3A_936 = arith.index_cast %get3A : i32 to index
      %get3A_937 = arith.index_cast %get3A_935 : i32 to index
      %get3A_938 = arith.index_cast %mul3A_934 : i32 to index
      %get3A_939 = tpu.vector_load %arg5[%get3A_936, %get3A_937, %get3A_938] {strides = array<i32>} : memref<2x8x128xi32, #tpu.memory_space<vmem>>, vector<16xi32>,
      %add3A_940 = arith.constant 1024 : i32
      %add3A_941 = vector.broadcast %add3A_940 : i32 to vector<16xi32>
      %add3A_942 = arith.addi %get3A_939, %add3A_941 : vector<16xi32>
      %broadcast_in_dim3A_943 = arith.constant true
      %broadcast_in_dim3A_944 = vector.broadcast %broadcast_in_dim3A_943 : i1 to vector<16xi1>
      %unique3A, %unique3A_945 = tpu.scan_count mask(%broadcast_in_dim3A_944 : vector<16xi1>) value(%add3A_942 : vector<16xi32>) : vector<16xi1>, vector<16xi32>
      tpu.vector_store_idx %arg7[%add3A_942], %unique3A_945 masked %unique3A {add = true} : memref<2048xi32, #tpu.memory_space<vmem>>[vector<16xi32>], vector<16xi32>, vector<16xi1>
    }
    %scan3A_436 = arith.constant 8 : i32
    %scan3A_437 = arith.constant 0 : i32
    %scan3A_438 = arith.constant 8 : i32
    %scan3A_439 = arith.addi %scan3A_437, %scan3A_438 : i32
    %scan3A_440 = arith.constant 1 : i32
    scf.for %scan3A_928 = %scan3A_437 to %scan3A_439 step %scan3A_440  : i32 {
      %mul3A_929 = arith.constant 1 : i32
      %mul3A_930 = arith.muli %scan3A_928, %mul3A_929 : i32
      %add3A_931 = arith.constant 0 : i32
      %add3A_932 = arith.addi %add3A_931, %mul3A_930 : i32
      %mul3A_933 = arith.constant 16 : i32
      %mul3A_934 = arith.muli %add3A_932, %mul3A_933 : i32
      %get3A = arith.constant 0 : i32
      %get3A_935 = arith.constant 5 : i32
      %get3A_936 = arith.index_cast %get3A : i32 to index
      %get3A_937 = arith.index_cast %get3A_935 : i32 to index
      %get3A_938 = arith.index_cast %mul3A_934 : i32 to index
      %get3A_939 = tpu.vector_load %arg5[%get3A_936, %get3A_937, %get3A_938] {strides = array<i32>} : memref<2x8x128xi32, #tpu.memory_space<vmem>>, vector<16xi32>,
      %add3A_940 = arith.constant 1024 : i32
      %add3A_941 = vector.broadcast %add3A_940 : i32 to vector<16xi32>
      %add3A_942 = arith.addi %get3A_939, %add3A_941 : vector<16xi32>
      %broadcast_in_dim3A_943 = arith.constant true
      %broadcast_in_dim3A_944 = vector.broadcast %broadcast_in_dim3A_943 : i1 to vector<16xi1>
      %unique3A, %unique3A_945 = tpu.scan_count mask(%broadcast_in_dim3A_944 : vector<16xi1>) value(%add3A_942 : vector<16xi32>) : vector<16xi1>, vector<16xi32>
      tpu.vector_store_idx %arg7[%add3A_942], %unique3A_945 masked %unique3A {add = true} : memref<2048xi32, #tpu.memory_space<vmem>>[vector<16xi32>], vector<16xi32>, vector<16xi1>
    }
    %scan3A_441 = arith.constant 8 : i32
    %scan3A_442 = arith.constant 0 : i32
    %scan3A_443 = arith.constant 8 : i32
    %scan3A_444 = arith.addi %scan3A_442, %scan3A_443 : i32
    %scan3A_445 = arith.constant 1 : i32
    scf.for %scan3A_928 = %scan3A_442 to %scan3A_444 step %scan3A_445  : i32 {
      %mul3A_929 = arith.constant 1 : i32
      %mul3A_930 = arith.muli %scan3A_928, %mul3A_929 : i32
      %add3A_931 = arith.constant 0 : i32
      %add3A_932 = arith.addi %add3A_931, %mul3A_930 : i32
      %mul3A_933 = arith.constant 16 : i32
      %mul3A_934 = arith.muli %add3A_932, %mul3A_933 : i32
      %get3A = arith.constant 0 : i32
      %get3A_935 = arith.constant 6 : i32
      %get3A_936 = arith.index_cast %get3A : i32 to index
      %get3A_937 = arith.index_cast %get3A_935 : i32 to index
      %get3A_938 = arith.index_cast %mul3A_934 : i32 to index
      %get3A_939 = tpu.vector_load %arg5[%get3A_936, %get3A_937, %get3A_938] {strides = array<i32>} : memref<2x8x128xi32, #tpu.memory_space<vmem>>, vector<16xi32>,
      %add3A_940 = arith.constant 1024 : i32
      %add3A_941 = vector.broadcast %add3A_940 : i32 to vector<16xi32>
      %add3A_942 = arith.addi %get3A_939, %add3A_941 : vector<16xi32>
      %broadcast_in_dim3A_943 = arith.constant true
      %broadcast_in_dim3A_944 = vector.broadcast %broadcast_in_dim3A_943 : i1 to vector<16xi1>
      %unique3A, %unique3A_945 = tpu.scan_count mask(%broadcast_in_dim3A_944 : vector<16xi1>) value(%add3A_942 : vector<16xi32>) : vector<16xi1>, vector<16xi32>
      tpu.vector_store_idx %arg7[%add3A_942], %unique3A_945 masked %unique3A {add = true} : memref<2048xi32, #tpu.memory_space<vmem>>[vector<16xi32>], vector<16xi32>, vector<16xi1>
    }
    %scan3A_446 = arith.constant 8 : i32
    %scan3A_447 = arith.constant 0 : i32
    %scan3A_448 = arith.constant 8 : i32
    %scan3A_449 = arith.addi %scan3A_447, %scan3A_448 : i32
    %scan3A_450 = arith.constant 1 : i32
    scf.for %scan3A_928 = %scan3A_447 to %scan3A_449 step %scan3A_450  : i32 {
      %mul3A_929 = arith.constant 1 : i32
      %mul3A_930 = arith.muli %scan3A_928, %mul3A_929 : i32
      %add3A_931 = arith.constant 0 : i32
      %add3A_932 = arith.addi %add3A_931, %mul3A_930 : i32
      %mul3A_933 = arith.constant 16 : i32
      %mul3A_934 = arith.muli %add3A_932, %mul3A_933 : i32
      %get3A = arith.constant 0 : i32
      %get3A_935 = arith.constant 7 : i32
      %get3A_936 = arith.index_cast %get3A : i32 to index
      %get3A_937 = arith.index_cast %get3A_935 : i32 to index
      %get3A_938 = arith.index_cast %mul3A_934 : i32 to index
      %get3A_939 = tpu.vector_load %arg5[%get3A_936, %get3A_937, %get3A_938] {strides = array<i32>} : memref<2x8x128xi32, #tpu.memory_space<vmem>>, vector<16xi32>,
      %add3A_940 = arith.constant 1024 : i32
      %add3A_941 = vector.broadcast %add3A_940 : i32 to vector<16xi32>
      %add3A_942 = arith.addi %get3A_939, %add3A_941 : vector<16xi32>
      %broadcast_in_dim3A_943 = arith.constant true
      %broadcast_in_dim3A_944 = vector.broadcast %broadcast_in_dim3A_943 : i1 to vector<16xi1>
      %unique3A, %unique3A_945 = tpu.scan_count mask(%broadcast_in_dim3A_944 : vector<16xi1>) value(%add3A_942 : vector<16xi32>) : vector<16xi1>, vector<16xi32>
      tpu.vector_store_idx %arg7[%add3A_942], %unique3A_945 masked %unique3A {add = true} : memref<2048xi32, #tpu.memory_space<vmem>>[vector<16xi32>], vector<16xi32>, vector<16xi1>
    }
    %scan3A_451 = arith.constant 8 : i32
    %broadcast_in_dim3A_452 = vector.broadcast %add3A_370 : i32 to vector<16xi32>
    %gather3A_453 = tpu.vector_load_idx %arg6[%broadcast_in_dim3A_452] : memref<256xi32, #tpu.memory_space<vmem>>[vector<16xi32>], vector<16xi32>,
    %add3A_454 = arith.constant 128 : i32
    %add3A_455 = vector.broadcast %add3A_454 : i32 to vector<16xi32>
    %add3A_456 = arith.addi %broadcast_in_dim3A_452, %add3A_455 : vector<16xi32>
    %gather3A_457 = tpu.vector_load_idx %arg6[%add3A_456] : memref<256xi32, #tpu.memory_space<vmem>>[vector<16xi32>], vector<16xi32>,
    %add3A_458 = arith.constant 1024 : i32
    %add3A_459 = vector.broadcast %add3A_458 : i32 to vector<16xi32>
    %add3A_460 = arith.addi %gather3A_453, %add3A_459 : vector<16xi32>
    %gather3A_461 = tpu.vector_load_idx %arg7[%add3A_460] : memref<2048xi32, #tpu.memory_space<vmem>>[vector<16xi32>], vector<16xi32>,
    %gather3A_462 = tpu.vector_load_idx %arg7[%gather3A_457] : memref<2048xi32, #tpu.memory_space<vmem>>[vector<16xi32>], vector<16xi32>,
    %eq3A_463 = arith.cmpi eq, %gather3A_453, %gather3A_457 : vector<16xi32>
    %gt3A_464 = arith.constant 0 : i32
    %gt3A_465 = vector.broadcast %gt3A_464 : i32 to vector<16xi32>
    %gt3A_466 = arith.cmpi sgt, %gather3A_461, %gt3A_465 : vector<16xi32>
    %and3A_467 = arith.andi %eq3A_463, %gt3A_466 : vector<16xi1>
    %select_n3A_468 = arith.select %and3A_467, %gather3A_461, %gather3A_462 : vector<16xi1>, vector<16xi32>
    %dma_wait3A_469 = arith.constant 0 : i32
    %dma_wait3A_470 = arith.constant 0 : i32
    %dma_wait3A_471 = arith.constant 0 : i32
    %dma_wait3A_472 = tpu.memref_slice %arg8[%dma_wait3A_469, %dma_wait3A_471] : memref<2x2048xf32, #tpu.memory_space<vmem>> -> memref<1x512xf32, #tpu.memory_space<vmem>>
    %dma_wait3A_473 = tpu.memref_squeeze %dma_wait3A_472 : memref<1x512xf32, #tpu.memory_space<vmem>> -> memref<512xf32, #tpu.memory_space<vmem>>
    %dma_wait3A_474 = arith.constant 0 : i32
    %dma_wait3A_475 = tpu.memref_slice %arg4[%dma_wait3A_470, %add3A_22, %dma_wait3A_474] : memref<4x128x512xf32, #tpu.memory_space<hbm>> -> memref<1x1x512xf32, #tpu.memory_space<hbm>>
    %dma_wait3A_476 = tpu.memref_squeeze %dma_wait3A_475 : memref<1x1x512xf32, #tpu.memory_space<hbm>> -> memref<512xf32, #tpu.memory_space<hbm>>
    %dma_wait3A_477 = arith.constant 0 : i32
    %dma_wait3A_478 = tpu.memref_slice %arg4[%dma_wait3A_470, %add3A_22, %dma_wait3A_477] : memref<4x128x512xf32, #tpu.memory_space<hbm>> -> memref<1x1x512xf32, #tpu.memory_space<hbm>>
    %dma_wait3A_479 = tpu.memref_squeeze %dma_wait3A_478 : memref<1x1x512xf32, #tpu.memory_space<hbm>> -> memref<512xf32, #tpu.memory_space<hbm>>
    %dma_wait3A_480 = arith.constant 0 : i32
    %dma_wait3A_481 = tpu.memref_slice %arg8[%dma_wait3A_469, %dma_wait3A_480] : memref<2x2048xf32, #tpu.memory_space<vmem>> -> memref<1x512xf32, #tpu.memory_space<vmem>>
    %dma_wait3A_482 = tpu.memref_squeeze %dma_wait3A_481 : memref<1x512xf32, #tpu.memory_space<vmem>> -> memref<512xf32, #tpu.memory_space<vmem>>
    tpu.wait_dma2 semaphore(%arg10 : memref<!tpu.dma_semaphore, #tpu.memory_space<semaphore_mem>>) src(%dma_wait3A_482 : memref<512xf32, #tpu.memory_space<vmem>>) dst(%dma_wait3A_479 : memref<512xf32, #tpu.memory_space<hbm>>)
    %dma_wait3A_483 = arith.constant 0 : i32
    %dma_wait3A_484 = arith.constant 1 : i32
    %dma_wait3A_485 = arith.constant 512 : i32
    %dma_wait3A_486 = tpu.memref_slice %arg8[%dma_wait3A_483, %dma_wait3A_485] : memref<2x2048xf32, #tpu.memory_space<vmem>> -> memref<1x512xf32, #tpu.memory_space<vmem>>
    %dma_wait3A_487 = tpu.memref_squeeze %dma_wait3A_486 : memref<1x512xf32, #tpu.memory_space<vmem>> -> memref<512xf32, #tpu.memory_space<vmem>>
    %dma_wait3A_488 = arith.constant 0 : i32
    %dma_wait3A_489 = tpu.memref_slice %arg4[%dma_wait3A_484, %add3A_22, %dma_wait3A_488] : memref<4x128x512xf32, #tpu.memory_space<hbm>> -> memref<1x1x512xf32, #tpu.memory_space<hbm>>
    %dma_wait3A_490 = tpu.memref_squeeze %dma_wait3A_489 : memref<1x1x512xf32, #tpu.memory_space<hbm>> -> memref<512xf32, #tpu.memory_space<hbm>>
    %dma_wait3A_491 = arith.constant 0 : i32
    %dma_wait3A_492 = tpu.memref_slice %arg4[%dma_wait3A_484, %add3A_22, %dma_wait3A_491] : memref<4x128x512xf32, #tpu.memory_space<hbm>> -> memref<1x1x512xf32, #tpu.memory_space<hbm>>
    %dma_wait3A_493 = tpu.memref_squeeze %dma_wait3A_492 : memref<1x1x512xf32, #tpu.memory_space<hbm>> -> memref<512xf32, #tpu.memory_space<hbm>>
    %dma_wait3A_494 = arith.constant 512 : i32
    %dma_wait3A_495 = tpu.memref_slice %arg8[%dma_wait3A_483, %dma_wait3A_494] : memref<2x2048xf32, #tpu.memory_space<vmem>> -> memref<1x512xf32, #tpu.memory_space<vmem>>
    %dma_wait3A_496 = tpu.memref_squeeze %dma_wait3A_495 : memref<1x512xf32, #tpu.memory_space<vmem>> -> memref<512xf32, #tpu.memory_space<vmem>>
    tpu.wait_dma2 semaphore(%arg10 : memref<!tpu.dma_semaphore, #tpu.memory_space<semaphore_mem>>) src(%dma_wait3A_496 : memref<512xf32, #tpu.memory_space<vmem>>) dst(%dma_wait3A_493 : memref<512xf32, #tpu.memory_space<hbm>>)
    %dma_wait3A_497 = arith.constant 0 : i32
    %dma_wait3A_498 = arith.constant 2 : i32
    %dma_wait3A_499 = arith.constant 1024 : i32
    %dma_wait3A_500 = tpu.memref_slice %arg8[%dma_wait3A_497, %dma_wait3A_499] : memref<2x2048xf32, #tpu.memory_space<vmem>> -> memref<1x512xf32, #tpu.memory_space<vmem>>
    %dma_wait3A_501 = tpu.memref_squeeze %dma_wait3A_500 : memref<1x512xf32, #tpu.memory_space<vmem>> -> memref<512xf32, #tpu.memory_space<vmem>>
    %dma_wait3A_502 = arith.constant 0 : i32
    %dma_wait3A_503 = tpu.memref_slice %arg4[%dma_wait3A_498, %add3A_22, %dma_wait3A_502] : memref<4x128x512xf32, #tpu.memory_space<hbm>> -> memref<1x1x512xf32, #tpu.memory_space<hbm>>
    %dma_wait3A_504 = tpu.memref_squeeze %dma_wait3A_503 : memref<1x1x512xf32, #tpu.memory_space<hbm>> -> memref<512xf32, #tpu.memory_space<hbm>>
    %dma_wait3A_505 = arith.constant 0 : i32
    %dma_wait3A_506 = tpu.memref_slice %arg4[%dma_wait3A_498, %add3A_22, %dma_wait3A_505] : memref<4x128x512xf32, #tpu.memory_space<hbm>> -> memref<1x1x512xf32, #tpu.memory_space<hbm>>
    %dma_wait3A_507 = tpu.memref_squeeze %dma_wait3A_506 : memref<1x1x512xf32, #tpu.memory_space<hbm>> -> memref<512xf32, #tpu.memory_space<hbm>>
    %dma_wait3A_508 = arith.constant 1024 : i32
    %dma_wait3A_509 = tpu.memref_slice %arg8[%dma_wait3A_497, %dma_wait3A_508] : memref<2x2048xf32, #tpu.memory_space<vmem>> -> memref<1x512xf32, #tpu.memory_space<vmem>>
    %dma_wait3A_510 = tpu.memref_squeeze %dma_wait3A_509 : memref<1x512xf32, #tpu.memory_space<vmem>> -> memref<512xf32, #tpu.memory_space<vmem>>
    tpu.wait_dma2 semaphore(%arg10 : memref<!tpu.dma_semaphore, #tpu.memory_space<semaphore_mem>>) src(%dma_wait3A_510 : memref<512xf32, #tpu.memory_space<vmem>>) dst(%dma_wait3A_507 : memref<512xf32, #tpu.memory_space<hbm>>)
    %dma_wait3A_511 = arith.constant 0 : i32
    %dma_wait3A_512 = arith.constant 3 : i32
    %dma_wait3A_513 = arith.constant 1536 : i32
    %dma_wait3A_514 = tpu.memref_slice %arg8[%dma_wait3A_511, %dma_wait3A_513] : memref<2x2048xf32, #tpu.memory_space<vmem>> -> memref<1x512xf32, #tpu.memory_space<vmem>>
    %dma_wait3A_515 = tpu.memref_squeeze %dma_wait3A_514 : memref<1x512xf32, #tpu.memory_space<vmem>> -> memref<512xf32, #tpu.memory_space<vmem>>
    %dma_wait3A_516 = arith.constant 0 : i32
    %dma_wait3A_517 = tpu.memref_slice %arg4[%dma_wait3A_512, %add3A_22, %dma_wait3A_516] : memref<4x128x512xf32, #tpu.memory_space<hbm>> -> memref<1x1x512xf32, #tpu.memory_space<hbm>>
    %dma_wait3A_518 = tpu.memref_squeeze %dma_wait3A_517 : memref<1x1x512xf32, #tpu.memory_space<hbm>> -> memref<512xf32, #tpu.memory_space<hbm>>
    %dma_wait3A_519 = arith.constant 0 : i32
    %dma_wait3A_520 = tpu.memref_slice %arg4[%dma_wait3A_512, %add3A_22, %dma_wait3A_519] : memref<4x128x512xf32, #tpu.memory_space<hbm>> -> memref<1x1x512xf32, #tpu.memory_space<hbm>>
    %dma_wait3A_521 = tpu.memref_squeeze %dma_wait3A_520 : memref<1x1x512xf32, #tpu.memory_space<hbm>> -> memref<512xf32, #tpu.memory_space<hbm>>
    %dma_wait3A_522 = arith.constant 1536 : i32
    %dma_wait3A_523 = tpu.memref_slice %arg8[%dma_wait3A_511, %dma_wait3A_522] : memref<2x2048xf32, #tpu.memory_space<vmem>> -> memref<1x512xf32, #tpu.memory_space<vmem>>
    %dma_wait3A_524 = tpu.memref_squeeze %dma_wait3A_523 : memref<1x512xf32, #tpu.memory_space<vmem>> -> memref<512xf32, #tpu.memory_space<vmem>>
    tpu.wait_dma2 semaphore(%arg10 : memref<!tpu.dma_semaphore, #tpu.memory_space<semaphore_mem>>) src(%dma_wait3A_524 : memref<512xf32, #tpu.memory_space<vmem>>) dst(%dma_wait3A_521 : memref<512xf32, #tpu.memory_space<hbm>>)
    %scan3A_525 = arith.constant 0 : i32
    %scan3A_526 = arith.constant 8 : i32
    %scan3A_527 = arith.addi %scan3A_525, %scan3A_526 : i32
    %scan3A_528 = arith.constant 1 : i32
    scf.for %scan3A_928 = %scan3A_525 to %scan3A_527 step %scan3A_528  : i32 {
      %mul3A_929 = arith.constant 1 : i32
      %mul3A_930 = arith.muli %scan3A_928, %mul3A_929 : i32
      %add3A_931 = arith.constant 0 : i32
      %add3A_932 = arith.addi %add3A_931, %mul3A_930 : i32
      %mul3A_933 = arith.constant 16 : i32
      %mul3A_934 = arith.muli %add3A_932, %mul3A_933 : i32
      %add3A_935 = arith.constant 0 : i32
      %add3A_936 = arith.addi %add3A_935, %mul3A_934 : i32
      %mul3A_937 = arith.constant 16 : i32
      %mul3A_938 = arith.muli %add3A_932, %mul3A_937 : i32
      %get3A = arith.constant 0 : i32
      %get3A_939 = arith.constant 0 : i32
      %get3A_940 = arith.index_cast %get3A : i32 to index
      %get3A_941 = arith.index_cast %get3A_939 : i32 to index
      %get3A_942 = arith.index_cast %mul3A_938 : i32 to index
      %get3A_943 = tpu.vector_load %arg5[%get3A_940, %get3A_941, %get3A_942] {strides = array<i32>} : memref<2x8x128xi32, #tpu.memory_space<vmem>>, vector<16xi32>,
      %gather3A_944 = tpu.vector_load_idx %arg7[%get3A_943] : memref<2048xi32, #tpu.memory_space<vmem>>[vector<16xi32>], vector<16xi32>,
      %add3A_945 = arith.constant 1024 : i32
      %add3A_946 = vector.broadcast %add3A_945 : i32 to vector<16xi32>
      %add3A_947 = arith.addi %get3A_943, %add3A_946 : vector<16xi32>
      %gather3A_948 = tpu.vector_load_idx %arg7[%add3A_947] : memref<2048xi32, #tpu.memory_space<vmem>>[vector<16xi32>], vector<16xi32>,
      %eq3A_949 = arith.cmpi eq, %get3A_943, %gather3A_457 : vector<16xi32>
      %select_n3A_950 = arith.select %eq3A_949, %select_n3A_468, %gather3A_948 : vector<16xi1>, vector<16xi32>
      %convert_element_type3A = arith.sitofp %gather3A_944 : vector<16xi32> to vector<16xf32>
      %swap3A = arith.constant 0 : i32
      %swap3A_951 = arith.index_cast %swap3A : i32 to index
      %swap3A_952 = arith.index_cast %add3A_936 : i32 to index
      %swap3A_953 = tpu.vector_load %arg8[%swap3A_951, %swap3A_952] {strides = array<i32>} : memref<2x2048xf32, #tpu.memory_space<vmem>>, vector<16xf32>,
      tpu.vector_store %arg8[%swap3A_951, %swap3A_952], %convert_element_type3A {strides = array<i32>} : memref<2x2048xf32, #tpu.memory_space<vmem>>, vector<16xf32>,
      %convert_element_type3A_954 = arith.sitofp %select_n3A_950 : vector<16xi32> to vector<16xf32>
      %add3A_955 = arith.constant 512 : i32
      %add3A_956 = arith.addi %add3A_955, %add3A_936 : i32
      %swap3A_957 = arith.constant 0 : i32
      %swap3A_958 = arith.index_cast %swap3A_957 : i32 to index
      %swap3A_959 = arith.index_cast %add3A_956 : i32 to index
      %swap3A_960 = tpu.vector_load %arg8[%swap3A_958, %swap3A_959] {strides = array<i32>} : memref<2x2048xf32, #tpu.memory_space<vmem>>, vector<16xf32>,
      tpu.vector_store %arg8[%swap3A_958, %swap3A_959], %convert_element_type3A_954 {strides = array<i32>} : memref<2x2048xf32, #tpu.memory_space<vmem>>, vector<16xf32>,
      %mul3A_961 = arith.constant 16 : i32
      %mul3A_962 = arith.muli %add3A_932, %mul3A_961 : i32
      %get3A_963 = arith.constant 0 : i32
      %get3A_964 = arith.constant 4 : i32
      %get3A_965 = arith.index_cast %get3A_963 : i32 to index
      %get3A_966 = arith.index_cast %get3A_964 : i32 to index
      %get3A_967 = arith.index_cast %mul3A_962 : i32 to index
      %get3A_968 = tpu.vector_load %arg5[%get3A_965, %get3A_966, %get3A_967] {strides = array<i32>} : memref<2x8x128xi32, #tpu.memory_space<vmem>>, vector<16xi32>,
      %add3A_969 = arith.constant 1024 : i32
      %add3A_970 = vector.broadcast %add3A_969 : i32 to vector<16xi32>
      %add3A_971 = arith.addi %get3A_968, %add3A_970 : vector<16xi32>
      %gather3A_972 = tpu.vector_load_idx %arg7[%add3A_971] : memref<2048xi32, #tpu.memory_space<vmem>>[vector<16xi32>], vector<16xi32>,
      %gather3A_973 = tpu.vector_load_idx %arg7[%get3A_968] : memref<2048xi32, #tpu.memory_space<vmem>>[vector<16xi32>], vector<16xi32>,
      %eq3A_974 = arith.cmpi eq, %get3A_968, %gather3A_453 : vector<16xi32>
      %select_n3A_975 = arith.select %eq3A_974, %gather3A_461, %gather3A_973 : vector<16xi1>, vector<16xi32>
      %convert_element_type3A_976 = arith.sitofp %select_n3A_975 : vector<16xi32> to vector<16xf32>
      %add3A_977 = arith.constant 1024 : i32
      %add3A_978 = arith.addi %add3A_977, %add3A_936 : i32
      %swap3A_979 = arith.constant 0 : i32
      %swap3A_980 = arith.index_cast %swap3A_979 : i32 to index
      %swap3A_981 = arith.index_cast %add3A_978 : i32 to index
      %swap3A_982 = tpu.vector_load %arg8[%swap3A_980, %swap3A_981] {strides = array<i32>} : memref<2x2048xf32, #tpu.memory_space<vmem>>, vector<16xf32>,
      tpu.vector_store %arg8[%swap3A_980, %swap3A_981], %convert_element_type3A_976 {strides = array<i32>} : memref<2x2048xf32, #tpu.memory_space<vmem>>, vector<16xf32>,
      %convert_element_type3A_983 = arith.sitofp %gather3A_972 : vector<16xi32> to vector<16xf32>
      %add3A_984 = arith.constant 1536 : i32
      %add3A_985 = arith.addi %add3A_984, %add3A_936 : i32
      %swap3A_986 = arith.constant 0 : i32
      %swap3A_987 = arith.index_cast %swap3A_986 : i32 to index
      %swap3A_988 = arith.index_cast %add3A_985 : i32 to index
      %swap3A_989 = tpu.vector_load %arg8[%swap3A_987, %swap3A_988] {strides = array<i32>} : memref<2x2048xf32, #tpu.memory_space<vmem>>, vector<16xf32>,
      tpu.vector_store %arg8[%swap3A_987, %swap3A_988], %convert_element_type3A_983 {strides = array<i32>} : memref<2x2048xf32, #tpu.memory_space<vmem>>, vector<16xf32>,
    }
    %scan3A_529 = arith.constant 8 : i32
    %scan3A_530 = arith.constant 0 : i32
    %scan3A_531 = arith.constant 8 : i32
    %scan3A_532 = arith.addi %scan3A_530, %scan3A_531 : i32
    %scan3A_533 = arith.constant 1 : i32
    scf.for %scan3A_928 = %scan3A_530 to %scan3A_532 step %scan3A_533  : i32 {
      %mul3A_929 = arith.constant 1 : i32
      %mul3A_930 = arith.muli %scan3A_928, %mul3A_929 : i32
      %add3A_931 = arith.constant 0 : i32
      %add3A_932 = arith.addi %add3A_931, %mul3A_930 : i32
      %mul3A_933 = arith.constant 16 : i32
      %mul3A_934 = arith.muli %add3A_932, %mul3A_933 : i32
      %add3A_935 = arith.constant 128 : i32
      %add3A_936 = arith.addi %add3A_935, %mul3A_934 : i32
      %mul3A_937 = arith.constant 16 : i32
      %mul3A_938 = arith.muli %add3A_932, %mul3A_937 : i32
      %get3A = arith.constant 0 : i32
      %get3A_939 = arith.constant 1 : i32
      %get3A_940 = arith.index_cast %get3A : i32 to index
      %get3A_941 = arith.index_cast %get3A_939 : i32 to index
      %get3A_942 = arith.index_cast %mul3A_938 : i32 to index
      %get3A_943 = tpu.vector_load %arg5[%get3A_940, %get3A_941, %get3A_942] {strides = array<i32>} : memref<2x8x128xi32, #tpu.memory_space<vmem>>, vector<16xi32>,
      %gather3A_944 = tpu.vector_load_idx %arg7[%get3A_943] : memref<2048xi32, #tpu.memory_space<vmem>>[vector<16xi32>], vector<16xi32>,
      %add3A_945 = arith.constant 1024 : i32
      %add3A_946 = vector.broadcast %add3A_945 : i32 to vector<16xi32>
      %add3A_947 = arith.addi %get3A_943, %add3A_946 : vector<16xi32>
      %gather3A_948 = tpu.vector_load_idx %arg7[%add3A_947] : memref<2048xi32, #tpu.memory_space<vmem>>[vector<16xi32>], vector<16xi32>,
      %eq3A_949 = arith.cmpi eq, %get3A_943, %gather3A_457 : vector<16xi32>
      %select_n3A_950 = arith.select %eq3A_949, %select_n3A_468, %gather3A_948 : vector<16xi1>, vector<16xi32>
      %convert_element_type3A = arith.sitofp %gather3A_944 : vector<16xi32> to vector<16xf32>
      %swap3A = arith.constant 0 : i32
      %swap3A_951 = arith.index_cast %swap3A : i32 to index
      %swap3A_952 = arith.index_cast %add3A_936 : i32 to index
      %swap3A_953 = tpu.vector_load %arg8[%swap3A_951, %swap3A_952] {strides = array<i32>} : memref<2x2048xf32, #tpu.memory_space<vmem>>, vector<16xf32>,
      tpu.vector_store %arg8[%swap3A_951, %swap3A_952], %convert_element_type3A {strides = array<i32>} : memref<2x2048xf32, #tpu.memory_space<vmem>>, vector<16xf32>,
      %convert_element_type3A_954 = arith.sitofp %select_n3A_950 : vector<16xi32> to vector<16xf32>
      %add3A_955 = arith.constant 512 : i32
      %add3A_956 = arith.addi %add3A_955, %add3A_936 : i32
      %swap3A_957 = arith.constant 0 : i32
      %swap3A_958 = arith.index_cast %swap3A_957 : i32 to index
      %swap3A_959 = arith.index_cast %add3A_956 : i32 to index
      %swap3A_960 = tpu.vector_load %arg8[%swap3A_958, %swap3A_959] {strides = array<i32>} : memref<2x2048xf32, #tpu.memory_space<vmem>>, vector<16xf32>,
      tpu.vector_store %arg8[%swap3A_958, %swap3A_959], %convert_element_type3A_954 {strides = array<i32>} : memref<2x2048xf32, #tpu.memory_space<vmem>>, vector<16xf32>,
      %mul3A_961 = arith.constant 16 : i32
      %mul3A_962 = arith.muli %add3A_932, %mul3A_961 : i32
      %get3A_963 = arith.constant 0 : i32
      %get3A_964 = arith.constant 5 : i32
      %get3A_965 = arith.index_cast %get3A_963 : i32 to index
      %get3A_966 = arith.index_cast %get3A_964 : i32 to index
      %get3A_967 = arith.index_cast %mul3A_962 : i32 to index
      %get3A_968 = tpu.vector_load %arg5[%get3A_965, %get3A_966, %get3A_967] {strides = array<i32>} : memref<2x8x128xi32, #tpu.memory_space<vmem>>, vector<16xi32>,
      %add3A_969 = arith.constant 1024 : i32
      %add3A_970 = vector.broadcast %add3A_969 : i32 to vector<16xi32>
      %add3A_971 = arith.addi %get3A_968, %add3A_970 : vector<16xi32>
      %gather3A_972 = tpu.vector_load_idx %arg7[%add3A_971] : memref<2048xi32, #tpu.memory_space<vmem>>[vector<16xi32>], vector<16xi32>,
      %gather3A_973 = tpu.vector_load_idx %arg7[%get3A_968] : memref<2048xi32, #tpu.memory_space<vmem>>[vector<16xi32>], vector<16xi32>,
      %eq3A_974 = arith.cmpi eq, %get3A_968, %gather3A_453 : vector<16xi32>
      %select_n3A_975 = arith.select %eq3A_974, %gather3A_461, %gather3A_973 : vector<16xi1>, vector<16xi32>
      %convert_element_type3A_976 = arith.sitofp %select_n3A_975 : vector<16xi32> to vector<16xf32>
      %add3A_977 = arith.constant 1024 : i32
      %add3A_978 = arith.addi %add3A_977, %add3A_936 : i32
      %swap3A_979 = arith.constant 0 : i32
      %swap3A_980 = arith.index_cast %swap3A_979 : i32 to index
      %swap3A_981 = arith.index_cast %add3A_978 : i32 to index
      %swap3A_982 = tpu.vector_load %arg8[%swap3A_980, %swap3A_981] {strides = array<i32>} : memref<2x2048xf32, #tpu.memory_space<vmem>>, vector<16xf32>,
      tpu.vector_store %arg8[%swap3A_980, %swap3A_981], %convert_element_type3A_976 {strides = array<i32>} : memref<2x2048xf32, #tpu.memory_space<vmem>>, vector<16xf32>,
      %convert_element_type3A_983 = arith.sitofp %gather3A_972 : vector<16xi32> to vector<16xf32>
      %add3A_984 = arith.constant 1536 : i32
      %add3A_985 = arith.addi %add3A_984, %add3A_936 : i32
      %swap3A_986 = arith.constant 0 : i32
      %swap3A_987 = arith.index_cast %swap3A_986 : i32 to index
      %swap3A_988 = arith.index_cast %add3A_985 : i32 to index
      %swap3A_989 = tpu.vector_load %arg8[%swap3A_987, %swap3A_988] {strides = array<i32>} : memref<2x2048xf32, #tpu.memory_space<vmem>>, vector<16xf32>,
      tpu.vector_store %arg8[%swap3A_987, %swap3A_988], %convert_element_type3A_983 {strides = array<i32>} : memref<2x2048xf32, #tpu.memory_space<vmem>>, vector<16xf32>,
    }
    %scan3A_534 = arith.constant 8 : i32
    %scan3A_535 = arith.constant 0 : i32
    %scan3A_536 = arith.constant 8 : i32
    %scan3A_537 = arith.addi %scan3A_535, %scan3A_536 : i32
    %scan3A_538 = arith.constant 1 : i32
    scf.for %scan3A_928 = %scan3A_535 to %scan3A_537 step %scan3A_538  : i32 {
      %mul3A_929 = arith.constant 1 : i32
      %mul3A_930 = arith.muli %scan3A_928, %mul3A_929 : i32
      %add3A_931 = arith.constant 0 : i32
      %add3A_932 = arith.addi %add3A_931, %mul3A_930 : i32
      %mul3A_933 = arith.constant 16 : i32
      %mul3A_934 = arith.muli %add3A_932, %mul3A_933 : i32
      %add3A_935 = arith.constant 256 : i32
      %add3A_936 = arith.addi %add3A_935, %mul3A_934 : i32
      %mul3A_937 = arith.constant 16 : i32
      %mul3A_938 = arith.muli %add3A_932, %mul3A_937 : i32
      %get3A = arith.constant 0 : i32
      %get3A_939 = arith.constant 2 : i32
      %get3A_940 = arith.index_cast %get3A : i32 to index
      %get3A_941 = arith.index_cast %get3A_939 : i32 to index
      %get3A_942 = arith.index_cast %mul3A_938 : i32 to index
      %get3A_943 = tpu.vector_load %arg5[%get3A_940, %get3A_941, %get3A_942] {strides = array<i32>} : memref<2x8x128xi32, #tpu.memory_space<vmem>>, vector<16xi32>,
      %gather3A_944 = tpu.vector_load_idx %arg7[%get3A_943] : memref<2048xi32, #tpu.memory_space<vmem>>[vector<16xi32>], vector<16xi32>,
      %add3A_945 = arith.constant 1024 : i32
      %add3A_946 = vector.broadcast %add3A_945 : i32 to vector<16xi32>
      %add3A_947 = arith.addi %get3A_943, %add3A_946 : vector<16xi32>
      %gather3A_948 = tpu.vector_load_idx %arg7[%add3A_947] : memref<2048xi32, #tpu.memory_space<vmem>>[vector<16xi32>], vector<16xi32>,
      %eq3A_949 = arith.cmpi eq, %get3A_943, %gather3A_457 : vector<16xi32>
      %select_n3A_950 = arith.select %eq3A_949, %select_n3A_468, %gather3A_948 : vector<16xi1>, vector<16xi32>
      %convert_element_type3A = arith.sitofp %gather3A_944 : vector<16xi32> to vector<16xf32>
      %swap3A = arith.constant 0 : i32
      %swap3A_951 = arith.index_cast %swap3A : i32 to index
      %swap3A_952 = arith.index_cast %add3A_936 : i32 to index
      %swap3A_953 = tpu.vector_load %arg8[%swap3A_951, %swap3A_952] {strides = array<i32>} : memref<2x2048xf32, #tpu.memory_space<vmem>>, vector<16xf32>,
      tpu.vector_store %arg8[%swap3A_951, %swap3A_952], %convert_element_type3A {strides = array<i32>} : memref<2x2048xf32, #tpu.memory_space<vmem>>, vector<16xf32>,
      %convert_element_type3A_954 = arith.sitofp %select_n3A_950 : vector<16xi32> to vector<16xf32>
      %add3A_955 = arith.constant 512 : i32
      %add3A_956 = arith.addi %add3A_955, %add3A_936 : i32
      %swap3A_957 = arith.constant 0 : i32
      %swap3A_958 = arith.index_cast %swap3A_957 : i32 to index
      %swap3A_959 = arith.index_cast %add3A_956 : i32 to index
      %swap3A_960 = tpu.vector_load %arg8[%swap3A_958, %swap3A_959] {strides = array<i32>} : memref<2x2048xf32, #tpu.memory_space<vmem>>, vector<16xf32>,
      tpu.vector_store %arg8[%swap3A_958, %swap3A_959], %convert_element_type3A_954 {strides = array<i32>} : memref<2x2048xf32, #tpu.memory_space<vmem>>, vector<16xf32>,
      %mul3A_961 = arith.constant 16 : i32
      %mul3A_962 = arith.muli %add3A_932, %mul3A_961 : i32
      %get3A_963 = arith.constant 0 : i32
      %get3A_964 = arith.constant 6 : i32
      %get3A_965 = arith.index_cast %get3A_963 : i32 to index
      %get3A_966 = arith.index_cast %get3A_964 : i32 to index
      %get3A_967 = arith.index_cast %mul3A_962 : i32 to index
      %get3A_968 = tpu.vector_load %arg5[%get3A_965, %get3A_966, %get3A_967] {strides = array<i32>} : memref<2x8x128xi32, #tpu.memory_space<vmem>>, vector<16xi32>,
      %add3A_969 = arith.constant 1024 : i32
      %add3A_970 = vector.broadcast %add3A_969 : i32 to vector<16xi32>
      %add3A_971 = arith.addi %get3A_968, %add3A_970 : vector<16xi32>
      %gather3A_972 = tpu.vector_load_idx %arg7[%add3A_971] : memref<2048xi32, #tpu.memory_space<vmem>>[vector<16xi32>], vector<16xi32>,
      %gather3A_973 = tpu.vector_load_idx %arg7[%get3A_968] : memref<2048xi32, #tpu.memory_space<vmem>>[vector<16xi32>], vector<16xi32>,
      %eq3A_974 = arith.cmpi eq, %get3A_968, %gather3A_453 : vector<16xi32>
      %select_n3A_975 = arith.select %eq3A_974, %gather3A_461, %gather3A_973 : vector<16xi1>, vector<16xi32>
      %convert_element_type3A_976 = arith.sitofp %select_n3A_975 : vector<16xi32> to vector<16xf32>
      %add3A_977 = arith.constant 1024 : i32
      %add3A_978 = arith.addi %add3A_977, %add3A_936 : i32
      %swap3A_979 = arith.constant 0 : i32
      %swap3A_980 = arith.index_cast %swap3A_979 : i32 to index
      %swap3A_981 = arith.index_cast %add3A_978 : i32 to index
      %swap3A_982 = tpu.vector_load %arg8[%swap3A_980, %swap3A_981] {strides = array<i32>} : memref<2x2048xf32, #tpu.memory_space<vmem>>, vector<16xf32>,
      tpu.vector_store %arg8[%swap3A_980, %swap3A_981], %convert_element_type3A_976 {strides = array<i32>} : memref<2x2048xf32, #tpu.memory_space<vmem>>, vector<16xf32>,
      %convert_element_type3A_983 = arith.sitofp %gather3A_972 : vector<16xi32> to vector<16xf32>
      %add3A_984 = arith.constant 1536 : i32
      %add3A_985 = arith.addi %add3A_984, %add3A_936 : i32
      %swap3A_986 = arith.constant 0 : i32
      %swap3A_987 = arith.index_cast %swap3A_986 : i32 to index
      %swap3A_988 = arith.index_cast %add3A_985 : i32 to index
      %swap3A_989 = tpu.vector_load %arg8[%swap3A_987, %swap3A_988] {strides = array<i32>} : memref<2x2048xf32, #tpu.memory_space<vmem>>, vector<16xf32>,
      tpu.vector_store %arg8[%swap3A_987, %swap3A_988], %convert_element_type3A_983 {strides = array<i32>} : memref<2x2048xf32, #tpu.memory_space<vmem>>, vector<16xf32>,
    }
    %scan3A_539 = arith.constant 8 : i32
    %scan3A_540 = arith.constant 0 : i32
    %scan3A_541 = arith.constant 8 : i32
    %scan3A_542 = arith.addi %scan3A_540, %scan3A_541 : i32
    %scan3A_543 = arith.constant 1 : i32
    scf.for %scan3A_928 = %scan3A_540 to %scan3A_542 step %scan3A_543  : i32 {
      %mul3A_929 = arith.constant 1 : i32
      %mul3A_930 = arith.muli %scan3A_928, %mul3A_929 : i32
      %add3A_931 = arith.constant 0 : i32
      %add3A_932 = arith.addi %add3A_931, %mul3A_930 : i32
      %mul3A_933 = arith.constant 16 : i32
      %mul3A_934 = arith.muli %add3A_932, %mul3A_933 : i32
      %add3A_935 = arith.constant 384 : i32
      %add3A_936 = arith.addi %add3A_935, %mul3A_934 : i32
      %mul3A_937 = arith.constant 16 : i32
      %mul3A_938 = arith.muli %add3A_932, %mul3A_937 : i32
      %get3A = arith.constant 0 : i32
      %get3A_939 = arith.constant 3 : i32
      %get3A_940 = arith.index_cast %get3A : i32 to index
      %get3A_941 = arith.index_cast %get3A_939 : i32 to index
      %get3A_942 = arith.index_cast %mul3A_938 : i32 to index
      %get3A_943 = tpu.vector_load %arg5[%get3A_940, %get3A_941, %get3A_942] {strides = array<i32>} : memref<2x8x128xi32, #tpu.memory_space<vmem>>, vector<16xi32>,
      %gather3A_944 = tpu.vector_load_idx %arg7[%get3A_943] : memref<2048xi32, #tpu.memory_space<vmem>>[vector<16xi32>], vector<16xi32>,
      %add3A_945 = arith.constant 1024 : i32
      %add3A_946 = vector.broadcast %add3A_945 : i32 to vector<16xi32>
      %add3A_947 = arith.addi %get3A_943, %add3A_946 : vector<16xi32>
      %gather3A_948 = tpu.vector_load_idx %arg7[%add3A_947] : memref<2048xi32, #tpu.memory_space<vmem>>[vector<16xi32>], vector<16xi32>,
      %eq3A_949 = arith.cmpi eq, %get3A_943, %gather3A_457 : vector<16xi32>
      %select_n3A_950 = arith.select %eq3A_949, %select_n3A_468, %gather3A_948 : vector<16xi1>, vector<16xi32>
      %convert_element_type3A = arith.sitofp %gather3A_944 : vector<16xi32> to vector<16xf32>
      %swap3A = arith.constant 0 : i32
      %swap3A_951 = arith.index_cast %swap3A : i32 to index
      %swap3A_952 = arith.index_cast %add3A_936 : i32 to index
      %swap3A_953 = tpu.vector_load %arg8[%swap3A_951, %swap3A_952] {strides = array<i32>} : memref<2x2048xf32, #tpu.memory_space<vmem>>, vector<16xf32>,
      tpu.vector_store %arg8[%swap3A_951, %swap3A_952], %convert_element_type3A {strides = array<i32>} : memref<2x2048xf32, #tpu.memory_space<vmem>>, vector<16xf32>,
      %convert_element_type3A_954 = arith.sitofp %select_n3A_950 : vector<16xi32> to vector<16xf32>
      %add3A_955 = arith.constant 512 : i32
      %add3A_956 = arith.addi %add3A_955, %add3A_936 : i32
      %swap3A_957 = arith.constant 0 : i32
      %swap3A_958 = arith.index_cast %swap3A_957 : i32 to index
      %swap3A_959 = arith.index_cast %add3A_956 : i32 to index
      %swap3A_960 = tpu.vector_load %arg8[%swap3A_958, %swap3A_959] {strides = array<i32>} : memref<2x2048xf32, #tpu.memory_space<vmem>>, vector<16xf32>,
      tpu.vector_store %arg8[%swap3A_958, %swap3A_959], %convert_element_type3A_954 {strides = array<i32>} : memref<2x2048xf32, #tpu.memory_space<vmem>>, vector<16xf32>,
      %mul3A_961 = arith.constant 16 : i32
      %mul3A_962 = arith.muli %add3A_932, %mul3A_961 : i32
      %get3A_963 = arith.constant 0 : i32
      %get3A_964 = arith.constant 7 : i32
      %get3A_965 = arith.index_cast %get3A_963 : i32 to index
      %get3A_966 = arith.index_cast %get3A_964 : i32 to index
      %get3A_967 = arith.index_cast %mul3A_962 : i32 to index
      %get3A_968 = tpu.vector_load %arg5[%get3A_965, %get3A_966, %get3A_967] {strides = array<i32>} : memref<2x8x128xi32, #tpu.memory_space<vmem>>, vector<16xi32>,
      %add3A_969 = arith.constant 1024 : i32
      %add3A_970 = vector.broadcast %add3A_969 : i32 to vector<16xi32>
      %add3A_971 = arith.addi %get3A_968, %add3A_970 : vector<16xi32>
      %gather3A_972 = tpu.vector_load_idx %arg7[%add3A_971] : memref<2048xi32, #tpu.memory_space<vmem>>[vector<16xi32>], vector<16xi32>,
      %gather3A_973 = tpu.vector_load_idx %arg7[%get3A_968] : memref<2048xi32, #tpu.memory_space<vmem>>[vector<16xi32>], vector<16xi32>,
      %eq3A_974 = arith.cmpi eq, %get3A_968, %gather3A_453 : vector<16xi32>
      %select_n3A_975 = arith.select %eq3A_974, %gather3A_461, %gather3A_973 : vector<16xi1>, vector<16xi32>
      %convert_element_type3A_976 = arith.sitofp %select_n3A_975 : vector<16xi32> to vector<16xf32>
      %add3A_977 = arith.constant 1024 : i32
      %add3A_978 = arith.addi %add3A_977, %add3A_936 : i32
      %swap3A_979 = arith.constant 0 : i32
      %swap3A_980 = arith.index_cast %swap3A_979 : i32 to index
      %swap3A_981 = arith.index_cast %add3A_978 : i32 to index
      %swap3A_982 = tpu.vector_load %arg8[%swap3A_980, %swap3A_981] {strides = array<i32>} : memref<2x2048xf32, #tpu.memory_space<vmem>>, vector<16xf32>,
      tpu.vector_store %arg8[%swap3A_980, %swap3A_981], %convert_element_type3A_976 {strides = array<i32>} : memref<2x2048xf32, #tpu.memory_space<vmem>>, vector<16xf32>,
      %convert_element_type3A_983 = arith.sitofp %gather3A_972 : vector<16xi32> to vector<16xf32>
      %add3A_984 = arith.constant 1536 : i32
      %add3A_985 = arith.addi %add3A_984, %add3A_936 : i32
      %swap3A_986 = arith.constant 0 : i32
      %swap3A_987 = arith.index_cast %swap3A_986 : i32 to index
      %swap3A_988 = arith.index_cast %add3A_985 : i32 to index
      %swap3A_989 = tpu.vector_load %arg8[%swap3A_987, %swap3A_988] {strides = array<i32>} : memref<2x2048xf32, #tpu.memory_space<vmem>>, vector<16xf32>,
      tpu.vector_store %arg8[%swap3A_987, %swap3A_988], %convert_element_type3A_983 {strides = array<i32>} : memref<2x2048xf32, #tpu.memory_space<vmem>>, vector<16xf32>,
    }
    %scan3A_544 = arith.constant 8 : i32
    %dma_start3A_545 = arith.constant 0 : i32
    %dma_start3A_546 = arith.constant 0 : i32
    %dma_start3A_547 = arith.constant 0 : i32
    %dma_start3A_548 = tpu.memref_slice %arg8[%dma_start3A_545, %dma_start3A_547] : memref<2x2048xf32, #tpu.memory_space<vmem>> -> memref<1x512xf32, #tpu.memory_space<vmem>>
    %dma_start3A_549 = tpu.memref_squeeze %dma_start3A_548 : memref<1x512xf32, #tpu.memory_space<vmem>> -> memref<512xf32, #tpu.memory_space<vmem>>
    %dma_start3A_550 = arith.constant 0 : i32
    %dma_start3A_551 = tpu.memref_slice %arg4[%dma_start3A_546, %add3A_370, %dma_start3A_550] : memref<4x128x512xf32, #tpu.memory_space<hbm>> -> memref<1x1x512xf32, #tpu.memory_space<hbm>>
    %dma_start3A_552 = tpu.memref_squeeze %dma_start3A_551 : memref<1x1x512xf32, #tpu.memory_space<hbm>> -> memref<512xf32, #tpu.memory_space<hbm>>
    %dma_start3A_553 = arith.constant 0 : i32
    %dma_start3A_554 = tpu.memref_slice %arg4[%dma_start3A_546, %add3A_370, %dma_start3A_553] : memref<4x128x512xf32, #tpu.memory_space<hbm>> -> memref<1x1x512xf32, #tpu.memory_space<hbm>>
    %dma_start3A_555 = tpu.memref_squeeze %dma_start3A_554 : memref<1x1x512xf32, #tpu.memory_space<hbm>> -> memref<512xf32, #tpu.memory_space<hbm>>
    %dma_start3A_556 = arith.constant 0 : i32
    %dma_start3A_557 = tpu.memref_slice %arg8[%dma_start3A_545, %dma_start3A_556] : memref<2x2048xf32, #tpu.memory_space<vmem>> -> memref<1x512xf32, #tpu.memory_space<vmem>>
    %dma_start3A_558 = tpu.memref_squeeze %dma_start3A_557 : memref<1x512xf32, #tpu.memory_space<vmem>> -> memref<512xf32, #tpu.memory_space<vmem>>
    tpu.enqueue_dma source(%dma_start3A_558 : memref<512xf32, #tpu.memory_space<vmem>>) target(%dma_start3A_555 : memref<512xf32, #tpu.memory_space<hbm>>) target_semaphore(%arg10 : memref<!tpu.dma_semaphore, #tpu.memory_space<semaphore_mem>>)
    %dma_start3A_559 = arith.constant 0 : i32
    %dma_start3A_560 = arith.constant 1 : i32
    %dma_start3A_561 = arith.constant 512 : i32
    %dma_start3A_562 = tpu.memref_slice %arg8[%dma_start3A_559, %dma_start3A_561] : memref<2x2048xf32, #tpu.memory_space<vmem>> -> memref<1x512xf32, #tpu.memory_space<vmem>>
    %dma_start3A_563 = tpu.memref_squeeze %dma_start3A_562 : memref<1x512xf32, #tpu.memory_space<vmem>> -> memref<512xf32, #tpu.memory_space<vmem>>
    %dma_start3A_564 = arith.constant 0 : i32
    %dma_start3A_565 = tpu.memref_slice %arg4[%dma_start3A_560, %add3A_370, %dma_start3A_564] : memref<4x128x512xf32, #tpu.memory_space<hbm>> -> memref<1x1x512xf32, #tpu.memory_space<hbm>>
    %dma_start3A_566 = tpu.memref_squeeze %dma_start3A_565 : memref<1x1x512xf32, #tpu.memory_space<hbm>> -> memref<512xf32, #tpu.memory_space<hbm>>
    %dma_start3A_567 = arith.constant 0 : i32
    %dma_start3A_568 = tpu.memref_slice %arg4[%dma_start3A_560, %add3A_370, %dma_start3A_567] : memref<4x128x512xf32, #tpu.memory_space<hbm>> -> memref<1x1x512xf32, #tpu.memory_space<hbm>>
    %dma_start3A_569 = tpu.memref_squeeze %dma_start3A_568 : memref<1x1x512xf32, #tpu.memory_space<hbm>> -> memref<512xf32, #tpu.memory_space<hbm>>
    %dma_start3A_570 = arith.constant 512 : i32
    %dma_start3A_571 = tpu.memref_slice %arg8[%dma_start3A_559, %dma_start3A_570] : memref<2x2048xf32, #tpu.memory_space<vmem>> -> memref<1x512xf32, #tpu.memory_space<vmem>>
    %dma_start3A_572 = tpu.memref_squeeze %dma_start3A_571 : memref<1x512xf32, #tpu.memory_space<vmem>> -> memref<512xf32, #tpu.memory_space<vmem>>
    tpu.enqueue_dma source(%dma_start3A_572 : memref<512xf32, #tpu.memory_space<vmem>>) target(%dma_start3A_569 : memref<512xf32, #tpu.memory_space<hbm>>) target_semaphore(%arg10 : memref<!tpu.dma_semaphore, #tpu.memory_space<semaphore_mem>>)
    %dma_start3A_573 = arith.constant 0 : i32
    %dma_start3A_574 = arith.constant 2 : i32
    %dma_start3A_575 = arith.constant 1024 : i32
    %dma_start3A_576 = tpu.memref_slice %arg8[%dma_start3A_573, %dma_start3A_575] : memref<2x2048xf32, #tpu.memory_space<vmem>> -> memref<1x512xf32, #tpu.memory_space<vmem>>
    %dma_start3A_577 = tpu.memref_squeeze %dma_start3A_576 : memref<1x512xf32, #tpu.memory_space<vmem>> -> memref<512xf32, #tpu.memory_space<vmem>>
    %dma_start3A_578 = arith.constant 0 : i32
    %dma_start3A_579 = tpu.memref_slice %arg4[%dma_start3A_574, %add3A_370, %dma_start3A_578] : memref<4x128x512xf32, #tpu.memory_space<hbm>> -> memref<1x1x512xf32, #tpu.memory_space<hbm>>
    %dma_start3A_580 = tpu.memref_squeeze %dma_start3A_579 : memref<1x1x512xf32, #tpu.memory_space<hbm>> -> memref<512xf32, #tpu.memory_space<hbm>>
    %dma_start3A_581 = arith.constant 0 : i32
    %dma_start3A_582 = tpu.memref_slice %arg4[%dma_start3A_574, %add3A_370, %dma_start3A_581] : memref<4x128x512xf32, #tpu.memory_space<hbm>> -> memref<1x1x512xf32, #tpu.memory_space<hbm>>
    %dma_start3A_583 = tpu.memref_squeeze %dma_start3A_582 : memref<1x1x512xf32, #tpu.memory_space<hbm>> -> memref<512xf32, #tpu.memory_space<hbm>>
    %dma_start3A_584 = arith.constant 1024 : i32
    %dma_start3A_585 = tpu.memref_slice %arg8[%dma_start3A_573, %dma_start3A_584] : memref<2x2048xf32, #tpu.memory_space<vmem>> -> memref<1x512xf32, #tpu.memory_space<vmem>>
    %dma_start3A_586 = tpu.memref_squeeze %dma_start3A_585 : memref<1x512xf32, #tpu.memory_space<vmem>> -> memref<512xf32, #tpu.memory_space<vmem>>
    tpu.enqueue_dma source(%dma_start3A_586 : memref<512xf32, #tpu.memory_space<vmem>>) target(%dma_start3A_583 : memref<512xf32, #tpu.memory_space<hbm>>) target_semaphore(%arg10 : memref<!tpu.dma_semaphore, #tpu.memory_space<semaphore_mem>>)
    %dma_start3A_587 = arith.constant 0 : i32
    %dma_start3A_588 = arith.constant 3 : i32
    %dma_start3A_589 = arith.constant 1536 : i32
    %dma_start3A_590 = tpu.memref_slice %arg8[%dma_start3A_587, %dma_start3A_589] : memref<2x2048xf32, #tpu.memory_space<vmem>> -> memref<1x512xf32, #tpu.memory_space<vmem>>
    %dma_start3A_591 = tpu.memref_squeeze %dma_start3A_590 : memref<1x512xf32, #tpu.memory_space<vmem>> -> memref<512xf32, #tpu.memory_space<vmem>>
    %dma_start3A_592 = arith.constant 0 : i32
    %dma_start3A_593 = tpu.memref_slice %arg4[%dma_start3A_588, %add3A_370, %dma_start3A_592] : memref<4x128x512xf32, #tpu.memory_space<hbm>> -> memref<1x1x512xf32, #tpu.memory_space<hbm>>
    %dma_start3A_594 = tpu.memref_squeeze %dma_start3A_593 : memref<1x1x512xf32, #tpu.memory_space<hbm>> -> memref<512xf32, #tpu.memory_space<hbm>>
    %dma_start3A_595 = arith.constant 0 : i32
    %dma_start3A_596 = tpu.memref_slice %arg4[%dma_start3A_588, %add3A_370, %dma_start3A_595] : memref<4x128x512xf32, #tpu.memory_space<hbm>> -> memref<1x1x512xf32, #tpu.memory_space<hbm>>
    %dma_start3A_597 = tpu.memref_squeeze %dma_start3A_596 : memref<1x1x512xf32, #tpu.memory_space<hbm>> -> memref<512xf32, #tpu.memory_space<hbm>>
    %dma_start3A_598 = arith.constant 1536 : i32
    %dma_start3A_599 = tpu.memref_slice %arg8[%dma_start3A_587, %dma_start3A_598] : memref<2x2048xf32, #tpu.memory_space<vmem>> -> memref<1x512xf32, #tpu.memory_space<vmem>>
    %dma_start3A_600 = tpu.memref_squeeze %dma_start3A_599 : memref<1x512xf32, #tpu.memory_space<vmem>> -> memref<512xf32, #tpu.memory_space<vmem>>
    tpu.enqueue_dma source(%dma_start3A_600 : memref<512xf32, #tpu.memory_space<vmem>>) target(%dma_start3A_597 : memref<512xf32, #tpu.memory_space<hbm>>) target_semaphore(%arg10 : memref<!tpu.dma_semaphore, #tpu.memory_space<semaphore_mem>>)
    %mul3A_601 = arith.constant 4 : i32
    %mul3A_602 = arith.muli %add3A, %mul3A_601 : i32
    %add3A_603 = arith.constant 3 : i32
    %add3A_604 = arith.addi %mul3A_602, %add3A_603 : i32
    %scan3A_605 = arith.constant 0 : i32
    %scan3A_606 = arith.constant 128 : i32
    %scan3A_607 = arith.addi %scan3A_605, %scan3A_606 : i32
    %scan3A_608 = arith.constant 1 : i32
    scf.for %scan3A_928 = %scan3A_605 to %scan3A_607 step %scan3A_608  : i32 {
      %mul3A_929 = arith.constant 1 : i32
      %mul3A_930 = arith.muli %scan3A_928, %mul3A_929 : i32
      %add3A_931 = arith.constant 0 : i32
      %add3A_932 = arith.addi %add3A_931, %mul3A_930 : i32
      %broadcast_in_dim3A_933 = arith.constant 0 : i32
      %broadcast_in_dim3A_934 = vector.broadcast %broadcast_in_dim3A_933 : i32 to vector<16xi32>
      %mul3A_935 = arith.constant 16 : i32
      %mul3A_936 = arith.muli %add3A_932, %mul3A_935 : i32
      %swap3A = arith.index_cast %mul3A_936 : i32 to index
      %swap3A_937 = tpu.vector_load %arg7[%swap3A] {strides = array<i32>} : memref<2048xi32, #tpu.memory_space<vmem>>, vector<16xi32>,
      tpu.vector_store %arg7[%swap3A], %broadcast_in_dim3A_934 {strides = array<i32>} : memref<2048xi32, #tpu.memory_space<vmem>>, vector<16xi32>,
    }
    %scan3A_609 = arith.constant 128 : i32
    %dma_wait3A_610 = arith.constant 1 : i32
    %dma_wait3A_611 = arith.constant 0 : i32
    %dma_wait3A_612 = arith.constant 0 : i32
    %dma_wait3A_613 = tpu.memref_slice %arg5[%dma_wait3A_610, %dma_wait3A_611, %dma_wait3A_612] : memref<2x8x128xi32, #tpu.memory_space<vmem>> -> memref<1x8x128xi32, #tpu.memory_space<vmem>>
    %dma_wait3A_614 = tpu.memref_squeeze %dma_wait3A_613 : memref<1x8x128xi32, #tpu.memory_space<vmem>> -> memref<8x128xi32, #tpu.memory_space<vmem>>
    %dma_wait3A_615 = arith.constant 0 : i32
    %dma_wait3A_616 = arith.constant 0 : i32
    %dma_wait3A_617 = tpu.memref_slice %arg3[%add3A_604, %dma_wait3A_615, %dma_wait3A_616] : memref<128x8x128xi32, #tpu.memory_space<hbm>> -> memref<1x8x128xi32, #tpu.memory_space<hbm>>
    %dma_wait3A_618 = tpu.memref_squeeze %dma_wait3A_617 : memref<1x8x128xi32, #tpu.memory_space<hbm>> -> memref<8x128xi32, #tpu.memory_space<hbm>>
    %dma_wait3A_619 = arith.constant 0 : i32
    %dma_wait3A_620 = arith.constant 0 : i32
    %dma_wait3A_621 = tpu.memref_slice %arg5[%dma_wait3A_610, %dma_wait3A_619, %dma_wait3A_620] : memref<2x8x128xi32, #tpu.memory_space<vmem>> -> memref<1x8x128xi32, #tpu.memory_space<vmem>>
    %dma_wait3A_622 = tpu.memref_squeeze %dma_wait3A_621 : memref<1x8x128xi32, #tpu.memory_space<vmem>> -> memref<8x128xi32, #tpu.memory_space<vmem>>
    %dma_wait3A_623 = arith.constant 0 : i32
    %dma_wait3A_624 = arith.constant 0 : i32
    %dma_wait3A_625 = tpu.memref_slice %arg3[%add3A_604, %dma_wait3A_623, %dma_wait3A_624] : memref<128x8x128xi32, #tpu.memory_space<hbm>> -> memref<1x8x128xi32, #tpu.memory_space<hbm>>
    %dma_wait3A_626 = tpu.memref_squeeze %dma_wait3A_625 : memref<1x8x128xi32, #tpu.memory_space<hbm>> -> memref<8x128xi32, #tpu.memory_space<hbm>>
    tpu.wait_dma2 semaphore(%arg9 : memref<!tpu.dma_semaphore, #tpu.memory_space<semaphore_mem>>) src(%dma_wait3A_626 : memref<8x128xi32, #tpu.memory_space<hbm>>) dst(%dma_wait3A_622 : memref<8x128xi32, #tpu.memory_space<vmem>>)
    %scan3A_627 = arith.constant 0 : i32
    %scan3A_628 = arith.constant 8 : i32
    %scan3A_629 = arith.addi %scan3A_627, %scan3A_628 : i32
    %scan3A_630 = arith.constant 1 : i32
    scf.for %scan3A_928 = %scan3A_627 to %scan3A_629 step %scan3A_630  : i32 {
      %mul3A_929 = arith.constant 1 : i32
      %mul3A_930 = arith.muli %scan3A_928, %mul3A_929 : i32
      %add3A_931 = arith.constant 0 : i32
      %add3A_932 = arith.addi %add3A_931, %mul3A_930 : i32
      %mul3A_933 = arith.constant 16 : i32
      %mul3A_934 = arith.muli %add3A_932, %mul3A_933 : i32
      %get3A = arith.constant 1 : i32
      %get3A_935 = arith.constant 0 : i32
      %get3A_936 = arith.index_cast %get3A : i32 to index
      %get3A_937 = arith.index_cast %get3A_935 : i32 to index
      %get3A_938 = arith.index_cast %mul3A_934 : i32 to index
      %get3A_939 = tpu.vector_load %arg5[%get3A_936, %get3A_937, %get3A_938] {strides = array<i32>} : memref<2x8x128xi32, #tpu.memory_space<vmem>>, vector<16xi32>,
      %add3A_940 = arith.constant 0 : i32
      %add3A_941 = vector.broadcast %add3A_940 : i32 to vector<16xi32>
      %add3A_942 = arith.addi %get3A_939, %add3A_941 : vector<16xi32>
      %broadcast_in_dim3A_943 = arith.constant true
      %broadcast_in_dim3A_944 = vector.broadcast %broadcast_in_dim3A_943 : i1 to vector<16xi1>
      %unique3A, %unique3A_945 = tpu.scan_count mask(%broadcast_in_dim3A_944 : vector<16xi1>) value(%add3A_942 : vector<16xi32>) : vector<16xi1>, vector<16xi32>
      tpu.vector_store_idx %arg7[%add3A_942], %unique3A_945 masked %unique3A {add = true} : memref<2048xi32, #tpu.memory_space<vmem>>[vector<16xi32>], vector<16xi32>, vector<16xi1>
    }
    %scan3A_631 = arith.constant 8 : i32
    %scan3A_632 = arith.constant 0 : i32
    %scan3A_633 = arith.constant 8 : i32
    %scan3A_634 = arith.addi %scan3A_632, %scan3A_633 : i32
    %scan3A_635 = arith.constant 1 : i32
    scf.for %scan3A_928 = %scan3A_632 to %scan3A_634 step %scan3A_635  : i32 {
      %mul3A_929 = arith.constant 1 : i32
      %mul3A_930 = arith.muli %scan3A_928, %mul3A_929 : i32
      %add3A_931 = arith.constant 0 : i32
      %add3A_932 = arith.addi %add3A_931, %mul3A_930 : i32
      %mul3A_933 = arith.constant 16 : i32
      %mul3A_934 = arith.muli %add3A_932, %mul3A_933 : i32
      %get3A = arith.constant 1 : i32
      %get3A_935 = arith.constant 1 : i32
      %get3A_936 = arith.index_cast %get3A : i32 to index
      %get3A_937 = arith.index_cast %get3A_935 : i32 to index
      %get3A_938 = arith.index_cast %mul3A_934 : i32 to index
      %get3A_939 = tpu.vector_load %arg5[%get3A_936, %get3A_937, %get3A_938] {strides = array<i32>} : memref<2x8x128xi32, #tpu.memory_space<vmem>>, vector<16xi32>,
      %add3A_940 = arith.constant 0 : i32
      %add3A_941 = vector.broadcast %add3A_940 : i32 to vector<16xi32>
      %add3A_942 = arith.addi %get3A_939, %add3A_941 : vector<16xi32>
      %broadcast_in_dim3A_943 = arith.constant true
      %broadcast_in_dim3A_944 = vector.broadcast %broadcast_in_dim3A_943 : i1 to vector<16xi1>
      %unique3A, %unique3A_945 = tpu.scan_count mask(%broadcast_in_dim3A_944 : vector<16xi1>) value(%add3A_942 : vector<16xi32>) : vector<16xi1>, vector<16xi32>
      tpu.vector_store_idx %arg7[%add3A_942], %unique3A_945 masked %unique3A {add = true} : memref<2048xi32, #tpu.memory_space<vmem>>[vector<16xi32>], vector<16xi32>, vector<16xi1>
    }
    %scan3A_636 = arith.constant 8 : i32
    %scan3A_637 = arith.constant 0 : i32
    %scan3A_638 = arith.constant 8 : i32
    %scan3A_639 = arith.addi %scan3A_637, %scan3A_638 : i32
    %scan3A_640 = arith.constant 1 : i32
    scf.for %scan3A_928 = %scan3A_637 to %scan3A_639 step %scan3A_640  : i32 {
      %mul3A_929 = arith.constant 1 : i32
      %mul3A_930 = arith.muli %scan3A_928, %mul3A_929 : i32
      %add3A_931 = arith.constant 0 : i32
      %add3A_932 = arith.addi %add3A_931, %mul3A_930 : i32
      %mul3A_933 = arith.constant 16 : i32
      %mul3A_934 = arith.muli %add3A_932, %mul3A_933 : i32
      %get3A = arith.constant 1 : i32
      %get3A_935 = arith.constant 2 : i32
      %get3A_936 = arith.index_cast %get3A : i32 to index
      %get3A_937 = arith.index_cast %get3A_935 : i32 to index
      %get3A_938 = arith.index_cast %mul3A_934 : i32 to index
      %get3A_939 = tpu.vector_load %arg5[%get3A_936, %get3A_937, %get3A_938] {strides = array<i32>} : memref<2x8x128xi32, #tpu.memory_space<vmem>>, vector<16xi32>,
      %add3A_940 = arith.constant 0 : i32
      %add3A_941 = vector.broadcast %add3A_940 : i32 to vector<16xi32>
      %add3A_942 = arith.addi %get3A_939, %add3A_941 : vector<16xi32>
      %broadcast_in_dim3A_943 = arith.constant true
      %broadcast_in_dim3A_944 = vector.broadcast %broadcast_in_dim3A_943 : i1 to vector<16xi1>
      %unique3A, %unique3A_945 = tpu.scan_count mask(%broadcast_in_dim3A_944 : vector<16xi1>) value(%add3A_942 : vector<16xi32>) : vector<16xi1>, vector<16xi32>
      tpu.vector_store_idx %arg7[%add3A_942], %unique3A_945 masked %unique3A {add = true} : memref<2048xi32, #tpu.memory_space<vmem>>[vector<16xi32>], vector<16xi32>, vector<16xi1>
    }
    %scan3A_641 = arith.constant 8 : i32
    %scan3A_642 = arith.constant 0 : i32
    %scan3A_643 = arith.constant 8 : i32
    %scan3A_644 = arith.addi %scan3A_642, %scan3A_643 : i32
    %scan3A_645 = arith.constant 1 : i32
    scf.for %scan3A_928 = %scan3A_642 to %scan3A_644 step %scan3A_645  : i32 {
      %mul3A_929 = arith.constant 1 : i32
      %mul3A_930 = arith.muli %scan3A_928, %mul3A_929 : i32
      %add3A_931 = arith.constant 0 : i32
      %add3A_932 = arith.addi %add3A_931, %mul3A_930 : i32
      %mul3A_933 = arith.constant 16 : i32
      %mul3A_934 = arith.muli %add3A_932, %mul3A_933 : i32
      %get3A = arith.constant 1 : i32
      %get3A_935 = arith.constant 3 : i32
      %get3A_936 = arith.index_cast %get3A : i32 to index
      %get3A_937 = arith.index_cast %get3A_935 : i32 to index
      %get3A_938 = arith.index_cast %mul3A_934 : i32 to index
      %get3A_939 = tpu.vector_load %arg5[%get3A_936, %get3A_937, %get3A_938] {strides = array<i32>} : memref<2x8x128xi32, #tpu.memory_space<vmem>>, vector<16xi32>,
      %add3A_940 = arith.constant 0 : i32
      %add3A_941 = vector.broadcast %add3A_940 : i32 to vector<16xi32>
      %add3A_942 = arith.addi %get3A_939, %add3A_941 : vector<16xi32>
      %broadcast_in_dim3A_943 = arith.constant true
      %broadcast_in_dim3A_944 = vector.broadcast %broadcast_in_dim3A_943 : i1 to vector<16xi1>
      %unique3A, %unique3A_945 = tpu.scan_count mask(%broadcast_in_dim3A_944 : vector<16xi1>) value(%add3A_942 : vector<16xi32>) : vector<16xi1>, vector<16xi32>
      tpu.vector_store_idx %arg7[%add3A_942], %unique3A_945 masked %unique3A {add = true} : memref<2048xi32, #tpu.memory_space<vmem>>[vector<16xi32>], vector<16xi32>, vector<16xi1>
    }
    %scan3A_646 = arith.constant 8 : i32
    %scan3A_647 = arith.constant 0 : i32
    %scan3A_648 = arith.constant 8 : i32
    %scan3A_649 = arith.addi %scan3A_647, %scan3A_648 : i32
    %scan3A_650 = arith.constant 1 : i32
    scf.for %scan3A_928 = %scan3A_647 to %scan3A_649 step %scan3A_650  : i32 {
      %mul3A_929 = arith.constant 1 : i32
      %mul3A_930 = arith.muli %scan3A_928, %mul3A_929 : i32
      %add3A_931 = arith.constant 0 : i32
      %add3A_932 = arith.addi %add3A_931, %mul3A_930 : i32
      %mul3A_933 = arith.constant 16 : i32
      %mul3A_934 = arith.muli %add3A_932, %mul3A_933 : i32
      %get3A = arith.constant 1 : i32
      %get3A_935 = arith.constant 4 : i32
      %get3A_936 = arith.index_cast %get3A : i32 to index
      %get3A_937 = arith.index_cast %get3A_935 : i32 to index
      %get3A_938 = arith.index_cast %mul3A_934 : i32 to index
      %get3A_939 = tpu.vector_load %arg5[%get3A_936, %get3A_937, %get3A_938] {strides = array<i32>} : memref<2x8x128xi32, #tpu.memory_space<vmem>>, vector<16xi32>,
      %add3A_940 = arith.constant 1024 : i32
      %add3A_941 = vector.broadcast %add3A_940 : i32 to vector<16xi32>
      %add3A_942 = arith.addi %get3A_939, %add3A_941 : vector<16xi32>
      %broadcast_in_dim3A_943 = arith.constant true
      %broadcast_in_dim3A_944 = vector.broadcast %broadcast_in_dim3A_943 : i1 to vector<16xi1>
      %unique3A, %unique3A_945 = tpu.scan_count mask(%broadcast_in_dim3A_944 : vector<16xi1>) value(%add3A_942 : vector<16xi32>) : vector<16xi1>, vector<16xi32>
      tpu.vector_store_idx %arg7[%add3A_942], %unique3A_945 masked %unique3A {add = true} : memref<2048xi32, #tpu.memory_space<vmem>>[vector<16xi32>], vector<16xi32>, vector<16xi1>
    }
    %scan3A_651 = arith.constant 8 : i32
    %scan3A_652 = arith.constant 0 : i32
    %scan3A_653 = arith.constant 8 : i32
    %scan3A_654 = arith.addi %scan3A_652, %scan3A_653 : i32
    %scan3A_655 = arith.constant 1 : i32
    scf.for %scan3A_928 = %scan3A_652 to %scan3A_654 step %scan3A_655  : i32 {
      %mul3A_929 = arith.constant 1 : i32
      %mul3A_930 = arith.muli %scan3A_928, %mul3A_929 : i32
      %add3A_931 = arith.constant 0 : i32
      %add3A_932 = arith.addi %add3A_931, %mul3A_930 : i32
      %mul3A_933 = arith.constant 16 : i32
      %mul3A_934 = arith.muli %add3A_932, %mul3A_933 : i32
      %get3A = arith.constant 1 : i32
      %get3A_935 = arith.constant 5 : i32
      %get3A_936 = arith.index_cast %get3A : i32 to index
      %get3A_937 = arith.index_cast %get3A_935 : i32 to index
      %get3A_938 = arith.index_cast %mul3A_934 : i32 to index
      %get3A_939 = tpu.vector_load %arg5[%get3A_936, %get3A_937, %get3A_938] {strides = array<i32>} : memref<2x8x128xi32, #tpu.memory_space<vmem>>, vector<16xi32>,
      %add3A_940 = arith.constant 1024 : i32
      %add3A_941 = vector.broadcast %add3A_940 : i32 to vector<16xi32>
      %add3A_942 = arith.addi %get3A_939, %add3A_941 : vector<16xi32>
      %broadcast_in_dim3A_943 = arith.constant true
      %broadcast_in_dim3A_944 = vector.broadcast %broadcast_in_dim3A_943 : i1 to vector<16xi1>
      %unique3A, %unique3A_945 = tpu.scan_count mask(%broadcast_in_dim3A_944 : vector<16xi1>) value(%add3A_942 : vector<16xi32>) : vector<16xi1>, vector<16xi32>
      tpu.vector_store_idx %arg7[%add3A_942], %unique3A_945 masked %unique3A {add = true} : memref<2048xi32, #tpu.memory_space<vmem>>[vector<16xi32>], vector<16xi32>, vector<16xi1>
    }
    %scan3A_656 = arith.constant 8 : i32
    %scan3A_657 = arith.constant 0 : i32
    %scan3A_658 = arith.constant 8 : i32
    %scan3A_659 = arith.addi %scan3A_657, %scan3A_658 : i32
    %scan3A_660 = arith.constant 1 : i32
    scf.for %scan3A_928 = %scan3A_657 to %scan3A_659 step %scan3A_660  : i32 {
      %mul3A_929 = arith.constant 1 : i32
      %mul3A_930 = arith.muli %scan3A_928, %mul3A_929 : i32
      %add3A_931 = arith.constant 0 : i32
      %add3A_932 = arith.addi %add3A_931, %mul3A_930 : i32
      %mul3A_933 = arith.constant 16 : i32
      %mul3A_934 = arith.muli %add3A_932, %mul3A_933 : i32
      %get3A = arith.constant 1 : i32
      %get3A_935 = arith.constant 6 : i32
      %get3A_936 = arith.index_cast %get3A : i32 to index
      %get3A_937 = arith.index_cast %get3A_935 : i32 to index
      %get3A_938 = arith.index_cast %mul3A_934 : i32 to index
      %get3A_939 = tpu.vector_load %arg5[%get3A_936, %get3A_937, %get3A_938] {strides = array<i32>} : memref<2x8x128xi32, #tpu.memory_space<vmem>>, vector<16xi32>,
      %add3A_940 = arith.constant 1024 : i32
      %add3A_941 = vector.broadcast %add3A_940 : i32 to vector<16xi32>
      %add3A_942 = arith.addi %get3A_939, %add3A_941 : vector<16xi32>
      %broadcast_in_dim3A_943 = arith.constant true
      %broadcast_in_dim3A_944 = vector.broadcast %broadcast_in_dim3A_943 : i1 to vector<16xi1>
      %unique3A, %unique3A_945 = tpu.scan_count mask(%broadcast_in_dim3A_944 : vector<16xi1>) value(%add3A_942 : vector<16xi32>) : vector<16xi1>, vector<16xi32>
      tpu.vector_store_idx %arg7[%add3A_942], %unique3A_945 masked %unique3A {add = true} : memref<2048xi32, #tpu.memory_space<vmem>>[vector<16xi32>], vector<16xi32>, vector<16xi1>
    }
    %scan3A_661 = arith.constant 8 : i32
    %scan3A_662 = arith.constant 0 : i32
    %scan3A_663 = arith.constant 8 : i32
    %scan3A_664 = arith.addi %scan3A_662, %scan3A_663 : i32
    %scan3A_665 = arith.constant 1 : i32
    scf.for %scan3A_928 = %scan3A_662 to %scan3A_664 step %scan3A_665  : i32 {
      %mul3A_929 = arith.constant 1 : i32
      %mul3A_930 = arith.muli %scan3A_928, %mul3A_929 : i32
      %add3A_931 = arith.constant 0 : i32
      %add3A_932 = arith.addi %add3A_931, %mul3A_930 : i32
      %mul3A_933 = arith.constant 16 : i32
      %mul3A_934 = arith.muli %add3A_932, %mul3A_933 : i32
      %get3A = arith.constant 1 : i32
      %get3A_935 = arith.constant 7 : i32
      %get3A_936 = arith.index_cast %get3A : i32 to index
      %get3A_937 = arith.index_cast %get3A_935 : i32 to index
      %get3A_938 = arith.index_cast %mul3A_934 : i32 to index
      %get3A_939 = tpu.vector_load %arg5[%get3A_936, %get3A_937, %get3A_938] {strides = array<i32>} : memref<2x8x128xi32, #tpu.memory_space<vmem>>, vector<16xi32>,
      %add3A_940 = arith.constant 1024 : i32
      %add3A_941 = vector.broadcast %add3A_940 : i32 to vector<16xi32>
      %add3A_942 = arith.addi %get3A_939, %add3A_941 : vector<16xi32>
      %broadcast_in_dim3A_943 = arith.constant true
      %broadcast_in_dim3A_944 = vector.broadcast %broadcast_in_dim3A_943 : i1 to vector<16xi1>
      %unique3A, %unique3A_945 = tpu.scan_count mask(%broadcast_in_dim3A_944 : vector<16xi1>) value(%add3A_942 : vector<16xi32>) : vector<16xi1>, vector<16xi32>
      tpu.vector_store_idx %arg7[%add3A_942], %unique3A_945 masked %unique3A {add = true} : memref<2048xi32, #tpu.memory_space<vmem>>[vector<16xi32>], vector<16xi32>, vector<16xi1>
    }
    %scan3A_666 = arith.constant 8 : i32
    %broadcast_in_dim3A_667 = vector.broadcast %add3A_604 : i32 to vector<16xi32>
    %gather3A_668 = tpu.vector_load_idx %arg6[%broadcast_in_dim3A_667] : memref<256xi32, #tpu.memory_space<vmem>>[vector<16xi32>], vector<16xi32>,
    %add3A_669 = arith.constant 128 : i32
    %add3A_670 = vector.broadcast %add3A_669 : i32 to vector<16xi32>
    %add3A_671 = arith.addi %broadcast_in_dim3A_667, %add3A_670 : vector<16xi32>
    %gather3A_672 = tpu.vector_load_idx %arg6[%add3A_671] : memref<256xi32, #tpu.memory_space<vmem>>[vector<16xi32>], vector<16xi32>,
    %add3A_673 = arith.constant 1024 : i32
    %add3A_674 = vector.broadcast %add3A_673 : i32 to vector<16xi32>
    %add3A_675 = arith.addi %gather3A_668, %add3A_674 : vector<16xi32>
    %gather3A_676 = tpu.vector_load_idx %arg7[%add3A_675] : memref<2048xi32, #tpu.memory_space<vmem>>[vector<16xi32>], vector<16xi32>,
    %gather3A_677 = tpu.vector_load_idx %arg7[%gather3A_672] : memref<2048xi32, #tpu.memory_space<vmem>>[vector<16xi32>], vector<16xi32>,
    %eq3A_678 = arith.cmpi eq, %gather3A_668, %gather3A_672 : vector<16xi32>
    %gt3A_679 = arith.constant 0 : i32
    %gt3A_680 = vector.broadcast %gt3A_679 : i32 to vector<16xi32>
    %gt3A_681 = arith.cmpi sgt, %gather3A_676, %gt3A_680 : vector<16xi32>
    %and3A_682 = arith.andi %eq3A_678, %gt3A_681 : vector<16xi1>
    %select_n3A_683 = arith.select %and3A_682, %gather3A_676, %gather3A_677 : vector<16xi1>, vector<16xi32>
    %dma_wait3A_684 = arith.constant 1 : i32
    %dma_wait3A_685 = arith.constant 0 : i32
    %dma_wait3A_686 = arith.constant 0 : i32
    %dma_wait3A_687 = tpu.memref_slice %arg8[%dma_wait3A_684, %dma_wait3A_686] : memref<2x2048xf32, #tpu.memory_space<vmem>> -> memref<1x512xf32, #tpu.memory_space<vmem>>
    %dma_wait3A_688 = tpu.memref_squeeze %dma_wait3A_687 : memref<1x512xf32, #tpu.memory_space<vmem>> -> memref<512xf32, #tpu.memory_space<vmem>>
    %dma_wait3A_689 = arith.constant 0 : i32
    %dma_wait3A_690 = tpu.memref_slice %arg4[%dma_wait3A_685, %add3A_192, %dma_wait3A_689] : memref<4x128x512xf32, #tpu.memory_space<hbm>> -> memref<1x1x512xf32, #tpu.memory_space<hbm>>
    %dma_wait3A_691 = tpu.memref_squeeze %dma_wait3A_690 : memref<1x1x512xf32, #tpu.memory_space<hbm>> -> memref<512xf32, #tpu.memory_space<hbm>>
    %dma_wait3A_692 = arith.constant 0 : i32
    %dma_wait3A_693 = tpu.memref_slice %arg4[%dma_wait3A_685, %add3A_192, %dma_wait3A_692] : memref<4x128x512xf32, #tpu.memory_space<hbm>> -> memref<1x1x512xf32, #tpu.memory_space<hbm>>
    %dma_wait3A_694 = tpu.memref_squeeze %dma_wait3A_693 : memref<1x1x512xf32, #tpu.memory_space<hbm>> -> memref<512xf32, #tpu.memory_space<hbm>>
    %dma_wait3A_695 = arith.constant 0 : i32
    %dma_wait3A_696 = tpu.memref_slice %arg8[%dma_wait3A_684, %dma_wait3A_695] : memref<2x2048xf32, #tpu.memory_space<vmem>> -> memref<1x512xf32, #tpu.memory_space<vmem>>
    %dma_wait3A_697 = tpu.memref_squeeze %dma_wait3A_696 : memref<1x512xf32, #tpu.memory_space<vmem>> -> memref<512xf32, #tpu.memory_space<vmem>>
    tpu.wait_dma2 semaphore(%arg10 : memref<!tpu.dma_semaphore, #tpu.memory_space<semaphore_mem>>) src(%dma_wait3A_697 : memref<512xf32, #tpu.memory_space<vmem>>) dst(%dma_wait3A_694 : memref<512xf32, #tpu.memory_space<hbm>>)
    %dma_wait3A_698 = arith.constant 1 : i32
    %dma_wait3A_699 = arith.constant 1 : i32
    %dma_wait3A_700 = arith.constant 512 : i32
    %dma_wait3A_701 = tpu.memref_slice %arg8[%dma_wait3A_698, %dma_wait3A_700] : memref<2x2048xf32, #tpu.memory_space<vmem>> -> memref<1x512xf32, #tpu.memory_space<vmem>>
    %dma_wait3A_702 = tpu.memref_squeeze %dma_wait3A_701 : memref<1x512xf32, #tpu.memory_space<vmem>> -> memref<512xf32, #tpu.memory_space<vmem>>
    %dma_wait3A_703 = arith.constant 0 : i32
    %dma_wait3A_704 = tpu.memref_slice %arg4[%dma_wait3A_699, %add3A_192, %dma_wait3A_703] : memref<4x128x512xf32, #tpu.memory_space<hbm>> -> memref<1x1x512xf32, #tpu.memory_space<hbm>>
    %dma_wait3A_705 = tpu.memref_squeeze %dma_wait3A_704 : memref<1x1x512xf32, #tpu.memory_space<hbm>> -> memref<512xf32, #tpu.memory_space<hbm>>
    %dma_wait3A_706 = arith.constant 0 : i32
    %dma_wait3A_707 = tpu.memref_slice %arg4[%dma_wait3A_699, %add3A_192, %dma_wait3A_706] : memref<4x128x512xf32, #tpu.memory_space<hbm>> -> memref<1x1x512xf32, #tpu.memory_space<hbm>>
    %dma_wait3A_708 = tpu.memref_squeeze %dma_wait3A_707 : memref<1x1x512xf32, #tpu.memory_space<hbm>> -> memref<512xf32, #tpu.memory_space<hbm>>
    %dma_wait3A_709 = arith.constant 512 : i32
    %dma_wait3A_710 = tpu.memref_slice %arg8[%dma_wait3A_698, %dma_wait3A_709] : memref<2x2048xf32, #tpu.memory_space<vmem>> -> memref<1x512xf32, #tpu.memory_space<vmem>>
    %dma_wait3A_711 = tpu.memref_squeeze %dma_wait3A_710 : memref<1x512xf32, #tpu.memory_space<vmem>> -> memref<512xf32, #tpu.memory_space<vmem>>
    tpu.wait_dma2 semaphore(%arg10 : memref<!tpu.dma_semaphore, #tpu.memory_space<semaphore_mem>>) src(%dma_wait3A_711 : memref<512xf32, #tpu.memory_space<vmem>>) dst(%dma_wait3A_708 : memref<512xf32, #tpu.memory_space<hbm>>)
    %dma_wait3A_712 = arith.constant 1 : i32
    %dma_wait3A_713 = arith.constant 2 : i32
    %dma_wait3A_714 = arith.constant 1024 : i32
    %dma_wait3A_715 = tpu.memref_slice %arg8[%dma_wait3A_712, %dma_wait3A_714] : memref<2x2048xf32, #tpu.memory_space<vmem>> -> memref<1x512xf32, #tpu.memory_space<vmem>>
    %dma_wait3A_716 = tpu.memref_squeeze %dma_wait3A_715 : memref<1x512xf32, #tpu.memory_space<vmem>> -> memref<512xf32, #tpu.memory_space<vmem>>
    %dma_wait3A_717 = arith.constant 0 : i32
    %dma_wait3A_718 = tpu.memref_slice %arg4[%dma_wait3A_713, %add3A_192, %dma_wait3A_717] : memref<4x128x512xf32, #tpu.memory_space<hbm>> -> memref<1x1x512xf32, #tpu.memory_space<hbm>>
    %dma_wait3A_719 = tpu.memref_squeeze %dma_wait3A_718 : memref<1x1x512xf32, #tpu.memory_space<hbm>> -> memref<512xf32, #tpu.memory_space<hbm>>
    %dma_wait3A_720 = arith.constant 0 : i32
    %dma_wait3A_721 = tpu.memref_slice %arg4[%dma_wait3A_713, %add3A_192, %dma_wait3A_720] : memref<4x128x512xf32, #tpu.memory_space<hbm>> -> memref<1x1x512xf32, #tpu.memory_space<hbm>>
    %dma_wait3A_722 = tpu.memref_squeeze %dma_wait3A_721 : memref<1x1x512xf32, #tpu.memory_space<hbm>> -> memref<512xf32, #tpu.memory_space<hbm>>
    %dma_wait3A_723 = arith.constant 1024 : i32
    %dma_wait3A_724 = tpu.memref_slice %arg8[%dma_wait3A_712, %dma_wait3A_723] : memref<2x2048xf32, #tpu.memory_space<vmem>> -> memref<1x512xf32, #tpu.memory_space<vmem>>
    %dma_wait3A_725 = tpu.memref_squeeze %dma_wait3A_724 : memref<1x512xf32, #tpu.memory_space<vmem>> -> memref<512xf32, #tpu.memory_space<vmem>>
    tpu.wait_dma2 semaphore(%arg10 : memref<!tpu.dma_semaphore, #tpu.memory_space<semaphore_mem>>) src(%dma_wait3A_725 : memref<512xf32, #tpu.memory_space<vmem>>) dst(%dma_wait3A_722 : memref<512xf32, #tpu.memory_space<hbm>>)
    %dma_wait3A_726 = arith.constant 1 : i32
    %dma_wait3A_727 = arith.constant 3 : i32
    %dma_wait3A_728 = arith.constant 1536 : i32
    %dma_wait3A_729 = tpu.memref_slice %arg8[%dma_wait3A_726, %dma_wait3A_728] : memref<2x2048xf32, #tpu.memory_space<vmem>> -> memref<1x512xf32, #tpu.memory_space<vmem>>
    %dma_wait3A_730 = tpu.memref_squeeze %dma_wait3A_729 : memref<1x512xf32, #tpu.memory_space<vmem>> -> memref<512xf32, #tpu.memory_space<vmem>>
    %dma_wait3A_731 = arith.constant 0 : i32
    %dma_wait3A_732 = tpu.memref_slice %arg4[%dma_wait3A_727, %add3A_192, %dma_wait3A_731] : memref<4x128x512xf32, #tpu.memory_space<hbm>> -> memref<1x1x512xf32, #tpu.memory_space<hbm>>
    %dma_wait3A_733 = tpu.memref_squeeze %dma_wait3A_732 : memref<1x1x512xf32, #tpu.memory_space<hbm>> -> memref<512xf32, #tpu.memory_space<hbm>>
    %dma_wait3A_734 = arith.constant 0 : i32
    %dma_wait3A_735 = tpu.memref_slice %arg4[%dma_wait3A_727, %add3A_192, %dma_wait3A_734] : memref<4x128x512xf32, #tpu.memory_space<hbm>> -> memref<1x1x512xf32, #tpu.memory_space<hbm>>
    %dma_wait3A_736 = tpu.memref_squeeze %dma_wait3A_735 : memref<1x1x512xf32, #tpu.memory_space<hbm>> -> memref<512xf32, #tpu.memory_space<hbm>>
    %dma_wait3A_737 = arith.constant 1536 : i32
    %dma_wait3A_738 = tpu.memref_slice %arg8[%dma_wait3A_726, %dma_wait3A_737] : memref<2x2048xf32, #tpu.memory_space<vmem>> -> memref<1x512xf32, #tpu.memory_space<vmem>>
    %dma_wait3A_739 = tpu.memref_squeeze %dma_wait3A_738 : memref<1x512xf32, #tpu.memory_space<vmem>> -> memref<512xf32, #tpu.memory_space<vmem>>
    tpu.wait_dma2 semaphore(%arg10 : memref<!tpu.dma_semaphore, #tpu.memory_space<semaphore_mem>>) src(%dma_wait3A_739 : memref<512xf32, #tpu.memory_space<vmem>>) dst(%dma_wait3A_736 : memref<512xf32, #tpu.memory_space<hbm>>)
    %scan3A_740 = arith.constant 0 : i32
    %scan3A_741 = arith.constant 8 : i32
    %scan3A_742 = arith.addi %scan3A_740, %scan3A_741 : i32
    %scan3A_743 = arith.constant 1 : i32
    scf.for %scan3A_928 = %scan3A_740 to %scan3A_742 step %scan3A_743  : i32 {
      %mul3A_929 = arith.constant 1 : i32
      %mul3A_930 = arith.muli %scan3A_928, %mul3A_929 : i32
      %add3A_931 = arith.constant 0 : i32
      %add3A_932 = arith.addi %add3A_931, %mul3A_930 : i32
      %mul3A_933 = arith.constant 16 : i32
      %mul3A_934 = arith.muli %add3A_932, %mul3A_933 : i32
      %add3A_935 = arith.constant 0 : i32
      %add3A_936 = arith.addi %add3A_935, %mul3A_934 : i32
      %mul3A_937 = arith.constant 16 : i32
      %mul3A_938 = arith.muli %add3A_932, %mul3A_937 : i32
      %get3A = arith.constant 1 : i32
      %get3A_939 = arith.constant 0 : i32
      %get3A_940 = arith.index_cast %get3A : i32 to index
      %get3A_941 = arith.index_cast %get3A_939 : i32 to index
      %get3A_942 = arith.index_cast %mul3A_938 : i32 to index
      %get3A_943 = tpu.vector_load %arg5[%get3A_940, %get3A_941, %get3A_942] {strides = array<i32>} : memref<2x8x128xi32, #tpu.memory_space<vmem>>, vector<16xi32>,
      %gather3A_944 = tpu.vector_load_idx %arg7[%get3A_943] : memref<2048xi32, #tpu.memory_space<vmem>>[vector<16xi32>], vector<16xi32>,
      %add3A_945 = arith.constant 1024 : i32
      %add3A_946 = vector.broadcast %add3A_945 : i32 to vector<16xi32>
      %add3A_947 = arith.addi %get3A_943, %add3A_946 : vector<16xi32>
      %gather3A_948 = tpu.vector_load_idx %arg7[%add3A_947] : memref<2048xi32, #tpu.memory_space<vmem>>[vector<16xi32>], vector<16xi32>,
      %eq3A_949 = arith.cmpi eq, %get3A_943, %gather3A_672 : vector<16xi32>
      %select_n3A_950 = arith.select %eq3A_949, %select_n3A_683, %gather3A_948 : vector<16xi1>, vector<16xi32>
      %convert_element_type3A = arith.sitofp %gather3A_944 : vector<16xi32> to vector<16xf32>
      %swap3A = arith.constant 1 : i32
      %swap3A_951 = arith.index_cast %swap3A : i32 to index
      %swap3A_952 = arith.index_cast %add3A_936 : i32 to index
      %swap3A_953 = tpu.vector_load %arg8[%swap3A_951, %swap3A_952] {strides = array<i32>} : memref<2x2048xf32, #tpu.memory_space<vmem>>, vector<16xf32>,
      tpu.vector_store %arg8[%swap3A_951, %swap3A_952], %convert_element_type3A {strides = array<i32>} : memref<2x2048xf32, #tpu.memory_space<vmem>>, vector<16xf32>,
      %convert_element_type3A_954 = arith.sitofp %select_n3A_950 : vector<16xi32> to vector<16xf32>
      %add3A_955 = arith.constant 512 : i32
      %add3A_956 = arith.addi %add3A_955, %add3A_936 : i32
      %swap3A_957 = arith.constant 1 : i32
      %swap3A_958 = arith.index_cast %swap3A_957 : i32 to index
      %swap3A_959 = arith.index_cast %add3A_956 : i32 to index
      %swap3A_960 = tpu.vector_load %arg8[%swap3A_958, %swap3A_959] {strides = array<i32>} : memref<2x2048xf32, #tpu.memory_space<vmem>>, vector<16xf32>,
      tpu.vector_store %arg8[%swap3A_958, %swap3A_959], %convert_element_type3A_954 {strides = array<i32>} : memref<2x2048xf32, #tpu.memory_space<vmem>>, vector<16xf32>,
      %mul3A_961 = arith.constant 16 : i32
      %mul3A_962 = arith.muli %add3A_932, %mul3A_961 : i32
      %get3A_963 = arith.constant 1 : i32
      %get3A_964 = arith.constant 4 : i32
      %get3A_965 = arith.index_cast %get3A_963 : i32 to index
      %get3A_966 = arith.index_cast %get3A_964 : i32 to index
      %get3A_967 = arith.index_cast %mul3A_962 : i32 to index
      %get3A_968 = tpu.vector_load %arg5[%get3A_965, %get3A_966, %get3A_967] {strides = array<i32>} : memref<2x8x128xi32, #tpu.memory_space<vmem>>, vector<16xi32>,
      %add3A_969 = arith.constant 1024 : i32
      %add3A_970 = vector.broadcast %add3A_969 : i32 to vector<16xi32>
      %add3A_971 = arith.addi %get3A_968, %add3A_970 : vector<16xi32>
      %gather3A_972 = tpu.vector_load_idx %arg7[%add3A_971] : memref<2048xi32, #tpu.memory_space<vmem>>[vector<16xi32>], vector<16xi32>,
      %gather3A_973 = tpu.vector_load_idx %arg7[%get3A_968] : memref<2048xi32, #tpu.memory_space<vmem>>[vector<16xi32>], vector<16xi32>,
      %eq3A_974 = arith.cmpi eq, %get3A_968, %gather3A_668 : vector<16xi32>
      %select_n3A_975 = arith.select %eq3A_974, %gather3A_676, %gather3A_973 : vector<16xi1>, vector<16xi32>
      %convert_element_type3A_976 = arith.sitofp %select_n3A_975 : vector<16xi32> to vector<16xf32>
      %add3A_977 = arith.constant 1024 : i32
      %add3A_978 = arith.addi %add3A_977, %add3A_936 : i32
      %swap3A_979 = arith.constant 1 : i32
      %swap3A_980 = arith.index_cast %swap3A_979 : i32 to index
      %swap3A_981 = arith.index_cast %add3A_978 : i32 to index
      %swap3A_982 = tpu.vector_load %arg8[%swap3A_980, %swap3A_981] {strides = array<i32>} : memref<2x2048xf32, #tpu.memory_space<vmem>>, vector<16xf32>,
      tpu.vector_store %arg8[%swap3A_980, %swap3A_981], %convert_element_type3A_976 {strides = array<i32>} : memref<2x2048xf32, #tpu.memory_space<vmem>>, vector<16xf32>,
      %convert_element_type3A_983 = arith.sitofp %gather3A_972 : vector<16xi32> to vector<16xf32>
      %add3A_984 = arith.constant 1536 : i32
      %add3A_985 = arith.addi %add3A_984, %add3A_936 : i32
      %swap3A_986 = arith.constant 1 : i32
      %swap3A_987 = arith.index_cast %swap3A_986 : i32 to index
      %swap3A_988 = arith.index_cast %add3A_985 : i32 to index
      %swap3A_989 = tpu.vector_load %arg8[%swap3A_987, %swap3A_988] {strides = array<i32>} : memref<2x2048xf32, #tpu.memory_space<vmem>>, vector<16xf32>,
      tpu.vector_store %arg8[%swap3A_987, %swap3A_988], %convert_element_type3A_983 {strides = array<i32>} : memref<2x2048xf32, #tpu.memory_space<vmem>>, vector<16xf32>,
    }
    %scan3A_744 = arith.constant 8 : i32
    %scan3A_745 = arith.constant 0 : i32
    %scan3A_746 = arith.constant 8 : i32
    %scan3A_747 = arith.addi %scan3A_745, %scan3A_746 : i32
    %scan3A_748 = arith.constant 1 : i32
    scf.for %scan3A_928 = %scan3A_745 to %scan3A_747 step %scan3A_748  : i32 {
      %mul3A_929 = arith.constant 1 : i32
      %mul3A_930 = arith.muli %scan3A_928, %mul3A_929 : i32
      %add3A_931 = arith.constant 0 : i32
      %add3A_932 = arith.addi %add3A_931, %mul3A_930 : i32
      %mul3A_933 = arith.constant 16 : i32
      %mul3A_934 = arith.muli %add3A_932, %mul3A_933 : i32
      %add3A_935 = arith.constant 128 : i32
      %add3A_936 = arith.addi %add3A_935, %mul3A_934 : i32
      %mul3A_937 = arith.constant 16 : i32
      %mul3A_938 = arith.muli %add3A_932, %mul3A_937 : i32
      %get3A = arith.constant 1 : i32
      %get3A_939 = arith.constant 1 : i32
      %get3A_940 = arith.index_cast %get3A : i32 to index
      %get3A_941 = arith.index_cast %get3A_939 : i32 to index
      %get3A_942 = arith.index_cast %mul3A_938 : i32 to index
      %get3A_943 = tpu.vector_load %arg5[%get3A_940, %get3A_941, %get3A_942] {strides = array<i32>} : memref<2x8x128xi32, #tpu.memory_space<vmem>>, vector<16xi32>,
      %gather3A_944 = tpu.vector_load_idx %arg7[%get3A_943] : memref<2048xi32, #tpu.memory_space<vmem>>[vector<16xi32>], vector<16xi32>,
      %add3A_945 = arith.constant 1024 : i32
      %add3A_946 = vector.broadcast %add3A_945 : i32 to vector<16xi32>
      %add3A_947 = arith.addi %get3A_943, %add3A_946 : vector<16xi32>
      %gather3A_948 = tpu.vector_load_idx %arg7[%add3A_947] : memref<2048xi32, #tpu.memory_space<vmem>>[vector<16xi32>], vector<16xi32>,
      %eq3A_949 = arith.cmpi eq, %get3A_943, %gather3A_672 : vector<16xi32>
      %select_n3A_950 = arith.select %eq3A_949, %select_n3A_683, %gather3A_948 : vector<16xi1>, vector<16xi32>
      %convert_element_type3A = arith.sitofp %gather3A_944 : vector<16xi32> to vector<16xf32>
      %swap3A = arith.constant 1 : i32
      %swap3A_951 = arith.index_cast %swap3A : i32 to index
      %swap3A_952 = arith.index_cast %add3A_936 : i32 to index
      %swap3A_953 = tpu.vector_load %arg8[%swap3A_951, %swap3A_952] {strides = array<i32>} : memref<2x2048xf32, #tpu.memory_space<vmem>>, vector<16xf32>,
      tpu.vector_store %arg8[%swap3A_951, %swap3A_952], %convert_element_type3A {strides = array<i32>} : memref<2x2048xf32, #tpu.memory_space<vmem>>, vector<16xf32>,
      %convert_element_type3A_954 = arith.sitofp %select_n3A_950 : vector<16xi32> to vector<16xf32>
      %add3A_955 = arith.constant 512 : i32
      %add3A_956 = arith.addi %add3A_955, %add3A_936 : i32
      %swap3A_957 = arith.constant 1 : i32
      %swap3A_958 = arith.index_cast %swap3A_957 : i32 to index
      %swap3A_959 = arith.index_cast %add3A_956 : i32 to index
      %swap3A_960 = tpu.vector_load %arg8[%swap3A_958, %swap3A_959] {strides = array<i32>} : memref<2x2048xf32, #tpu.memory_space<vmem>>, vector<16xf32>,
      tpu.vector_store %arg8[%swap3A_958, %swap3A_959], %convert_element_type3A_954 {strides = array<i32>} : memref<2x2048xf32, #tpu.memory_space<vmem>>, vector<16xf32>,
      %mul3A_961 = arith.constant 16 : i32
      %mul3A_962 = arith.muli %add3A_932, %mul3A_961 : i32
      %get3A_963 = arith.constant 1 : i32
      %get3A_964 = arith.constant 5 : i32
      %get3A_965 = arith.index_cast %get3A_963 : i32 to index
      %get3A_966 = arith.index_cast %get3A_964 : i32 to index
      %get3A_967 = arith.index_cast %mul3A_962 : i32 to index
      %get3A_968 = tpu.vector_load %arg5[%get3A_965, %get3A_966, %get3A_967] {strides = array<i32>} : memref<2x8x128xi32, #tpu.memory_space<vmem>>, vector<16xi32>,
      %add3A_969 = arith.constant 1024 : i32
      %add3A_970 = vector.broadcast %add3A_969 : i32 to vector<16xi32>
      %add3A_971 = arith.addi %get3A_968, %add3A_970 : vector<16xi32>
      %gather3A_972 = tpu.vector_load_idx %arg7[%add3A_971] : memref<2048xi32, #tpu.memory_space<vmem>>[vector<16xi32>], vector<16xi32>,
      %gather3A_973 = tpu.vector_load_idx %arg7[%get3A_968] : memref<2048xi32, #tpu.memory_space<vmem>>[vector<16xi32>], vector<16xi32>,
      %eq3A_974 = arith.cmpi eq, %get3A_968, %gather3A_668 : vector<16xi32>
      %select_n3A_975 = arith.select %eq3A_974, %gather3A_676, %gather3A_973 : vector<16xi1>, vector<16xi32>
      %convert_element_type3A_976 = arith.sitofp %select_n3A_975 : vector<16xi32> to vector<16xf32>
      %add3A_977 = arith.constant 1024 : i32
      %add3A_978 = arith.addi %add3A_977, %add3A_936 : i32
      %swap3A_979 = arith.constant 1 : i32
      %swap3A_980 = arith.index_cast %swap3A_979 : i32 to index
      %swap3A_981 = arith.index_cast %add3A_978 : i32 to index
      %swap3A_982 = tpu.vector_load %arg8[%swap3A_980, %swap3A_981] {strides = array<i32>} : memref<2x2048xf32, #tpu.memory_space<vmem>>, vector<16xf32>,
      tpu.vector_store %arg8[%swap3A_980, %swap3A_981], %convert_element_type3A_976 {strides = array<i32>} : memref<2x2048xf32, #tpu.memory_space<vmem>>, vector<16xf32>,
      %convert_element_type3A_983 = arith.sitofp %gather3A_972 : vector<16xi32> to vector<16xf32>
      %add3A_984 = arith.constant 1536 : i32
      %add3A_985 = arith.addi %add3A_984, %add3A_936 : i32
      %swap3A_986 = arith.constant 1 : i32
      %swap3A_987 = arith.index_cast %swap3A_986 : i32 to index
      %swap3A_988 = arith.index_cast %add3A_985 : i32 to index
      %swap3A_989 = tpu.vector_load %arg8[%swap3A_987, %swap3A_988] {strides = array<i32>} : memref<2x2048xf32, #tpu.memory_space<vmem>>, vector<16xf32>,
      tpu.vector_store %arg8[%swap3A_987, %swap3A_988], %convert_element_type3A_983 {strides = array<i32>} : memref<2x2048xf32, #tpu.memory_space<vmem>>, vector<16xf32>,
    }
    %scan3A_749 = arith.constant 8 : i32
    %scan3A_750 = arith.constant 0 : i32
    %scan3A_751 = arith.constant 8 : i32
    %scan3A_752 = arith.addi %scan3A_750, %scan3A_751 : i32
    %scan3A_753 = arith.constant 1 : i32
    scf.for %scan3A_928 = %scan3A_750 to %scan3A_752 step %scan3A_753  : i32 {
      %mul3A_929 = arith.constant 1 : i32
      %mul3A_930 = arith.muli %scan3A_928, %mul3A_929 : i32
      %add3A_931 = arith.constant 0 : i32
      %add3A_932 = arith.addi %add3A_931, %mul3A_930 : i32
      %mul3A_933 = arith.constant 16 : i32
      %mul3A_934 = arith.muli %add3A_932, %mul3A_933 : i32
      %add3A_935 = arith.constant 256 : i32
      %add3A_936 = arith.addi %add3A_935, %mul3A_934 : i32
      %mul3A_937 = arith.constant 16 : i32
      %mul3A_938 = arith.muli %add3A_932, %mul3A_937 : i32
      %get3A = arith.constant 1 : i32
      %get3A_939 = arith.constant 2 : i32
      %get3A_940 = arith.index_cast %get3A : i32 to index
      %get3A_941 = arith.index_cast %get3A_939 : i32 to index
      %get3A_942 = arith.index_cast %mul3A_938 : i32 to index
      %get3A_943 = tpu.vector_load %arg5[%get3A_940, %get3A_941, %get3A_942] {strides = array<i32>} : memref<2x8x128xi32, #tpu.memory_space<vmem>>, vector<16xi32>,
      %gather3A_944 = tpu.vector_load_idx %arg7[%get3A_943] : memref<2048xi32, #tpu.memory_space<vmem>>[vector<16xi32>], vector<16xi32>,
      %add3A_945 = arith.constant 1024 : i32
      %add3A_946 = vector.broadcast %add3A_945 : i32 to vector<16xi32>
      %add3A_947 = arith.addi %get3A_943, %add3A_946 : vector<16xi32>
      %gather3A_948 = tpu.vector_load_idx %arg7[%add3A_947] : memref<2048xi32, #tpu.memory_space<vmem>>[vector<16xi32>], vector<16xi32>,
      %eq3A_949 = arith.cmpi eq, %get3A_943, %gather3A_672 : vector<16xi32>
      %select_n3A_950 = arith.select %eq3A_949, %select_n3A_683, %gather3A_948 : vector<16xi1>, vector<16xi32>
      %convert_element_type3A = arith.sitofp %gather3A_944 : vector<16xi32> to vector<16xf32>
      %swap3A = arith.constant 1 : i32
      %swap3A_951 = arith.index_cast %swap3A : i32 to index
      %swap3A_952 = arith.index_cast %add3A_936 : i32 to index
      %swap3A_953 = tpu.vector_load %arg8[%swap3A_951, %swap3A_952] {strides = array<i32>} : memref<2x2048xf32, #tpu.memory_space<vmem>>, vector<16xf32>,
      tpu.vector_store %arg8[%swap3A_951, %swap3A_952], %convert_element_type3A {strides = array<i32>} : memref<2x2048xf32, #tpu.memory_space<vmem>>, vector<16xf32>,
      %convert_element_type3A_954 = arith.sitofp %select_n3A_950 : vector<16xi32> to vector<16xf32>
      %add3A_955 = arith.constant 512 : i32
      %add3A_956 = arith.addi %add3A_955, %add3A_936 : i32
      %swap3A_957 = arith.constant 1 : i32
      %swap3A_958 = arith.index_cast %swap3A_957 : i32 to index
      %swap3A_959 = arith.index_cast %add3A_956 : i32 to index
      %swap3A_960 = tpu.vector_load %arg8[%swap3A_958, %swap3A_959] {strides = array<i32>} : memref<2x2048xf32, #tpu.memory_space<vmem>>, vector<16xf32>,
      tpu.vector_store %arg8[%swap3A_958, %swap3A_959], %convert_element_type3A_954 {strides = array<i32>} : memref<2x2048xf32, #tpu.memory_space<vmem>>, vector<16xf32>,
      %mul3A_961 = arith.constant 16 : i32
      %mul3A_962 = arith.muli %add3A_932, %mul3A_961 : i32
      %get3A_963 = arith.constant 1 : i32
      %get3A_964 = arith.constant 6 : i32
      %get3A_965 = arith.index_cast %get3A_963 : i32 to index
      %get3A_966 = arith.index_cast %get3A_964 : i32 to index
      %get3A_967 = arith.index_cast %mul3A_962 : i32 to index
      %get3A_968 = tpu.vector_load %arg5[%get3A_965, %get3A_966, %get3A_967] {strides = array<i32>} : memref<2x8x128xi32, #tpu.memory_space<vmem>>, vector<16xi32>,
      %add3A_969 = arith.constant 1024 : i32
      %add3A_970 = vector.broadcast %add3A_969 : i32 to vector<16xi32>
      %add3A_971 = arith.addi %get3A_968, %add3A_970 : vector<16xi32>
      %gather3A_972 = tpu.vector_load_idx %arg7[%add3A_971] : memref<2048xi32, #tpu.memory_space<vmem>>[vector<16xi32>], vector<16xi32>,
      %gather3A_973 = tpu.vector_load_idx %arg7[%get3A_968] : memref<2048xi32, #tpu.memory_space<vmem>>[vector<16xi32>], vector<16xi32>,
      %eq3A_974 = arith.cmpi eq, %get3A_968, %gather3A_668 : vector<16xi32>
      %select_n3A_975 = arith.select %eq3A_974, %gather3A_676, %gather3A_973 : vector<16xi1>, vector<16xi32>
      %convert_element_type3A_976 = arith.sitofp %select_n3A_975 : vector<16xi32> to vector<16xf32>
      %add3A_977 = arith.constant 1024 : i32
      %add3A_978 = arith.addi %add3A_977, %add3A_936 : i32
      %swap3A_979 = arith.constant 1 : i32
      %swap3A_980 = arith.index_cast %swap3A_979 : i32 to index
      %swap3A_981 = arith.index_cast %add3A_978 : i32 to index
      %swap3A_982 = tpu.vector_load %arg8[%swap3A_980, %swap3A_981] {strides = array<i32>} : memref<2x2048xf32, #tpu.memory_space<vmem>>, vector<16xf32>,
      tpu.vector_store %arg8[%swap3A_980, %swap3A_981], %convert_element_type3A_976 {strides = array<i32>} : memref<2x2048xf32, #tpu.memory_space<vmem>>, vector<16xf32>,
      %convert_element_type3A_983 = arith.sitofp %gather3A_972 : vector<16xi32> to vector<16xf32>
      %add3A_984 = arith.constant 1536 : i32
      %add3A_985 = arith.addi %add3A_984, %add3A_936 : i32
      %swap3A_986 = arith.constant 1 : i32
      %swap3A_987 = arith.index_cast %swap3A_986 : i32 to index
      %swap3A_988 = arith.index_cast %add3A_985 : i32 to index
      %swap3A_989 = tpu.vector_load %arg8[%swap3A_987, %swap3A_988] {strides = array<i32>} : memref<2x2048xf32, #tpu.memory_space<vmem>>, vector<16xf32>,
      tpu.vector_store %arg8[%swap3A_987, %swap3A_988], %convert_element_type3A_983 {strides = array<i32>} : memref<2x2048xf32, #tpu.memory_space<vmem>>, vector<16xf32>,
    }
    %scan3A_754 = arith.constant 8 : i32
    %scan3A_755 = arith.constant 0 : i32
    %scan3A_756 = arith.constant 8 : i32
    %scan3A_757 = arith.addi %scan3A_755, %scan3A_756 : i32
    %scan3A_758 = arith.constant 1 : i32
    scf.for %scan3A_928 = %scan3A_755 to %scan3A_757 step %scan3A_758  : i32 {
      %mul3A_929 = arith.constant 1 : i32
      %mul3A_930 = arith.muli %scan3A_928, %mul3A_929 : i32
      %add3A_931 = arith.constant 0 : i32
      %add3A_932 = arith.addi %add3A_931, %mul3A_930 : i32
      %mul3A_933 = arith.constant 16 : i32
      %mul3A_934 = arith.muli %add3A_932, %mul3A_933 : i32
      %add3A_935 = arith.constant 384 : i32
      %add3A_936 = arith.addi %add3A_935, %mul3A_934 : i32
      %mul3A_937 = arith.constant 16 : i32
      %mul3A_938 = arith.muli %add3A_932, %mul3A_937 : i32
      %get3A = arith.constant 1 : i32
      %get3A_939 = arith.constant 3 : i32
      %get3A_940 = arith.index_cast %get3A : i32 to index
      %get3A_941 = arith.index_cast %get3A_939 : i32 to index
      %get3A_942 = arith.index_cast %mul3A_938 : i32 to index
      %get3A_943 = tpu.vector_load %arg5[%get3A_940, %get3A_941, %get3A_942] {strides = array<i32>} : memref<2x8x128xi32, #tpu.memory_space<vmem>>, vector<16xi32>,
      %gather3A_944 = tpu.vector_load_idx %arg7[%get3A_943] : memref<2048xi32, #tpu.memory_space<vmem>>[vector<16xi32>], vector<16xi32>,
      %add3A_945 = arith.constant 1024 : i32
      %add3A_946 = vector.broadcast %add3A_945 : i32 to vector<16xi32>
      %add3A_947 = arith.addi %get3A_943, %add3A_946 : vector<16xi32>
      %gather3A_948 = tpu.vector_load_idx %arg7[%add3A_947] : memref<2048xi32, #tpu.memory_space<vmem>>[vector<16xi32>], vector<16xi32>,
      %eq3A_949 = arith.cmpi eq, %get3A_943, %gather3A_672 : vector<16xi32>
      %select_n3A_950 = arith.select %eq3A_949, %select_n3A_683, %gather3A_948 : vector<16xi1>, vector<16xi32>
      %convert_element_type3A = arith.sitofp %gather3A_944 : vector<16xi32> to vector<16xf32>
      %swap3A = arith.constant 1 : i32
      %swap3A_951 = arith.index_cast %swap3A : i32 to index
      %swap3A_952 = arith.index_cast %add3A_936 : i32 to index
      %swap3A_953 = tpu.vector_load %arg8[%swap3A_951, %swap3A_952] {strides = array<i32>} : memref<2x2048xf32, #tpu.memory_space<vmem>>, vector<16xf32>,
      tpu.vector_store %arg8[%swap3A_951, %swap3A_952], %convert_element_type3A {strides = array<i32>} : memref<2x2048xf32, #tpu.memory_space<vmem>>, vector<16xf32>,
      %convert_element_type3A_954 = arith.sitofp %select_n3A_950 : vector<16xi32> to vector<16xf32>
      %add3A_955 = arith.constant 512 : i32
      %add3A_956 = arith.addi %add3A_955, %add3A_936 : i32
      %swap3A_957 = arith.constant 1 : i32
      %swap3A_958 = arith.index_cast %swap3A_957 : i32 to index
      %swap3A_959 = arith.index_cast %add3A_956 : i32 to index
      %swap3A_960 = tpu.vector_load %arg8[%swap3A_958, %swap3A_959] {strides = array<i32>} : memref<2x2048xf32, #tpu.memory_space<vmem>>, vector<16xf32>,
      tpu.vector_store %arg8[%swap3A_958, %swap3A_959], %convert_element_type3A_954 {strides = array<i32>} : memref<2x2048xf32, #tpu.memory_space<vmem>>, vector<16xf32>,
      %mul3A_961 = arith.constant 16 : i32
      %mul3A_962 = arith.muli %add3A_932, %mul3A_961 : i32
      %get3A_963 = arith.constant 1 : i32
      %get3A_964 = arith.constant 7 : i32
      %get3A_965 = arith.index_cast %get3A_963 : i32 to index
      %get3A_966 = arith.index_cast %get3A_964 : i32 to index
      %get3A_967 = arith.index_cast %mul3A_962 : i32 to index
      %get3A_968 = tpu.vector_load %arg5[%get3A_965, %get3A_966, %get3A_967] {strides = array<i32>} : memref<2x8x128xi32, #tpu.memory_space<vmem>>, vector<16xi32>,
      %add3A_969 = arith.constant 1024 : i32
      %add3A_970 = vector.broadcast %add3A_969 : i32 to vector<16xi32>
      %add3A_971 = arith.addi %get3A_968, %add3A_970 : vector<16xi32>
      %gather3A_972 = tpu.vector_load_idx %arg7[%add3A_971] : memref<2048xi32, #tpu.memory_space<vmem>>[vector<16xi32>], vector<16xi32>,
      %gather3A_973 = tpu.vector_load_idx %arg7[%get3A_968] : memref<2048xi32, #tpu.memory_space<vmem>>[vector<16xi32>], vector<16xi32>,
      %eq3A_974 = arith.cmpi eq, %get3A_968, %gather3A_668 : vector<16xi32>
      %select_n3A_975 = arith.select %eq3A_974, %gather3A_676, %gather3A_973 : vector<16xi1>, vector<16xi32>
      %convert_element_type3A_976 = arith.sitofp %select_n3A_975 : vector<16xi32> to vector<16xf32>
      %add3A_977 = arith.constant 1024 : i32
      %add3A_978 = arith.addi %add3A_977, %add3A_936 : i32
      %swap3A_979 = arith.constant 1 : i32
      %swap3A_980 = arith.index_cast %swap3A_979 : i32 to index
      %swap3A_981 = arith.index_cast %add3A_978 : i32 to index
      %swap3A_982 = tpu.vector_load %arg8[%swap3A_980, %swap3A_981] {strides = array<i32>} : memref<2x2048xf32, #tpu.memory_space<vmem>>, vector<16xf32>,
      tpu.vector_store %arg8[%swap3A_980, %swap3A_981], %convert_element_type3A_976 {strides = array<i32>} : memref<2x2048xf32, #tpu.memory_space<vmem>>, vector<16xf32>,
      %convert_element_type3A_983 = arith.sitofp %gather3A_972 : vector<16xi32> to vector<16xf32>
      %add3A_984 = arith.constant 1536 : i32
      %add3A_985 = arith.addi %add3A_984, %add3A_936 : i32
      %swap3A_986 = arith.constant 1 : i32
      %swap3A_987 = arith.index_cast %swap3A_986 : i32 to index
      %swap3A_988 = arith.index_cast %add3A_985 : i32 to index
      %swap3A_989 = tpu.vector_load %arg8[%swap3A_987, %swap3A_988] {strides = array<i32>} : memref<2x2048xf32, #tpu.memory_space<vmem>>, vector<16xf32>,
      tpu.vector_store %arg8[%swap3A_987, %swap3A_988], %convert_element_type3A_983 {strides = array<i32>} : memref<2x2048xf32, #tpu.memory_space<vmem>>, vector<16xf32>,
    }
    %scan3A_759 = arith.constant 8 : i32
    %dma_start3A_760 = arith.constant 1 : i32
    %dma_start3A_761 = arith.constant 0 : i32
    %dma_start3A_762 = arith.constant 0 : i32
    %dma_start3A_763 = tpu.memref_slice %arg8[%dma_start3A_760, %dma_start3A_762] : memref<2x2048xf32, #tpu.memory_space<vmem>> -> memref<1x512xf32, #tpu.memory_space<vmem>>
    %dma_start3A_764 = tpu.memref_squeeze %dma_start3A_763 : memref<1x512xf32, #tpu.memory_space<vmem>> -> memref<512xf32, #tpu.memory_space<vmem>>
    %dma_start3A_765 = arith.constant 0 : i32
    %dma_start3A_766 = tpu.memref_slice %arg4[%dma_start3A_761, %add3A_604, %dma_start3A_765] : memref<4x128x512xf32, #tpu.memory_space<hbm>> -> memref<1x1x512xf32, #tpu.memory_space<hbm>>
    %dma_start3A_767 = tpu.memref_squeeze %dma_start3A_766 : memref<1x1x512xf32, #tpu.memory_space<hbm>> -> memref<512xf32, #tpu.memory_space<hbm>>
    %dma_start3A_768 = arith.constant 0 : i32
    %dma_start3A_769 = tpu.memref_slice %arg4[%dma_start3A_761, %add3A_604, %dma_start3A_768] : memref<4x128x512xf32, #tpu.memory_space<hbm>> -> memref<1x1x512xf32, #tpu.memory_space<hbm>>
    %dma_start3A_770 = tpu.memref_squeeze %dma_start3A_769 : memref<1x1x512xf32, #tpu.memory_space<hbm>> -> memref<512xf32, #tpu.memory_space<hbm>>
    %dma_start3A_771 = arith.constant 0 : i32
    %dma_start3A_772 = tpu.memref_slice %arg8[%dma_start3A_760, %dma_start3A_771] : memref<2x2048xf32, #tpu.memory_space<vmem>> -> memref<1x512xf32, #tpu.memory_space<vmem>>
    %dma_start3A_773 = tpu.memref_squeeze %dma_start3A_772 : memref<1x512xf32, #tpu.memory_space<vmem>> -> memref<512xf32, #tpu.memory_space<vmem>>
    tpu.enqueue_dma source(%dma_start3A_773 : memref<512xf32, #tpu.memory_space<vmem>>) target(%dma_start3A_770 : memref<512xf32, #tpu.memory_space<hbm>>) target_semaphore(%arg10 : memref<!tpu.dma_semaphore, #tpu.memory_space<semaphore_mem>>)
    %dma_start3A_774 = arith.constant 1 : i32
    %dma_start3A_775 = arith.constant 1 : i32
    %dma_start3A_776 = arith.constant 512 : i32
    %dma_start3A_777 = tpu.memref_slice %arg8[%dma_start3A_774, %dma_start3A_776] : memref<2x2048xf32, #tpu.memory_space<vmem>> -> memref<1x512xf32, #tpu.memory_space<vmem>>
    %dma_start3A_778 = tpu.memref_squeeze %dma_start3A_777 : memref<1x512xf32, #tpu.memory_space<vmem>> -> memref<512xf32, #tpu.memory_space<vmem>>
    %dma_start3A_779 = arith.constant 0 : i32
    %dma_start3A_780 = tpu.memref_slice %arg4[%dma_start3A_775, %add3A_604, %dma_start3A_779] : memref<4x128x512xf32, #tpu.memory_space<hbm>> -> memref<1x1x512xf32, #tpu.memory_space<hbm>>
    %dma_start3A_781 = tpu.memref_squeeze %dma_start3A_780 : memref<1x1x512xf32, #tpu.memory_space<hbm>> -> memref<512xf32, #tpu.memory_space<hbm>>
    %dma_start3A_782 = arith.constant 0 : i32
    %dma_start3A_783 = tpu.memref_slice %arg4[%dma_start3A_775, %add3A_604, %dma_start3A_782] : memref<4x128x512xf32, #tpu.memory_space<hbm>> -> memref<1x1x512xf32, #tpu.memory_space<hbm>>
    %dma_start3A_784 = tpu.memref_squeeze %dma_start3A_783 : memref<1x1x512xf32, #tpu.memory_space<hbm>> -> memref<512xf32, #tpu.memory_space<hbm>>
    %dma_start3A_785 = arith.constant 512 : i32
    %dma_start3A_786 = tpu.memref_slice %arg8[%dma_start3A_774, %dma_start3A_785] : memref<2x2048xf32, #tpu.memory_space<vmem>> -> memref<1x512xf32, #tpu.memory_space<vmem>>
    %dma_start3A_787 = tpu.memref_squeeze %dma_start3A_786 : memref<1x512xf32, #tpu.memory_space<vmem>> -> memref<512xf32, #tpu.memory_space<vmem>>
    tpu.enqueue_dma source(%dma_start3A_787 : memref<512xf32, #tpu.memory_space<vmem>>) target(%dma_start3A_784 : memref<512xf32, #tpu.memory_space<hbm>>) target_semaphore(%arg10 : memref<!tpu.dma_semaphore, #tpu.memory_space<semaphore_mem>>)
    %dma_start3A_788 = arith.constant 1 : i32
    %dma_start3A_789 = arith.constant 2 : i32
    %dma_start3A_790 = arith.constant 1024 : i32
    %dma_start3A_791 = tpu.memref_slice %arg8[%dma_start3A_788, %dma_start3A_790] : memref<2x2048xf32, #tpu.memory_space<vmem>> -> memref<1x512xf32, #tpu.memory_space<vmem>>
    %dma_start3A_792 = tpu.memref_squeeze %dma_start3A_791 : memref<1x512xf32, #tpu.memory_space<vmem>> -> memref<512xf32, #tpu.memory_space<vmem>>
    %dma_start3A_793 = arith.constant 0 : i32
    %dma_start3A_794 = tpu.memref_slice %arg4[%dma_start3A_789, %add3A_604, %dma_start3A_793] : memref<4x128x512xf32, #tpu.memory_space<hbm>> -> memref<1x1x512xf32, #tpu.memory_space<hbm>>
    %dma_start3A_795 = tpu.memref_squeeze %dma_start3A_794 : memref<1x1x512xf32, #tpu.memory_space<hbm>> -> memref<512xf32, #tpu.memory_space<hbm>>
    %dma_start3A_796 = arith.constant 0 : i32
    %dma_start3A_797 = tpu.memref_slice %arg4[%dma_start3A_789, %add3A_604, %dma_start3A_796] : memref<4x128x512xf32, #tpu.memory_space<hbm>> -> memref<1x1x512xf32, #tpu.memory_space<hbm>>
    %dma_start3A_798 = tpu.memref_squeeze %dma_start3A_797 : memref<1x1x512xf32, #tpu.memory_space<hbm>> -> memref<512xf32, #tpu.memory_space<hbm>>
    %dma_start3A_799 = arith.constant 1024 : i32
    %dma_start3A_800 = tpu.memref_slice %arg8[%dma_start3A_788, %dma_start3A_799] : memref<2x2048xf32, #tpu.memory_space<vmem>> -> memref<1x512xf32, #tpu.memory_space<vmem>>
    %dma_start3A_801 = tpu.memref_squeeze %dma_start3A_800 : memref<1x512xf32, #tpu.memory_space<vmem>> -> memref<512xf32, #tpu.memory_space<vmem>>
    tpu.enqueue_dma source(%dma_start3A_801 : memref<512xf32, #tpu.memory_space<vmem>>) target(%dma_start3A_798 : memref<512xf32, #tpu.memory_space<hbm>>) target_semaphore(%arg10 : memref<!tpu.dma_semaphore, #tpu.memory_space<semaphore_mem>>)
    %dma_start3A_802 = arith.constant 1 : i32
    %dma_start3A_803 = arith.constant 3 : i32
    %dma_start3A_804 = arith.constant 1536 : i32
    %dma_start3A_805 = tpu.memref_slice %arg8[%dma_start3A_802, %dma_start3A_804] : memref<2x2048xf32, #tpu.memory_space<vmem>> -> memref<1x512xf32, #tpu.memory_space<vmem>>
    %dma_start3A_806 = tpu.memref_squeeze %dma_start3A_805 : memref<1x512xf32, #tpu.memory_space<vmem>> -> memref<512xf32, #tpu.memory_space<vmem>>
    %dma_start3A_807 = arith.constant 0 : i32
    %dma_start3A_808 = tpu.memref_slice %arg4[%dma_start3A_803, %add3A_604, %dma_start3A_807] : memref<4x128x512xf32, #tpu.memory_space<hbm>> -> memref<1x1x512xf32, #tpu.memory_space<hbm>>
    %dma_start3A_809 = tpu.memref_squeeze %dma_start3A_808 : memref<1x1x512xf32, #tpu.memory_space<hbm>> -> memref<512xf32, #tpu.memory_space<hbm>>
    %dma_start3A_810 = arith.constant 0 : i32
    %dma_start3A_811 = tpu.memref_slice %arg4[%dma_start3A_803, %add3A_604, %dma_start3A_810] : memref<4x128x512xf32, #tpu.memory_space<hbm>> -> memref<1x1x512xf32, #tpu.memory_space<hbm>>
    %dma_start3A_812 = tpu.memref_squeeze %dma_start3A_811 : memref<1x1x512xf32, #tpu.memory_space<hbm>> -> memref<512xf32, #tpu.memory_space<hbm>>
    %dma_start3A_813 = arith.constant 1536 : i32
    %dma_start3A_814 = tpu.memref_slice %arg8[%dma_start3A_802, %dma_start3A_813] : memref<2x2048xf32, #tpu.memory_space<vmem>> -> memref<1x512xf32, #tpu.memory_space<vmem>>
    %dma_start3A_815 = tpu.memref_squeeze %dma_start3A_814 : memref<1x512xf32, #tpu.memory_space<vmem>> -> memref<512xf32, #tpu.memory_space<vmem>>
    tpu.enqueue_dma source(%dma_start3A_815 : memref<512xf32, #tpu.memory_space<vmem>>) target(%dma_start3A_812 : memref<512xf32, #tpu.memory_space<hbm>>) target_semaphore(%arg10 : memref<!tpu.dma_semaphore, #tpu.memory_space<semaphore_mem>>)
    %dma_wait3A_816 = arith.constant 0 : i32
    %dma_wait3A_817 = arith.constant 0 : i32
    %dma_wait3A_818 = arith.constant 0 : i32
    %dma_wait3A_819 = tpu.memref_slice %arg8[%dma_wait3A_816, %dma_wait3A_818] : memref<2x2048xf32, #tpu.memory_space<vmem>> -> memref<1x512xf32, #tpu.memory_space<vmem>>
    %dma_wait3A_820 = tpu.memref_squeeze %dma_wait3A_819 : memref<1x512xf32, #tpu.memory_space<vmem>> -> memref<512xf32, #tpu.memory_space<vmem>>
    %dma_wait3A_821 = arith.constant 0 : i32
    %dma_wait3A_822 = tpu.memref_slice %arg4[%dma_wait3A_817, %add3A_370, %dma_wait3A_821] : memref<4x128x512xf32, #tpu.memory_space<hbm>> -> memref<1x1x512xf32, #tpu.memory_space<hbm>>
    %dma_wait3A_823 = tpu.memref_squeeze %dma_wait3A_822 : memref<1x1x512xf32, #tpu.memory_space<hbm>> -> memref<512xf32, #tpu.memory_space<hbm>>
    %dma_wait3A_824 = arith.constant 0 : i32
    %dma_wait3A_825 = tpu.memref_slice %arg4[%dma_wait3A_817, %add3A_370, %dma_wait3A_824] : memref<4x128x512xf32, #tpu.memory_space<hbm>> -> memref<1x1x512xf32, #tpu.memory_space<hbm>>
    %dma_wait3A_826 = tpu.memref_squeeze %dma_wait3A_825 : memref<1x1x512xf32, #tpu.memory_space<hbm>> -> memref<512xf32, #tpu.memory_space<hbm>>
    %dma_wait3A_827 = arith.constant 0 : i32
    %dma_wait3A_828 = tpu.memref_slice %arg8[%dma_wait3A_816, %dma_wait3A_827] : memref<2x2048xf32, #tpu.memory_space<vmem>> -> memref<1x512xf32, #tpu.memory_space<vmem>>
    %dma_wait3A_829 = tpu.memref_squeeze %dma_wait3A_828 : memref<1x512xf32, #tpu.memory_space<vmem>> -> memref<512xf32, #tpu.memory_space<vmem>>
    tpu.wait_dma2 semaphore(%arg10 : memref<!tpu.dma_semaphore, #tpu.memory_space<semaphore_mem>>) src(%dma_wait3A_829 : memref<512xf32, #tpu.memory_space<vmem>>) dst(%dma_wait3A_826 : memref<512xf32, #tpu.memory_space<hbm>>)
    %dma_wait3A_830 = arith.constant 0 : i32
    %dma_wait3A_831 = arith.constant 1 : i32
    %dma_wait3A_832 = arith.constant 512 : i32
    %dma_wait3A_833 = tpu.memref_slice %arg8[%dma_wait3A_830, %dma_wait3A_832] : memref<2x2048xf32, #tpu.memory_space<vmem>> -> memref<1x512xf32, #tpu.memory_space<vmem>>
    %dma_wait3A_834 = tpu.memref_squeeze %dma_wait3A_833 : memref<1x512xf32, #tpu.memory_space<vmem>> -> memref<512xf32, #tpu.memory_space<vmem>>
    %dma_wait3A_835 = arith.constant 0 : i32
    %dma_wait3A_836 = tpu.memref_slice %arg4[%dma_wait3A_831, %add3A_370, %dma_wait3A_835] : memref<4x128x512xf32, #tpu.memory_space<hbm>> -> memref<1x1x512xf32, #tpu.memory_space<hbm>>
    %dma_wait3A_837 = tpu.memref_squeeze %dma_wait3A_836 : memref<1x1x512xf32, #tpu.memory_space<hbm>> -> memref<512xf32, #tpu.memory_space<hbm>>
    %dma_wait3A_838 = arith.constant 0 : i32
    %dma_wait3A_839 = tpu.memref_slice %arg4[%dma_wait3A_831, %add3A_370, %dma_wait3A_838] : memref<4x128x512xf32, #tpu.memory_space<hbm>> -> memref<1x1x512xf32, #tpu.memory_space<hbm>>
    %dma_wait3A_840 = tpu.memref_squeeze %dma_wait3A_839 : memref<1x1x512xf32, #tpu.memory_space<hbm>> -> memref<512xf32, #tpu.memory_space<hbm>>
    %dma_wait3A_841 = arith.constant 512 : i32
    %dma_wait3A_842 = tpu.memref_slice %arg8[%dma_wait3A_830, %dma_wait3A_841] : memref<2x2048xf32, #tpu.memory_space<vmem>> -> memref<1x512xf32, #tpu.memory_space<vmem>>
    %dma_wait3A_843 = tpu.memref_squeeze %dma_wait3A_842 : memref<1x512xf32, #tpu.memory_space<vmem>> -> memref<512xf32, #tpu.memory_space<vmem>>
    tpu.wait_dma2 semaphore(%arg10 : memref<!tpu.dma_semaphore, #tpu.memory_space<semaphore_mem>>) src(%dma_wait3A_843 : memref<512xf32, #tpu.memory_space<vmem>>) dst(%dma_wait3A_840 : memref<512xf32, #tpu.memory_space<hbm>>)
    %dma_wait3A_844 = arith.constant 0 : i32
    %dma_wait3A_845 = arith.constant 2 : i32
    %dma_wait3A_846 = arith.constant 1024 : i32
    %dma_wait3A_847 = tpu.memref_slice %arg8[%dma_wait3A_844, %dma_wait3A_846] : memref<2x2048xf32, #tpu.memory_space<vmem>> -> memref<1x512xf32, #tpu.memory_space<vmem>>
    %dma_wait3A_848 = tpu.memref_squeeze %dma_wait3A_847 : memref<1x512xf32, #tpu.memory_space<vmem>> -> memref<512xf32, #tpu.memory_space<vmem>>
    %dma_wait3A_849 = arith.constant 0 : i32
    %dma_wait3A_850 = tpu.memref_slice %arg4[%dma_wait3A_845, %add3A_370, %dma_wait3A_849] : memref<4x128x512xf32, #tpu.memory_space<hbm>> -> memref<1x1x512xf32, #tpu.memory_space<hbm>>
    %dma_wait3A_851 = tpu.memref_squeeze %dma_wait3A_850 : memref<1x1x512xf32, #tpu.memory_space<hbm>> -> memref<512xf32, #tpu.memory_space<hbm>>
    %dma_wait3A_852 = arith.constant 0 : i32
    %dma_wait3A_853 = tpu.memref_slice %arg4[%dma_wait3A_845, %add3A_370, %dma_wait3A_852] : memref<4x128x512xf32, #tpu.memory_space<hbm>> -> memref<1x1x512xf32, #tpu.memory_space<hbm>>
    %dma_wait3A_854 = tpu.memref_squeeze %dma_wait3A_853 : memref<1x1x512xf32, #tpu.memory_space<hbm>> -> memref<512xf32, #tpu.memory_space<hbm>>
    %dma_wait3A_855 = arith.constant 1024 : i32
    %dma_wait3A_856 = tpu.memref_slice %arg8[%dma_wait3A_844, %dma_wait3A_855] : memref<2x2048xf32, #tpu.memory_space<vmem>> -> memref<1x512xf32, #tpu.memory_space<vmem>>
    %dma_wait3A_857 = tpu.memref_squeeze %dma_wait3A_856 : memref<1x512xf32, #tpu.memory_space<vmem>> -> memref<512xf32, #tpu.memory_space<vmem>>
    tpu.wait_dma2 semaphore(%arg10 : memref<!tpu.dma_semaphore, #tpu.memory_space<semaphore_mem>>) src(%dma_wait3A_857 : memref<512xf32, #tpu.memory_space<vmem>>) dst(%dma_wait3A_854 : memref<512xf32, #tpu.memory_space<hbm>>)
    %dma_wait3A_858 = arith.constant 0 : i32
    %dma_wait3A_859 = arith.constant 3 : i32
    %dma_wait3A_860 = arith.constant 1536 : i32
    %dma_wait3A_861 = tpu.memref_slice %arg8[%dma_wait3A_858, %dma_wait3A_860] : memref<2x2048xf32, #tpu.memory_space<vmem>> -> memref<1x512xf32, #tpu.memory_space<vmem>>
    %dma_wait3A_862 = tpu.memref_squeeze %dma_wait3A_861 : memref<1x512xf32, #tpu.memory_space<vmem>> -> memref<512xf32, #tpu.memory_space<vmem>>
    %dma_wait3A_863 = arith.constant 0 : i32
    %dma_wait3A_864 = tpu.memref_slice %arg4[%dma_wait3A_859, %add3A_370, %dma_wait3A_863] : memref<4x128x512xf32, #tpu.memory_space<hbm>> -> memref<1x1x512xf32, #tpu.memory_space<hbm>>
    %dma_wait3A_865 = tpu.memref_squeeze %dma_wait3A_864 : memref<1x1x512xf32, #tpu.memory_space<hbm>> -> memref<512xf32, #tpu.memory_space<hbm>>
    %dma_wait3A_866 = arith.constant 0 : i32
    %dma_wait3A_867 = tpu.memref_slice %arg4[%dma_wait3A_859, %add3A_370, %dma_wait3A_866] : memref<4x128x512xf32, #tpu.memory_space<hbm>> -> memref<1x1x512xf32, #tpu.memory_space<hbm>>
    %dma_wait3A_868 = tpu.memref_squeeze %dma_wait3A_867 : memref<1x1x512xf32, #tpu.memory_space<hbm>> -> memref<512xf32, #tpu.memory_space<hbm>>
    %dma_wait3A_869 = arith.constant 1536 : i32
    %dma_wait3A_870 = tpu.memref_slice %arg8[%dma_wait3A_858, %dma_wait3A_869] : memref<2x2048xf32, #tpu.memory_space<vmem>> -> memref<1x512xf32, #tpu.memory_space<vmem>>
    %dma_wait3A_871 = tpu.memref_squeeze %dma_wait3A_870 : memref<1x512xf32, #tpu.memory_space<vmem>> -> memref<512xf32, #tpu.memory_space<vmem>>
    tpu.wait_dma2 semaphore(%arg10 : memref<!tpu.dma_semaphore, #tpu.memory_space<semaphore_mem>>) src(%dma_wait3A_871 : memref<512xf32, #tpu.memory_space<vmem>>) dst(%dma_wait3A_868 : memref<512xf32, #tpu.memory_space<hbm>>)
    %dma_wait3A_872 = arith.constant 1 : i32
    %dma_wait3A_873 = arith.constant 0 : i32
    %dma_wait3A_874 = arith.constant 0 : i32
    %dma_wait3A_875 = tpu.memref_slice %arg8[%dma_wait3A_872, %dma_wait3A_874] : memref<2x2048xf32, #tpu.memory_space<vmem>> -> memref<1x512xf32, #tpu.memory_space<vmem>>
    %dma_wait3A_876 = tpu.memref_squeeze %dma_wait3A_875 : memref<1x512xf32, #tpu.memory_space<vmem>> -> memref<512xf32, #tpu.memory_space<vmem>>
    %dma_wait3A_877 = arith.constant 0 : i32
    %dma_wait3A_878 = tpu.memref_slice %arg4[%dma_wait3A_873, %add3A_604, %dma_wait3A_877] : memref<4x128x512xf32, #tpu.memory_space<hbm>> -> memref<1x1x512xf32, #tpu.memory_space<hbm>>
    %dma_wait3A_879 = tpu.memref_squeeze %dma_wait3A_878 : memref<1x1x512xf32, #tpu.memory_space<hbm>> -> memref<512xf32, #tpu.memory_space<hbm>>
    %dma_wait3A_880 = arith.constant 0 : i32
    %dma_wait3A_881 = tpu.memref_slice %arg4[%dma_wait3A_873, %add3A_604, %dma_wait3A_880] : memref<4x128x512xf32, #tpu.memory_space<hbm>> -> memref<1x1x512xf32, #tpu.memory_space<hbm>>
    %dma_wait3A_882 = tpu.memref_squeeze %dma_wait3A_881 : memref<1x1x512xf32, #tpu.memory_space<hbm>> -> memref<512xf32, #tpu.memory_space<hbm>>
    %dma_wait3A_883 = arith.constant 0 : i32
    %dma_wait3A_884 = tpu.memref_slice %arg8[%dma_wait3A_872, %dma_wait3A_883] : memref<2x2048xf32, #tpu.memory_space<vmem>> -> memref<1x512xf32, #tpu.memory_space<vmem>>
    %dma_wait3A_885 = tpu.memref_squeeze %dma_wait3A_884 : memref<1x512xf32, #tpu.memory_space<vmem>> -> memref<512xf32, #tpu.memory_space<vmem>>
    tpu.wait_dma2 semaphore(%arg10 : memref<!tpu.dma_semaphore, #tpu.memory_space<semaphore_mem>>) src(%dma_wait3A_885 : memref<512xf32, #tpu.memory_space<vmem>>) dst(%dma_wait3A_882 : memref<512xf32, #tpu.memory_space<hbm>>)
    %dma_wait3A_886 = arith.constant 1 : i32
    %dma_wait3A_887 = arith.constant 1 : i32
    %dma_wait3A_888 = arith.constant 512 : i32
    %dma_wait3A_889 = tpu.memref_slice %arg8[%dma_wait3A_886, %dma_wait3A_888] : memref<2x2048xf32, #tpu.memory_space<vmem>> -> memref<1x512xf32, #tpu.memory_space<vmem>>
    %dma_wait3A_890 = tpu.memref_squeeze %dma_wait3A_889 : memref<1x512xf32, #tpu.memory_space<vmem>> -> memref<512xf32, #tpu.memory_space<vmem>>
    %dma_wait3A_891 = arith.constant 0 : i32
    %dma_wait3A_892 = tpu.memref_slice %arg4[%dma_wait3A_887, %add3A_604, %dma_wait3A_891] : memref<4x128x512xf32, #tpu.memory_space<hbm>> -> memref<1x1x512xf32, #tpu.memory_space<hbm>>
    %dma_wait3A_893 = tpu.memref_squeeze %dma_wait3A_892 : memref<1x1x512xf32, #tpu.memory_space<hbm>> -> memref<512xf32, #tpu.memory_space<hbm>>
    %dma_wait3A_894 = arith.constant 0 : i32
    %dma_wait3A_895 = tpu.memref_slice %arg4[%dma_wait3A_887, %add3A_604, %dma_wait3A_894] : memref<4x128x512xf32, #tpu.memory_space<hbm>> -> memref<1x1x512xf32, #tpu.memory_space<hbm>>
    %dma_wait3A_896 = tpu.memref_squeeze %dma_wait3A_895 : memref<1x1x512xf32, #tpu.memory_space<hbm>> -> memref<512xf32, #tpu.memory_space<hbm>>
    %dma_wait3A_897 = arith.constant 512 : i32
    %dma_wait3A_898 = tpu.memref_slice %arg8[%dma_wait3A_886, %dma_wait3A_897] : memref<2x2048xf32, #tpu.memory_space<vmem>> -> memref<1x512xf32, #tpu.memory_space<vmem>>
    %dma_wait3A_899 = tpu.memref_squeeze %dma_wait3A_898 : memref<1x512xf32, #tpu.memory_space<vmem>> -> memref<512xf32, #tpu.memory_space<vmem>>
    tpu.wait_dma2 semaphore(%arg10 : memref<!tpu.dma_semaphore, #tpu.memory_space<semaphore_mem>>) src(%dma_wait3A_899 : memref<512xf32, #tpu.memory_space<vmem>>) dst(%dma_wait3A_896 : memref<512xf32, #tpu.memory_space<hbm>>)
    %dma_wait3A_900 = arith.constant 1 : i32
    %dma_wait3A_901 = arith.constant 2 : i32
    %dma_wait3A_902 = arith.constant 1024 : i32
    %dma_wait3A_903 = tpu.memref_slice %arg8[%dma_wait3A_900, %dma_wait3A_902] : memref<2x2048xf32, #tpu.memory_space<vmem>> -> memref<1x512xf32, #tpu.memory_space<vmem>>
    %dma_wait3A_904 = tpu.memref_squeeze %dma_wait3A_903 : memref<1x512xf32, #tpu.memory_space<vmem>> -> memref<512xf32, #tpu.memory_space<vmem>>
    %dma_wait3A_905 = arith.constant 0 : i32
    %dma_wait3A_906 = tpu.memref_slice %arg4[%dma_wait3A_901, %add3A_604, %dma_wait3A_905] : memref<4x128x512xf32, #tpu.memory_space<hbm>> -> memref<1x1x512xf32, #tpu.memory_space<hbm>>
    %dma_wait3A_907 = tpu.memref_squeeze %dma_wait3A_906 : memref<1x1x512xf32, #tpu.memory_space<hbm>> -> memref<512xf32, #tpu.memory_space<hbm>>
    %dma_wait3A_908 = arith.constant 0 : i32
    %dma_wait3A_909 = tpu.memref_slice %arg4[%dma_wait3A_901, %add3A_604, %dma_wait3A_908] : memref<4x128x512xf32, #tpu.memory_space<hbm>> -> memref<1x1x512xf32, #tpu.memory_space<hbm>>
    %dma_wait3A_910 = tpu.memref_squeeze %dma_wait3A_909 : memref<1x1x512xf32, #tpu.memory_space<hbm>> -> memref<512xf32, #tpu.memory_space<hbm>>
    %dma_wait3A_911 = arith.constant 1024 : i32
    %dma_wait3A_912 = tpu.memref_slice %arg8[%dma_wait3A_900, %dma_wait3A_911] : memref<2x2048xf32, #tpu.memory_space<vmem>> -> memref<1x512xf32, #tpu.memory_space<vmem>>
    %dma_wait3A_913 = tpu.memref_squeeze %dma_wait3A_912 : memref<1x512xf32, #tpu.memory_space<vmem>> -> memref<512xf32, #tpu.memory_space<vmem>>
    tpu.wait_dma2 semaphore(%arg10 : memref<!tpu.dma_semaphore, #tpu.memory_space<semaphore_mem>>) src(%dma_wait3A_913 : memref<512xf32, #tpu.memory_space<vmem>>) dst(%dma_wait3A_910 : memref<512xf32, #tpu.memory_space<hbm>>)
    %dma_wait3A_914 = arith.constant 1 : i32
    %dma_wait3A_915 = arith.constant 3 : i32
    %dma_wait3A_916 = arith.constant 1536 : i32
    %dma_wait3A_917 = tpu.memref_slice %arg8[%dma_wait3A_914, %dma_wait3A_916] : memref<2x2048xf32, #tpu.memory_space<vmem>> -> memref<1x512xf32, #tpu.memory_space<vmem>>
    %dma_wait3A_918 = tpu.memref_squeeze %dma_wait3A_917 : memref<1x512xf32, #tpu.memory_space<vmem>> -> memref<512xf32, #tpu.memory_space<vmem>>
    %dma_wait3A_919 = arith.constant 0 : i32
    %dma_wait3A_920 = tpu.memref_slice %arg4[%dma_wait3A_915, %add3A_604, %dma_wait3A_919] : memref<4x128x512xf32, #tpu.memory_space<hbm>> -> memref<1x1x512xf32, #tpu.memory_space<hbm>>
    %dma_wait3A_921 = tpu.memref_squeeze %dma_wait3A_920 : memref<1x1x512xf32, #tpu.memory_space<hbm>> -> memref<512xf32, #tpu.memory_space<hbm>>
    %dma_wait3A_922 = arith.constant 0 : i32
    %dma_wait3A_923 = tpu.memref_slice %arg4[%dma_wait3A_915, %add3A_604, %dma_wait3A_922] : memref<4x128x512xf32, #tpu.memory_space<hbm>> -> memref<1x1x512xf32, #tpu.memory_space<hbm>>
    %dma_wait3A_924 = tpu.memref_squeeze %dma_wait3A_923 : memref<1x1x512xf32, #tpu.memory_space<hbm>> -> memref<512xf32, #tpu.memory_space<hbm>>
    %dma_wait3A_925 = arith.constant 1536 : i32
    %dma_wait3A_926 = tpu.memref_slice %arg8[%dma_wait3A_914, %dma_wait3A_925] : memref<2x2048xf32, #tpu.memory_space<vmem>> -> memref<1x512xf32, #tpu.memory_space<vmem>>
    %dma_wait3A_927 = tpu.memref_squeeze %dma_wait3A_926 : memref<1x512xf32, #tpu.memory_space<vmem>> -> memref<512xf32, #tpu.memory_space<vmem>>
    tpu.wait_dma2 semaphore(%arg10 : memref<!tpu.dma_semaphore, #tpu.memory_space<semaphore_mem>>) src(%dma_wait3A_927 : memref<512xf32, #tpu.memory_space<vmem>>) dst(%dma_wait3A_924 : memref<512xf32, #tpu.memory_space<hbm>>)
    return
  }
}

module attributes {stable_mosaic.version = 14 : i64} {
  func.func @_tc_mlp_body(%arg0: i32, %arg1: memref<4x1x8192xf32, #tpu.memory_space<vmem>>, %arg2: memref<1x64xf32, #tpu.memory_space<vmem>>, %arg3: memref<64x1xf32, #tpu.memory_space<vmem>>, %arg4: memref<64x64xf32, #tpu.memory_space<vmem>>, %arg5: memref<64x1xf32, #tpu.memory_space<vmem>>, %arg6: memref<16x512x64xf32, #tpu.memory_space<vmem>>, %arg7: memref<16x512x64xf32, #tpu.memory_space<vmem>>) attributes {dimension_semantics = [#tpu.dimension_semantics<arbitrary>], iteration_bounds = array<i64: 8>, scalar_prefetch = 0 : i64, scratch_operands = 0 : i64, tpu.core_type = #tpu.core_type<tc>, window_params = [{transform_indices = @transform_0, window_bounds = array<i64: 4, 1, 8192>}, {pipeline_mode = #tpu.pipeline_mode<synchronous>, transform_indices = @transform_1, window_bounds = array<i64: 1, 64>}, {pipeline_mode = #tpu.pipeline_mode<synchronous>, transform_indices = @transform_2, window_bounds = array<i64: 64, 1>}, {pipeline_mode = #tpu.pipeline_mode<synchronous>, transform_indices = @transform_3, window_bounds = array<i64: 64, 64>}, {pipeline_mode = #tpu.pipeline_mode<synchronous>, transform_indices = @transform_4, window_bounds = array<i64: 64, 1>}, {transform_indices = @transform_5, window_bounds = array<i64: 16, 512, 64>}, {transform_indices = @transform_6, window_bounds = array<i64: 16, 512, 64>}]} {
    %get3A = arith.constant 0 : index
    %get3A_0 = arith.constant 0 : index
    %get3A_1 = vector.load %arg2[%get3A, %get3A_0] : memref<1x64xf32, #tpu.memory_space<vmem>>, vector<1x64xf32>
    %convert_element_type3A = arith.truncf %get3A_1 : vector<1x64xf32> to vector<1x64xbf16>
    %get3A_2 = arith.constant 0 : index
    %get3A_3 = arith.constant 0 : index
    %get3A_4 = vector.load %arg4[%get3A_2, %get3A_3] : memref<64x64xf32, #tpu.memory_space<vmem>>, vector<64x64xf32>
    %convert_element_type3A_5 = arith.truncf %get3A_4 : vector<64x64xf32> to vector<64x64xbf16>
    %get3A_6 = arith.constant 0 : index
    %get3A_7 = arith.constant 0 : index
    %get3A_8 = vector.load %arg3[%get3A_6, %get3A_7] : memref<64x1xf32, #tpu.memory_space<vmem>>, vector<64x1xf32>
    %get3A_9 = arith.constant 0 : index
    %get3A_10 = arith.constant 0 : index
    %get3A_11 = vector.load %arg5[%get3A_9, %get3A_10] : memref<64x1xf32, #tpu.memory_space<vmem>>, vector<64x1xf32>
    %get3A_12 = arith.constant 0 : index
    %get3A_13 = arith.constant 0 : index
    %get3A_14 = arith.constant 0 : index
    %get3A_15 = vector.load %arg1[%get3A_12, %get3A_13, %get3A_14] : memref<4x1x8192xf32, #tpu.memory_space<vmem>>, vector<4x1x8192xf32>
    %slice3A = vector.extract_strided_slice %get3A_15 {offsets = [0, 0, 0], sizes = [1, 1, 8192], strides = [1, 1, 1]} : vector<4x1x8192xf32> to vector<1x1x8192xf32>
    %squeeze3A = vector.shape_cast %slice3A : vector<1x1x8192xf32> to vector<1x8192xf32>
    %convert_element_type3A_16 = arith.truncf %squeeze3A : vector<1x8192xf32> to vector<1x8192xbf16>
    %dot_general3A = arith.constant dense<0.000000e+00> : vector<64x8192xf32>
    %dot_general3A_17 = tpu.matmul %convert_element_type3A, %convert_element_type3A_16, %dot_general3A {dimension_numbers = #tpu.dot_dimension_numbers<[0], [0], [1], [1], [0, 1, 1, 1], [], []>, transpose_lhs_hint = false} : vector<1x64xbf16>, vector<1x8192xbf16>, vector<64x8192xf32> -> vector<64x8192xf32>
    %add3A = vector.broadcast %get3A_8 : vector<64x1xf32> to vector<64x8192xf32>
    %add3A_18 = arith.addf %dot_general3A_17, %add3A : vector<64x8192xf32>
    %max3A = arith.constant 0.000000e+00 : f32
    %max3A_19 = vector.broadcast %max3A : f32 to vector<64x8192xf32>
    %max3A_20 = arith.maximumf %add3A_18, %max3A_19 : vector<64x8192xf32>
    %get3A_21 = arith.constant 0 : index
    %get3A_22 = arith.constant 0 : index
    %get3A_23 = arith.constant 0 : index
    %get3A_24 = vector.load %arg1[%get3A_21, %get3A_22, %get3A_23] : memref<4x1x8192xf32, #tpu.memory_space<vmem>>, vector<4x1x8192xf32>
    %slice3A_25 = vector.extract_strided_slice %get3A_24 {offsets = [1, 0, 0], sizes = [1, 1, 8192], strides = [1, 1, 1]} : vector<4x1x8192xf32> to vector<1x1x8192xf32>
    %squeeze3A_26 = vector.shape_cast %slice3A_25 : vector<1x1x8192xf32> to vector<1x8192xf32>
    %convert_element_type3A_27 = arith.truncf %squeeze3A_26 : vector<1x8192xf32> to vector<1x8192xbf16>
    %dot_general3A_28 = arith.constant dense<0.000000e+00> : vector<64x8192xf32>
    %dot_general3A_29 = tpu.matmul %convert_element_type3A, %convert_element_type3A_27, %dot_general3A_28 {dimension_numbers = #tpu.dot_dimension_numbers<[0], [0], [1], [1], [0, 1, 1, 1], [], []>, transpose_lhs_hint = false} : vector<1x64xbf16>, vector<1x8192xbf16>, vector<64x8192xf32> -> vector<64x8192xf32>
    %add3A_30 = vector.broadcast %get3A_8 : vector<64x1xf32> to vector<64x8192xf32>
    %add3A_31 = arith.addf %dot_general3A_29, %add3A_30 : vector<64x8192xf32>
    %max3A_32 = arith.constant 0.000000e+00 : f32
    %max3A_33 = vector.broadcast %max3A_32 : f32 to vector<64x8192xf32>
    %max3A_34 = arith.maximumf %add3A_31, %max3A_33 : vector<64x8192xf32>
    %add3A_35 = arith.addf %max3A_20, %max3A_34 : vector<64x8192xf32>
    %convert_element_type3A_36 = arith.truncf %add3A_35 : vector<64x8192xf32> to vector<64x8192xbf16>
    %dot_general3A_37 = arith.constant dense<0.000000e+00> : vector<64x8192xf32>
    %dot_general3A_38 = tpu.matmul %convert_element_type3A_5, %convert_element_type3A_36, %dot_general3A_37 {dimension_numbers = #tpu.dot_dimension_numbers<[0], [0], [1], [1], [0, 1, 1, 1], [], []>, transpose_lhs_hint = false} : vector<64x64xbf16>, vector<64x8192xbf16>, vector<64x8192xf32> -> vector<64x8192xf32>
    %mul3A = arith.constant 2.000000e+00 : f32
    %mul3A_39 = vector.broadcast %mul3A : f32 to vector<64x1xf32>
    %mul3A_40 = arith.mulf %mul3A_39, %get3A_11 : vector<64x1xf32>
    %add3A_41 = vector.broadcast %mul3A_40 : vector<64x1xf32> to vector<64x8192xf32>
    %add3A_42 = arith.addf %dot_general3A_38, %add3A_41 : vector<64x8192xf32>
    %transpose3A = tpu.transpose %add3A_42, [1, 0] : vector<64x8192xf32> -> vector<8192x64xf32>
    %reshape3A = vector.shape_cast %transpose3A : vector<8192x64xf32> to vector<16x512x64xf32>
    %swap3A = arith.constant 0 : index
    %swap3A_43 = arith.constant 0 : index
    %swap3A_44 = arith.constant 0 : index
    %swap3A_45 = vector.load %arg6[%swap3A, %swap3A_43, %swap3A_44] : memref<16x512x64xf32, #tpu.memory_space<vmem>>, vector<16x512x64xf32>
    tpu.vector_store %arg6[%swap3A, %swap3A_43, %swap3A_44], %reshape3A {strides = array<i32>} : memref<16x512x64xf32, #tpu.memory_space<vmem>>, vector<16x512x64xf32>,
    %get3A_46 = arith.constant 0 : index
    %get3A_47 = arith.constant 0 : index
    %get3A_48 = arith.constant 0 : index
    %get3A_49 = vector.load %arg1[%get3A_46, %get3A_47, %get3A_48] : memref<4x1x8192xf32, #tpu.memory_space<vmem>>, vector<4x1x8192xf32>
    %slice3A_50 = vector.extract_strided_slice %get3A_49 {offsets = [2, 0, 0], sizes = [1, 1, 8192], strides = [1, 1, 1]} : vector<4x1x8192xf32> to vector<1x1x8192xf32>
    %squeeze3A_51 = vector.shape_cast %slice3A_50 : vector<1x1x8192xf32> to vector<1x8192xf32>
    %convert_element_type3A_52 = arith.truncf %squeeze3A_51 : vector<1x8192xf32> to vector<1x8192xbf16>
    %dot_general3A_53 = arith.constant dense<0.000000e+00> : vector<64x8192xf32>
    %dot_general3A_54 = tpu.matmul %convert_element_type3A, %convert_element_type3A_52, %dot_general3A_53 {dimension_numbers = #tpu.dot_dimension_numbers<[0], [0], [1], [1], [0, 1, 1, 1], [], []>, transpose_lhs_hint = false} : vector<1x64xbf16>, vector<1x8192xbf16>, vector<64x8192xf32> -> vector<64x8192xf32>
    %add3A_55 = vector.broadcast %get3A_8 : vector<64x1xf32> to vector<64x8192xf32>
    %add3A_56 = arith.addf %dot_general3A_54, %add3A_55 : vector<64x8192xf32>
    %max3A_57 = arith.constant 0.000000e+00 : f32
    %max3A_58 = vector.broadcast %max3A_57 : f32 to vector<64x8192xf32>
    %max3A_59 = arith.maximumf %add3A_56, %max3A_58 : vector<64x8192xf32>
    %get3A_60 = arith.constant 0 : index
    %get3A_61 = arith.constant 0 : index
    %get3A_62 = arith.constant 0 : index
    %get3A_63 = vector.load %arg1[%get3A_60, %get3A_61, %get3A_62] : memref<4x1x8192xf32, #tpu.memory_space<vmem>>, vector<4x1x8192xf32>
    %slice3A_64 = vector.extract_strided_slice %get3A_63 {offsets = [3, 0, 0], sizes = [1, 1, 8192], strides = [1, 1, 1]} : vector<4x1x8192xf32> to vector<1x1x8192xf32>
    %squeeze3A_65 = vector.shape_cast %slice3A_64 : vector<1x1x8192xf32> to vector<1x8192xf32>
    %convert_element_type3A_66 = arith.truncf %squeeze3A_65 : vector<1x8192xf32> to vector<1x8192xbf16>
    %dot_general3A_67 = arith.constant dense<0.000000e+00> : vector<64x8192xf32>
    %dot_general3A_68 = tpu.matmul %convert_element_type3A, %convert_element_type3A_66, %dot_general3A_67 {dimension_numbers = #tpu.dot_dimension_numbers<[0], [0], [1], [1], [0, 1, 1, 1], [], []>, transpose_lhs_hint = false} : vector<1x64xbf16>, vector<1x8192xbf16>, vector<64x8192xf32> -> vector<64x8192xf32>
    %add3A_69 = vector.broadcast %get3A_8 : vector<64x1xf32> to vector<64x8192xf32>
    %add3A_70 = arith.addf %dot_general3A_68, %add3A_69 : vector<64x8192xf32>
    %max3A_71 = arith.constant 0.000000e+00 : f32
    %max3A_72 = vector.broadcast %max3A_71 : f32 to vector<64x8192xf32>
    %max3A_73 = arith.maximumf %add3A_70, %max3A_72 : vector<64x8192xf32>
    %add3A_74 = arith.addf %max3A_59, %max3A_73 : vector<64x8192xf32>
    %convert_element_type3A_75 = arith.truncf %add3A_74 : vector<64x8192xf32> to vector<64x8192xbf16>
    %dot_general3A_76 = arith.constant dense<0.000000e+00> : vector<64x8192xf32>
    %dot_general3A_77 = tpu.matmul %convert_element_type3A_5, %convert_element_type3A_75, %dot_general3A_76 {dimension_numbers = #tpu.dot_dimension_numbers<[0], [0], [1], [1], [0, 1, 1, 1], [], []>, transpose_lhs_hint = false} : vector<64x64xbf16>, vector<64x8192xbf16>, vector<64x8192xf32> -> vector<64x8192xf32>
    %mul3A_78 = arith.constant 2.000000e+00 : f32
    %mul3A_79 = vector.broadcast %mul3A_78 : f32 to vector<64x1xf32>
    %mul3A_80 = arith.mulf %mul3A_79, %get3A_11 : vector<64x1xf32>
    %add3A_81 = vector.broadcast %mul3A_80 : vector<64x1xf32> to vector<64x8192xf32>
    %add3A_82 = arith.addf %dot_general3A_77, %add3A_81 : vector<64x8192xf32>
    %transpose3A_83 = tpu.transpose %add3A_82, [1, 0] : vector<64x8192xf32> -> vector<8192x64xf32>
    %reshape3A_84 = vector.shape_cast %transpose3A_83 : vector<8192x64xf32> to vector<16x512x64xf32>
    %swap3A_85 = arith.constant 0 : index
    %swap3A_86 = arith.constant 0 : index
    %swap3A_87 = arith.constant 0 : index
    %swap3A_88 = vector.load %arg7[%swap3A_85, %swap3A_86, %swap3A_87] : memref<16x512x64xf32, #tpu.memory_space<vmem>>, vector<16x512x64xf32>
    tpu.vector_store %arg7[%swap3A_85, %swap3A_86, %swap3A_87], %reshape3A_84 {strides = array<i32>} : memref<16x512x64xf32, #tpu.memory_space<vmem>>, vector<16x512x64xf32>,
    return
  }
  func.func @transform_0(%arg0: i32) -> (i32, i32, i32) {
    %c0_i32 = arith.constant 0 : i32
    %c0_i32_0 = arith.constant 0 : i32
    %c0_i32_1 = arith.constant 0 : i32
    return %c0_i32, %c0_i32_0, %arg0 : i32, i32, i32
  }
  func.func @transform_1(%arg0: i32) -> (i32, i32) {
    %c0_i32 = arith.constant 0 : i32
    %c0_i32_0 = arith.constant 0 : i32
    %c0_i32_1 = arith.constant 0 : i32
    return %c0_i32, %c0_i32_0 : i32, i32
  }
  func.func @transform_2(%arg0: i32) -> (i32, i32) {
    %c0_i32 = arith.constant 0 : i32
    %c0_i32_0 = arith.constant 0 : i32
    %c0_i32_1 = arith.constant 0 : i32
    return %c0_i32, %c0_i32_0 : i32, i32
  }
  func.func @transform_3(%arg0: i32) -> (i32, i32) {
    %c0_i32 = arith.constant 0 : i32
    %c0_i32_0 = arith.constant 0 : i32
    %c0_i32_1 = arith.constant 0 : i32
    return %c0_i32, %c0_i32_0 : i32, i32
  }
  func.func @transform_4(%arg0: i32) -> (i32, i32) {
    %c0_i32 = arith.constant 0 : i32
    %c0_i32_0 = arith.constant 0 : i32
    %c0_i32_1 = arith.constant 0 : i32
    return %c0_i32, %c0_i32_0 : i32, i32
  }
  func.func @transform_5(%arg0: i32) -> (i32, i32, i32) {
    %c0_i32 = arith.constant 0 : i32
    %c0_i32_0 = arith.constant 0 : i32
    %c0_i32_1 = arith.constant 0 : i32
    return %arg0, %c0_i32, %c0_i32_0 : i32, i32, i32
  }
  func.func @transform_6(%arg0: i32) -> (i32, i32, i32) {
    %c0_i32 = arith.constant 0 : i32
    %c0_i32_0 = arith.constant 0 : i32
    %c0_i32_1 = arith.constant 0 : i32
    return %arg0, %c0_i32, %c0_i32_0 : i32, i32, i32
  }
}

</mosaic_0001>

<sc_bundles>
// kernel: kernel.4.cloned.1.call-start
scs
__scs_entry_jumppad:
0x0: {  	(pc) =	sbr.rel $0x88, $3  }
0x1: {  	(tag) =	ssettag $0x0;
	lr =	simm.s32 $0x1  }
0x2: {  	[smem:$0x3F99] =	sst lr;
	_ =	strace $0xD0000000  }
0x3: {  	_ = 	snop  }
0x4: {  	_ = 	snop  }
0x5: {  	_ = 	snop  }
0x6: {  	_ = 	snop  }
0x7: {  	_ = 	snop  }
__scs_overlays_trampoline_lowered:
0x8: {  	[smem:$0x3FA8] =	sst s0  }
0x9: {  	[smem:$0x3FA9] =	sst s1  }
0xa: {  	[smem:$0x3FAA] =	sst s2  }
0xb: {  	[smem:$0x3FAB] =	sst s3  }
0xc: {  	[smem:$0x3FAC] =	sst s4  }
0xd: {  	[smem:$0x3FAD] =	sst s5  }
0xe: {  	[smem:$0x3FAE] =	sst s6  }
0xf: {  	[smem:$0x3FAF] =	sst s7  }
0x10: {  	[smem:$0x3FB0] =	sst s8  }
0x11: {  	[smem:$0x3FB1] =	sst s9;
	s0 =	simm.s32 @!p0 $0x0  }
0x12: {  	s1 =	sld [smem:$0x3F97];
	s0 =	simm.s32 @p0 $0x1  }
0x13: {  	[smem:$0x3FB2] =	sst s0;
	s0 =	simm.s32 @!p1 $0x0  }
0x14: {  	s2 =	sld [smem:$0x3F96];
	s0 =	simm.s32 @p1 $0x1  }
0x15: {  	[smem:$0x3FB3] =	sst s0;
	s0 =	simm.s32 @!p2 $0x0  }
0x16: {  	s3 =	sld [smem:$0x3FDB];
	s0 =	simm.s32 @p2 $0x1  }
0x17: {  	s4 =	simm.s32 $0x1BF5;
	[smem:$0x3FB5] =	sst s0  }
0x18: {  	s0 =	sld [smem:$0x3F98];
	_ =	swait.ge [sflag:s4], $0x0  }
0x19: {  	s7 =	sld [smem:$0x3F99]  }
0x1a: {  	s8 =	sadd.s32 $0xFFFFE003, lr  }
0x1b: {  	s9 =	sadd.s32 $0xFFFFFEF7, lr;
	s5 =	simm.s32 $0xFFFFFFFF;
	p2 =	slt.u32 s8, $0xFFFFF086  }
0x1c: {  	p1 =	slt.u32 s9, $0xF7A;
	s5 =	simm.s32 @!p2 $0x0  }
0x1d: {  	s5 =	simm.s32 @p1 $0x1;
	p0 =	seq.s32 s7, s2  }
0x1e: {  	s7 =	smul.u32 @!p0 $0xF7A, s2;
	p2 =	seq.s32 @!p0 s5, $0x0  }
0x1f: {  	s9 =	smul.u32 $0xF7A, s1;
	s8 =	simm.s32 @!p0 $0x1BF5;
	p2 =	por !p2, p0  }
0x20: {  	[sflag:s8] =	ssyncset.s32 @!p0 $0xFFFFF086;
	s6 =	sadd.s32 @!p0 s3, s7;
	s7 =	simm.s32 @!p0 $0x108  }
0x21: {  	s3 =	sadd.s32 s3, s9;
	s6 =	sadd.s32 @!p0 $0x88, s6;
	s7 =	simm.s32 @p2 $0x1082  }
0x22: {  	[simem:s7], [sflag:s8] =	dma.local @!p0 [hbm:s6], $0xF7A  }
0x23: {  	s9 =	sor.u32 $0xD0000000, s2;
	s6 =	simm.s32 $0x108;
	_ =	swait.ge @!p0 [sflag:s8], $0x0  }
0x24: {  	s3 =	sadd.s32 $0x88, s3;
	s6 =	simm.s32 @!p1 $0x1082;
	[sflag:s4] =	ssyncset.s32 $0xFFFFF086  }
0x25: {  	[simem:s6], [sflag:s4] =	dma.local [hbm:s3], $0xF7A  }
0x26: {  	[smem:$0x3F99] =	sst s1;
	(tag) =	ssettag s2;
	_ =	strace s9  }
0x27: {  	s1 =	sld [smem:$0x3FA9]  }
0x28: {  	s2 =	sld [smem:$0x3FAA]  }
0x29: {  	s4 =	sld [smem:$0x3FAC]  }
0x2a: {  	p0 =	seq.s32 s5, $0x0;
	s5 =	sld [smem:$0x3FAD]  }
0x2b: {  	s6 =	sld [smem:$0x3FAE]  }
0x2c: {  	s7 =	sld [smem:$0x3FAF]  }
0x2d: {  	s3 =	simm.s32 $0x108;
	s8 =	sld [smem:$0x3FB0]  }
0x2e: {  	s3 =	simm.s32 @!p0 $0x1082;
	s9 =	sld [smem:$0x3FB1]  }
0x2f: {  	lr =	sadd.s32 s0, s3;
	s0 =	sld [smem:$0x3FA8]  }
0x30: {  	s3 =	sld [smem:$0x3FAB]  }
0x31: {  	[smem:$0x3FB4] =	sst s10  }
0x32: {  	s10 =	sld [smem:$0x3FB2];
	_ =	sdelay $0x3  }
0x33: {  	p0 =	seq.s32 s10, $0x1;
	s10 =	sld [smem:$0x3FB4];
	_ =	sdelay $0x3  }
0x34: {  	[smem:$0x3FB4] =	sst s10  }
0x35: {  	s10 =	sld [smem:$0x3FB3];
	_ =	sdelay $0x3  }
0x36: {  	p1 =	seq.s32 s10, $0x1;
	s10 =	sld [smem:$0x3FB4];
	_ =	sdelay $0x3  }
0x37: {  	[smem:$0x3FB4] =	sst s10  }
0x38: {  	s10 =	sld [smem:$0x3FB5]  }
0x39: {  	_ = 	snop;
	(pc) =	sbr.ind lr, $3  }
0x3a: {  	_ = 	snop  }
0x3b: {  	_ = 	snop  }
0x3c: {  	p2 =	seq.s32 s10, $0x1;
	s10 =	sld [smem:$0x3FB4]  }
0x3d: {  	_ =	shalt  }
0x3e: {  	_ =	shalt  }
0x3f: {  	_ =	shalt  }
0x40: {  	_ =	shalt  }
0x41: {  	_ =	shalt  }
0x42: {  	_ =	shalt  }
0x43: {  	_ =	shalt  }
0x44: {  	_ =	shalt  }
0x45: {  	_ =	shalt  }
0x46: {  	_ =	shalt  }
0x47: {  	_ =	shalt  }
0x48: {  	_ =	shalt  }
0x49: {  	_ =	shalt  }
0x4a: {  	_ =	shalt  }
0x4b: {  	_ =	shalt  }
0x4c: {  	_ =	shalt  }
0x4d: {  	_ =	shalt  }
0x4e: {  	_ =	shalt  }
0x4f: {  	_ =	shalt  }
0x50: {  	_ =	shalt  }
0x51: {  	_ =	shalt  }
0x52: {  	_ =	shalt  }
0x53: {  	_ =	shalt  }
0x54: {  	_ =	shalt  }
0x55: {  	_ =	shalt  }
0x56: {  	_ =	shalt  }
0x57: {  	_ =	shalt  }
0x58: {  	_ =	shalt  }
0x59: {  	_ =	shalt  }
0x5a: {  	_ =	shalt  }
0x5b: {  	_ =	shalt  }
0x5c: {  	_ =	shalt  }
0x5d: {  	_ =	shalt  }
0x5e: {  	_ =	shalt  }
0x5f: {  	_ =	shalt  }
0x60: {  	_ =	shalt  }
0x61: {  	_ =	shalt  }
0x62: {  	_ =	shalt  }
0x63: {  	_ =	shalt  }
0x64: {  	_ =	shalt  }
0x65: {  	_ =	shalt  }
0x66: {  	_ =	shalt  }
0x67: {  	_ =	shalt  }
0x68: {  	_ =	shalt  }
0x69: {  	_ =	shalt  }
0x6a: {  	_ =	shalt  }
0x6b: {  	_ =	shalt  }
0x6c: {  	_ =	shalt  }
0x6d: {  	_ =	shalt  }
0x6e: {  	_ =	shalt  }
0x6f: {  	_ =	shalt  }
0x70: {  	_ =	shalt  }
0x71: {  	_ =	shalt  }
0x72: {  	_ =	shalt  }
0x73: {  	_ =	shalt  }
0x74: {  	_ =	shalt  }
0x75: {  	_ =	shalt  }
0x76: {  	_ =	shalt  }
0x77: {  	_ =	shalt  }
0x78: {  	_ =	shalt  }
0x79: {  	_ =	shalt  }
0x7a: {  	_ =	shalt  }
0x7b: {  	_ =	shalt  }
0x7c: {  	_ =	shalt  }
0x7d: {  	_ =	shalt  }
0x7e: {  	_ =	shalt  }
0x7f: {  	_ =	shalt  }
0x80: {  	_ =	shalt  }
0x81: {  	_ =	shalt  }
0x82: {  	_ =	shalt  }
0x83: {  	_ =	shalt  }
0x84: {  	_ =	shalt  }
0x85: {  	_ =	shalt  }
0x86: {  	_ =	shalt  }
0x87: {  	_ =	shalt  }
.Lfunc_end0:
.L_simem_size_0:
called_computation_lowered:
.L_overlay_start_0:
0x88: {  	s2 =	sld [smem:$0x3FD9]  }
0x89: {  	s3 =	sld [smem:$0x3FFE];
	_ =	sdelay $0x1  }
0x8a: {  	s1 =	srdreg.scid  }
0x8b: {  	s0 =	sand.u32 $0x1, s1  }
0x8c: {  	s14 =	sshll.u32 s0, $0xA;
	s2 =	sadd.s32 s3, s2  }
0x8d: {  	s2 =	sadd.s32 s2, s14  }
0x8e: {  	[smem:$0x3FC0] =	sst s2  }
0x8f: {  	_ = 	snop  }
0x90: {  	s2 =	sld [smem:$0x3FD0];
	_ =	sdelay $0x2  }
0x91: {  	s15 =	simm.s32 $0xA;
	s4 =	simm.s32 $0x10  }
0x92: {  	[smem:s4], [sflag:s15] =	dma.local [hbm:s2], $0x1  }
0x93: {  	_ =	swait.eq [sflag:s15], $0x1  }
0x94: {  	[sflag:s15] =	ssyncset.done $0x0  }
0x95: {  	s16 =	sld [smem:$0x10];
	[sflag:s15] =	ssyncadd.s32 $0xFFFFFFFF  }
0x96: {  	s17 =	sld [smem:$0x11];
	(tm) =	ssettm $0x1  }
0x97: {  	s18 =	sld [smem:$0x3FFB];
	_ =	sdelay $0x3  }
0x98: {  	_ =	strace s18  }
0x99: {  	s4 =	sld [smem:$0x3FFC];
	_ =	sdelay $0x3  }
0x9a: {  	_ =	strace s4  }
0x9b: {  	s4 =	sld [smem:$0x3FFD];
	_ =	sdelay $0x3  }
0x9c: {  	_ =	strace s4  }
0x9d: {  	_ =	strace $0x8FFFFFFF  }
0x9e: {  	s19 =	sld [smem:$0x3FDB];
	_ =	sdelay $0x1  }
0x9f: {  	s5 =	simm.s32 $_scs_section_size  }
0xa0: {  	s6 =	simm.s32 $_size__tile_overlayer_lowered;
	s7 =	simm.s32 $_tile_overlayer_lowered  }
0xa1: {  	s22 =	simm.s32 $0x1BFF;
	s21 =	sshll.u32 s7, $0x1;
	s4 =	sadd.s32 s5, s19  }
0xa2: {  	s8 =	simm.s32 $0x0;
	s20 =	sshll.u32 s6, $0x1;
	s6 =	sadd.s32 s21, s4  }
0xa3: {  	[timem:s8], [sflag:s22] =	dma.local [hbm:s6], s20  }
0xa4: {  	_ =	swait.ge [sflag:s22], s20  }
0xa5: {  	s5 =	ssub.s32 $0x0, s20;
	[sflag:s22] =	ssyncset.done $0x0  }
0xa6: {  	[sflag:s22] =	ssyncadd.s32 s5;
	_ =	sdelay $0x1  }
0xa7: {  	s23 =	simm.s32 $0x1B8B  }
0xa8: {  	_ =	swait.ge [sflag:s23], $0x1  }
0xa9: {  	[sflag:s23] =	ssyncset.done $0x0  }
0xaa: {  	s25 =	simm.s32 $0x1B8E;
	s24 =	sld [smem:$0x3FFE];
	[sflag:s23] =	ssyncadd.s32 $0xFFFFFFFF  }
0xab: {  	s26 =	simm.s32 $execute0_lowered;
	[smem:$0x3FD2] =	sst s25  }
0xac: {  	s6 =	sshll.u32 s26, $0x1;
	_ =	strace $0x80000046;
	[dreg:$0x1] =	wrdreg $0xFFFFFFFF  }
0xad: {  	s28 =	simm.s32 $_size_execute0_lowered;
	s4 =	sadd.s32 s4, s6;
	[dreg:$0x0] =	wrdreg $0x0  }
0xae: {  	s6 =	sshll.u32 s28, $0x1;
	[dreg:$0x2] =	wrdreg s4  }
0xaf: {  	[dreg:$0x3] =	wrdreg s6  }
0xb0: {  	[dreg:$0x4] =	wrdreg $0xC0  }
0xb1: {  	_ =	task [dreg:s8], $0x5FFFF  }
0xb2: {  	[dreg:$0x1] =	wrdreg $0xFFFFFFFF  }
0xb3: {  	[dreg:$0x0] =	wrdreg $0x60  }
0xb4: {  	[dreg:$0x2] =	wrdreg s24  }
0xb5: {  	[dreg:$0x3] =	wrdreg s16  }
0xb6: {  	[dreg:$0x4] =	wrdreg s17  }
0xb7: {  	[dreg:$0x5] =	wrdreg $0x9  }
0xb8: {  	_ =	task.clear_ibuf [dreg:s8], $0x6FFFF;
	_ =	strace $0x90000046  }
0xb9: {  	s29 =	simm.s32 $0x9;
	_ =	strace $0x80000048  }
0xba: {  	_ =	swait.ge [sflag:s29], $0x1  }
0xbb: {  	[sflag:s29] =	ssyncadd.s32 $0xFFFFFFFF  }
0xbc: {  	_ =	strace $0x90000048  }
0xbd: {  	_ =	sfence  }
0xbe: {  	s30 =	sld [smem:$0x0];
	_ =	sdelay $0x2  }
0xbf: {  	s31 =	sshll.u32 s1, $0xD;
	s1 =	sshrl.u32 s1, $0x2  }
0xc0: {  	s3 =	sand.u32 $0x4000, s31;
	s1 =	sadd.s32 s1, s30  }
0xc1: {  	s0 =	sor.u32 s3, s0;
	s1 =	sshll.u32 s1, $0x11  }
0xc2: {  	s0 =	sor.u32 s1, s0  }
0xc3: {  	s0 =	sadd.s32 $0x8F2B, s0  }
0xc4: {  	[sflag:s0] =	ssyncadd.remote.s32 $0x1  }
0xc5: {  	_ =	sfence.sel $0xFFFF  }
0xc6: {  	[dreg:$0x0] =	wrdreg $0xFFFFFFFF;
	(pc) =	sbr.abs _section_cstart, $3  }
0xc7: {  	[dreg:$0x1] =	wrdreg $0xFFFFFFFF  }
0xc8: {  	_ =	task.clear_ibuf [dreg:s8], $0x2FFFF;
	_ =	strace $0x9FFFFFFF  }
0xc9: {  	(tm) =	ssettm $0x7FFFFFFF  }
tec
execute0_lowered:
.L_overlay_start_1:
0x0: {  	(tag) =	ssettag $0x1  }
0x1: {  	s0 =	srdreg.scid;
	s5 =	rddreg [dreg:$0x1]  }
0x2: {  	s7 =	stileid.u32;
	s29 =	rddreg [dreg:$0x2];
	s2 =	sand.u32 $0x1, s0  }
0x3: {  	s30 =	simm.s32 $0x900;
	s19 =	sshll.u32 s7, $0x3;
	s1 =	sshll.u32 s2, $0x2  }
0x4: {  	s31 =	simm.s32 $0x2;
	s3 =	ssub.s32 $0x2, s2;
	s0 =	sor.u32 s1, s19  }
0x5: {  	s23 =	sshll.u32 s2, $0x9;
	s20 =	sshrl.u32 s3, $0x1;
	s6 =	sshll.u32 s0, $0x7  }
0x6: {  	s4 =	ssub.s32 s3, s20;
	s1 =	sor.u32 $0x1, s0;
	s2 =	sor.u32 $0x2, s0  }
0x7: {  	s3 =	sor.u32 $0x3, s0;
	s21 =	sadd.s32 s5, s6;
	s22 =	sshll.u32 s1, $0x7  }
0x8: {  	s6 =	sshll.u32 s7, $0xC;
	s14 =	sshll.u32 s2, $0x7;
	s19 =	sshll.u32 s3, $0x7  }
0x9: {  	[dreg:$0x4] =	wrdreg s21;
	s24 =	sadd.s32 s5, s22;
	s8 =	sor.u32 s23, s6  }
0xa: {  	s9 =	sor.u32 $0x10000, s6;
	s11 =	sor.u32 $0x20000, s6;
	s13 =	sor.u32 $0x30000, s6  }
0xb: {  	s25 =	sadd.s32 s5, s14;
	s26 =	sand.u32 $0x280, s22;
	s14 =	sand.u32 $0x300, s14  }
0xc: {  	s5 =	sadd.s32 s5, s19;
	s7 =	sand.u32 $0x380, s19;
	[dreg:$0x5] =	wrdreg s24  }
0xd: {  	s10 =	sor.u32 s23, s9;
	s12 =	sor.u32 s23, s11;
	s15 =	sor.u32 s23, s13  }
0xe: {  	[dreg:$0x6] =	wrdreg s25;
	s16 =	sor.u32 s6, s26;
	s17 =	sor.u32 s9, s26  }
0xf: {  	s18 =	sor.u32 s11, s26;
	s20 =	sor.u32 s13, s26;
	[dreg:$0x7] =	wrdreg s5  }
0x10: {  	s21 =	sor.u32 s6, s14;
	s22 =	sor.u32 s9, s14;
	s19 =	sor.u32 s11, s14  }
0x11: {  	s23 =	sor.u32 s13, s14;
	s24 =	sor.u32 s6, s7;
	s25 =	sor.u32 s9, s7  }
0x12: {  	s26 =	sor.u32 s11, s7;
	s28 =	sor.u32 s13, s7;
	s5 =	simm.s32 $0x0  }
0x13: {  	s9 =	sshrl.u32 s8, $0x3;
	s10 =	sshrl.u32 s10, $0x3;
	[smem:$0x7FF] =	sst s5  }
0x14: {  	s6 =	sadd.s32 s29, s9;
	s11 =	sshrl.u32 s12, $0x3;
	s12 =	sshrl.u32 s15, $0x3  }
0x15: {  	s13 =	sshrl.u32 s16, $0x3;
	s14 =	sshrl.u32 s17, $0x3;
	s15 =	sshrl.u32 s18, $0x3  }
0x16: {  	s16 =	sshrl.u32 s20, $0x3;
	s17 =	sshrl.u32 s21, $0x3;
	s18 =	sshrl.u32 s22, $0x3  }
0x17: {  	s20 =	sshrl.u32 s19, $0x3;
	s21 =	sshrl.u32 s23, $0x3;
	s22 =	sshrl.u32 s24, $0x3  }
0x18: {  	s23 =	sshrl.u32 s25, $0x3;
	s24 =	sshrl.u32 s26, $0x3;
	s25 =	sshrl.u32 s28, $0x3  }
0x19: {  	s26 =	rddreg [dreg:$0x0];
	s28 =	simm.s32 $0x1;
	s19 =	simm.s32 $0x0  }
0x1a: {  	s7 =	sadd.s32 s29, s10;
	s8 =	sadd.s32 s29, s11;
	s9 =	sadd.s32 s29, s12  }
0x1b: {  	s10 =	sadd.s32 s29, s13;
	s11 =	sadd.s32 s29, s14;
	s12 =	sadd.s32 s29, s15  }
0x1c: {  	s13 =	sadd.s32 s29, s16;
	s14 =	sadd.s32 s29, s17;
	s15 =	sadd.s32 s29, s18  }
0x1d: {  	s16 =	sadd.s32 s29, s20;
	s17 =	sadd.s32 s29, s21;
	s18 =	sadd.s32 s29, s22  }
0x1e: {  	v8 =	vimm.s32 $0x0;
	v0 =	vmov s0;
	v1 =	vmov s1;
	s20 =	sadd.s32 s29, s23;
	s21 =	sadd.s32 s29, s24;
	s22 =	sadd.s32 s29, s25  }
0x1f: {  	v2 =	vmov s2;
	v3 =	vmov s3;
	v4 =	vor.u32 $0x80, v0;
	_ =	strace $0x80000047;
	s23 =	sadd.s32 $0xA00, s26;
	s24 =	smax.u32 s4, $0x1  }
0x20: {  	v5 =	vor.u32 $0x80, v1;
	v6 =	vor.u32 $0x80, v2;
	v7 =	vor.u32 $0x80, v3;
	s25 =	simm.s32 $0x800;
	s26 =	simm.s32 $0x3;
	s29 =	simm.s32 $0x2080  }
.LBB2_1:
0x21: {  	s0 =	rddreg [dreg:$0x4]  }
0x22: {  	[tilespmem:s5], [sflag:$0x1] =	stream.linear.gather [hbm4b:s0+s5], $0x400, $0x38;
	[tilespmem:$0x2100] =	vst v63  }
0x23: {  	_ = 	snop  }
0x24: {  	[tilespmem:s25], [sflag:$0x3] =	stream.linear.gather [hbm4b:s23+s5], $0x100, $0x38;
	[tilespmem:$0x2100] =	vst v63  }
0x25: {  	_ =	swait.ge [sflag:s26], $0x100  }
0x26: {  	[sflag:s26] =	ssyncset.done $0x0  }
0x27: {  	s1 =	simm.s32 $0x0;
	s0 =	simm.s32 $0x40;
	[sflag:s26] =	ssyncadd.s32 $0xFFFFFF00  }
.LBB2_2:
0x28: {  	p0 =	sne.s32 s0, $0x1FC0;
	[tilespmem:s1+$0x900] =	vst v8;
	s1 =	smov.u32 s0;
	s0 =	sadd.s32 $0x40, s0  }
.Ltmp0:
0x29: {  	(pc) =	sbr.rel @p0 .LBB2_2-.Ltmp0, $2  }
0x2a: {  	_ =	sdelay $0x2  }
0x2b: {  	s1 =	sshra.s32 s1, $0x2  }
0x2c: {  	[tilespmem:s1+$0x900] =	vst v8  }
0x2d: {  	_ =	swait.ge [sflag:s28], $0x400  }
0x2e: {  	s0 =	simm.s32 $0x0;
	[sflag:s28] =	ssyncset.done $0x0  }
0x2f: {  	s2 =	simm.s32 $0x400;
	s4 =	rddreg [dreg:$0x5];
	[sflag:s28] =	ssyncadd.s32 $0xFFFFFC00  }
0x30: {  	[tilespmem:s2], [sflag:$0x1] =	stream.linear.gather [hbm4b:s4+s0], $0x400, $0x38;
	[tilespmem:$0x2100] =	vst v63  }
0x31: {  	v9 =	vld [tilespmem:$0x0];
	_ =	sdelay $0x4  }
0x32: {  	(xrf1) =	vunique.msk.u32 $0xffff, v9;
	_ =	sdelay $0xd  }
0x33: {  	_, v10, vm0 =	vpop (xrf1);
	_ =	sdelay $0x5  }
0x34: {  	[tilespmem:v9+s30+$0x0] =	vst.idx.add.s32.msk vm0, v10  }
0x35: {  	v9 =	vld [tilespmem:$0x10];
	_ =	sdelay $0x4  }
0x36: {  	(xrf1) =	vunique.msk.u32 $0xffff, v9;
	_ =	sdelay $0xd  }
0x37: {  	_, v10, vm0 =	vpop (xrf1);
	_ =	sdelay $0x5  }
0x38: {  	[tilespmem:v9+s30+$0x0] =	vst.idx.add.s32.msk vm0, v10  }
0x39: {  	v9 =	vld [tilespmem:$0x20];
	_ =	sdelay $0x4  }
0x3a: {  	(xrf1) =	vunique.msk.u32 $0xffff, v9;
	_ =	sdelay $0xd  }
0x3b: {  	_, v10, vm0 =	vpop (xrf1);
	_ =	sdelay $0x5  }
0x3c: {  	[tilespmem:v9+s30+$0x0] =	vst.idx.add.s32.msk vm0, v10  }
0x3d: {  	v9 =	vld [tilespmem:$0x30];
	_ =	sdelay $0x4  }
0x3e: {  	(xrf1) =	vunique.msk.u32 $0xffff, v9;
	_ =	sdelay $0xd  }
0x3f: {  	_, v10, vm0 =	vpop (xrf1);
	_ =	sdelay $0x5  }
0x40: {  	[tilespmem:v9+s30+$0x0] =	vst.idx.add.s32.msk vm0, v10  }
0x41: {  	v9 =	vld [tilespmem:$0x40];
	_ =	sdelay $0x4  }
0x42: {  	(xrf1) =	vunique.msk.u32 $0xffff, v9;
	_ =	sdelay $0xd  }
0x43: {  	_, v10, vm0 =	vpop (xrf1);
	_ =	sdelay $0x5  }
0x44: {  	[tilespmem:v9+s30+$0x0] =	vst.idx.add.s32.msk vm0, v10  }
0x45: {  	v9 =	vld [tilespmem:$0x50];
	_ =	sdelay $0x4  }
0x46: {  	(xrf1) =	vunique.msk.u32 $0xffff, v9;
	_ =	sdelay $0xd  }
0x47: {  	_, v10, vm0 =	vpop (xrf1);
	_ =	sdelay $0x5  }
0x48: {  	[tilespmem:v9+s30+$0x0] =	vst.idx.add.s32.msk vm0, v10  }
0x49: {  	v9 =	vld [tilespmem:$0x60];
	_ =	sdelay $0x4  }
0x4a: {  	(xrf1) =	vunique.msk.u32 $0xffff, v9;
	_ =	sdelay $0xd  }
0x4b: {  	_, v10, vm0 =	vpop (xrf1);
	_ =	sdelay $0x5  }
0x4c: {  	[tilespmem:v9+s30+$0x0] =	vst.idx.add.s32.msk vm0, v10  }
0x4d: {  	v9 =	vld [tilespmem:$0x70];
	_ =	sdelay $0x4  }
0x4e: {  	(xrf1) =	vunique.msk.u32 $0xffff, v9;
	_ =	sdelay $0xd  }
0x4f: {  	_, v10, vm0 =	vpop (xrf1);
	_ =	sdelay $0x5  }
0x50: {  	[tilespmem:v9+s30+$0x0] =	vst.idx.add.s32.msk vm0, v10  }
0x51: {  	v9 =	vld [tilespmem:$0x80];
	_ =	sdelay $0x4  }
0x52: {  	(xrf1) =	vunique.msk.u32 $0xffff, v9;
	_ =	sdelay $0xd  }
0x53: {  	_, v10, vm0 =	vpop (xrf1);
	_ =	sdelay $0x5  }
0x54: {  	[tilespmem:v9+s30+$0x0] =	vst.idx.add.s32.msk vm0, v10  }
0x55: {  	v9 =	vld [tilespmem:$0x90];
	_ =	sdelay $0x4  }
0x56: {  	(xrf1) =	vunique.msk.u32 $0xffff, v9;
	_ =	sdelay $0xd  }
0x57: {  	_, v10, vm0 =	vpop (xrf1);
	_ =	sdelay $0x5  }
0x58: {  	[tilespmem:v9+s30+$0x0] =	vst.idx.add.s32.msk vm0, v10  }
0x59: {  	v9 =	vld [tilespmem:$0xA0];
	_ =	sdelay $0x4  }
0x5a: {  	(xrf1) =	vunique.msk.u32 $0xffff, v9;
	_ =	sdelay $0xd  }
0x5b: {  	_, v10, vm0 =	vpop (xrf1);
	_ =	sdelay $0x5  }
0x5c: {  	[tilespmem:v9+s30+$0x0] =	vst.idx.add.s32.msk vm0, v10  }
0x5d: {  	v9 =	vld [tilespmem:$0xB0];
	_ =	sdelay $0x4  }
0x5e: {  	(xrf1) =	vunique.msk.u32 $0xffff, v9;
	_ =	sdelay $0xd  }
0x5f: {  	_, v10, vm0 =	vpop (xrf1);
	_ =	sdelay $0x5  }
0x60: {  	[tilespmem:v9+s30+$0x0] =	vst.idx.add.s32.msk vm0, v10  }
0x61: {  	v9 =	vld [tilespmem:$0xC0];
	_ =	sdelay $0x4  }
0x62: {  	(xrf1) =	vunique.msk.u32 $0xffff, v9;
	_ =	sdelay $0xd  }
0x63: {  	_, v10, vm0 =	vpop (xrf1);
	_ =	sdelay $0x5  }
0x64: {  	[tilespmem:v9+s30+$0x0] =	vst.idx.add.s32.msk vm0, v10  }
0x65: {  	v9 =	vld [tilespmem:$0xD0];
	_ =	sdelay $0x4  }
0x66: {  	(xrf1) =	vunique.msk.u32 $0xffff, v9;
	_ =	sdelay $0xd  }
0x67: {  	_, v10, vm0 =	vpop (xrf1);
	_ =	sdelay $0x5  }
0x68: {  	[tilespmem:v9+s30+$0x0] =	vst.idx.add.s32.msk vm0, v10  }
0x69: {  	v9 =	vld [tilespmem:$0xE0];
	_ =	sdelay $0x4  }
0x6a: {  	(xrf1) =	vunique.msk.u32 $0xffff, v9;
	_ =	sdelay $0xd  }
0x6b: {  	_, v10, vm0 =	vpop (xrf1);
	_ =	sdelay $0x5  }
0x6c: {  	[tilespmem:v9+s30+$0x0] =	vst.idx.add.s32.msk vm0, v10  }
0x6d: {  	v9 =	vld [tilespmem:$0xF0];
	_ =	sdelay $0x4  }
0x6e: {  	(xrf1) =	vunique.msk.u32 $0xffff, v9;
	_ =	sdelay $0xd  }
0x6f: {  	_, v10, vm0 =	vpop (xrf1);
	_ =	sdelay $0x5  }
0x70: {  	[tilespmem:v9+s30+$0x0] =	vst.idx.add.s32.msk vm0, v10  }
0x71: {  	v9 =	vld [tilespmem:$0x100];
	_ =	sdelay $0x4  }
0x72: {  	(xrf1) =	vunique.msk.u32 $0xffff, v9;
	_ =	sdelay $0xd  }
0x73: {  	_, v10, vm0 =	vpop (xrf1);
	_ =	sdelay $0x5  }
0x74: {  	[tilespmem:v9+s30+$0x0] =	vst.idx.add.s32.msk vm0, v10  }
0x75: {  	v9 =	vld [tilespmem:$0x110];
	_ =	sdelay $0x4  }
0x76: {  	(xrf1) =	vunique.msk.u32 $0xffff, v9;
	_ =	sdelay $0xd  }
0x77: {  	_, v10, vm0 =	vpop (xrf1);
	_ =	sdelay $0x5  }
0x78: {  	[tilespmem:v9+s30+$0x0] =	vst.idx.add.s32.msk vm0, v10  }
0x79: {  	v9 =	vld [tilespmem:$0x120];
	_ =	sdelay $0x4  }
0x7a: {  	(xrf1) =	vunique.msk.u32 $0xffff, v9;
	_ =	sdelay $0xd  }
0x7b: {  	_, v10, vm0 =	vpop (xrf1);
	_ =	sdelay $0x5  }
0x7c: {  	[tilespmem:v9+s30+$0x0] =	vst.idx.add.s32.msk vm0, v10  }
0x7d: {  	v9 =	vld [tilespmem:$0x130];
	_ =	sdelay $0x4  }
0x7e: {  	(xrf1) =	vunique.msk.u32 $0xffff, v9;
	_ =	sdelay $0xd  }
0x7f: {  	_, v10, vm0 =	vpop (xrf1);
	_ =	sdelay $0x5  }
0x80: {  	[tilespmem:v9+s30+$0x0] =	vst.idx.add.s32.msk vm0, v10  }
0x81: {  	v9 =	vld [tilespmem:$0x140];
	_ =	sdelay $0x4  }
0x82: {  	(xrf1) =	vunique.msk.u32 $0xffff, v9;
	_ =	sdelay $0xd  }
0x83: {  	_, v10, vm0 =	vpop (xrf1);
	_ =	sdelay $0x5  }
0x84: {  	[tilespmem:v9+s30+$0x0] =	vst.idx.add.s32.msk vm0, v10  }
0x85: {  	v9 =	vld [tilespmem:$0x150];
	_ =	sdelay $0x4  }
0x86: {  	(xrf1) =	vunique.msk.u32 $0xffff, v9;
	_ =	sdelay $0xd  }
0x87: {  	_, v10, vm0 =	vpop (xrf1);
	_ =	sdelay $0x5  }
0x88: {  	[tilespmem:v9+s30+$0x0] =	vst.idx.add.s32.msk vm0, v10  }
0x89: {  	v9 =	vld [tilespmem:$0x160];
	_ =	sdelay $0x4  }
0x8a: {  	(xrf1) =	vunique.msk.u32 $0xffff, v9;
	_ =	sdelay $0xd  }
0x8b: {  	_, v10, vm0 =	vpop (xrf1);
	_ =	sdelay $0x5  }
0x8c: {  	[tilespmem:v9+s30+$0x0] =	vst.idx.add.s32.msk vm0, v10  }
0x8d: {  	v9 =	vld [tilespmem:$0x170];
	_ =	sdelay $0x4  }
0x8e: {  	(xrf1) =	vunique.msk.u32 $0xffff, v9;
	_ =	sdelay $0xd  }
0x8f: {  	_, v10, vm0 =	vpop (xrf1);
	_ =	sdelay $0x5  }
0x90: {  	[tilespmem:v9+s30+$0x0] =	vst.idx.add.s32.msk vm0, v10  }
0x91: {  	v9 =	vld [tilespmem:$0x180];
	_ =	sdelay $0x4  }
0x92: {  	(xrf1) =	vunique.msk.u32 $0xffff, v9;
	_ =	sdelay $0xd  }
0x93: {  	_, v10, vm0 =	vpop (xrf1);
	_ =	sdelay $0x5  }
0x94: {  	[tilespmem:v9+s30+$0x0] =	vst.idx.add.s32.msk vm0, v10  }
0x95: {  	v9 =	vld [tilespmem:$0x190];
	_ =	sdelay $0x4  }
0x96: {  	(xrf1) =	vunique.msk.u32 $0xffff, v9;
	_ =	sdelay $0xd  }
0x97: {  	_, v10, vm0 =	vpop (xrf1);
	_ =	sdelay $0x5  }
0x98: {  	[tilespmem:v9+s30+$0x0] =	vst.idx.add.s32.msk vm0, v10  }
0x99: {  	v9 =	vld [tilespmem:$0x1A0];
	_ =	sdelay $0x4  }
0x9a: {  	(xrf1) =	vunique.msk.u32 $0xffff, v9;
	_ =	sdelay $0xd  }
0x9b: {  	_, v10, vm0 =	vpop (xrf1);
	_ =	sdelay $0x5  }
0x9c: {  	[tilespmem:v9+s30+$0x0] =	vst.idx.add.s32.msk vm0, v10  }
0x9d: {  	v9 =	vld [tilespmem:$0x1B0];
	_ =	sdelay $0x4  }
0x9e: {  	(xrf1) =	vunique.msk.u32 $0xffff, v9;
	_ =	sdelay $0xd  }
0x9f: {  	_, v10, vm0 =	vpop (xrf1);
	_ =	sdelay $0x5  }
0xa0: {  	[tilespmem:v9+s30+$0x0] =	vst.idx.add.s32.msk vm0, v10  }
0xa1: {  	v9 =	vld [tilespmem:$0x1C0];
	_ =	sdelay $0x4  }
0xa2: {  	(xrf1) =	vunique.msk.u32 $0xffff, v9;
	_ =	sdelay $0xd  }
0xa3: {  	_, v10, vm0 =	vpop (xrf1);
	_ =	sdelay $0x5  }
0xa4: {  	[tilespmem:v9+s30+$0x0] =	vst.idx.add.s32.msk vm0, v10  }
0xa5: {  	v9 =	vld [tilespmem:$0x1D0];
	_ =	sdelay $0x4  }
0xa6: {  	(xrf1) =	vunique.msk.u32 $0xffff, v9;
	_ =	sdelay $0xd  }
0xa7: {  	_, v10, vm0 =	vpop (xrf1);
	_ =	sdelay $0x5  }
0xa8: {  	[tilespmem:v9+s30+$0x0] =	vst.idx.add.s32.msk vm0, v10  }
0xa9: {  	v9 =	vld [tilespmem:$0x1E0];
	_ =	sdelay $0x4  }
0xaa: {  	(xrf1) =	vunique.msk.u32 $0xffff, v9;
	_ =	sdelay $0xd  }
0xab: {  	_, v10, vm0 =	vpop (xrf1);
	_ =	sdelay $0x5  }
0xac: {  	[tilespmem:v9+s30+$0x0] =	vst.idx.add.s32.msk vm0, v10  }
0xad: {  	v9 =	vld [tilespmem:$0x1F0];
	_ =	sdelay $0x4  }
0xae: {  	(xrf1) =	vunique.msk.u32 $0xffff, v9;
	_ =	sdelay $0xd  }
0xaf: {  	_, v10, vm0 =	vpop (xrf1);
	_ =	sdelay $0x5  }
0xb0: {  	[tilespmem:v9+s30+$0x0] =	vst.idx.add.s32.msk vm0, v10  }
0xb1: {  	v9 =	vld [tilespmem:$0x200];
	_ =	sdelay $0x4  }
0xb2: {  	v9 =	vadd.s32 $0x400, v9  }
0xb3: {  	(xrf1) =	vunique.msk.u32 $0xffff, v9;
	_ =	sdelay $0xd  }
0xb4: {  	_, v10, vm0 =	vpop (xrf1);
	_ =	sdelay $0x5  }
0xb5: {  	[tilespmem:v9+s30+$0x0] =	vst.idx.add.s32.msk vm0, v10  }
0xb6: {  	v9 =	vld [tilespmem:$0x210];
	_ =	sdelay $0x4  }
0xb7: {  	v9 =	vadd.s32 $0x400, v9  }
0xb8: {  	(xrf1) =	vunique.msk.u32 $0xffff, v9;
	_ =	sdelay $0xd  }
0xb9: {  	_, v10, vm0 =	vpop (xrf1);
	_ =	sdelay $0x5  }
0xba: {  	[tilespmem:v9+s30+$0x0] =	vst.idx.add.s32.msk vm0, v10  }
0xbb: {  	v9 =	vld [tilespmem:$0x220];
	_ =	sdelay $0x4  }
0xbc: {  	v9 =	vadd.s32 $0x400, v9  }
0xbd: {  	(xrf1) =	vunique.msk.u32 $0xffff, v9;
	_ =	sdelay $0xd  }
0xbe: {  	_, v10, vm0 =	vpop (xrf1);
	_ =	sdelay $0x5  }
0xbf: {  	[tilespmem:v9+s30+$0x0] =	vst.idx.add.s32.msk vm0, v10  }
0xc0: {  	v9 =	vld [tilespmem:$0x230];
	_ =	sdelay $0x4  }
0xc1: {  	v9 =	vadd.s32 $0x400, v9  }
0xc2: {  	(xrf1) =	vunique.msk.u32 $0xffff, v9;
	_ =	sdelay $0xd  }
0xc3: {  	_, v10, vm0 =	vpop (xrf1);
	_ =	sdelay $0x5  }
0xc4: {  	[tilespmem:v9+s30+$0x0] =	vst.idx.add.s32.msk vm0, v10  }
0xc5: {  	v9 =	vld [tilespmem:$0x240];
	_ =	sdelay $0x4  }
0xc6: {  	v9 =	vadd.s32 $0x400, v9  }
0xc7: {  	(xrf1) =	vunique.msk.u32 $0xffff, v9;
	_ =	sdelay $0xd  }
0xc8: {  	_, v10, vm0 =	vpop (xrf1);
	_ =	sdelay $0x5  }
0xc9: {  	[tilespmem:v9+s30+$0x0] =	vst.idx.add.s32.msk vm0, v10  }
0xca: {  	v9 =	vld [tilespmem:$0x250];
	_ =	sdelay $0x4  }
0xcb: {  	v9 =	vadd.s32 $0x400, v9  }
0xcc: {  	(xrf1) =	vunique.msk.u32 $0xffff, v9;
	_ =	sdelay $0xd  }
0xcd: {  	_, v10, vm0 =	vpop (xrf1);
	_ =	sdelay $0x5  }
0xce: {  	[tilespmem:v9+s30+$0x0] =	vst.idx.add.s32.msk vm0, v10  }
0xcf: {  	v9 =	vld [tilespmem:$0x260];
	_ =	sdelay $0x4  }
0xd0: {  	v9 =	vadd.s32 $0x400, v9  }
0xd1: {  	(xrf1) =	vunique.msk.u32 $0xffff, v9;
	_ =	sdelay $0xd  }
0xd2: {  	_, v10, vm0 =	vpop (xrf1);
	_ =	sdelay $0x5  }
0xd3: {  	[tilespmem:v9+s30+$0x0] =	vst.idx.add.s32.msk vm0, v10  }
0xd4: {  	v9 =	vld [tilespmem:$0x270];
	_ =	sdelay $0x4  }
0xd5: {  	v9 =	vadd.s32 $0x400, v9  }
0xd6: {  	(xrf1) =	vunique.msk.u32 $0xffff, v9;
	_ =	sdelay $0xd  }
0xd7: {  	_, v10, vm0 =	vpop (xrf1);
	_ =	sdelay $0x5  }
0xd8: {  	[tilespmem:v9+s30+$0x0] =	vst.idx.add.s32.msk vm0, v10  }
0xd9: {  	v9 =	vld [tilespmem:$0x280];
	_ =	sdelay $0x4  }
0xda: {  	v9 =	vadd.s32 $0x400, v9  }
0xdb: {  	(xrf1) =	vunique.msk.u32 $0xffff, v9;
	_ =	sdelay $0xd  }
0xdc: {  	_, v10, vm0 =	vpop (xrf1);
	_ =	sdelay $0x5  }
0xdd: {  	[tilespmem:v9+s30+$0x0] =	vst.idx.add.s32.msk vm0, v10  }
0xde: {  	v9 =	vld [tilespmem:$0x290];
	_ =	sdelay $0x4  }
0xdf: {  	v9 =	vadd.s32 $0x400, v9  }
0xe0: {  	(xrf1) =	vunique.msk.u32 $0xffff, v9;
	_ =	sdelay $0xd  }
0xe1: {  	_, v10, vm0 =	vpop (xrf1);
	_ =	sdelay $0x5  }
0xe2: {  	[tilespmem:v9+s30+$0x0] =	vst.idx.add.s32.msk vm0, v10  }
0xe3: {  	v9 =	vld [tilespmem:$0x2A0];
	_ =	sdelay $0x4  }
0xe4: {  	v9 =	vadd.s32 $0x400, v9  }
0xe5: {  	(xrf1) =	vunique.msk.u32 $0xffff, v9;
	_ =	sdelay $0xd  }
0xe6: {  	_, v10, vm0 =	vpop (xrf1);
	_ =	sdelay $0x5  }
0xe7: {  	[tilespmem:v9+s30+$0x0] =	vst.idx.add.s32.msk vm0, v10  }
0xe8: {  	v9 =	vld [tilespmem:$0x2B0];
	_ =	sdelay $0x4  }
0xe9: {  	v9 =	vadd.s32 $0x400, v9  }
0xea: {  	(xrf1) =	vunique.msk.u32 $0xffff, v9;
	_ =	sdelay $0xd  }
0xeb: {  	_, v10, vm0 =	vpop (xrf1);
	_ =	sdelay $0x5  }
0xec: {  	[tilespmem:v9+s30+$0x0] =	vst.idx.add.s32.msk vm0, v10  }
0xed: {  	v9 =	vld [tilespmem:$0x2C0];
	_ =	sdelay $0x4  }
0xee: {  	v9 =	vadd.s32 $0x400, v9  }
0xef: {  	(xrf1) =	vunique.msk.u32 $0xffff, v9;
	_ =	sdelay $0xd  }
0xf0: {  	_, v10, vm0 =	vpop (xrf1);
	_ =	sdelay $0x5  }
0xf1: {  	[tilespmem:v9+s30+$0x0] =	vst.idx.add.s32.msk vm0, v10  }
0xf2: {  	v9 =	vld [tilespmem:$0x2D0];
	_ =	sdelay $0x4  }
0xf3: {  	v9 =	vadd.s32 $0x400, v9  }
0xf4: {  	(xrf1) =	vunique.msk.u32 $0xffff, v9;
	_ =	sdelay $0xd  }
0xf5: {  	_, v10, vm0 =	vpop (xrf1);
	_ =	sdelay $0x5  }
0xf6: {  	[tilespmem:v9+s30+$0x0] =	vst.idx.add.s32.msk vm0, v10  }
0xf7: {  	v9 =	vld [tilespmem:$0x2E0];
	_ =	sdelay $0x4  }
0xf8: {  	v9 =	vadd.s32 $0x400, v9  }
0xf9: {  	(xrf1) =	vunique.msk.u32 $0xffff, v9;
	_ =	sdelay $0xd  }
0xfa: {  	_, v10, vm0 =	vpop (xrf1);
	_ =	sdelay $0x5  }
0xfb: {  	[tilespmem:v9+s30+$0x0] =	vst.idx.add.s32.msk vm0, v10  }
0xfc: {  	v9 =	vld [tilespmem:$0x2F0];
	_ =	sdelay $0x4  }
0xfd: {  	v9 =	vadd.s32 $0x400, v9  }
0xfe: {  	(xrf1) =	vunique.msk.u32 $0xffff, v9;
	_ =	sdelay $0xd  }
0xff: {  	_, v10, vm0 =	vpop (xrf1);
	_ =	sdelay $0x5  }
0x100: {  	[tilespmem:v9+s30+$0x0] =	vst.idx.add.s32.msk vm0, v10  }
0x101: {  	v9 =	vld [tilespmem:$0x300];
	_ =	sdelay $0x4  }
0x102: {  	v9 =	vadd.s32 $0x400, v9  }
0x103: {  	(xrf1) =	vunique.msk.u32 $0xffff, v9;
	_ =	sdelay $0xd  }
0x104: {  	_, v10, vm0 =	vpop (xrf1);
	_ =	sdelay $0x5  }
0x105: {  	[tilespmem:v9+s30+$0x0] =	vst.idx.add.s32.msk vm0, v10  }
0x106: {  	v9 =	vld [tilespmem:$0x310];
	_ =	sdelay $0x4  }
0x107: {  	v9 =	vadd.s32 $0x400, v9  }
0x108: {  	(xrf1) =	vunique.msk.u32 $0xffff, v9;
	_ =	sdelay $0xd  }
0x109: {  	_, v10, vm0 =	vpop (xrf1);
	_ =	sdelay $0x5  }
0x10a: {  	[tilespmem:v9+s30+$0x0] =	vst.idx.add.s32.msk vm0, v10  }
0x10b: {  	v9 =	vld [tilespmem:$0x320];
	_ =	sdelay $0x4  }
0x10c: {  	v9 =	vadd.s32 $0x400, v9  }
0x10d: {  	(xrf1) =	vunique.msk.u32 $0xffff, v9;
	_ =	sdelay $0xd  }
0x10e: {  	_, v10, vm0 =	vpop (xrf1);
	_ =	sdelay $0x5  }
0x10f: {  	[tilespmem:v9+s30+$0x0] =	vst.idx.add.s32.msk vm0, v10  }
0x110: {  	v9 =	vld [tilespmem:$0x330];
	_ =	sdelay $0x4  }
0x111: {  	v9 =	vadd.s32 $0x400, v9  }
0x112: {  	(xrf1) =	vunique.msk.u32 $0xffff, v9;
	_ =	sdelay $0xd  }
0x113: {  	_, v10, vm0 =	vpop (xrf1);
	_ =	sdelay $0x5  }
0x114: {  	[tilespmem:v9+s30+$0x0] =	vst.idx.add.s32.msk vm0, v10  }
0x115: {  	v9 =	vld [tilespmem:$0x340];
	_ =	sdelay $0x4  }
0x116: {  	v9 =	vadd.s32 $0x400, v9  }
0x117: {  	(xrf1) =	vunique.msk.u32 $0xffff, v9;
	_ =	sdelay $0xd  }
0x118: {  	_, v10, vm0 =	vpop (xrf1);
	_ =	sdelay $0x5  }
0x119: {  	[tilespmem:v9+s30+$0x0] =	vst.idx.add.s32.msk vm0, v10  }
0x11a: {  	v9 =	vld [tilespmem:$0x350];
	_ =	sdelay $0x4  }
0x11b: {  	v9 =	vadd.s32 $0x400, v9  }
0x11c: {  	(xrf1) =	vunique.msk.u32 $0xffff, v9;
	_ =	sdelay $0xd  }
0x11d: {  	_, v10, vm0 =	vpop (xrf1);
	_ =	sdelay $0x5  }
0x11e: {  	[tilespmem:v9+s30+$0x0] =	vst.idx.add.s32.msk vm0, v10  }
0x11f: {  	v9 =	vld [tilespmem:$0x360];
	_ =	sdelay $0x4  }
0x120: {  	v9 =	vadd.s32 $0x400, v9  }
0x121: {  	(xrf1) =	vunique.msk.u32 $0xffff, v9;
	_ =	sdelay $0xd  }
0x122: {  	_, v10, vm0 =	vpop (xrf1);
	_ =	sdelay $0x5  }
0x123: {  	[tilespmem:v9+s30+$0x0] =	vst.idx.add.s32.msk vm0, v10  }
0x124: {  	v9 =	vld [tilespmem:$0x370];
	_ =	sdelay $0x4  }
0x125: {  	v9 =	vadd.s32 $0x400, v9  }
0x126: {  	(xrf1) =	vunique.msk.u32 $0xffff, v9;
	_ =	sdelay $0xd  }
0x127: {  	_, v10, vm0 =	vpop (xrf1);
	_ =	sdelay $0x5  }
0x128: {  	[tilespmem:v9+s30+$0x0] =	vst.idx.add.s32.msk vm0, v10  }
0x129: {  	v9 =	vld [tilespmem:$0x380];
	_ =	sdelay $0x4  }
0x12a: {  	v9 =	vadd.s32 $0x400, v9  }
0x12b: {  	(xrf1) =	vunique.msk.u32 $0xffff, v9;
	_ =	sdelay $0xd  }
0x12c: {  	_, v10, vm0 =	vpop (xrf1);
	_ =	sdelay $0x5  }
0x12d: {  	[tilespmem:v9+s30+$0x0] =	vst.idx.add.s32.msk vm0, v10  }
0x12e: {  	v9 =	vld [tilespmem:$0x390];
	_ =	sdelay $0x4  }
0x12f: {  	v9 =	vadd.s32 $0x400, v9  }
0x130: {  	(xrf1) =	vunique.msk.u32 $0xffff, v9;
	_ =	sdelay $0xd  }
0x131: {  	_, v10, vm0 =	vpop (xrf1);
	_ =	sdelay $0x5  }
0x132: {  	[tilespmem:v9+s30+$0x0] =	vst.idx.add.s32.msk vm0, v10  }
0x133: {  	v9 =	vld [tilespmem:$0x3A0];
	_ =	sdelay $0x4  }
0x134: {  	v9 =	vadd.s32 $0x400, v9  }
0x135: {  	(xrf1) =	vunique.msk.u32 $0xffff, v9;
	_ =	sdelay $0xd  }
0x136: {  	_, v10, vm0 =	vpop (xrf1);
	_ =	sdelay $0x5  }
0x137: {  	[tilespmem:v9+s30+$0x0] =	vst.idx.add.s32.msk vm0, v10  }
0x138: {  	v9 =	vld [tilespmem:$0x3B0];
	_ =	sdelay $0x4  }
0x139: {  	v9 =	vadd.s32 $0x400, v9  }
0x13a: {  	(xrf1) =	vunique.msk.u32 $0xffff, v9;
	_ =	sdelay $0xd  }
0x13b: {  	_, v10, vm0 =	vpop (xrf1);
	_ =	sdelay $0x5  }
0x13c: {  	[tilespmem:v9+s30+$0x0] =	vst.idx.add.s32.msk vm0, v10  }
0x13d: {  	v9 =	vld [tilespmem:$0x3C0];
	_ =	sdelay $0x4  }
0x13e: {  	v9 =	vadd.s32 $0x400, v9  }
0x13f: {  	(xrf1) =	vunique.msk.u32 $0xffff, v9;
	_ =	sdelay $0xd  }
0x140: {  	_, v10, vm0 =	vpop (xrf1);
	_ =	sdelay $0x5  }
0x141: {  	[tilespmem:v9+s30+$0x0] =	vst.idx.add.s32.msk vm0, v10  }
0x142: {  	v9 =	vld [tilespmem:$0x3D0];
	_ =	sdelay $0x4  }
0x143: {  	v9 =	vadd.s32 $0x400, v9  }
0x144: {  	(xrf1) =	vunique.msk.u32 $0xffff, v9;
	_ =	sdelay $0xd  }
0x145: {  	_, v10, vm0 =	vpop (xrf1);
	_ =	sdelay $0x5  }
0x146: {  	[tilespmem:v9+s30+$0x0] =	vst.idx.add.s32.msk vm0, v10  }
0x147: {  	v9 =	vld [tilespmem:$0x3E0];
	_ =	sdelay $0x4  }
0x148: {  	v9 =	vadd.s32 $0x400, v9  }
0x149: {  	(xrf1) =	vunique.msk.u32 $0xffff, v9;
	_ =	sdelay $0xd  }
0x14a: {  	_, v10, vm0 =	vpop (xrf1);
	_ =	sdelay $0x5  }
0x14b: {  	[tilespmem:v9+s30+$0x0] =	vst.idx.add.s32.msk vm0, v10  }
0x14c: {  	v9 =	vld [tilespmem:$0x3F0];
	_ =	sdelay $0x4  }
0x14d: {  	v9 =	vadd.s32 $0x400, v9  }
0x14e: {  	(xrf1) =	vunique.msk.u32 $0xffff, v9;
	_ =	sdelay $0xd  }
0x14f: {  	_, v10, vm0 =	vpop (xrf1);
	_ =	sdelay $0x5  }
0x150: {  	[tilespmem:v9+s30+$0x0] =	vst.idx.add.s32.msk vm0, v10  }
0x151: {  	v9 =	vld.idx.msk [tilespmem:v0+s25+$0x0], $0xffff  }
0x152: {  	s0 =	simm.s32 $0x0  }
0x153: {  	v13 =	vld [tilespmem:s0+$0x0]  }
0x154: {  	v11 =	vld.idx.msk [tilespmem:v4+s25+$0x0], $0xffff;
	_ =	sdelay $0x1  }
0x155: {  	v10 =	vadd.s32 $0x400, v9;
	_ =	sdelay $0x2  }
0x156: {  	v12 =	vadd.s32 $0x400, v13;
	_ =	sdelay $0x1  }
0x157: {  	v10 =	vld.idx.msk [tilespmem:v10+s30+$0x0], $0xffff  }
0x158: {  	v14 =	vld.idx.msk [tilespmem:v11+s30+$0x0], $0xffff  }
0x159: {  	v16 =	vld.idx.msk [tilespmem:v13+s30+$0x0], $0xffff  }
0x15a: {  	v15 =	vld.idx.msk [tilespmem:v12+s30+$0x0], $0xffff  }
0x15b: {  	v17 =	vld [tilespmem:s0+$0x200]  }
0x15c: {  	vm13 =	veq.s32 v9, v11;
	vm1 =	vgt.s32 v10, $0x0  }
0x15d: {  	vm0 =	vmand vm13, vm1  }
0x15e: {  	vm14 =	veq.s32 v13, v11;
	v12 =	vsel vm0, v10, v14  }
0x15f: {  	v14 =	vcvt.s32.f32 v16;
	v13 =	vsel vm14, v12, v15  }
0x160: {  	v13 =	vcvt.s32.f32 v13  }
0x161: {  	v15 =	vadd.s32 $0x400, v17;
	[tilespmem:s0+$0x1100] =	vst v14  }
0x162: {  	[tilespmem:s0+$0x1500] =	vst v13  }
0x163: {  	s1 =	simm.s32 $0x10;
	v14 =	vld.idx.msk [tilespmem:v17+s30+$0x0], $0xffff  }
0x164: {  	v13 =	vld [tilespmem:s1+$0x0];
	_ =	sdelay $0x1  }
0x165: {  	v15 =	vld.idx.msk [tilespmem:v15+s30+$0x0], $0xffff;
	_ =	sdelay $0x1  }
0x166: {  	vm15 =	veq.s32 v17, v9  }
0x167: {  	v16 =	vsel vm15, v10, v14;
	v14 =	vadd.s32 $0x400, v13  }
0x168: {  	s3 =	simm.s32 $0x0;
	s2 =	simm.s32 $0x80;
	v16 =	vcvt.s32.f32 v16  }
.LBB2_4:
0x169: {  	p0 =	sne.s32 s2, $0x1C0;
	v15 =	vcvt.s32.f32 v15;
	s4 =	smov.u32 s2;
	s2 =	sadd.s32 $0x40, s2  }
0x16a: {  	[tilespmem:s3+$0x1900] =	vst v16  }
0x16b: {  	[tilespmem:s3+$0x1D00] =	vst v15;
	s3 =	smov.u32 s1  }
0x16c: {  	v14 =	vld.idx.msk [tilespmem:v14+s30+$0x0], $0xffff  }
0x16d: {  	v15 =	vld.idx.msk [tilespmem:v13+s30+$0x0], $0xffff  }
0x16e: {  	v16 =	vld [tilespmem:s3+$0x200];
	_ =	sdelay $0x2  }
0x16f: {  	vm0 =	veq.s32 v13, v11  }
0x170: {  	v13 =	vsel vm0, v12, v14  }
0x171: {  	v14 =	vcvt.s32.f32 v15;
	v13 =	vcvt.s32.f32 v13;
	v15 =	vadd.s32 $0x400, v16;
	_ =	sdelay $0x1  }
0x172: {  	[tilespmem:s3+$0x1500] =	vst v13  }
0x173: {  	[tilespmem:s3+$0x1100] =	vst v14  }
0x174: {  	s1 =	sshra.s32 s4, $0x2;
	v17 =	vld.idx.msk [tilespmem:v16+s30+$0x0], $0xffff  }
0x175: {  	v13 =	vld [tilespmem:s1+$0x0]  }
0x176: {  	v15 =	vld.idx.msk [tilespmem:v15+s30+$0x0], $0xffff  }
.Ltmp1:
0x177: {  	(pc) =	sbr.rel @p0 .LBB2_4-.Ltmp1, $4  }
0x178: {  	_ = 	snop  }
0x179: {  	vm0 =	veq.s32 v16, v9  }
0x17a: {  	v16 =	vsel vm0, v10, v17;
	v14 =	vadd.s32 $0x400, v13  }
0x17b: {  	v16 =	vcvt.s32.f32 v16  }
0x17c: {  	_ = 	snop  }
0x17d: {  	v15 =	vcvt.s32.f32 v15  }
0x17e: {  	[tilespmem:s3+$0x1900] =	vst v16  }
0x17f: {  	[tilespmem:s3+$0x1D00] =	vst v15  }
0x180: {  	v14 =	vld.idx.msk [tilespmem:v14+s30+$0x0], $0xffff  }
0x181: {  	v15 =	vld.idx.msk [tilespmem:v13+s30+$0x0], $0xffff  }
0x182: {  	v16 =	vld [tilespmem:s1+$0x200];
	_ =	sdelay $0x2  }
0x183: {  	vm0 =	veq.s32 v13, v11  }
0x184: {  	v13 =	vsel vm0, v12, v14;
	v14 =	vcvt.s32.f32 v15  }
0x185: {  	v15 =	vadd.s32 $0x400, v16;
	v13 =	vcvt.s32.f32 v13  }
0x186: {  	[tilespmem:s1+$0x1100] =	vst v14  }
0x187: {  	[tilespmem:s1+$0x1500] =	vst v13  }
0x188: {  	v13 =	vld.idx.msk [tilespmem:v16+s30+$0x0], $0xffff;
	_ =	sdelay $0x1  }
0x189: {  	v14 =	vld.idx.msk [tilespmem:v15+s30+$0x0], $0xffff;
	_ =	sdelay $0x1  }
0x18a: {  	vm13 =	veq.s32 v16, v9  }
0x18b: {  	v13 =	vsel vm13, v10, v13  }
0x18c: {  	v13 =	vcvt.s32.f32 v13  }
0x18d: {  	v14 =	vcvt.s32.f32 v14  }
0x18e: {  	[tilespmem:s1+$0x1900] =	vst v13  }
0x18f: {  	[tilespmem:s1+$0x1D00] =	vst v14  }
0x190: {  	v13 =	vld [tilespmem:s0+$0x80];
	_ =	sdelay $0x4  }
0x191: {  	v14 =	vadd.s32 $0x400, v13;
	_ =	sdelay $0x3  }
0x192: {  	v15 =	vld.idx.msk [tilespmem:v13+s30+$0x0], $0xffff  }
0x193: {  	v14 =	vld.idx.msk [tilespmem:v14+s30+$0x0], $0xffff  }
0x194: {  	v16 =	vld [tilespmem:s0+$0x280];
	_ =	sdelay $0x2  }
0x195: {  	vm14 =	veq.s32 v13, v11  }
0x196: {  	v13 =	vsel vm14, v12, v14;
	v14 =	vcvt.s32.f32 v15  }
0x197: {  	v13 =	vcvt.s32.f32 v13  }
0x198: {  	v15 =	vadd.s32 $0x400, v16;
	[tilespmem:s0+$0x1200] =	vst v14  }
0x199: {  	[tilespmem:s0+$0x1600] =	vst v13  }
0x19a: {  	s1 =	simm.s32 $0x10;
	v14 =	vld.idx.msk [tilespmem:v16+s30+$0x0], $0xffff  }
0x19b: {  	v13 =	vld [tilespmem:s1+$0x80];
	_ =	sdelay $0x1  }
0x19c: {  	v15 =	vld.idx.msk [tilespmem:v15+s30+$0x0], $0xffff;
	_ =	sdelay $0x1  }
0x19d: {  	vm15 =	veq.s32 v16, v9  }
0x19e: {  	v16 =	vsel vm15, v10, v14;
	v14 =	vadd.s32 $0x400, v13  }
0x19f: {  	s2 =	simm.s32 $0x80;
	v16 =	vcvt.s32.f32 v16  }
.LBB2_6:
0x1a0: {  	p0 =	sne.s32 s2, $0x1C0;
	v15 =	vcvt.s32.f32 v15;
	s3 =	smov.u32 s2;
	s2 =	sadd.s32 $0x40, s2  }
0x1a1: {  	[tilespmem:s0+$0x1A00] =	vst v16  }
0x1a2: {  	[tilespmem:s0+$0x1E00] =	vst v15;
	s0 =	smov.u32 s1  }
0x1a3: {  	v14 =	vld.idx.msk [tilespmem:v14+s30+$0x0], $0xffff  }
0x1a4: {  	v15 =	vld.idx.msk [tilespmem:v13+s30+$0x0], $0xffff  }
0x1a5: {  	v16 =	vld [tilespmem:s0+$0x280];
	_ =	sdelay $0x2  }
0x1a6: {  	vm0 =	veq.s32 v13, v11  }
0x1a7: {  	v13 =	vsel vm0, v12, v14  }
0x1a8: {  	v14 =	vcvt.s32.f32 v15;
	v13 =	vcvt.s32.f32 v13;
	v15 =	vadd.s32 $0x400, v16;
	_ =	sdelay $0x1  }
0x1a9: {  	[tilespmem:s0+$0x1600] =	vst v13  }
0x1aa: {  	[tilespmem:s0+$0x1200] =	vst v14  }
0x1ab: {  	s1 =	sshra.s32 s3, $0x2;
	v17 =	vld.idx.msk [tilespmem:v16+s30+$0x0], $0xffff  }
0x1ac: {  	v13 =	vld [tilespmem:s1+$0x80]  }
0x1ad: {  	v15 =	vld.idx.msk [tilespmem:v15+s30+$0x0], $0xffff  }
.Ltmp2:
0x1ae: {  	(pc) =	sbr.rel @p0 .LBB2_6-.Ltmp2, $4  }
0x1af: {  	_ = 	snop  }
0x1b0: {  	vm0 =	veq.s32 v16, v9  }
0x1b1: {  	v16 =	vsel vm0, v10, v17;
	v14 =	vadd.s32 $0x400, v13  }
0x1b2: {  	v16 =	vcvt.s32.f32 v16  }
0x1b3: {  	_ = 	snop  }
0x1b4: {  	v15 =	vcvt.s32.f32 v15  }
0x1b5: {  	[tilespmem:s0+$0x1A00] =	vst v16  }
0x1b6: {  	[tilespmem:s0+$0x1E00] =	vst v15  }
0x1b7: {  	v14 =	vld.idx.msk [tilespmem:v14+s30+$0x0], $0xffff  }
0x1b8: {  	v15 =	vld.idx.msk [tilespmem:v13+s30+$0x0], $0xffff  }
0x1b9: {  	v16 =	vld [tilespmem:s1+$0x280];
	_ =	sdelay $0x2  }
0x1ba: {  	vm0 =	veq.s32 v13, v11  }
0x1bb: {  	v13 =	vsel vm0, v12, v14;
	v14 =	vcvt.s32.f32 v15  }
0x1bc: {  	v15 =	vadd.s32 $0x400, v16;
	v13 =	vcvt.s32.f32 v13  }
0x1bd: {  	[tilespmem:s1+$0x1200] =	vst v14  }
0x1be: {  	[tilespmem:s1+$0x1600] =	vst v13  }
0x1bf: {  	v13 =	vld.idx.msk [tilespmem:v16+s30+$0x0], $0xffff;
	_ =	sdelay $0x1  }
0x1c0: {  	v14 =	vld.idx.msk [tilespmem:v15+s30+$0x0], $0xffff;
	_ =	sdelay $0x1  }
0x1c1: {  	vm13 =	veq.s32 v16, v9  }
0x1c2: {  	v13 =	vsel vm13, v10, v13  }
0x1c3: {  	v13 =	vcvt.s32.f32 v13  }
0x1c4: {  	v14 =	vcvt.s32.f32 v14  }
0x1c5: {  	[tilespmem:s1+$0x1A00] =	vst v13  }
0x1c6: {  	s0 =	simm.s32 $0x0;
	[tilespmem:s1+$0x1E00] =	vst v14  }
0x1c7: {  	v13 =	vld [tilespmem:s0+$0x100];
	_ =	sdelay $0x4  }
0x1c8: {  	v14 =	vadd.s32 $0x400, v13;
	_ =	sdelay $0x3  }
0x1c9: {  	v15 =	vld.idx.msk [tilespmem:v13+s30+$0x0], $0xffff  }
0x1ca: {  	v14 =	vld.idx.msk [tilespmem:v14+s30+$0x0], $0xffff  }
0x1cb: {  	v16 =	vld [tilespmem:s0+$0x300];
	_ =	sdelay $0x2  }
0x1cc: {  	vm14 =	veq.s32 v13, v11  }
0x1cd: {  	v13 =	vsel vm14, v12, v14;
	v14 =	vcvt.s32.f32 v15  }
0x1ce: {  	v13 =	vcvt.s32.f32 v13  }
0x1cf: {  	v15 =	vadd.s32 $0x400, v16;
	[tilespmem:s0+$0x1300] =	vst v14  }
0x1d0: {  	[tilespmem:s0+$0x1700] =	vst v13  }
0x1d1: {  	s1 =	simm.s32 $0x10;
	v14 =	vld.idx.msk [tilespmem:v16+s30+$0x0], $0xffff  }
0x1d2: {  	v13 =	vld [tilespmem:s1+$0x100];
	_ =	sdelay $0x1  }
0x1d3: {  	v15 =	vld.idx.msk [tilespmem:v15+s30+$0x0], $0xffff;
	_ =	sdelay $0x1  }
0x1d4: {  	vm15 =	veq.s32 v16, v9  }
0x1d5: {  	v16 =	vsel vm15, v10, v14;
	v14 =	vadd.s32 $0x400, v13  }
0x1d6: {  	s2 =	simm.s32 $0x80;
	s3 =	simm.s32 $0x0;
	v16 =	vcvt.s32.f32 v16  }
.LBB2_8:
0x1d7: {  	p0 =	sne.s32 s2, $0x1C0;
	v15 =	vcvt.s32.f32 v15;
	s4 =	smov.u32 s2;
	s2 =	sadd.s32 $0x40, s2  }
0x1d8: {  	[tilespmem:s3+$0x1B00] =	vst v16  }
0x1d9: {  	[tilespmem:s3+$0x1F00] =	vst v15;
	s3 =	smov.u32 s1  }
0x1da: {  	v14 =	vld.idx.msk [tilespmem:v14+s30+$0x0], $0xffff  }
0x1db: {  	v15 =	vld.idx.msk [tilespmem:v13+s30+$0x0], $0xffff  }
0x1dc: {  	v16 =	vld [tilespmem:s3+$0x300];
	_ =	sdelay $0x2  }
0x1dd: {  	vm0 =	veq.s32 v13, v11  }
0x1de: {  	v13 =	vsel vm0, v12, v14  }
0x1df: {  	v14 =	vcvt.s32.f32 v15;
	v13 =	vcvt.s32.f32 v13;
	v15 =	vadd.s32 $0x400, v16;
	_ =	sdelay $0x1  }
0x1e0: {  	[tilespmem:s3+$0x1700] =	vst v13  }
0x1e1: {  	[tilespmem:s3+$0x1300] =	vst v14  }
0x1e2: {  	s1 =	sshra.s32 s4, $0x2;
	v17 =	vld.idx.msk [tilespmem:v16+s30+$0x0], $0xffff  }
0x1e3: {  	v13 =	vld [tilespmem:s1+$0x100]  }
0x1e4: {  	v15 =	vld.idx.msk [tilespmem:v15+s30+$0x0], $0xffff  }
.Ltmp3:
0x1e5: {  	(pc) =	sbr.rel @p0 .LBB2_8-.Ltmp3, $4  }
0x1e6: {  	_ = 	snop  }
0x1e7: {  	vm0 =	veq.s32 v16, v9  }
0x1e8: {  	v16 =	vsel vm0, v10, v17;
	v14 =	vadd.s32 $0x400, v13  }
0x1e9: {  	v16 =	vcvt.s32.f32 v16  }
0x1ea: {  	_ = 	snop  }
0x1eb: {  	v15 =	vcvt.s32.f32 v15  }
0x1ec: {  	[tilespmem:s3+$0x1B00] =	vst v16  }
0x1ed: {  	[tilespmem:s3+$0x1F00] =	vst v15  }
0x1ee: {  	v14 =	vld.idx.msk [tilespmem:v14+s30+$0x0], $0xffff  }
0x1ef: {  	v15 =	vld.idx.msk [tilespmem:v13+s30+$0x0], $0xffff  }
0x1f0: {  	v16 =	vld [tilespmem:s1+$0x300];
	_ =	sdelay $0x2  }
0x1f1: {  	vm0 =	veq.s32 v13, v11  }
0x1f2: {  	v13 =	vsel vm0, v12, v14;
	v14 =	vcvt.s32.f32 v15  }
0x1f3: {  	v15 =	vadd.s32 $0x400, v16;
	v13 =	vcvt.s32.f32 v13  }
0x1f4: {  	[tilespmem:s1+$0x1300] =	vst v14  }
0x1f5: {  	[tilespmem:s1+$0x1700] =	vst v13  }
0x1f6: {  	v13 =	vld.idx.msk [tilespmem:v16+s30+$0x0], $0xffff;
	_ =	sdelay $0x1  }
0x1f7: {  	v14 =	vld.idx.msk [tilespmem:v15+s30+$0x0], $0xffff;
	_ =	sdelay $0x1  }
0x1f8: {  	vm13 =	veq.s32 v16, v9  }
0x1f9: {  	v13 =	vsel vm13, v10, v13  }
0x1fa: {  	v13 =	vcvt.s32.f32 v13  }
0x1fb: {  	v14 =	vcvt.s32.f32 v14  }
0x1fc: {  	[tilespmem:s1+$0x1B00] =	vst v13  }
0x1fd: {  	[tilespmem:s1+$0x1F00] =	vst v14  }
0x1fe: {  	v13 =	vld [tilespmem:s0+$0x180];
	_ =	sdelay $0x4  }
0x1ff: {  	v14 =	vadd.s32 $0x400, v13;
	_ =	sdelay $0x3  }
0x200: {  	v15 =	vld.idx.msk [tilespmem:v13+s30+$0x0], $0xffff  }
0x201: {  	v14 =	vld.idx.msk [tilespmem:v14+s30+$0x0], $0xffff  }
0x202: {  	v16 =	vld [tilespmem:s0+$0x380];
	_ =	sdelay $0x2  }
0x203: {  	vm14 =	veq.s32 v13, v11  }
0x204: {  	v13 =	vsel vm14, v12, v14;
	v14 =	vcvt.s32.f32 v15  }
0x205: {  	v13 =	vcvt.s32.f32 v13  }
0x206: {  	v15 =	vadd.s32 $0x400, v16;
	[tilespmem:s0+$0x1400] =	vst v14  }
0x207: {  	[tilespmem:s0+$0x1800] =	vst v13  }
0x208: {  	s1 =	simm.s32 $0x10;
	v14 =	vld.idx.msk [tilespmem:v16+s30+$0x0], $0xffff  }
0x209: {  	v13 =	vld [tilespmem:s1+$0x180];
	_ =	sdelay $0x1  }
0x20a: {  	v15 =	vld.idx.msk [tilespmem:v15+s30+$0x0], $0xffff;
	_ =	sdelay $0x1  }
0x20b: {  	vm15 =	veq.s32 v16, v9  }
0x20c: {  	v16 =	vsel vm15, v10, v14;
	v14 =	vadd.s32 $0x400, v13  }
0x20d: {  	s2 =	simm.s32 $0x80;
	v16 =	vcvt.s32.f32 v16  }
.LBB2_10:
0x20e: {  	p0 =	sne.s32 s2, $0x1C0;
	v15 =	vcvt.s32.f32 v15;
	s3 =	smov.u32 s2;
	s2 =	sadd.s32 $0x40, s2  }
0x20f: {  	[tilespmem:s0+$0x1C00] =	vst v16  }
0x210: {  	[tilespmem:s0+$0x2000] =	vst v15;
	s0 =	smov.u32 s1  }
0x211: {  	v14 =	vld.idx.msk [tilespmem:v14+s30+$0x0], $0xffff  }
0x212: {  	v15 =	vld.idx.msk [tilespmem:v13+s30+$0x0], $0xffff  }
0x213: {  	v16 =	vld [tilespmem:s0+$0x380];
	_ =	sdelay $0x2  }
0x214: {  	vm0 =	veq.s32 v13, v11  }
0x215: {  	v13 =	vsel vm0, v12, v14  }
0x216: {  	v14 =	vcvt.s32.f32 v15;
	v13 =	vcvt.s32.f32 v13;
	v15 =	vadd.s32 $0x400, v16;
	_ =	sdelay $0x1  }
0x217: {  	[tilespmem:s0+$0x1800] =	vst v13  }
0x218: {  	[tilespmem:s0+$0x1400] =	vst v14  }
0x219: {  	s1 =	sshra.s32 s3, $0x2;
	v17 =	vld.idx.msk [tilespmem:v16+s30+$0x0], $0xffff  }
0x21a: {  	v13 =	vld [tilespmem:s1+$0x180]  }
0x21b: {  	v15 =	vld.idx.msk [tilespmem:v15+s30+$0x0], $0xffff  }
.Ltmp4:
0x21c: {  	(pc) =	sbr.rel @p0 .LBB2_10-.Ltmp4, $4  }
0x21d: {  	_ = 	snop  }
0x21e: {  	vm0 =	veq.s32 v16, v9  }
0x21f: {  	v16 =	vsel vm0, v10, v17;
	v14 =	vadd.s32 $0x400, v13  }
0x220: {  	v16 =	vcvt.s32.f32 v16  }
0x221: {  	_ = 	snop  }
0x222: {  	v15 =	vcvt.s32.f32 v15  }
0x223: {  	[tilespmem:s0+$0x1C00] =	vst v16  }
0x224: {  	[tilespmem:s0+$0x2000] =	vst v15  }
0x225: {  	v14 =	vld.idx.msk [tilespmem:v14+s30+$0x0], $0xffff  }
0x226: {  	v15 =	vld.idx.msk [tilespmem:v13+s30+$0x0], $0xffff  }
0x227: {  	v16 =	vld [tilespmem:s1+$0x380];
	_ =	sdelay $0x2  }
0x228: {  	vm0 =	veq.s32 v13, v11  }
0x229: {  	v11 =	vsel vm0, v12, v14;
	v62 =	vcvt.s32.f32 v15  }
0x22a: {  	v63 =	vadd.s32 $0x400, v16;
	v11 =	vcvt.s32.f32 v11  }
0x22b: {  	[tilespmem:s1+$0x1400] =	vst v62  }
0x22c: {  	[tilespmem:s1+$0x1800] =	vst v11  }
0x22d: {  	v11 =	vld.idx.msk [tilespmem:v16+s30+$0x0], $0xffff;
	_ =	sdelay $0x1  }
0x22e: {  	v12 =	vld.idx.msk [tilespmem:v63+s30+$0x0], $0xffff;
	_ =	sdelay $0x1  }
0x22f: {  	vm15 =	veq.s32 v16, v9  }
0x230: {  	v9 =	vsel vm15, v10, v11  }
0x231: {  	v9 =	vcvt.s32.f32 v9  }
0x232: {  	v10 =	vcvt.s32.f32 v12  }
0x233: {  	[tilespmem:s1+$0x1C00] =	vst v9  }
0x234: {  	s3 =	simm.s32 $0x1100;
	s0 =	simm.s32 $0x0;
	[tilespmem:s1+$0x2000] =	vst v10  }
0x235: {  	[hbm4b:s6+s0] =	stream.linear.scatter [tilespmem:s3], [sflag:$0x2], $0x80, $0x38;
	[tilespmem:$0x2100] =	vst v63  }
0x236: {  	s4 =	sadd.s32 $0x80, s6;
	s2 =	simm.s32 $0x1200  }
0x237: {  	[hbm4b:s4+s0] =	stream.linear.scatter [tilespmem:s2], [sflag:$0x2], $0x80, $0x38;
	[tilespmem:$0x2100] =	vst v63  }
0x238: {  	s3 =	sadd.s32 $0x100, s6;
	s4 =	simm.s32 $0x1300  }
0x239: {  	[hbm4b:s3+s0] =	stream.linear.scatter [tilespmem:s4], [sflag:$0x2], $0x80, $0x38;
	[tilespmem:$0x2100] =	vst v63  }
0x23a: {  	s3 =	sadd.s32 $0x180, s6;
	s4 =	simm.s32 $0x1400  }
0x23b: {  	[hbm4b:s3+s0] =	stream.linear.scatter [tilespmem:s4], [sflag:$0x2], $0x80, $0x38;
	[tilespmem:$0x2100] =	vst v63  }
0x23c: {  	s2 =	simm.s32 $0x1500  }
0x23d: {  	[hbm4b:s7+s0] =	stream.linear.scatter [tilespmem:s2], [sflag:$0x2], $0x80, $0x38;
	[tilespmem:$0x2100] =	vst v63  }
0x23e: {  	s3 =	sadd.s32 $0x80, s7;
	s4 =	simm.s32 $0x1600  }
0x23f: {  	[hbm4b:s3+s0] =	stream.linear.scatter [tilespmem:s4], [sflag:$0x2], $0x80, $0x38;
	[tilespmem:$0x2100] =	vst v63  }
0x240: {  	s3 =	sadd.s32 $0x100, s7;
	s4 =	simm.s32 $0x1700  }
0x241: {  	[hbm4b:s3+s0] =	stream.linear.scatter [tilespmem:s4], [sflag:$0x2], $0x80, $0x38;
	[tilespmem:$0x2100] =	vst v63  }
0x242: {  	s3 =	sadd.s32 $0x180, s7;
	s4 =	simm.s32 $0x1800  }
0x243: {  	[hbm4b:s3+s0] =	stream.linear.scatter [tilespmem:s4], [sflag:$0x2], $0x80, $0x38;
	[tilespmem:$0x2100] =	vst v63  }
0x244: {  	s2 =	simm.s32 $0x1900  }
0x245: {  	[hbm4b:s8+s0] =	stream.linear.scatter [tilespmem:s2], [sflag:$0x2], $0x80, $0x38;
	[tilespmem:$0x2100] =	vst v63  }
0x246: {  	s3 =	sadd.s32 $0x80, s8;
	s4 =	simm.s32 $0x1A00  }
0x247: {  	[hbm4b:s3+s0] =	stream.linear.scatter [tilespmem:s4], [sflag:$0x2], $0x80, $0x38;
	[tilespmem:$0x2100] =	vst v63  }
0x248: {  	s3 =	sadd.s32 $0x100, s8;
	s4 =	simm.s32 $0x1B00  }
0x249: {  	[hbm4b:s3+s0] =	stream.linear.scatter [tilespmem:s4], [sflag:$0x2], $0x80, $0x38;
	[tilespmem:$0x2100] =	vst v63  }
0x24a: {  	s3 =	sadd.s32 $0x180, s8;
	s4 =	simm.s32 $0x1C00  }
0x24b: {  	[hbm4b:s3+s0] =	stream.linear.scatter [tilespmem:s4], [sflag:$0x2], $0x80, $0x38;
	[tilespmem:$0x2100] =	vst v63  }
0x24c: {  	s2 =	simm.s32 $0x1D00  }
0x24d: {  	[hbm4b:s9+s0] =	stream.linear.scatter [tilespmem:s2], [sflag:$0x2], $0x80, $0x38;
	[tilespmem:$0x2100] =	vst v63  }
0x24e: {  	s3 =	sadd.s32 $0x80, s9;
	s4 =	simm.s32 $0x1E00  }
0x24f: {  	[hbm4b:s3+s0] =	stream.linear.scatter [tilespmem:s4], [sflag:$0x2], $0x80, $0x38;
	[tilespmem:$0x2100] =	vst v63  }
0x250: {  	s3 =	sadd.s32 $0x100, s9;
	s4 =	simm.s32 $0x1F00  }
0x251: {  	[hbm4b:s3+s0] =	stream.linear.scatter [tilespmem:s4], [sflag:$0x2], $0x80, $0x38;
	[tilespmem:$0x2100] =	vst v63  }
0x252: {  	s3 =	sadd.s32 $0x180, s9;
	s4 =	simm.s32 $0x2000  }
0x253: {  	[hbm4b:s3+s0] =	stream.linear.scatter [tilespmem:s4], [sflag:$0x2], $0x80, $0x38;
	[tilespmem:$0x2100] =	vst v63  }
0x254: {  	s1 =	simm.s32 $0x0;
	s0 =	simm.s32 $0x40  }
.LBB2_12:
0x255: {  	p0 =	sne.s32 s0, $0x1FC0;
	[tilespmem:s1+$0x900] =	vst v8;
	s1 =	smov.u32 s0;
	s0 =	sadd.s32 $0x40, s0  }
.Ltmp5:
0x256: {  	(pc) =	sbr.rel @p0 .LBB2_12-.Ltmp5, $2  }
0x257: {  	_ =	sdelay $0x2  }
0x258: {  	s1 =	sshra.s32 s1, $0x2  }
0x259: {  	[tilespmem:s1+$0x900] =	vst v8  }
0x25a: {  	_ =	swait.ge [sflag:s28], $0x400  }
0x25b: {  	[sflag:s28] =	ssyncset.done $0x0  }
0x25c: {  	s0 =	simm.s32 $0x0;
	s4 =	rddreg [dreg:$0x6];
	[sflag:s28] =	ssyncadd.s32 $0xFFFFFC00  }
0x25d: {  	[tilespmem:s0], [sflag:$0x1] =	stream.linear.gather [hbm4b:s4+s0], $0x400, $0x38;
	[tilespmem:$0x2100] =	vst v63  }
0x25e: {  	v9 =	vld [tilespmem:$0x400];
	_ =	sdelay $0x4  }
0x25f: {  	(xrf1) =	vunique.msk.u32 $0xffff, v9;
	_ =	sdelay $0xd  }
0x260: {  	_, v10, vm0 =	vpop (xrf1);
	_ =	sdelay $0x5  }
0x261: {  	[tilespmem:v9+s30+$0x0] =	vst.idx.add.s32.msk vm0, v10  }
0x262: {  	v9 =	vld [tilespmem:$0x410];
	_ =	sdelay $0x4  }
0x263: {  	(xrf1) =	vunique.msk.u32 $0xffff, v9;
	_ =	sdelay $0xd  }
0x264: {  	_, v10, vm0 =	vpop (xrf1);
	_ =	sdelay $0x5  }
0x265: {  	[tilespmem:v9+s30+$0x0] =	vst.idx.add.s32.msk vm0, v10  }
0x266: {  	v9 =	vld [tilespmem:$0x420];
	_ =	sdelay $0x4  }
0x267: {  	(xrf1) =	vunique.msk.u32 $0xffff, v9;
	_ =	sdelay $0xd  }
0x268: {  	_, v10, vm0 =	vpop (xrf1);
	_ =	sdelay $0x5  }
0x269: {  	[tilespmem:v9+s30+$0x0] =	vst.idx.add.s32.msk vm0, v10  }
0x26a: {  	v9 =	vld [tilespmem:$0x430];
	_ =	sdelay $0x4  }
0x26b: {  	(xrf1) =	vunique.msk.u32 $0xffff, v9;
	_ =	sdelay $0xd  }
0x26c: {  	_, v10, vm0 =	vpop (xrf1);
	_ =	sdelay $0x5  }
0x26d: {  	[tilespmem:v9+s30+$0x0] =	vst.idx.add.s32.msk vm0, v10  }
0x26e: {  	v9 =	vld [tilespmem:$0x440];
	_ =	sdelay $0x4  }
0x26f: {  	(xrf1) =	vunique.msk.u32 $0xffff, v9;
	_ =	sdelay $0xd  }
0x270: {  	_, v10, vm0 =	vpop (xrf1);
	_ =	sdelay $0x5  }
0x271: {  	[tilespmem:v9+s30+$0x0] =	vst.idx.add.s32.msk vm0, v10  }
0x272: {  	v9 =	vld [tilespmem:$0x450];
	_ =	sdelay $0x4  }
0x273: {  	(xrf1) =	vunique.msk.u32 $0xffff, v9;
	_ =	sdelay $0xd  }
0x274: {  	_, v10, vm0 =	vpop (xrf1);
	_ =	sdelay $0x5  }
0x275: {  	[tilespmem:v9+s30+$0x0] =	vst.idx.add.s32.msk vm0, v10  }
0x276: {  	v9 =	vld [tilespmem:$0x460];
	_ =	sdelay $0x4  }
0x277: {  	(xrf1) =	vunique.msk.u32 $0xffff, v9;
	_ =	sdelay $0xd  }
0x278: {  	_, v10, vm0 =	vpop (xrf1);
	_ =	sdelay $0x5  }
0x279: {  	[tilespmem:v9+s30+$0x0] =	vst.idx.add.s32.msk vm0, v10  }
0x27a: {  	v9 =	vld [tilespmem:$0x470];
	_ =	sdelay $0x4  }
0x27b: {  	(xrf1) =	vunique.msk.u32 $0xffff, v9;
	_ =	sdelay $0xd  }
0x27c: {  	_, v10, vm0 =	vpop (xrf1);
	_ =	sdelay $0x5  }
0x27d: {  	[tilespmem:v9+s30+$0x0] =	vst.idx.add.s32.msk vm0, v10  }
0x27e: {  	v9 =	vld [tilespmem:$0x480];
	_ =	sdelay $0x4  }
0x27f: {  	(xrf1) =	vunique.msk.u32 $0xffff, v9;
	_ =	sdelay $0xd  }
0x280: {  	_, v10, vm0 =	vpop (xrf1);
	_ =	sdelay $0x5  }
0x281: {  	[tilespmem:v9+s30+$0x0] =	vst.idx.add.s32.msk vm0, v10  }
0x282: {  	v9 =	vld [tilespmem:$0x490];
	_ =	sdelay $0x4  }
0x283: {  	(xrf1) =	vunique.msk.u32 $0xffff, v9;
	_ =	sdelay $0xd  }
0x284: {  	_, v10, vm0 =	vpop (xrf1);
	_ =	sdelay $0x5  }
0x285: {  	[tilespmem:v9+s30+$0x0] =	vst.idx.add.s32.msk vm0, v10  }
0x286: {  	v9 =	vld [tilespmem:$0x4A0];
	_ =	sdelay $0x4  }
0x287: {  	(xrf1) =	vunique.msk.u32 $0xffff, v9;
	_ =	sdelay $0xd  }
0x288: {  	_, v10, vm0 =	vpop (xrf1);
	_ =	sdelay $0x5  }
0x289: {  	[tilespmem:v9+s30+$0x0] =	vst.idx.add.s32.msk vm0, v10  }
0x28a: {  	v9 =	vld [tilespmem:$0x4B0];
	_ =	sdelay $0x4  }
0x28b: {  	(xrf1) =	vunique.msk.u32 $0xffff, v9;
	_ =	sdelay $0xd  }
0x28c: {  	_, v10, vm0 =	vpop (xrf1);
	_ =	sdelay $0x5  }
0x28d: {  	[tilespmem:v9+s30+$0x0] =	vst.idx.add.s32.msk vm0, v10  }
0x28e: {  	v9 =	vld [tilespmem:$0x4C0];
	_ =	sdelay $0x4  }
0x28f: {  	(xrf1) =	vunique.msk.u32 $0xffff, v9;
	_ =	sdelay $0xd  }
0x290: {  	_, v10, vm0 =	vpop (xrf1);
	_ =	sdelay $0x5  }
0x291: {  	[tilespmem:v9+s30+$0x0] =	vst.idx.add.s32.msk vm0, v10  }
0x292: {  	v9 =	vld [tilespmem:$0x4D0];
	_ =	sdelay $0x4  }
0x293: {  	(xrf1) =	vunique.msk.u32 $0xffff, v9;
	_ =	sdelay $0xd  }
0x294: {  	_, v10, vm0 =	vpop (xrf1);
	_ =	sdelay $0x5  }
0x295: {  	[tilespmem:v9+s30+$0x0] =	vst.idx.add.s32.msk vm0, v10  }
0x296: {  	v9 =	vld [tilespmem:$0x4E0];
	_ =	sdelay $0x4  }
0x297: {  	(xrf1) =	vunique.msk.u32 $0xffff, v9;
	_ =	sdelay $0xd  }
0x298: {  	_, v10, vm0 =	vpop (xrf1);
	_ =	sdelay $0x5  }
0x299: {  	[tilespmem:v9+s30+$0x0] =	vst.idx.add.s32.msk vm0, v10  }
0x29a: {  	v9 =	vld [tilespmem:$0x4F0];
	_ =	sdelay $0x4  }
0x29b: {  	(xrf1) =	vunique.msk.u32 $0xffff, v9;
	_ =	sdelay $0xd  }
0x29c: {  	_, v10, vm0 =	vpop (xrf1);
	_ =	sdelay $0x5  }
0x29d: {  	[tilespmem:v9+s30+$0x0] =	vst.idx.add.s32.msk vm0, v10  }
0x29e: {  	v9 =	vld [tilespmem:$0x500];
	_ =	sdelay $0x4  }
0x29f: {  	(xrf1) =	vunique.msk.u32 $0xffff, v9;
	_ =	sdelay $0xd  }
0x2a0: {  	_, v10, vm0 =	vpop (xrf1);
	_ =	sdelay $0x5  }
0x2a1: {  	[tilespmem:v9+s30+$0x0] =	vst.idx.add.s32.msk vm0, v10  }
0x2a2: {  	v9 =	vld [tilespmem:$0x510];
	_ =	sdelay $0x4  }
0x2a3: {  	(xrf1) =	vunique.msk.u32 $0xffff, v9;
	_ =	sdelay $0xd  }
0x2a4: {  	_, v10, vm0 =	vpop (xrf1);
	_ =	sdelay $0x5  }
0x2a5: {  	[tilespmem:v9+s30+$0x0] =	vst.idx.add.s32.msk vm0, v10  }
0x2a6: {  	v9 =	vld [tilespmem:$0x520];
	_ =	sdelay $0x4  }
0x2a7: {  	(xrf1) =	vunique.msk.u32 $0xffff, v9;
	_ =	sdelay $0xd  }
0x2a8: {  	_, v10, vm0 =	vpop (xrf1);
	_ =	sdelay $0x5  }
0x2a9: {  	[tilespmem:v9+s30+$0x0] =	vst.idx.add.s32.msk vm0, v10  }
0x2aa: {  	v9 =	vld [tilespmem:$0x530];
	_ =	sdelay $0x4  }
0x2ab: {  	(xrf1) =	vunique.msk.u32 $0xffff, v9;
	_ =	sdelay $0xd  }
0x2ac: {  	_, v10, vm0 =	vpop (xrf1);
	_ =	sdelay $0x5  }
0x2ad: {  	[tilespmem:v9+s30+$0x0] =	vst.idx.add.s32.msk vm0, v10  }
0x2ae: {  	v9 =	vld [tilespmem:$0x540];
	_ =	sdelay $0x4  }
0x2af: {  	(xrf1) =	vunique.msk.u32 $0xffff, v9;
	_ =	sdelay $0xd  }
0x2b0: {  	_, v10, vm0 =	vpop (xrf1);
	_ =	sdelay $0x5  }
0x2b1: {  	[tilespmem:v9+s30+$0x0] =	vst.idx.add.s32.msk vm0, v10  }
0x2b2: {  	v9 =	vld [tilespmem:$0x550];
	_ =	sdelay $0x4  }
0x2b3: {  	(xrf1) =	vunique.msk.u32 $0xffff, v9;
	_ =	sdelay $0xd  }
0x2b4: {  	_, v10, vm0 =	vpop (xrf1);
	_ =	sdelay $0x5  }
0x2b5: {  	[tilespmem:v9+s30+$0x0] =	vst.idx.add.s32.msk vm0, v10  }
0x2b6: {  	v9 =	vld [tilespmem:$0x560];
	_ =	sdelay $0x4  }
0x2b7: {  	(xrf1) =	vunique.msk.u32 $0xffff, v9;
	_ =	sdelay $0xd  }
0x2b8: {  	_, v10, vm0 =	vpop (xrf1);
	_ =	sdelay $0x5  }
0x2b9: {  	[tilespmem:v9+s30+$0x0] =	vst.idx.add.s32.msk vm0, v10  }
0x2ba: {  	v9 =	vld [tilespmem:$0x570];
	_ =	sdelay $0x4  }
0x2bb: {  	(xrf1) =	vunique.msk.u32 $0xffff, v9;
	_ =	sdelay $0xd  }
0x2bc: {  	_, v10, vm0 =	vpop (xrf1);
	_ =	sdelay $0x5  }
0x2bd: {  	[tilespmem:v9+s30+$0x0] =	vst.idx.add.s32.msk vm0, v10  }
0x2be: {  	v9 =	vld [tilespmem:$0x580];
	_ =	sdelay $0x4  }
0x2bf: {  	(xrf1) =	vunique.msk.u32 $0xffff, v9;
	_ =	sdelay $0xd  }
0x2c0: {  	_, v10, vm0 =	vpop (xrf1);
	_ =	sdelay $0x5  }
0x2c1: {  	[tilespmem:v9+s30+$0x0] =	vst.idx.add.s32.msk vm0, v10  }
0x2c2: {  	v9 =	vld [tilespmem:$0x590];
	_ =	sdelay $0x4  }
0x2c3: {  	(xrf1) =	vunique.msk.u32 $0xffff, v9;
	_ =	sdelay $0xd  }
0x2c4: {  	_, v10, vm0 =	vpop (xrf1);
	_ =	sdelay $0x5  }
0x2c5: {  	[tilespmem:v9+s30+$0x0] =	vst.idx.add.s32.msk vm0, v10  }
0x2c6: {  	v9 =	vld [tilespmem:$0x5A0];
	_ =	sdelay $0x4  }
0x2c7: {  	(xrf1) =	vunique.msk.u32 $0xffff, v9;
	_ =	sdelay $0xd  }
0x2c8: {  	_, v10, vm0 =	vpop (xrf1);
	_ =	sdelay $0x5  }
0x2c9: {  	[tilespmem:v9+s30+$0x0] =	vst.idx.add.s32.msk vm0, v10  }
0x2ca: {  	v9 =	vld [tilespmem:$0x5B0];
	_ =	sdelay $0x4  }
0x2cb: {  	(xrf1) =	vunique.msk.u32 $0xffff, v9;
	_ =	sdelay $0xd  }
0x2cc: {  	_, v10, vm0 =	vpop (xrf1);
	_ =	sdelay $0x5  }
0x2cd: {  	[tilespmem:v9+s30+$0x0] =	vst.idx.add.s32.msk vm0, v10  }
0x2ce: {  	v9 =	vld [tilespmem:$0x5C0];
	_ =	sdelay $0x4  }
0x2cf: {  	(xrf1) =	vunique.msk.u32 $0xffff, v9;
	_ =	sdelay $0xd  }
0x2d0: {  	_, v10, vm0 =	vpop (xrf1);
	_ =	sdelay $0x5  }
0x2d1: {  	[tilespmem:v9+s30+$0x0] =	vst.idx.add.s32.msk vm0, v10  }
0x2d2: {  	v9 =	vld [tilespmem:$0x5D0];
	_ =	sdelay $0x4  }
0x2d3: {  	(xrf1) =	vunique.msk.u32 $0xffff, v9;
	_ =	sdelay $0xd  }
0x2d4: {  	_, v10, vm0 =	vpop (xrf1);
	_ =	sdelay $0x5  }
0x2d5: {  	[tilespmem:v9+s30+$0x0] =	vst.idx.add.s32.msk vm0, v10  }
0x2d6: {  	v9 =	vld [tilespmem:$0x5E0];
	_ =	sdelay $0x4  }
0x2d7: {  	(xrf1) =	vunique.msk.u32 $0xffff, v9;
	_ =	sdelay $0xd  }
0x2d8: {  	_, v10, vm0 =	vpop (xrf1);
	_ =	sdelay $0x5  }
0x2d9: {  	[tilespmem:v9+s30+$0x0] =	vst.idx.add.s32.msk vm0, v10  }
0x2da: {  	v9 =	vld [tilespmem:$0x5F0];
	_ =	sdelay $0x4  }
0x2db: {  	(xrf1) =	vunique.msk.u32 $0xffff, v9;
	_ =	sdelay $0xd  }
0x2dc: {  	_, v10, vm0 =	vpop (xrf1);
	_ =	sdelay $0x5  }
0x2dd: {  	[tilespmem:v9+s30+$0x0] =	vst.idx.add.s32.msk vm0, v10  }
0x2de: {  	v9 =	vld [tilespmem:$0x600];
	_ =	sdelay $0x4  }
0x2df: {  	v9 =	vadd.s32 $0x400, v9  }
0x2e0: {  	(xrf1) =	vunique.msk.u32 $0xffff, v9;
	_ =	sdelay $0xd  }
0x2e1: {  	_, v10, vm0 =	vpop (xrf1);
	_ =	sdelay $0x5  }
0x2e2: {  	[tilespmem:v9+s30+$0x0] =	vst.idx.add.s32.msk vm0, v10  }
0x2e3: {  	v9 =	vld [tilespmem:$0x610];
	_ =	sdelay $0x4  }
0x2e4: {  	v9 =	vadd.s32 $0x400, v9  }
0x2e5: {  	(xrf1) =	vunique.msk.u32 $0xffff, v9;
	_ =	sdelay $0xd  }
0x2e6: {  	_, v10, vm0 =	vpop (xrf1);
	_ =	sdelay $0x5  }
0x2e7: {  	[tilespmem:v9+s30+$0x0] =	vst.idx.add.s32.msk vm0, v10  }
0x2e8: {  	v9 =	vld [tilespmem:$0x620];
	_ =	sdelay $0x4  }
0x2e9: {  	v9 =	vadd.s32 $0x400, v9  }
0x2ea: {  	(xrf1) =	vunique.msk.u32 $0xffff, v9;
	_ =	sdelay $0xd  }
0x2eb: {  	_, v10, vm0 =	vpop (xrf1);
	_ =	sdelay $0x5  }
0x2ec: {  	[tilespmem:v9+s30+$0x0] =	vst.idx.add.s32.msk vm0, v10  }
0x2ed: {  	v9 =	vld [tilespmem:$0x630];
	_ =	sdelay $0x4  }
0x2ee: {  	v9 =	vadd.s32 $0x400, v9  }
0x2ef: {  	(xrf1) =	vunique.msk.u32 $0xffff, v9;
	_ =	sdelay $0xd  }
0x2f0: {  	_, v10, vm0 =	vpop (xrf1);
	_ =	sdelay $0x5  }
0x2f1: {  	[tilespmem:v9+s30+$0x0] =	vst.idx.add.s32.msk vm0, v10  }
0x2f2: {  	v9 =	vld [tilespmem:$0x640];
	_ =	sdelay $0x4  }
0x2f3: {  	v9 =	vadd.s32 $0x400, v9  }
0x2f4: {  	(xrf1) =	vunique.msk.u32 $0xffff, v9;
	_ =	sdelay $0xd  }
0x2f5: {  	_, v10, vm0 =	vpop (xrf1);
	_ =	sdelay $0x5  }
0x2f6: {  	[tilespmem:v9+s30+$0x0] =	vst.idx.add.s32.msk vm0, v10  }
0x2f7: {  	v9 =	vld [tilespmem:$0x650];
	_ =	sdelay $0x4  }
0x2f8: {  	v9 =	vadd.s32 $0x400, v9  }
0x2f9: {  	(xrf1) =	vunique.msk.u32 $0xffff, v9;
	_ =	sdelay $0xd  }
0x2fa: {  	_, v10, vm0 =	vpop (xrf1);
	_ =	sdelay $0x5  }
0x2fb: {  	[tilespmem:v9+s30+$0x0] =	vst.idx.add.s32.msk vm0, v10  }
0x2fc: {  	v9 =	vld [tilespmem:$0x660];
	_ =	sdelay $0x4  }
0x2fd: {  	v9 =	vadd.s32 $0x400, v9  }
0x2fe: {  	(xrf1) =	vunique.msk.u32 $0xffff, v9;
	_ =	sdelay $0xd  }
0x2ff: {  	_, v10, vm0 =	vpop (xrf1);
	_ =	sdelay $0x5  }
0x300: {  	[tilespmem:v9+s30+$0x0] =	vst.idx.add.s32.msk vm0, v10  }
0x301: {  	v9 =	vld [tilespmem:$0x670];
	_ =	sdelay $0x4  }
0x302: {  	v9 =	vadd.s32 $0x400, v9  }
0x303: {  	(xrf1) =	vunique.msk.u32 $0xffff, v9;
	_ =	sdelay $0xd  }
0x304: {  	_, v10, vm0 =	vpop (xrf1);
	_ =	sdelay $0x5  }
0x305: {  	[tilespmem:v9+s30+$0x0] =	vst.idx.add.s32.msk vm0, v10  }
0x306: {  	v9 =	vld [tilespmem:$0x680];
	_ =	sdelay $0x4  }
0x307: {  	v9 =	vadd.s32 $0x400, v9  }
0x308: {  	(xrf1) =	vunique.msk.u32 $0xffff, v9;
	_ =	sdelay $0xd  }
0x309: {  	_, v10, vm0 =	vpop (xrf1);
	_ =	sdelay $0x5  }
0x30a: {  	[tilespmem:v9+s30+$0x0] =	vst.idx.add.s32.msk vm0, v10  }
0x30b: {  	v9 =	vld [tilespmem:$0x690];
	_ =	sdelay $0x4  }
0x30c: {  	v9 =	vadd.s32 $0x400, v9  }
0x30d: {  	(xrf1) =	vunique.msk.u32 $0xffff, v9;
	_ =	sdelay $0xd  }
0x30e: {  	_, v10, vm0 =	vpop (xrf1);
	_ =	sdelay $0x5  }
0x30f: {  	[tilespmem:v9+s30+$0x0] =	vst.idx.add.s32.msk vm0, v10  }
0x310: {  	v9 =	vld [tilespmem:$0x6A0];
	_ =	sdelay $0x4  }
0x311: {  	v9 =	vadd.s32 $0x400, v9  }
0x312: {  	(xrf1) =	vunique.msk.u32 $0xffff, v9;
	_ =	sdelay $0xd  }
0x313: {  	_, v10, vm0 =	vpop (xrf1);
	_ =	sdelay $0x5  }
0x314: {  	[tilespmem:v9+s30+$0x0] =	vst.idx.add.s32.msk vm0, v10  }
0x315: {  	v9 =	vld [tilespmem:$0x6B0];
	_ =	sdelay $0x4  }
0x316: {  	v9 =	vadd.s32 $0x400, v9  }
0x317: {  	(xrf1) =	vunique.msk.u32 $0xffff, v9;
	_ =	sdelay $0xd  }
0x318: {  	_, v10, vm0 =	vpop (xrf1);
	_ =	sdelay $0x5  }
0x319: {  	[tilespmem:v9+s30+$0x0] =	vst.idx.add.s32.msk vm0, v10  }
0x31a: {  	v9 =	vld [tilespmem:$0x6C0];
	_ =	sdelay $0x4  }
0x31b: {  	v9 =	vadd.s32 $0x400, v9  }
0x31c: {  	(xrf1) =	vunique.msk.u32 $0xffff, v9;
	_ =	sdelay $0xd  }
0x31d: {  	_, v10, vm0 =	vpop (xrf1);
	_ =	sdelay $0x5  }
0x31e: {  	[tilespmem:v9+s30+$0x0] =	vst.idx.add.s32.msk vm0, v10  }
0x31f: {  	v9 =	vld [tilespmem:$0x6D0];
	_ =	sdelay $0x4  }
0x320: {  	v9 =	vadd.s32 $0x400, v9  }
0x321: {  	(xrf1) =	vunique.msk.u32 $0xffff, v9;
	_ =	sdelay $0xd  }
0x322: {  	_, v10, vm0 =	vpop (xrf1);
	_ =	sdelay $0x5  }
0x323: {  	[tilespmem:v9+s30+$0x0] =	vst.idx.add.s32.msk vm0, v10  }
0x324: {  	v9 =	vld [tilespmem:$0x6E0];
	_ =	sdelay $0x4  }
0x325: {  	v9 =	vadd.s32 $0x400, v9  }
0x326: {  	(xrf1) =	vunique.msk.u32 $0xffff, v9;
	_ =	sdelay $0xd  }
0x327: {  	_, v10, vm0 =	vpop (xrf1);
	_ =	sdelay $0x5  }
0x328: {  	[tilespmem:v9+s30+$0x0] =	vst.idx.add.s32.msk vm0, v10  }
0x329: {  	v9 =	vld [tilespmem:$0x6F0];
	_ =	sdelay $0x4  }
0x32a: {  	v9 =	vadd.s32 $0x400, v9  }
0x32b: {  	(xrf1) =	vunique.msk.u32 $0xffff, v9;
	_ =	sdelay $0xd  }
0x32c: {  	_, v10, vm0 =	vpop (xrf1);
	_ =	sdelay $0x5  }
0x32d: {  	[tilespmem:v9+s30+$0x0] =	vst.idx.add.s32.msk vm0, v10  }
0x32e: {  	v9 =	vld [tilespmem:$0x700];
	_ =	sdelay $0x4  }
0x32f: {  	v9 =	vadd.s32 $0x400, v9  }
0x330: {  	(xrf1) =	vunique.msk.u32 $0xffff, v9;
	_ =	sdelay $0xd  }
0x331: {  	_, v10, vm0 =	vpop (xrf1);
	_ =	sdelay $0x5  }
0x332: {  	[tilespmem:v9+s30+$0x0] =	vst.idx.add.s32.msk vm0, v10  }
0x333: {  	v9 =	vld [tilespmem:$0x710];
	_ =	sdelay $0x4  }
0x334: {  	v9 =	vadd.s32 $0x400, v9  }
0x335: {  	(xrf1) =	vunique.msk.u32 $0xffff, v9;
	_ =	sdelay $0xd  }
0x336: {  	_, v10, vm0 =	vpop (xrf1);
	_ =	sdelay $0x5  }
0x337: {  	[tilespmem:v9+s30+$0x0] =	vst.idx.add.s32.msk vm0, v10  }
0x338: {  	v9 =	vld [tilespmem:$0x720];
	_ =	sdelay $0x4  }
0x339: {  	v9 =	vadd.s32 $0x400, v9  }
0x33a: {  	(xrf1) =	vunique.msk.u32 $0xffff, v9;
	_ =	sdelay $0xd  }
0x33b: {  	_, v10, vm0 =	vpop (xrf1);
	_ =	sdelay $0x5  }
0x33c: {  	[tilespmem:v9+s30+$0x0] =	vst.idx.add.s32.msk vm0, v10  }
0x33d: {  	v9 =	vld [tilespmem:$0x730];
	_ =	sdelay $0x4  }
0x33e: {  	v9 =	vadd.s32 $0x400, v9  }
0x33f: {  	(xrf1) =	vunique.msk.u32 $0xffff, v9;
	_ =	sdelay $0xd  }
0x340: {  	_, v10, vm0 =	vpop (xrf1);
	_ =	sdelay $0x5  }
0x341: {  	[tilespmem:v9+s30+$0x0] =	vst.idx.add.s32.msk vm0, v10  }
0x342: {  	v9 =	vld [tilespmem:$0x740];
	_ =	sdelay $0x4  }
0x343: {  	v9 =	vadd.s32 $0x400, v9  }
0x344: {  	(xrf1) =	vunique.msk.u32 $0xffff, v9;
	_ =	sdelay $0xd  }
0x345: {  	_, v10, vm0 =	vpop (xrf1);
	_ =	sdelay $0x5  }
0x346: {  	[tilespmem:v9+s30+$0x0] =	vst.idx.add.s32.msk vm0, v10  }
0x347: {  	v9 =	vld [tilespmem:$0x750];
	_ =	sdelay $0x4  }
0x348: {  	v9 =	vadd.s32 $0x400, v9  }
0x349: {  	(xrf1) =	vunique.msk.u32 $0xffff, v9;
	_ =	sdelay $0xd  }
0x34a: {  	_, v10, vm0 =	vpop (xrf1);
	_ =	sdelay $0x5  }
0x34b: {  	[tilespmem:v9+s30+$0x0] =	vst.idx.add.s32.msk vm0, v10  }
0x34c: {  	v9 =	vld [tilespmem:$0x760];
	_ =	sdelay $0x4  }
0x34d: {  	v9 =	vadd.s32 $0x400, v9  }
0x34e: {  	(xrf1) =	vunique.msk.u32 $0xffff, v9;
	_ =	sdelay $0xd  }
0x34f: {  	_, v10, vm0 =	vpop (xrf1);
	_ =	sdelay $0x5  }
0x350: {  	[tilespmem:v9+s30+$0x0] =	vst.idx.add.s32.msk vm0, v10  }
0x351: {  	v9 =	vld [tilespmem:$0x770];
	_ =	sdelay $0x4  }
0x352: {  	v9 =	vadd.s32 $0x400, v9  }
0x353: {  	(xrf1) =	vunique.msk.u32 $0xffff, v9;
	_ =	sdelay $0xd  }
0x354: {  	_, v10, vm0 =	vpop (xrf1);
	_ =	sdelay $0x5  }
0x355: {  	[tilespmem:v9+s30+$0x0] =	vst.idx.add.s32.msk vm0, v10  }
0x356: {  	v9 =	vld [tilespmem:$0x780];
	_ =	sdelay $0x4  }
0x357: {  	v9 =	vadd.s32 $0x400, v9  }
0x358: {  	(xrf1) =	vunique.msk.u32 $0xffff, v9;
	_ =	sdelay $0xd  }
0x359: {  	_, v10, vm0 =	vpop (xrf1);
	_ =	sdelay $0x5  }
0x35a: {  	[tilespmem:v9+s30+$0x0] =	vst.idx.add.s32.msk vm0, v10  }
0x35b: {  	v9 =	vld [tilespmem:$0x790];
	_ =	sdelay $0x4  }
0x35c: {  	v9 =	vadd.s32 $0x400, v9  }
0x35d: {  	(xrf1) =	vunique.msk.u32 $0xffff, v9;
	_ =	sdelay $0xd  }
0x35e: {  	_, v10, vm0 =	vpop (xrf1);
	_ =	sdelay $0x5  }
0x35f: {  	[tilespmem:v9+s30+$0x0] =	vst.idx.add.s32.msk vm0, v10  }
0x360: {  	v9 =	vld [tilespmem:$0x7A0];
	_ =	sdelay $0x4  }
0x361: {  	v9 =	vadd.s32 $0x400, v9  }
0x362: {  	(xrf1) =	vunique.msk.u32 $0xffff, v9;
	_ =	sdelay $0xd  }
0x363: {  	_, v10, vm0 =	vpop (xrf1);
	_ =	sdelay $0x5  }
0x364: {  	[tilespmem:v9+s30+$0x0] =	vst.idx.add.s32.msk vm0, v10  }
0x365: {  	v9 =	vld [tilespmem:$0x7B0];
	_ =	sdelay $0x4  }
0x366: {  	v9 =	vadd.s32 $0x400, v9  }
0x367: {  	(xrf1) =	vunique.msk.u32 $0xffff, v9;
	_ =	sdelay $0xd  }
0x368: {  	_, v10, vm0 =	vpop (xrf1);
	_ =	sdelay $0x5  }
0x369: {  	[tilespmem:v9+s30+$0x0] =	vst.idx.add.s32.msk vm0, v10  }
0x36a: {  	v9 =	vld [tilespmem:$0x7C0];
	_ =	sdelay $0x4  }
0x36b: {  	v9 =	vadd.s32 $0x400, v9  }
0x36c: {  	(xrf1) =	vunique.msk.u32 $0xffff, v9;
	_ =	sdelay $0xd  }
0x36d: {  	_, v10, vm0 =	vpop (xrf1);
	_ =	sdelay $0x5  }
0x36e: {  	[tilespmem:v9+s30+$0x0] =	vst.idx.add.s32.msk vm0, v10  }
0x36f: {  	v9 =	vld [tilespmem:$0x7D0];
	_ =	sdelay $0x4  }
0x370: {  	v9 =	vadd.s32 $0x400, v9  }
0x371: {  	(xrf1) =	vunique.msk.u32 $0xffff, v9;
	_ =	sdelay $0xd  }
0x372: {  	_, v10, vm0 =	vpop (xrf1);
	_ =	sdelay $0x5  }
0x373: {  	[tilespmem:v9+s30+$0x0] =	vst.idx.add.s32.msk vm0, v10  }
0x374: {  	v9 =	vld [tilespmem:$0x7E0];
	_ =	sdelay $0x4  }
0x375: {  	v9 =	vadd.s32 $0x400, v9  }
0x376: {  	(xrf1) =	vunique.msk.u32 $0xffff, v9;
	_ =	sdelay $0xd  }
0x377: {  	_, v10, vm0 =	vpop (xrf1);
	_ =	sdelay $0x5  }
0x378: {  	[tilespmem:v9+s30+$0x0] =	vst.idx.add.s32.msk vm0, v10  }
0x379: {  	v9 =	vld [tilespmem:$0x7F0];
	_ =	sdelay $0x4  }
0x37a: {  	v9 =	vadd.s32 $0x400, v9  }
0x37b: {  	(xrf1) =	vunique.msk.u32 $0xffff, v9;
	_ =	sdelay $0xd  }
0x37c: {  	_, v10, vm0 =	vpop (xrf1);
	_ =	sdelay $0x5  }
0x37d: {  	[tilespmem:v9+s30+$0x0] =	vst.idx.add.s32.msk vm0, v10  }
0x37e: {  	v9 =	vld.idx.msk [tilespmem:v1+s25+$0x0], $0xffff  }
0x37f: {  	s0 =	simm.s32 $0x0  }
0x380: {  	v13 =	vld [tilespmem:s0+$0x400]  }
0x381: {  	v11 =	vld.idx.msk [tilespmem:v5+s25+$0x0], $0xffff;
	_ =	sdelay $0x1  }
0x382: {  	v10 =	vadd.s32 $0x400, v9;
	_ =	sdelay $0x2  }
0x383: {  	v12 =	vadd.s32 $0x400, v13;
	_ =	sdelay $0x1  }
0x384: {  	v10 =	vld.idx.msk [tilespmem:v10+s30+$0x0], $0xffff  }
0x385: {  	v14 =	vld.idx.msk [tilespmem:v11+s30+$0x0], $0xffff  }
0x386: {  	v16 =	vld.idx.msk [tilespmem:v13+s30+$0x0], $0xffff  }
0x387: {  	v15 =	vld.idx.msk [tilespmem:v12+s30+$0x0], $0xffff  }
0x388: {  	v17 =	vld [tilespmem:s0+$0x600]  }
0x389: {  	vm13 =	veq.s32 v9, v11;
	vm1 =	vgt.s32 v10, $0x0  }
0x38a: {  	vm0 =	vmand vm13, vm1  }
0x38b: {  	vm14 =	veq.s32 v13, v11;
	v12 =	vsel vm0, v10, v14  }
0x38c: {  	v14 =	vcvt.s32.f32 v16;
	v13 =	vsel vm14, v12, v15  }
0x38d: {  	v13 =	vcvt.s32.f32 v13  }
0x38e: {  	v15 =	vadd.s32 $0x400, v17;
	[tilespmem:s0+$0x1180] =	vst v14  }
0x38f: {  	[tilespmem:s0+$0x1580] =	vst v13  }
0x390: {  	s1 =	simm.s32 $0x10;
	v14 =	vld.idx.msk [tilespmem:v17+s30+$0x0], $0xffff  }
0x391: {  	v13 =	vld [tilespmem:s1+$0x400];
	_ =	sdelay $0x1  }
0x392: {  	v15 =	vld.idx.msk [tilespmem:v15+s30+$0x0], $0xffff;
	_ =	sdelay $0x1  }
0x393: {  	vm15 =	veq.s32 v17, v9  }
0x394: {  	v16 =	vsel vm15, v10, v14;
	v14 =	vadd.s32 $0x400, v13  }
0x395: {  	s2 =	simm.s32 $0x80;
	s3 =	simm.s32 $0x0;
	v16 =	vcvt.s32.f32 v16  }
.LBB2_14:
0x396: {  	p0 =	sne.s32 s2, $0x1C0;
	v15 =	vcvt.s32.f32 v15;
	s4 =	smov.u32 s2;
	s2 =	sadd.s32 $0x40, s2  }
0x397: {  	[tilespmem:s3+$0x1980] =	vst v16  }
0x398: {  	[tilespmem:s3+$0x1D80] =	vst v15;
	s3 =	smov.u32 s1  }
0x399: {  	v14 =	vld.idx.msk [tilespmem:v14+s30+$0x0], $0xffff  }
0x39a: {  	v15 =	vld.idx.msk [tilespmem:v13+s30+$0x0], $0xffff  }
0x39b: {  	v16 =	vld [tilespmem:s3+$0x600];
	_ =	sdelay $0x2  }
0x39c: {  	vm0 =	veq.s32 v13, v11  }
0x39d: {  	v13 =	vsel vm0, v12, v14  }
0x39e: {  	v14 =	vcvt.s32.f32 v15;
	v13 =	vcvt.s32.f32 v13;
	v15 =	vadd.s32 $0x400, v16;
	_ =	sdelay $0x1  }
0x39f: {  	[tilespmem:s3+$0x1580] =	vst v13  }
0x3a0: {  	[tilespmem:s3+$0x1180] =	vst v14  }
0x3a1: {  	s1 =	sshra.s32 s4, $0x2;
	v17 =	vld.idx.msk [tilespmem:v16+s30+$0x0], $0xffff  }
0x3a2: {  	v13 =	vld [tilespmem:s1+$0x400]  }
0x3a3: {  	v15 =	vld.idx.msk [tilespmem:v15+s30+$0x0], $0xffff  }
.Ltmp6:
0x3a4: {  	(pc) =	sbr.rel @p0 .LBB2_14-.Ltmp6, $4  }
0x3a5: {  	_ = 	snop  }
0x3a6: {  	vm0 =	veq.s32 v16, v9  }
0x3a7: {  	v16 =	vsel vm0, v10, v17;
	v14 =	vadd.s32 $0x400, v13  }
0x3a8: {  	v16 =	vcvt.s32.f32 v16  }
0x3a9: {  	_ = 	snop  }
0x3aa: {  	v15 =	vcvt.s32.f32 v15  }
0x3ab: {  	[tilespmem:s3+$0x1980] =	vst v16  }
0x3ac: {  	[tilespmem:s3+$0x1D80] =	vst v15  }
0x3ad: {  	v14 =	vld.idx.msk [tilespmem:v14+s30+$0x0], $0xffff  }
0x3ae: {  	v15 =	vld.idx.msk [tilespmem:v13+s30+$0x0], $0xffff  }
0x3af: {  	v16 =	vld [tilespmem:s1+$0x600];
	_ =	sdelay $0x2  }
0x3b0: {  	vm0 =	veq.s32 v13, v11  }
0x3b1: {  	v13 =	vsel vm0, v12, v14;
	v14 =	vcvt.s32.f32 v15  }
0x3b2: {  	v15 =	vadd.s32 $0x400, v16;
	v13 =	vcvt.s32.f32 v13  }
0x3b3: {  	[tilespmem:s1+$0x1180] =	vst v14  }
0x3b4: {  	[tilespmem:s1+$0x1580] =	vst v13  }
0x3b5: {  	v13 =	vld.idx.msk [tilespmem:v16+s30+$0x0], $0xffff;
	_ =	sdelay $0x1  }
0x3b6: {  	v14 =	vld.idx.msk [tilespmem:v15+s30+$0x0], $0xffff;
	_ =	sdelay $0x1  }
0x3b7: {  	vm13 =	veq.s32 v16, v9  }
0x3b8: {  	v13 =	vsel vm13, v10, v13  }
0x3b9: {  	v13 =	vcvt.s32.f32 v13  }
0x3ba: {  	v14 =	vcvt.s32.f32 v14  }
0x3bb: {  	[tilespmem:s1+$0x1980] =	vst v13  }
0x3bc: {  	[tilespmem:s1+$0x1D80] =	vst v14  }
0x3bd: {  	v13 =	vld [tilespmem:s0+$0x480];
	_ =	sdelay $0x4  }
0x3be: {  	v14 =	vadd.s32 $0x400, v13;
	_ =	sdelay $0x3  }
0x3bf: {  	v15 =	vld.idx.msk [tilespmem:v13+s30+$0x0], $0xffff  }
0x3c0: {  	v14 =	vld.idx.msk [tilespmem:v14+s30+$0x0], $0xffff  }
0x3c1: {  	v16 =	vld [tilespmem:s0+$0x680];
	_ =	sdelay $0x2  }
0x3c2: {  	vm14 =	veq.s32 v13, v11  }
0x3c3: {  	v13 =	vsel vm14, v12, v14;
	v14 =	vcvt.s32.f32 v15  }
0x3c4: {  	v13 =	vcvt.s32.f32 v13  }
0x3c5: {  	v15 =	vadd.s32 $0x400, v16;
	[tilespmem:s0+$0x1280] =	vst v14  }
0x3c6: {  	[tilespmem:s0+$0x1680] =	vst v13  }
0x3c7: {  	s1 =	simm.s32 $0x10;
	v14 =	vld.idx.msk [tilespmem:v16+s30+$0x0], $0xffff  }
0x3c8: {  	v13 =	vld [tilespmem:s1+$0x480];
	_ =	sdelay $0x1  }
0x3c9: {  	v15 =	vld.idx.msk [tilespmem:v15+s30+$0x0], $0xffff;
	_ =	sdelay $0x1  }
0x3ca: {  	vm15 =	veq.s32 v16, v9  }
0x3cb: {  	v16 =	vsel vm15, v10, v14;
	v14 =	vadd.s32 $0x400, v13  }
0x3cc: {  	s2 =	simm.s32 $0x80;
	v16 =	vcvt.s32.f32 v16  }
.LBB2_16:
0x3cd: {  	p0 =	sne.s32 s2, $0x1C0;
	v15 =	vcvt.s32.f32 v15;
	s3 =	smov.u32 s2;
	s2 =	sadd.s32 $0x40, s2  }
0x3ce: {  	[tilespmem:s0+$0x1A80] =	vst v16  }
0x3cf: {  	[tilespmem:s0+$0x1E80] =	vst v15;
	s0 =	smov.u32 s1  }
0x3d0: {  	v14 =	vld.idx.msk [tilespmem:v14+s30+$0x0], $0xffff  }
0x3d1: {  	v15 =	vld.idx.msk [tilespmem:v13+s30+$0x0], $0xffff  }
0x3d2: {  	v16 =	vld [tilespmem:s0+$0x680];
	_ =	sdelay $0x2  }
0x3d3: {  	vm0 =	veq.s32 v13, v11  }
0x3d4: {  	v13 =	vsel vm0, v12, v14  }
0x3d5: {  	v14 =	vcvt.s32.f32 v15;
	v13 =	vcvt.s32.f32 v13;
	v15 =	vadd.s32 $0x400, v16;
	_ =	sdelay $0x1  }
0x3d6: {  	[tilespmem:s0+$0x1680] =	vst v13  }
0x3d7: {  	[tilespmem:s0+$0x1280] =	vst v14  }
0x3d8: {  	s1 =	sshra.s32 s3, $0x2;
	v17 =	vld.idx.msk [tilespmem:v16+s30+$0x0], $0xffff  }
0x3d9: {  	v13 =	vld [tilespmem:s1+$0x480]  }
0x3da: {  	v15 =	vld.idx.msk [tilespmem:v15+s30+$0x0], $0xffff  }
.Ltmp7:
0x3db: {  	(pc) =	sbr.rel @p0 .LBB2_16-.Ltmp7, $4  }
0x3dc: {  	_ = 	snop  }
0x3dd: {  	vm0 =	veq.s32 v16, v9  }
0x3de: {  	v16 =	vsel vm0, v10, v17;
	v14 =	vadd.s32 $0x400, v13  }
0x3df: {  	v16 =	vcvt.s32.f32 v16  }
0x3e0: {  	_ = 	snop  }
0x3e1: {  	v15 =	vcvt.s32.f32 v15  }
0x3e2: {  	[tilespmem:s0+$0x1A80] =	vst v16  }
0x3e3: {  	[tilespmem:s0+$0x1E80] =	vst v15  }
0x3e4: {  	v14 =	vld.idx.msk [tilespmem:v14+s30+$0x0], $0xffff  }
0x3e5: {  	v15 =	vld.idx.msk [tilespmem:v13+s30+$0x0], $0xffff  }
0x3e6: {  	v16 =	vld [tilespmem:s1+$0x680];
	_ =	sdelay $0x2  }
0x3e7: {  	vm0 =	veq.s32 v13, v11  }
0x3e8: {  	v13 =	vsel vm0, v12, v14;
	v14 =	vcvt.s32.f32 v15  }
0x3e9: {  	v15 =	vadd.s32 $0x400, v16;
	v13 =	vcvt.s32.f32 v13  }
0x3ea: {  	[tilespmem:s1+$0x1280] =	vst v14  }
0x3eb: {  	[tilespmem:s1+$0x1680] =	vst v13  }
0x3ec: {  	v13 =	vld.idx.msk [tilespmem:v16+s30+$0x0], $0xffff;
	_ =	sdelay $0x1  }
0x3ed: {  	v14 =	vld.idx.msk [tilespmem:v15+s30+$0x0], $0xffff;
	_ =	sdelay $0x1  }
0x3ee: {  	vm13 =	veq.s32 v16, v9  }
0x3ef: {  	v13 =	vsel vm13, v10, v13  }
0x3f0: {  	v13 =	vcvt.s32.f32 v13  }
0x3f1: {  	v14 =	vcvt.s32.f32 v14  }
0x3f2: {  	[tilespmem:s1+$0x1A80] =	vst v13  }
0x3f3: {  	s0 =	simm.s32 $0x0;
	[tilespmem:s1+$0x1E80] =	vst v14  }
0x3f4: {  	v13 =	vld [tilespmem:s0+$0x500];
	_ =	sdelay $0x4  }
0x3f5: {  	v14 =	vadd.s32 $0x400, v13;
	_ =	sdelay $0x3  }
0x3f6: {  	v15 =	vld.idx.msk [tilespmem:v13+s30+$0x0], $0xffff  }
0x3f7: {  	v14 =	vld.idx.msk [tilespmem:v14+s30+$0x0], $0xffff  }
0x3f8: {  	v16 =	vld [tilespmem:s0+$0x700];
	_ =	sdelay $0x2  }
0x3f9: {  	vm14 =	veq.s32 v13, v11  }
0x3fa: {  	v13 =	vsel vm14, v12, v14;
	v14 =	vcvt.s32.f32 v15  }
0x3fb: {  	v13 =	vcvt.s32.f32 v13  }
0x3fc: {  	v15 =	vadd.s32 $0x400, v16;
	[tilespmem:s0+$0x1380] =	vst v14  }
0x3fd: {  	[tilespmem:s0+$0x1780] =	vst v13  }
0x3fe: {  	s1 =	simm.s32 $0x10;
	v14 =	vld.idx.msk [tilespmem:v16+s30+$0x0], $0xffff  }
0x3ff: {  	v13 =	vld [tilespmem:s1+$0x500];
	_ =	sdelay $0x1  }
0x400: {  	v15 =	vld.idx.msk [tilespmem:v15+s30+$0x0], $0xffff;
	_ =	sdelay $0x1  }
0x401: {  	vm15 =	veq.s32 v16, v9  }
0x402: {  	v16 =	vsel vm15, v10, v14;
	v14 =	vadd.s32 $0x400, v13  }
0x403: {  	s2 =	simm.s32 $0x80;
	s3 =	simm.s32 $0x0;
	v16 =	vcvt.s32.f32 v16  }
.LBB2_18:
0x404: {  	p0 =	sne.s32 s2, $0x1C0;
	v15 =	vcvt.s32.f32 v15;
	s4 =	smov.u32 s2;
	s2 =	sadd.s32 $0x40, s2  }
0x405: {  	[tilespmem:s3+$0x1B80] =	vst v16  }
0x406: {  	[tilespmem:s3+$0x1F80] =	vst v15;
	s3 =	smov.u32 s1  }
0x407: {  	v14 =	vld.idx.msk [tilespmem:v14+s30+$0x0], $0xffff  }
0x408: {  	v15 =	vld.idx.msk [tilespmem:v13+s30+$0x0], $0xffff  }
0x409: {  	v16 =	vld [tilespmem:s3+$0x700];
	_ =	sdelay $0x2  }
0x40a: {  	vm0 =	veq.s32 v13, v11  }
0x40b: {  	v13 =	vsel vm0, v12, v14  }
0x40c: {  	v14 =	vcvt.s32.f32 v15;
	v13 =	vcvt.s32.f32 v13;
	v15 =	vadd.s32 $0x400, v16;
	_ =	sdelay $0x1  }
0x40d: {  	[tilespmem:s3+$0x1780] =	vst v13  }
0x40e: {  	[tilespmem:s3+$0x1380] =	vst v14  }
0x40f: {  	s1 =	sshra.s32 s4, $0x2;
	v17 =	vld.idx.msk [tilespmem:v16+s30+$0x0], $0xffff  }
0x410: {  	v13 =	vld [tilespmem:s1+$0x500]  }
0x411: {  	v15 =	vld.idx.msk [tilespmem:v15+s30+$0x0], $0xffff  }
.Ltmp8:
0x412: {  	(pc) =	sbr.rel @p0 .LBB2_18-.Ltmp8, $4  }
0x413: {  	_ = 	snop  }
0x414: {  	vm0 =	veq.s32 v16, v9  }
0x415: {  	v16 =	vsel vm0, v10, v17;
	v14 =	vadd.s32 $0x400, v13  }
0x416: {  	v16 =	vcvt.s32.f32 v16  }
0x417: {  	_ = 	snop  }
0x418: {  	v15 =	vcvt.s32.f32 v15  }
0x419: {  	[tilespmem:s3+$0x1B80] =	vst v16  }
0x41a: {  	[tilespmem:s3+$0x1F80] =	vst v15  }
0x41b: {  	v14 =	vld.idx.msk [tilespmem:v14+s30+$0x0], $0xffff  }
0x41c: {  	v15 =	vld.idx.msk [tilespmem:v13+s30+$0x0], $0xffff  }
0x41d: {  	v16 =	vld [tilespmem:s1+$0x700];
	_ =	sdelay $0x2  }
0x41e: {  	vm0 =	veq.s32 v13, v11  }
0x41f: {  	v13 =	vsel vm0, v12, v14;
	v14 =	vcvt.s32.f32 v15  }
0x420: {  	v15 =	vadd.s32 $0x400, v16;
	v13 =	vcvt.s32.f32 v13  }
0x421: {  	[tilespmem:s1+$0x1380] =	vst v14  }
0x422: {  	[tilespmem:s1+$0x1780] =	vst v13  }
0x423: {  	v13 =	vld.idx.msk [tilespmem:v16+s30+$0x0], $0xffff;
	_ =	sdelay $0x1  }
0x424: {  	v14 =	vld.idx.msk [tilespmem:v15+s30+$0x0], $0xffff;
	_ =	sdelay $0x1  }
0x425: {  	vm13 =	veq.s32 v16, v9  }
0x426: {  	v13 =	vsel vm13, v10, v13  }
0x427: {  	v13 =	vcvt.s32.f32 v13  }
0x428: {  	v14 =	vcvt.s32.f32 v14  }
0x429: {  	[tilespmem:s1+$0x1B80] =	vst v13  }
0x42a: {  	[tilespmem:s1+$0x1F80] =	vst v14  }
0x42b: {  	v13 =	vld [tilespmem:s0+$0x580];
	_ =	sdelay $0x4  }
0x42c: {  	v14 =	vadd.s32 $0x400, v13;
	_ =	sdelay $0x3  }
0x42d: {  	v15 =	vld.idx.msk [tilespmem:v13+s30+$0x0], $0xffff  }
0x42e: {  	v14 =	vld.idx.msk [tilespmem:v14+s30+$0x0], $0xffff  }
0x42f: {  	v16 =	vld [tilespmem:s0+$0x780];
	_ =	sdelay $0x2  }
0x430: {  	vm14 =	veq.s32 v13, v11  }
0x431: {  	v13 =	vsel vm14, v12, v14;
	v14 =	vcvt.s32.f32 v15  }
0x432: {  	v13 =	vcvt.s32.f32 v13  }
0x433: {  	v15 =	vadd.s32 $0x400, v16;
	[tilespmem:s0+$0x1480] =	vst v14  }
0x434: {  	[tilespmem:s0+$0x1880] =	vst v13  }
0x435: {  	s1 =	simm.s32 $0x10;
	v14 =	vld.idx.msk [tilespmem:v16+s30+$0x0], $0xffff  }
0x436: {  	v13 =	vld [tilespmem:s1+$0x580];
	_ =	sdelay $0x1  }
0x437: {  	v15 =	vld.idx.msk [tilespmem:v15+s30+$0x0], $0xffff;
	_ =	sdelay $0x1  }
0x438: {  	vm15 =	veq.s32 v16, v9  }
0x439: {  	v16 =	vsel vm15, v10, v14;
	v14 =	vadd.s32 $0x400, v13  }
0x43a: {  	s2 =	simm.s32 $0x80;
	v16 =	vcvt.s32.f32 v16  }
.LBB2_20:
0x43b: {  	p0 =	sne.s32 s2, $0x1C0;
	v15 =	vcvt.s32.f32 v15;
	s3 =	smov.u32 s2;
	s2 =	sadd.s32 $0x40, s2  }
0x43c: {  	[tilespmem:s0+$0x1C80] =	vst v16  }
0x43d: {  	[tilespmem:s0+$0x2080] =	vst v15;
	s0 =	smov.u32 s1  }
0x43e: {  	v14 =	vld.idx.msk [tilespmem:v14+s30+$0x0], $0xffff  }
0x43f: {  	v15 =	vld.idx.msk [tilespmem:v13+s30+$0x0], $0xffff  }
0x440: {  	v16 =	vld [tilespmem:s0+$0x780];
	_ =	sdelay $0x2  }
0x441: {  	vm0 =	veq.s32 v13, v11  }
0x442: {  	v13 =	vsel vm0, v12, v14  }
0x443: {  	v14 =	vcvt.s32.f32 v15;
	v13 =	vcvt.s32.f32 v13;
	v15 =	vadd.s32 $0x400, v16;
	_ =	sdelay $0x1  }
0x444: {  	[tilespmem:s0+$0x1880] =	vst v13  }
0x445: {  	[tilespmem:s0+$0x1480] =	vst v14  }
0x446: {  	s1 =	sshra.s32 s3, $0x2;
	v17 =	vld.idx.msk [tilespmem:v16+s30+$0x0], $0xffff  }
0x447: {  	v13 =	vld [tilespmem:s1+$0x580]  }
0x448: {  	v15 =	vld.idx.msk [tilespmem:v15+s30+$0x0], $0xffff  }
.Ltmp9:
0x449: {  	(pc) =	sbr.rel @p0 .LBB2_20-.Ltmp9, $4  }
0x44a: {  	_ = 	snop  }
0x44b: {  	vm0 =	veq.s32 v16, v9  }
0x44c: {  	v16 =	vsel vm0, v10, v17;
	v14 =	vadd.s32 $0x400, v13  }
0x44d: {  	v16 =	vcvt.s32.f32 v16  }
0x44e: {  	_ = 	snop  }
0x44f: {  	v15 =	vcvt.s32.f32 v15  }
0x450: {  	[tilespmem:s0+$0x1C80] =	vst v16  }
0x451: {  	[tilespmem:s0+$0x2080] =	vst v15  }
0x452: {  	v14 =	vld.idx.msk [tilespmem:v14+s30+$0x0], $0xffff  }
0x453: {  	v15 =	vld.idx.msk [tilespmem:v13+s30+$0x0], $0xffff  }
0x454: {  	v16 =	vld [tilespmem:s1+$0x780];
	_ =	sdelay $0x2  }
0x455: {  	vm0 =	veq.s32 v13, v11  }
0x456: {  	v11 =	vsel vm0, v12, v14;
	v62 =	vcvt.s32.f32 v15  }
0x457: {  	v63 =	vadd.s32 $0x400, v16;
	v11 =	vcvt.s32.f32 v11  }
0x458: {  	[tilespmem:s1+$0x1480] =	vst v62  }
0x459: {  	[tilespmem:s1+$0x1880] =	vst v11  }
0x45a: {  	v11 =	vld.idx.msk [tilespmem:v16+s30+$0x0], $0xffff;
	_ =	sdelay $0x1  }
0x45b: {  	v12 =	vld.idx.msk [tilespmem:v63+s30+$0x0], $0xffff;
	_ =	sdelay $0x1  }
0x45c: {  	vm15 =	veq.s32 v16, v9  }
0x45d: {  	v9 =	vsel vm15, v10, v11  }
0x45e: {  	v9 =	vcvt.s32.f32 v9  }
0x45f: {  	v10 =	vcvt.s32.f32 v12  }
0x460: {  	[tilespmem:s1+$0x1C80] =	vst v9  }
0x461: {  	s3 =	simm.s32 $0x1180;
	s0 =	simm.s32 $0x0;
	[tilespmem:s1+$0x2080] =	vst v10  }
0x462: {  	[hbm4b:s10+s0] =	stream.linear.scatter [tilespmem:s3], [sflag:$0x2], $0x80, $0x38;
	[tilespmem:$0x2100] =	vst v63  }
0x463: {  	s4 =	sadd.s32 $0x80, s10;
	s2 =	simm.s32 $0x1280  }
0x464: {  	[hbm4b:s4+s0] =	stream.linear.scatter [tilespmem:s2], [sflag:$0x2], $0x80, $0x38;
	[tilespmem:$0x2100] =	vst v63  }
0x465: {  	s3 =	sadd.s32 $0x100, s10;
	s4 =	simm.s32 $0x1380  }
0x466: {  	[hbm4b:s3+s0] =	stream.linear.scatter [tilespmem:s4], [sflag:$0x2], $0x80, $0x38;
	[tilespmem:$0x2100] =	vst v63  }
0x467: {  	s3 =	sadd.s32 $0x180, s10;
	s4 =	simm.s32 $0x1480  }
0x468: {  	[hbm4b:s3+s0] =	stream.linear.scatter [tilespmem:s4], [sflag:$0x2], $0x80, $0x38;
	[tilespmem:$0x2100] =	vst v63  }
0x469: {  	s2 =	simm.s32 $0x1580  }
0x46a: {  	[hbm4b:s11+s0] =	stream.linear.scatter [tilespmem:s2], [sflag:$0x2], $0x80, $0x38;
	[tilespmem:$0x2100] =	vst v63  }
0x46b: {  	s3 =	sadd.s32 $0x80, s11;
	s4 =	simm.s32 $0x1680  }
0x46c: {  	[hbm4b:s3+s0] =	stream.linear.scatter [tilespmem:s4], [sflag:$0x2], $0x80, $0x38;
	[tilespmem:$0x2100] =	vst v63  }
0x46d: {  	s3 =	sadd.s32 $0x100, s11;
	s4 =	simm.s32 $0x1780  }
0x46e: {  	[hbm4b:s3+s0] =	stream.linear.scatter [tilespmem:s4], [sflag:$0x2], $0x80, $0x38;
	[tilespmem:$0x2100] =	vst v63  }
0x46f: {  	s3 =	sadd.s32 $0x180, s11;
	s4 =	simm.s32 $0x1880  }
0x470: {  	[hbm4b:s3+s0] =	stream.linear.scatter [tilespmem:s4], [sflag:$0x2], $0x80, $0x38;
	[tilespmem:$0x2100] =	vst v63  }
0x471: {  	s2 =	simm.s32 $0x1980  }
0x472: {  	[hbm4b:s12+s0] =	stream.linear.scatter [tilespmem:s2], [sflag:$0x2], $0x80, $0x38;
	[tilespmem:$0x2100] =	vst v63  }
0x473: {  	s3 =	sadd.s32 $0x80, s12;
	s4 =	simm.s32 $0x1A80  }
0x474: {  	[hbm4b:s3+s0] =	stream.linear.scatter [tilespmem:s4], [sflag:$0x2], $0x80, $0x38;
	[tilespmem:$0x2100] =	vst v63  }
0x475: {  	s3 =	sadd.s32 $0x100, s12;
	s4 =	simm.s32 $0x1B80  }
0x476: {  	[hbm4b:s3+s0] =	stream.linear.scatter [tilespmem:s4], [sflag:$0x2], $0x80, $0x38;
	[tilespmem:$0x2100] =	vst v63  }
0x477: {  	s3 =	sadd.s32 $0x180, s12;
	s4 =	simm.s32 $0x1C80  }
0x478: {  	[hbm4b:s3+s0] =	stream.linear.scatter [tilespmem:s4], [sflag:$0x2], $0x80, $0x38;
	[tilespmem:$0x2100] =	vst v63  }
0x479: {  	s2 =	simm.s32 $0x1D80  }
0x47a: {  	[hbm4b:s13+s0] =	stream.linear.scatter [tilespmem:s2], [sflag:$0x2], $0x80, $0x38;
	[tilespmem:$0x2100] =	vst v63  }
0x47b: {  	s3 =	sadd.s32 $0x80, s13;
	s4 =	simm.s32 $0x1E80  }
0x47c: {  	[hbm4b:s3+s0] =	stream.linear.scatter [tilespmem:s4], [sflag:$0x2], $0x80, $0x38;
	[tilespmem:$0x2100] =	vst v63  }
0x47d: {  	s2 =	sadd.s32 $0x100, s13;
	s3 =	simm.s32 $0x1F80  }
0x47e: {  	[hbm4b:s2+s0] =	stream.linear.scatter [tilespmem:s3], [sflag:$0x2], $0x80, $0x38;
	[tilespmem:$0x2100] =	vst v63  }
0x47f: {  	s4 =	sadd.s32 $0x180, s13  }
0x480: {  	[hbm4b:s4+s0] =	stream.linear.scatter [tilespmem:s29], [sflag:$0x2], $0x80, $0x38;
	[tilespmem:$0x2100] =	vst v63  }
0x481: {  	s1 =	simm.s32 $0x0;
	s0 =	simm.s32 $0x40  }
.LBB2_22:
0x482: {  	p0 =	sne.s32 s0, $0x1FC0;
	[tilespmem:s1+$0x900] =	vst v8;
	s1 =	smov.u32 s0;
	s0 =	sadd.s32 $0x40, s0  }
.Ltmp10:
0x483: {  	(pc) =	sbr.rel @p0 .LBB2_22-.Ltmp10, $2  }
0x484: {  	_ =	sdelay $0x2  }
0x485: {  	s1 =	sshra.s32 s1, $0x2  }
0x486: {  	[tilespmem:s1+$0x900] =	vst v8  }
0x487: {  	_ =	swait.ge [sflag:s28], $0x400  }
0x488: {  	s0 =	simm.s32 $0x0;
	[sflag:s28] =	ssyncset.done $0x0  }
0x489: {  	s2 =	simm.s32 $0x400;
	s4 =	rddreg [dreg:$0x7];
	[sflag:s28] =	ssyncadd.s32 $0xFFFFFC00  }
0x48a: {  	[tilespmem:s2], [sflag:$0x1] =	stream.linear.gather [hbm4b:s4+s0], $0x400, $0x38;
	[tilespmem:$0x2100] =	vst v63  }
0x48b: {  	v9 =	vld [tilespmem:$0x0];
	_ =	sdelay $0x4  }
0x48c: {  	(xrf1) =	vunique.msk.u32 $0xffff, v9;
	_ =	sdelay $0xd  }
0x48d: {  	_, v10, vm0 =	vpop (xrf1);
	_ =	sdelay $0x5  }
0x48e: {  	[tilespmem:v9+s30+$0x0] =	vst.idx.add.s32.msk vm0, v10  }
0x48f: {  	v9 =	vld [tilespmem:$0x10];
	_ =	sdelay $0x4  }
0x490: {  	(xrf1) =	vunique.msk.u32 $0xffff, v9;
	_ =	sdelay $0xd  }
0x491: {  	_, v10, vm0 =	vpop (xrf1);
	_ =	sdelay $0x5  }
0x492: {  	[tilespmem:v9+s30+$0x0] =	vst.idx.add.s32.msk vm0, v10  }
0x493: {  	v9 =	vld [tilespmem:$0x20];
	_ =	sdelay $0x4  }
0x494: {  	(xrf1) =	vunique.msk.u32 $0xffff, v9;
	_ =	sdelay $0xd  }
0x495: {  	_, v10, vm0 =	vpop (xrf1);
	_ =	sdelay $0x5  }
0x496: {  	[tilespmem:v9+s30+$0x0] =	vst.idx.add.s32.msk vm0, v10  }
0x497: {  	v9 =	vld [tilespmem:$0x30];
	_ =	sdelay $0x4  }
0x498: {  	(xrf1) =	vunique.msk.u32 $0xffff, v9;
	_ =	sdelay $0xd  }
0x499: {  	_, v10, vm0 =	vpop (xrf1);
	_ =	sdelay $0x5  }
0x49a: {  	[tilespmem:v9+s30+$0x0] =	vst.idx.add.s32.msk vm0, v10  }
0x49b: {  	v9 =	vld [tilespmem:$0x40];
	_ =	sdelay $0x4  }
0x49c: {  	(xrf1) =	vunique.msk.u32 $0xffff, v9;
	_ =	sdelay $0xd  }
0x49d: {  	_, v10, vm0 =	vpop (xrf1);
	_ =	sdelay $0x5  }
0x49e: {  	[tilespmem:v9+s30+$0x0] =	vst.idx.add.s32.msk vm0, v10  }
0x49f: {  	v9 =	vld [tilespmem:$0x50];
	_ =	sdelay $0x4  }
0x4a0: {  	(xrf1) =	vunique.msk.u32 $0xffff, v9;
	_ =	sdelay $0xd  }
0x4a1: {  	_, v10, vm0 =	vpop (xrf1);
	_ =	sdelay $0x5  }
0x4a2: {  	[tilespmem:v9+s30+$0x0] =	vst.idx.add.s32.msk vm0, v10  }
0x4a3: {  	v9 =	vld [tilespmem:$0x60];
	_ =	sdelay $0x4  }
0x4a4: {  	(xrf1) =	vunique.msk.u32 $0xffff, v9;
	_ =	sdelay $0xd  }
0x4a5: {  	_, v10, vm0 =	vpop (xrf1);
	_ =	sdelay $0x5  }
0x4a6: {  	[tilespmem:v9+s30+$0x0] =	vst.idx.add.s32.msk vm0, v10  }
0x4a7: {  	v9 =	vld [tilespmem:$0x70];
	_ =	sdelay $0x4  }
0x4a8: {  	(xrf1) =	vunique.msk.u32 $0xffff, v9;
	_ =	sdelay $0xd  }
0x4a9: {  	_, v10, vm0 =	vpop (xrf1);
	_ =	sdelay $0x5  }
0x4aa: {  	[tilespmem:v9+s30+$0x0] =	vst.idx.add.s32.msk vm0, v10  }
0x4ab: {  	v9 =	vld [tilespmem:$0x80];
	_ =	sdelay $0x4  }
0x4ac: {  	(xrf1) =	vunique.msk.u32 $0xffff, v9;
	_ =	sdelay $0xd  }
0x4ad: {  	_, v10, vm0 =	vpop (xrf1);
	_ =	sdelay $0x5  }
0x4ae: {  	[tilespmem:v9+s30+$0x0] =	vst.idx.add.s32.msk vm0, v10  }
0x4af: {  	v9 =	vld [tilespmem:$0x90];
	_ =	sdelay $0x4  }
0x4b0: {  	(xrf1) =	vunique.msk.u32 $0xffff, v9;
	_ =	sdelay $0xd  }
0x4b1: {  	_, v10, vm0 =	vpop (xrf1);
	_ =	sdelay $0x5  }
0x4b2: {  	[tilespmem:v9+s30+$0x0] =	vst.idx.add.s32.msk vm0, v10  }
0x4b3: {  	v9 =	vld [tilespmem:$0xA0];
	_ =	sdelay $0x4  }
0x4b4: {  	(xrf1) =	vunique.msk.u32 $0xffff, v9;
	_ =	sdelay $0xd  }
0x4b5: {  	_, v10, vm0 =	vpop (xrf1);
	_ =	sdelay $0x5  }
0x4b6: {  	[tilespmem:v9+s30+$0x0] =	vst.idx.add.s32.msk vm0, v10  }
0x4b7: {  	v9 =	vld [tilespmem:$0xB0];
	_ =	sdelay $0x4  }
0x4b8: {  	(xrf1) =	vunique.msk.u32 $0xffff, v9;
	_ =	sdelay $0xd  }
0x4b9: {  	_, v10, vm0 =	vpop (xrf1);
	_ =	sdelay $0x5  }
0x4ba: {  	[tilespmem:v9+s30+$0x0] =	vst.idx.add.s32.msk vm0, v10  }
0x4bb: {  	v9 =	vld [tilespmem:$0xC0];
	_ =	sdelay $0x4  }
0x4bc: {  	(xrf1) =	vunique.msk.u32 $0xffff, v9;
	_ =	sdelay $0xd  }
0x4bd: {  	_, v10, vm0 =	vpop (xrf1);
	_ =	sdelay $0x5  }
0x4be: {  	[tilespmem:v9+s30+$0x0] =	vst.idx.add.s32.msk vm0, v10  }
0x4bf: {  	v9 =	vld [tilespmem:$0xD0];
	_ =	sdelay $0x4  }
0x4c0: {  	(xrf1) =	vunique.msk.u32 $0xffff, v9;
	_ =	sdelay $0xd  }
0x4c1: {  	_, v10, vm0 =	vpop (xrf1);
	_ =	sdelay $0x5  }
0x4c2: {  	[tilespmem:v9+s30+$0x0] =	vst.idx.add.s32.msk vm0, v10  }
0x4c3: {  	v9 =	vld [tilespmem:$0xE0];
	_ =	sdelay $0x4  }
0x4c4: {  	(xrf1) =	vunique.msk.u32 $0xffff, v9;
	_ =	sdelay $0xd  }
0x4c5: {  	_, v10, vm0 =	vpop (xrf1);
	_ =	sdelay $0x5  }
0x4c6: {  	[tilespmem:v9+s30+$0x0] =	vst.idx.add.s32.msk vm0, v10  }
0x4c7: {  	v9 =	vld [tilespmem:$0xF0];
	_ =	sdelay $0x4  }
0x4c8: {  	(xrf1) =	vunique.msk.u32 $0xffff, v9;
	_ =	sdelay $0xd  }
0x4c9: {  	_, v10, vm0 =	vpop (xrf1);
	_ =	sdelay $0x5  }
0x4ca: {  	[tilespmem:v9+s30+$0x0] =	vst.idx.add.s32.msk vm0, v10  }
0x4cb: {  	v9 =	vld [tilespmem:$0x100];
	_ =	sdelay $0x4  }
0x4cc: {  	(xrf1) =	vunique.msk.u32 $0xffff, v9;
	_ =	sdelay $0xd  }
0x4cd: {  	_, v10, vm0 =	vpop (xrf1);
	_ =	sdelay $0x5  }
0x4ce: {  	[tilespmem:v9+s30+$0x0] =	vst.idx.add.s32.msk vm0, v10  }
0x4cf: {  	v9 =	vld [tilespmem:$0x110];
	_ =	sdelay $0x4  }
0x4d0: {  	(xrf1) =	vunique.msk.u32 $0xffff, v9;
	_ =	sdelay $0xd  }
0x4d1: {  	_, v10, vm0 =	vpop (xrf1);
	_ =	sdelay $0x5  }
0x4d2: {  	[tilespmem:v9+s30+$0x0] =	vst.idx.add.s32.msk vm0, v10  }
0x4d3: {  	v9 =	vld [tilespmem:$0x120];
	_ =	sdelay $0x4  }
0x4d4: {  	(xrf1) =	vunique.msk.u32 $0xffff, v9;
	_ =	sdelay $0xd  }
0x4d5: {  	_, v10, vm0 =	vpop (xrf1);
	_ =	sdelay $0x5  }
0x4d6: {  	[tilespmem:v9+s30+$0x0] =	vst.idx.add.s32.msk vm0, v10  }
0x4d7: {  	v9 =	vld [tilespmem:$0x130];
	_ =	sdelay $0x4  }
0x4d8: {  	(xrf1) =	vunique.msk.u32 $0xffff, v9;
	_ =	sdelay $0xd  }
0x4d9: {  	_, v10, vm0 =	vpop (xrf1);
	_ =	sdelay $0x5  }
0x4da: {  	[tilespmem:v9+s30+$0x0] =	vst.idx.add.s32.msk vm0, v10  }
0x4db: {  	v9 =	vld [tilespmem:$0x140];
	_ =	sdelay $0x4  }
0x4dc: {  	(xrf1) =	vunique.msk.u32 $0xffff, v9;
	_ =	sdelay $0xd  }
0x4dd: {  	_, v10, vm0 =	vpop (xrf1);
	_ =	sdelay $0x5  }
0x4de: {  	[tilespmem:v9+s30+$0x0] =	vst.idx.add.s32.msk vm0, v10  }
0x4df: {  	v9 =	vld [tilespmem:$0x150];
	_ =	sdelay $0x4  }
0x4e0: {  	(xrf1) =	vunique.msk.u32 $0xffff, v9;
	_ =	sdelay $0xd  }
0x4e1: {  	_, v10, vm0 =	vpop (xrf1);
	_ =	sdelay $0x5  }
0x4e2: {  	[tilespmem:v9+s30+$0x0] =	vst.idx.add.s32.msk vm0, v10  }
0x4e3: {  	v9 =	vld [tilespmem:$0x160];
	_ =	sdelay $0x4  }
0x4e4: {  	(xrf1) =	vunique.msk.u32 $0xffff, v9;
	_ =	sdelay $0xd  }
0x4e5: {  	_, v10, vm0 =	vpop (xrf1);
	_ =	sdelay $0x5  }
0x4e6: {  	[tilespmem:v9+s30+$0x0] =	vst.idx.add.s32.msk vm0, v10  }
0x4e7: {  	v9 =	vld [tilespmem:$0x170];
	_ =	sdelay $0x4  }
0x4e8: {  	(xrf1) =	vunique.msk.u32 $0xffff, v9;
	_ =	sdelay $0xd  }
0x4e9: {  	_, v10, vm0 =	vpop (xrf1);
	_ =	sdelay $0x5  }
0x4ea: {  	[tilespmem:v9+s30+$0x0] =	vst.idx.add.s32.msk vm0, v10  }
0x4eb: {  	v9 =	vld [tilespmem:$0x180];
	_ =	sdelay $0x4  }
0x4ec: {  	(xrf1) =	vunique.msk.u32 $0xffff, v9;
	_ =	sdelay $0xd  }
0x4ed: {  	_, v10, vm0 =	vpop (xrf1);
	_ =	sdelay $0x5  }
0x4ee: {  	[tilespmem:v9+s30+$0x0] =	vst.idx.add.s32.msk vm0, v10  }
0x4ef: {  	v9 =	vld [tilespmem:$0x190];
	_ =	sdelay $0x4  }
0x4f0: {  	(xrf1) =	vunique.msk.u32 $0xffff, v9;
	_ =	sdelay $0xd  }
0x4f1: {  	_, v10, vm0 =	vpop (xrf1);
	_ =	sdelay $0x5  }
0x4f2: {  	[tilespmem:v9+s30+$0x0] =	vst.idx.add.s32.msk vm0, v10  }
0x4f3: {  	v9 =	vld [tilespmem:$0x1A0];
	_ =	sdelay $0x4  }
0x4f4: {  	(xrf1) =	vunique.msk.u32 $0xffff, v9;
	_ =	sdelay $0xd  }
0x4f5: {  	_, v10, vm0 =	vpop (xrf1);
	_ =	sdelay $0x5  }
0x4f6: {  	[tilespmem:v9+s30+$0x0] =	vst.idx.add.s32.msk vm0, v10  }
0x4f7: {  	v9 =	vld [tilespmem:$0x1B0];
	_ =	sdelay $0x4  }
0x4f8: {  	(xrf1) =	vunique.msk.u32 $0xffff, v9;
	_ =	sdelay $0xd  }
0x4f9: {  	_, v10, vm0 =	vpop (xrf1);
	_ =	sdelay $0x5  }
0x4fa: {  	[tilespmem:v9+s30+$0x0] =	vst.idx.add.s32.msk vm0, v10  }
0x4fb: {  	v9 =	vld [tilespmem:$0x1C0];
	_ =	sdelay $0x4  }
0x4fc: {  	(xrf1) =	vunique.msk.u32 $0xffff, v9;
	_ =	sdelay $0xd  }
0x4fd: {  	_, v10, vm0 =	vpop (xrf1);
	_ =	sdelay $0x5  }
0x4fe: {  	[tilespmem:v9+s30+$0x0] =	vst.idx.add.s32.msk vm0, v10  }
0x4ff: {  	v9 =	vld [tilespmem:$0x1D0];
	_ =	sdelay $0x4  }
0x500: {  	(xrf1) =	vunique.msk.u32 $0xffff, v9;
	_ =	sdelay $0xd  }
0x501: {  	_, v10, vm0 =	vpop (xrf1);
	_ =	sdelay $0x5  }
0x502: {  	[tilespmem:v9+s30+$0x0] =	vst.idx.add.s32.msk vm0, v10  }
0x503: {  	v9 =	vld [tilespmem:$0x1E0];
	_ =	sdelay $0x4  }
0x504: {  	(xrf1) =	vunique.msk.u32 $0xffff, v9;
	_ =	sdelay $0xd  }
0x505: {  	_, v10, vm0 =	vpop (xrf1);
	_ =	sdelay $0x5  }
0x506: {  	[tilespmem:v9+s30+$0x0] =	vst.idx.add.s32.msk vm0, v10  }
0x507: {  	v9 =	vld [tilespmem:$0x1F0];
	_ =	sdelay $0x4  }
0x508: {  	(xrf1) =	vunique.msk.u32 $0xffff, v9;
	_ =	sdelay $0xd  }
0x509: {  	_, v10, vm0 =	vpop (xrf1);
	_ =	sdelay $0x5  }
0x50a: {  	[tilespmem:v9+s30+$0x0] =	vst.idx.add.s32.msk vm0, v10  }
0x50b: {  	v9 =	vld [tilespmem:$0x200];
	_ =	sdelay $0x4  }
0x50c: {  	v9 =	vadd.s32 $0x400, v9  }
0x50d: {  	(xrf1) =	vunique.msk.u32 $0xffff, v9;
	_ =	sdelay $0xd  }
0x50e: {  	_, v10, vm0 =	vpop (xrf1);
	_ =	sdelay $0x5  }
0x50f: {  	[tilespmem:v9+s30+$0x0] =	vst.idx.add.s32.msk vm0, v10  }
0x510: {  	v9 =	vld [tilespmem:$0x210];
	_ =	sdelay $0x4  }
0x511: {  	v9 =	vadd.s32 $0x400, v9  }
0x512: {  	(xrf1) =	vunique.msk.u32 $0xffff, v9;
	_ =	sdelay $0xd  }
0x513: {  	_, v10, vm0 =	vpop (xrf1);
	_ =	sdelay $0x5  }
0x514: {  	[tilespmem:v9+s30+$0x0] =	vst.idx.add.s32.msk vm0, v10  }
0x515: {  	v9 =	vld [tilespmem:$0x220];
	_ =	sdelay $0x4  }
0x516: {  	v9 =	vadd.s32 $0x400, v9  }
0x517: {  	(xrf1) =	vunique.msk.u32 $0xffff, v9;
	_ =	sdelay $0xd  }
0x518: {  	_, v10, vm0 =	vpop (xrf1);
	_ =	sdelay $0x5  }
0x519: {  	[tilespmem:v9+s30+$0x0] =	vst.idx.add.s32.msk vm0, v10  }
0x51a: {  	v9 =	vld [tilespmem:$0x230];
	_ =	sdelay $0x4  }
0x51b: {  	v9 =	vadd.s32 $0x400, v9  }
0x51c: {  	(xrf1) =	vunique.msk.u32 $0xffff, v9;
	_ =	sdelay $0xd  }
0x51d: {  	_, v10, vm0 =	vpop (xrf1);
	_ =	sdelay $0x5  }
0x51e: {  	[tilespmem:v9+s30+$0x0] =	vst.idx.add.s32.msk vm0, v10  }
0x51f: {  	v9 =	vld [tilespmem:$0x240];
	_ =	sdelay $0x4  }
0x520: {  	v9 =	vadd.s32 $0x400, v9  }
0x521: {  	(xrf1) =	vunique.msk.u32 $0xffff, v9;
	_ =	sdelay $0xd  }
0x522: {  	_, v10, vm0 =	vpop (xrf1);
	_ =	sdelay $0x5  }
0x523: {  	[tilespmem:v9+s30+$0x0] =	vst.idx.add.s32.msk vm0, v10  }
0x524: {  	v9 =	vld [tilespmem:$0x250];
	_ =	sdelay $0x4  }
0x525: {  	v9 =	vadd.s32 $0x400, v9  }
0x526: {  	(xrf1) =	vunique.msk.u32 $0xffff, v9;
	_ =	sdelay $0xd  }
0x527: {  	_, v10, vm0 =	vpop (xrf1);
	_ =	sdelay $0x5  }
0x528: {  	[tilespmem:v9+s30+$0x0] =	vst.idx.add.s32.msk vm0, v10  }
0x529: {  	v9 =	vld [tilespmem:$0x260];
	_ =	sdelay $0x4  }
0x52a: {  	v9 =	vadd.s32 $0x400, v9  }
0x52b: {  	(xrf1) =	vunique.msk.u32 $0xffff, v9;
	_ =	sdelay $0xd  }
0x52c: {  	_, v10, vm0 =	vpop (xrf1);
	_ =	sdelay $0x5  }
0x52d: {  	[tilespmem:v9+s30+$0x0] =	vst.idx.add.s32.msk vm0, v10  }
0x52e: {  	v9 =	vld [tilespmem:$0x270];
	_ =	sdelay $0x4  }
0x52f: {  	v9 =	vadd.s32 $0x400, v9  }
0x530: {  	(xrf1) =	vunique.msk.u32 $0xffff, v9;
	_ =	sdelay $0xd  }
0x531: {  	_, v10, vm0 =	vpop (xrf1);
	_ =	sdelay $0x5  }
0x532: {  	[tilespmem:v9+s30+$0x0] =	vst.idx.add.s32.msk vm0, v10  }
0x533: {  	v9 =	vld [tilespmem:$0x280];
	_ =	sdelay $0x4  }
0x534: {  	v9 =	vadd.s32 $0x400, v9  }
0x535: {  	(xrf1) =	vunique.msk.u32 $0xffff, v9;
	_ =	sdelay $0xd  }
0x536: {  	_, v10, vm0 =	vpop (xrf1);
	_ =	sdelay $0x5  }
0x537: {  	[tilespmem:v9+s30+$0x0] =	vst.idx.add.s32.msk vm0, v10  }
0x538: {  	v9 =	vld [tilespmem:$0x290];
	_ =	sdelay $0x4  }
0x539: {  	v9 =	vadd.s32 $0x400, v9  }
0x53a: {  	(xrf1) =	vunique.msk.u32 $0xffff, v9;
	_ =	sdelay $0xd  }
0x53b: {  	_, v10, vm0 =	vpop (xrf1);
	_ =	sdelay $0x5  }
0x53c: {  	[tilespmem:v9+s30+$0x0] =	vst.idx.add.s32.msk vm0, v10  }
0x53d: {  	v9 =	vld [tilespmem:$0x2A0];
	_ =	sdelay $0x4  }
0x53e: {  	v9 =	vadd.s32 $0x400, v9  }
0x53f: {  	(xrf1) =	vunique.msk.u32 $0xffff, v9;
	_ =	sdelay $0xd  }
0x540: {  	_, v10, vm0 =	vpop (xrf1);
	_ =	sdelay $0x5  }
0x541: {  	[tilespmem:v9+s30+$0x0] =	vst.idx.add.s32.msk vm0, v10  }
0x542: {  	v9 =	vld [tilespmem:$0x2B0];
	_ =	sdelay $0x4  }
0x543: {  	v9 =	vadd.s32 $0x400, v9  }
0x544: {  	(xrf1) =	vunique.msk.u32 $0xffff, v9;
	_ =	sdelay $0xd  }
0x545: {  	_, v10, vm0 =	vpop (xrf1);
	_ =	sdelay $0x5  }
0x546: {  	[tilespmem:v9+s30+$0x0] =	vst.idx.add.s32.msk vm0, v10  }
0x547: {  	v9 =	vld [tilespmem:$0x2C0];
	_ =	sdelay $0x4  }
0x548: {  	v9 =	vadd.s32 $0x400, v9  }
0x549: {  	(xrf1) =	vunique.msk.u32 $0xffff, v9;
	_ =	sdelay $0xd  }
0x54a: {  	_, v10, vm0 =	vpop (xrf1);
	_ =	sdelay $0x5  }
0x54b: {  	[tilespmem:v9+s30+$0x0] =	vst.idx.add.s32.msk vm0, v10  }
0x54c: {  	v9 =	vld [tilespmem:$0x2D0];
	_ =	sdelay $0x4  }
0x54d: {  	v9 =	vadd.s32 $0x400, v9  }
0x54e: {  	(xrf1) =	vunique.msk.u32 $0xffff, v9;
	_ =	sdelay $0xd  }
0x54f: {  	_, v10, vm0 =	vpop (xrf1);
	_ =	sdelay $0x5  }
0x550: {  	[tilespmem:v9+s30+$0x0] =	vst.idx.add.s32.msk vm0, v10  }
0x551: {  	v9 =	vld [tilespmem:$0x2E0];
	_ =	sdelay $0x4  }
0x552: {  	v9 =	vadd.s32 $0x400, v9  }
0x553: {  	(xrf1) =	vunique.msk.u32 $0xffff, v9;
	_ =	sdelay $0xd  }
0x554: {  	_, v10, vm0 =	vpop (xrf1);
	_ =	sdelay $0x5  }
0x555: {  	[tilespmem:v9+s30+$0x0] =	vst.idx.add.s32.msk vm0, v10  }
0x556: {  	v9 =	vld [tilespmem:$0x2F0];
	_ =	sdelay $0x4  }
0x557: {  	v9 =	vadd.s32 $0x400, v9  }
0x558: {  	(xrf1) =	vunique.msk.u32 $0xffff, v9;
	_ =	sdelay $0xd  }
0x559: {  	_, v10, vm0 =	vpop (xrf1);
	_ =	sdelay $0x5  }
0x55a: {  	[tilespmem:v9+s30+$0x0] =	vst.idx.add.s32.msk vm0, v10  }
0x55b: {  	v9 =	vld [tilespmem:$0x300];
	_ =	sdelay $0x4  }
0x55c: {  	v9 =	vadd.s32 $0x400, v9  }
0x55d: {  	(xrf1) =	vunique.msk.u32 $0xffff, v9;
	_ =	sdelay $0xd  }
0x55e: {  	_, v10, vm0 =	vpop (xrf1);
	_ =	sdelay $0x5  }
0x55f: {  	[tilespmem:v9+s30+$0x0] =	vst.idx.add.s32.msk vm0, v10  }
0x560: {  	v9 =	vld [tilespmem:$0x310];
	_ =	sdelay $0x4  }
0x561: {  	v9 =	vadd.s32 $0x400, v9  }
0x562: {  	(xrf1) =	vunique.msk.u32 $0xffff, v9;
	_ =	sdelay $0xd  }
0x563: {  	_, v10, vm0 =	vpop (xrf1);
	_ =	sdelay $0x5  }
0x564: {  	[tilespmem:v9+s30+$0x0] =	vst.idx.add.s32.msk vm0, v10  }
0x565: {  	v9 =	vld [tilespmem:$0x320];
	_ =	sdelay $0x4  }
0x566: {  	v9 =	vadd.s32 $0x400, v9  }
0x567: {  	(xrf1) =	vunique.msk.u32 $0xffff, v9;
	_ =	sdelay $0xd  }
0x568: {  	_, v10, vm0 =	vpop (xrf1);
	_ =	sdelay $0x5  }
0x569: {  	[tilespmem:v9+s30+$0x0] =	vst.idx.add.s32.msk vm0, v10  }
0x56a: {  	v9 =	vld [tilespmem:$0x330];
	_ =	sdelay $0x4  }
0x56b: {  	v9 =	vadd.s32 $0x400, v9  }
0x56c: {  	(xrf1) =	vunique.msk.u32 $0xffff, v9;
	_ =	sdelay $0xd  }
0x56d: {  	_, v10, vm0 =	vpop (xrf1);
	_ =	sdelay $0x5  }
0x56e: {  	[tilespmem:v9+s30+$0x0] =	vst.idx.add.s32.msk vm0, v10  }
0x56f: {  	v9 =	vld [tilespmem:$0x340];
	_ =	sdelay $0x4  }
0x570: {  	v9 =	vadd.s32 $0x400, v9  }
0x571: {  	(xrf1) =	vunique.msk.u32 $0xffff, v9;
	_ =	sdelay $0xd  }
0x572: {  	_, v10, vm0 =	vpop (xrf1);
	_ =	sdelay $0x5  }
0x573: {  	[tilespmem:v9+s30+$0x0] =	vst.idx.add.s32.msk vm0, v10  }
0x574: {  	v9 =	vld [tilespmem:$0x350];
	_ =	sdelay $0x4  }
0x575: {  	v9 =	vadd.s32 $0x400, v9  }
0x576: {  	(xrf1) =	vunique.msk.u32 $0xffff, v9;
	_ =	sdelay $0xd  }
0x577: {  	_, v10, vm0 =	vpop (xrf1);
	_ =	sdelay $0x5  }
0x578: {  	[tilespmem:v9+s30+$0x0] =	vst.idx.add.s32.msk vm0, v10  }
0x579: {  	v9 =	vld [tilespmem:$0x360];
	_ =	sdelay $0x4  }
0x57a: {  	v9 =	vadd.s32 $0x400, v9  }
0x57b: {  	(xrf1) =	vunique.msk.u32 $0xffff, v9;
	_ =	sdelay $0xd  }
0x57c: {  	_, v10, vm0 =	vpop (xrf1);
	_ =	sdelay $0x5  }
0x57d: {  	[tilespmem:v9+s30+$0x0] =	vst.idx.add.s32.msk vm0, v10  }
0x57e: {  	v9 =	vld [tilespmem:$0x370];
	_ =	sdelay $0x4  }
0x57f: {  	v9 =	vadd.s32 $0x400, v9  }
0x580: {  	(xrf1) =	vunique.msk.u32 $0xffff, v9;
	_ =	sdelay $0xd  }
0x581: {  	_, v10, vm0 =	vpop (xrf1);
	_ =	sdelay $0x5  }
0x582: {  	[tilespmem:v9+s30+$0x0] =	vst.idx.add.s32.msk vm0, v10  }
0x583: {  	v9 =	vld [tilespmem:$0x380];
	_ =	sdelay $0x4  }
0x584: {  	v9 =	vadd.s32 $0x400, v9  }
0x585: {  	(xrf1) =	vunique.msk.u32 $0xffff, v9;
	_ =	sdelay $0xd  }
0x586: {  	_, v10, vm0 =	vpop (xrf1);
	_ =	sdelay $0x5  }
0x587: {  	[tilespmem:v9+s30+$0x0] =	vst.idx.add.s32.msk vm0, v10  }
0x588: {  	v9 =	vld [tilespmem:$0x390];
	_ =	sdelay $0x4  }
0x589: {  	v9 =	vadd.s32 $0x400, v9  }
0x58a: {  	(xrf1) =	vunique.msk.u32 $0xffff, v9;
	_ =	sdelay $0xd  }
0x58b: {  	_, v10, vm0 =	vpop (xrf1);
	_ =	sdelay $0x5  }
0x58c: {  	[tilespmem:v9+s30+$0x0] =	vst.idx.add.s32.msk vm0, v10  }
0x58d: {  	v9 =	vld [tilespmem:$0x3A0];
	_ =	sdelay $0x4  }
0x58e: {  	v9 =	vadd.s32 $0x400, v9  }
0x58f: {  	(xrf1) =	vunique.msk.u32 $0xffff, v9;
	_ =	sdelay $0xd  }
0x590: {  	_, v10, vm0 =	vpop (xrf1);
	_ =	sdelay $0x5  }
0x591: {  	[tilespmem:v9+s30+$0x0] =	vst.idx.add.s32.msk vm0, v10  }
0x592: {  	v9 =	vld [tilespmem:$0x3B0];
	_ =	sdelay $0x4  }
0x593: {  	v9 =	vadd.s32 $0x400, v9  }
0x594: {  	(xrf1) =	vunique.msk.u32 $0xffff, v9;
	_ =	sdelay $0xd  }
0x595: {  	_, v10, vm0 =	vpop (xrf1);
	_ =	sdelay $0x5  }
0x596: {  	[tilespmem:v9+s30+$0x0] =	vst.idx.add.s32.msk vm0, v10  }
0x597: {  	v9 =	vld [tilespmem:$0x3C0];
	_ =	sdelay $0x4  }
0x598: {  	v9 =	vadd.s32 $0x400, v9  }
0x599: {  	(xrf1) =	vunique.msk.u32 $0xffff, v9;
	_ =	sdelay $0xd  }
0x59a: {  	_, v10, vm0 =	vpop (xrf1);
	_ =	sdelay $0x5  }
0x59b: {  	[tilespmem:v9+s30+$0x0] =	vst.idx.add.s32.msk vm0, v10  }
0x59c: {  	v9 =	vld [tilespmem:$0x3D0];
	_ =	sdelay $0x4  }
0x59d: {  	v9 =	vadd.s32 $0x400, v9  }
0x59e: {  	(xrf1) =	vunique.msk.u32 $0xffff, v9;
	_ =	sdelay $0xd  }
0x59f: {  	_, v10, vm0 =	vpop (xrf1);
	_ =	sdelay $0x5  }
0x5a0: {  	[tilespmem:v9+s30+$0x0] =	vst.idx.add.s32.msk vm0, v10  }
0x5a1: {  	v9 =	vld [tilespmem:$0x3E0];
	_ =	sdelay $0x4  }
0x5a2: {  	v9 =	vadd.s32 $0x400, v9  }
0x5a3: {  	(xrf1) =	vunique.msk.u32 $0xffff, v9;
	_ =	sdelay $0xd  }
0x5a4: {  	_, v10, vm0 =	vpop (xrf1);
	_ =	sdelay $0x5  }
0x5a5: {  	[tilespmem:v9+s30+$0x0] =	vst.idx.add.s32.msk vm0, v10  }
0x5a6: {  	v9 =	vld [tilespmem:$0x3F0];
	_ =	sdelay $0x4  }
0x5a7: {  	v9 =	vadd.s32 $0x400, v9  }
0x5a8: {  	(xrf1) =	vunique.msk.u32 $0xffff, v9;
	_ =	sdelay $0xd  }
0x5a9: {  	_, v10, vm0 =	vpop (xrf1);
	_ =	sdelay $0x5  }
0x5aa: {  	[tilespmem:v9+s30+$0x0] =	vst.idx.add.s32.msk vm0, v10  }
0x5ab: {  	v9 =	vld.idx.msk [tilespmem:v2+s25+$0x0], $0xffff  }
0x5ac: {  	v11 =	vld.idx.msk [tilespmem:v6+s25+$0x0], $0xffff;
	_ =	sdelay $0x3  }
0x5ad: {  	v10 =	vadd.s32 $0x400, v9;
	_ =	sdelay $0x3  }
0x5ae: {  	v12 =	vld.idx.msk [tilespmem:v11+s30+$0x0], $0xffff  }
0x5af: {  	v10 =	vld.idx.msk [tilespmem:v10+s30+$0x0], $0xffff;
	_ =	swait.ge [sflag:s31], $0x200  }
0x5b0: {  	[sflag:s31] =	ssyncset.done $0x0  }
0x5b1: {  	[sflag:s31] =	ssyncadd.s32 $0xFFFFFE00  }
0x5b2: {  	_ =	swait.ge [sflag:s31], $0x200  }
0x5b3: {  	[sflag:s31] =	ssyncset.done $0x0  }
0x5b4: {  	[sflag:s31] =	ssyncadd.s32 $0xFFFFFE00  }
0x5b5: {  	_ =	swait.ge [sflag:s31], $0x200  }
0x5b6: {  	[sflag:s31] =	ssyncset.done $0x0  }
0x5b7: {  	[sflag:s31] =	ssyncadd.s32 $0xFFFFFE00  }
0x5b8: {  	_ =	swait.ge [sflag:s31], $0x200  }
0x5b9: {  	[sflag:s31] =	ssyncset.done $0x0  }
0x5ba: {  	s0 =	simm.s32 $0x0;
	[sflag:s31] =	ssyncadd.s32 $0xFFFFFE00  }
0x5bb: {  	v13 =	vld [tilespmem:s0+$0x0];
	_ =	sdelay $0x4  }
0x5bc: {  	v14 =	vadd.s32 $0x400, v13;
	_ =	sdelay $0x3  }
0x5bd: {  	v15 =	vld.idx.msk [tilespmem:v13+s30+$0x0], $0xffff  }
0x5be: {  	v14 =	vld.idx.msk [tilespmem:v14+s30+$0x0], $0xffff  }
0x5bf: {  	v16 =	vld [tilespmem:s0+$0x200]  }
0x5c0: {  	vm13 =	veq.s32 v9, v11;
	vm1 =	vgt.s32 v10, $0x0  }
0x5c1: {  	vm0 =	vmand vm13, vm1  }
0x5c2: {  	v12 =	vsel vm0, v10, v12;
	vm14 =	veq.s32 v13, v11  }
0x5c3: {  	v13 =	vsel vm14, v12, v14;
	v14 =	vcvt.s32.f32 v15  }
0x5c4: {  	v13 =	vcvt.s32.f32 v13  }
0x5c5: {  	v15 =	vadd.s32 $0x400, v16;
	[tilespmem:s0+$0x1100] =	vst v14  }
0x5c6: {  	[tilespmem:s0+$0x1500] =	vst v13  }
0x5c7: {  	s1 =	simm.s32 $0x10;
	v14 =	vld.idx.msk [tilespmem:v16+s30+$0x0], $0xffff  }
0x5c8: {  	v13 =	vld [tilespmem:s1+$0x0];
	_ =	sdelay $0x1  }
0x5c9: {  	v15 =	vld.idx.msk [tilespmem:v15+s30+$0x0], $0xffff;
	_ =	sdelay $0x1  }
0x5ca: {  	vm15 =	veq.s32 v16, v9  }
0x5cb: {  	v16 =	vsel vm15, v10, v14;
	v14 =	vadd.s32 $0x400, v13  }
0x5cc: {  	s3 =	simm.s32 $0x0;
	s2 =	simm.s32 $0x80;
	v16 =	vcvt.s32.f32 v16  }
.LBB2_24:
0x5cd: {  	p0 =	sne.s32 s2, $0x1C0;
	v15 =	vcvt.s32.f32 v15;
	s4 =	smov.u32 s2;
	s2 =	sadd.s32 $0x40, s2  }
0x5ce: {  	[tilespmem:s3+$0x1900] =	vst v16  }
0x5cf: {  	[tilespmem:s3+$0x1D00] =	vst v15;
	s3 =	smov.u32 s1  }
0x5d0: {  	v14 =	vld.idx.msk [tilespmem:v14+s30+$0x0], $0xffff  }
0x5d1: {  	v15 =	vld.idx.msk [tilespmem:v13+s30+$0x0], $0xffff  }
0x5d2: {  	v16 =	vld [tilespmem:s3+$0x200];
	_ =	sdelay $0x2  }
0x5d3: {  	vm0 =	veq.s32 v13, v11  }
0x5d4: {  	v13 =	vsel vm0, v12, v14  }
0x5d5: {  	v14 =	vcvt.s32.f32 v15;
	v13 =	vcvt.s32.f32 v13;
	v15 =	vadd.s32 $0x400, v16;
	_ =	sdelay $0x1  }
0x5d6: {  	[tilespmem:s3+$0x1500] =	vst v13  }
0x5d7: {  	[tilespmem:s3+$0x1100] =	vst v14  }
0x5d8: {  	s1 =	sshra.s32 s4, $0x2;
	v17 =	vld.idx.msk [tilespmem:v16+s30+$0x0], $0xffff  }
0x5d9: {  	v13 =	vld [tilespmem:s1+$0x0]  }
0x5da: {  	v15 =	vld.idx.msk [tilespmem:v15+s30+$0x0], $0xffff  }
.Ltmp11:
0x5db: {  	(pc) =	sbr.rel @p0 .LBB2_24-.Ltmp11, $4  }
0x5dc: {  	_ = 	snop  }
0x5dd: {  	vm0 =	veq.s32 v16, v9  }
0x5de: {  	v16 =	vsel vm0, v10, v17;
	v14 =	vadd.s32 $0x400, v13  }
0x5df: {  	v16 =	vcvt.s32.f32 v16  }
0x5e0: {  	_ = 	snop  }
0x5e1: {  	v15 =	vcvt.s32.f32 v15  }
0x5e2: {  	[tilespmem:s3+$0x1900] =	vst v16  }
0x5e3: {  	[tilespmem:s3+$0x1D00] =	vst v15  }
0x5e4: {  	v14 =	vld.idx.msk [tilespmem:v14+s30+$0x0], $0xffff  }
0x5e5: {  	v15 =	vld.idx.msk [tilespmem:v13+s30+$0x0], $0xffff  }
0x5e6: {  	v16 =	vld [tilespmem:s1+$0x200];
	_ =	sdelay $0x2  }
0x5e7: {  	vm0 =	veq.s32 v13, v11  }
0x5e8: {  	v13 =	vsel vm0, v12, v14;
	v14 =	vcvt.s32.f32 v15  }
0x5e9: {  	v15 =	vadd.s32 $0x400, v16;
	v13 =	vcvt.s32.f32 v13  }
0x5ea: {  	[tilespmem:s1+$0x1100] =	vst v14  }
0x5eb: {  	[tilespmem:s1+$0x1500] =	vst v13  }
0x5ec: {  	v13 =	vld.idx.msk [tilespmem:v16+s30+$0x0], $0xffff;
	_ =	sdelay $0x1  }
0x5ed: {  	v14 =	vld.idx.msk [tilespmem:v15+s30+$0x0], $0xffff;
	_ =	sdelay $0x1  }
0x5ee: {  	vm13 =	veq.s32 v16, v9  }
0x5ef: {  	v13 =	vsel vm13, v10, v13  }
0x5f0: {  	v13 =	vcvt.s32.f32 v13  }
0x5f1: {  	v14 =	vcvt.s32.f32 v14  }
0x5f2: {  	[tilespmem:s1+$0x1900] =	vst v13  }
0x5f3: {  	[tilespmem:s1+$0x1D00] =	vst v14  }
0x5f4: {  	v13 =	vld [tilespmem:s0+$0x80];
	_ =	sdelay $0x4  }
0x5f5: {  	v14 =	vadd.s32 $0x400, v13;
	_ =	sdelay $0x3  }
0x5f6: {  	v15 =	vld.idx.msk [tilespmem:v13+s30+$0x0], $0xffff  }
0x5f7: {  	v14 =	vld.idx.msk [tilespmem:v14+s30+$0x0], $0xffff  }
0x5f8: {  	v16 =	vld [tilespmem:s0+$0x280];
	_ =	sdelay $0x2  }
0x5f9: {  	vm14 =	veq.s32 v13, v11  }
0x5fa: {  	v13 =	vsel vm14, v12, v14;
	v14 =	vcvt.s32.f32 v15  }
0x5fb: {  	v13 =	vcvt.s32.f32 v13  }
0x5fc: {  	v15 =	vadd.s32 $0x400, v16;
	[tilespmem:s0+$0x1200] =	vst v14  }
0x5fd: {  	[tilespmem:s0+$0x1600] =	vst v13  }
0x5fe: {  	s1 =	simm.s32 $0x10;
	v14 =	vld.idx.msk [tilespmem:v16+s30+$0x0], $0xffff  }
0x5ff: {  	v13 =	vld [tilespmem:s1+$0x80];
	_ =	sdelay $0x1  }
0x600: {  	v15 =	vld.idx.msk [tilespmem:v15+s30+$0x0], $0xffff;
	_ =	sdelay $0x1  }
0x601: {  	vm15 =	veq.s32 v16, v9  }
0x602: {  	v16 =	vsel vm15, v10, v14;
	v14 =	vadd.s32 $0x400, v13  }
0x603: {  	s2 =	simm.s32 $0x80;
	v16 =	vcvt.s32.f32 v16  }
.LBB2_26:
0x604: {  	p0 =	sne.s32 s2, $0x1C0;
	v15 =	vcvt.s32.f32 v15;
	s3 =	smov.u32 s2;
	s2 =	sadd.s32 $0x40, s2  }
0x605: {  	[tilespmem:s0+$0x1A00] =	vst v16  }
0x606: {  	[tilespmem:s0+$0x1E00] =	vst v15;
	s0 =	smov.u32 s1  }
0x607: {  	v14 =	vld.idx.msk [tilespmem:v14+s30+$0x0], $0xffff  }
0x608: {  	v15 =	vld.idx.msk [tilespmem:v13+s30+$0x0], $0xffff  }
0x609: {  	v16 =	vld [tilespmem:s0+$0x280];
	_ =	sdelay $0x2  }
0x60a: {  	vm0 =	veq.s32 v13, v11  }
0x60b: {  	v13 =	vsel vm0, v12, v14  }
0x60c: {  	v14 =	vcvt.s32.f32 v15;
	v13 =	vcvt.s32.f32 v13;
	v15 =	vadd.s32 $0x400, v16;
	_ =	sdelay $0x1  }
0x60d: {  	[tilespmem:s0+$0x1600] =	vst v13  }
0x60e: {  	[tilespmem:s0+$0x1200] =	vst v14  }
0x60f: {  	s1 =	sshra.s32 s3, $0x2;
	v17 =	vld.idx.msk [tilespmem:v16+s30+$0x0], $0xffff  }
0x610: {  	v13 =	vld [tilespmem:s1+$0x80]  }
0x611: {  	v15 =	vld.idx.msk [tilespmem:v15+s30+$0x0], $0xffff  }
.Ltmp12:
0x612: {  	(pc) =	sbr.rel @p0 .LBB2_26-.Ltmp12, $4  }
0x613: {  	_ = 	snop  }
0x614: {  	vm0 =	veq.s32 v16, v9  }
0x615: {  	v16 =	vsel vm0, v10, v17;
	v14 =	vadd.s32 $0x400, v13  }
0x616: {  	v16 =	vcvt.s32.f32 v16  }
0x617: {  	_ = 	snop  }
0x618: {  	v15 =	vcvt.s32.f32 v15  }
0x619: {  	[tilespmem:s0+$0x1A00] =	vst v16  }
0x61a: {  	[tilespmem:s0+$0x1E00] =	vst v15  }
0x61b: {  	v14 =	vld.idx.msk [tilespmem:v14+s30+$0x0], $0xffff  }
0x61c: {  	v15 =	vld.idx.msk [tilespmem:v13+s30+$0x0], $0xffff  }
0x61d: {  	v16 =	vld [tilespmem:s1+$0x280];
	_ =	sdelay $0x2  }
0x61e: {  	vm0 =	veq.s32 v13, v11  }
0x61f: {  	v13 =	vsel vm0, v12, v14;
	v14 =	vcvt.s32.f32 v15  }
0x620: {  	v15 =	vadd.s32 $0x400, v16;
	v13 =	vcvt.s32.f32 v13  }
0x621: {  	[tilespmem:s1+$0x1200] =	vst v14  }
0x622: {  	[tilespmem:s1+$0x1600] =	vst v13  }
0x623: {  	v13 =	vld.idx.msk [tilespmem:v16+s30+$0x0], $0xffff;
	_ =	sdelay $0x1  }
0x624: {  	v14 =	vld.idx.msk [tilespmem:v15+s30+$0x0], $0xffff;
	_ =	sdelay $0x1  }
0x625: {  	vm13 =	veq.s32 v16, v9  }
0x626: {  	v13 =	vsel vm13, v10, v13  }
0x627: {  	v13 =	vcvt.s32.f32 v13  }
0x628: {  	v14 =	vcvt.s32.f32 v14  }
0x629: {  	[tilespmem:s1+$0x1A00] =	vst v13  }
0x62a: {  	s0 =	simm.s32 $0x0;
	[tilespmem:s1+$0x1E00] =	vst v14  }
0x62b: {  	v13 =	vld [tilespmem:s0+$0x100];
	_ =	sdelay $0x4  }
0x62c: {  	v14 =	vadd.s32 $0x400, v13;
	_ =	sdelay $0x3  }
0x62d: {  	v15 =	vld.idx.msk [tilespmem:v13+s30+$0x0], $0xffff  }
0x62e: {  	v14 =	vld.idx.msk [tilespmem:v14+s30+$0x0], $0xffff  }
0x62f: {  	v16 =	vld [tilespmem:s0+$0x300];
	_ =	sdelay $0x2  }
0x630: {  	vm14 =	veq.s32 v13, v11  }
0x631: {  	v13 =	vsel vm14, v12, v14;
	v14 =	vcvt.s32.f32 v15  }
0x632: {  	v13 =	vcvt.s32.f32 v13  }
0x633: {  	v15 =	vadd.s32 $0x400, v16;
	[tilespmem:s0+$0x1300] =	vst v14  }
0x634: {  	[tilespmem:s0+$0x1700] =	vst v13  }
0x635: {  	s1 =	simm.s32 $0x10;
	v14 =	vld.idx.msk [tilespmem:v16+s30+$0x0], $0xffff  }
0x636: {  	v13 =	vld [tilespmem:s1+$0x100];
	_ =	sdelay $0x1  }
0x637: {  	v15 =	vld.idx.msk [tilespmem:v15+s30+$0x0], $0xffff;
	_ =	sdelay $0x1  }
0x638: {  	vm15 =	veq.s32 v16, v9  }
0x639: {  	v16 =	vsel vm15, v10, v14;
	v14 =	vadd.s32 $0x400, v13  }
0x63a: {  	s2 =	simm.s32 $0x80;
	s3 =	simm.s32 $0x0;
	v16 =	vcvt.s32.f32 v16  }
.LBB2_28:
0x63b: {  	p0 =	sne.s32 s2, $0x1C0;
	v15 =	vcvt.s32.f32 v15;
	s4 =	smov.u32 s2;
	s2 =	sadd.s32 $0x40, s2  }
0x63c: {  	[tilespmem:s3+$0x1B00] =	vst v16  }
0x63d: {  	[tilespmem:s3+$0x1F00] =	vst v15;
	s3 =	smov.u32 s1  }
0x63e: {  	v14 =	vld.idx.msk [tilespmem:v14+s30+$0x0], $0xffff  }
0x63f: {  	v15 =	vld.idx.msk [tilespmem:v13+s30+$0x0], $0xffff  }
0x640: {  	v16 =	vld [tilespmem:s3+$0x300];
	_ =	sdelay $0x2  }
0x641: {  	vm0 =	veq.s32 v13, v11  }
0x642: {  	v13 =	vsel vm0, v12, v14  }
0x643: {  	v14 =	vcvt.s32.f32 v15;
	v13 =	vcvt.s32.f32 v13;
	v15 =	vadd.s32 $0x400, v16;
	_ =	sdelay $0x1  }
0x644: {  	[tilespmem:s3+$0x1700] =	vst v13  }
0x645: {  	[tilespmem:s3+$0x1300] =	vst v14  }
0x646: {  	s1 =	sshra.s32 s4, $0x2;
	v17 =	vld.idx.msk [tilespmem:v16+s30+$0x0], $0xffff  }
0x647: {  	v13 =	vld [tilespmem:s1+$0x100]  }
0x648: {  	v15 =	vld.idx.msk [tilespmem:v15+s30+$0x0], $0xffff  }
.Ltmp13:
0x649: {  	(pc) =	sbr.rel @p0 .LBB2_28-.Ltmp13, $4  }
0x64a: {  	_ = 	snop  }
0x64b: {  	vm0 =	veq.s32 v16, v9  }
0x64c: {  	v16 =	vsel vm0, v10, v17;
	v14 =	vadd.s32 $0x400, v13  }
0x64d: {  	v16 =	vcvt.s32.f32 v16  }
0x64e: {  	_ = 	snop  }
0x64f: {  	v15 =	vcvt.s32.f32 v15  }
0x650: {  	[tilespmem:s3+$0x1B00] =	vst v16  }
0x651: {  	[tilespmem:s3+$0x1F00] =	vst v15  }
0x652: {  	v14 =	vld.idx.msk [tilespmem:v14+s30+$0x0], $0xffff  }
0x653: {  	v15 =	vld.idx.msk [tilespmem:v13+s30+$0x0], $0xffff  }
0x654: {  	v16 =	vld [tilespmem:s1+$0x300];
	_ =	sdelay $0x2  }
0x655: {  	vm0 =	veq.s32 v13, v11  }
0x656: {  	v13 =	vsel vm0, v12, v14;
	v14 =	vcvt.s32.f32 v15  }
0x657: {  	v15 =	vadd.s32 $0x400, v16;
	v13 =	vcvt.s32.f32 v13  }
0x658: {  	[tilespmem:s1+$0x1300] =	vst v14  }
0x659: {  	[tilespmem:s1+$0x1700] =	vst v13  }
0x65a: {  	v13 =	vld.idx.msk [tilespmem:v16+s30+$0x0], $0xffff;
	_ =	sdelay $0x1  }
0x65b: {  	v14 =	vld.idx.msk [tilespmem:v15+s30+$0x0], $0xffff;
	_ =	sdelay $0x1  }
0x65c: {  	vm13 =	veq.s32 v16, v9  }
0x65d: {  	v13 =	vsel vm13, v10, v13  }
0x65e: {  	v13 =	vcvt.s32.f32 v13  }
0x65f: {  	v14 =	vcvt.s32.f32 v14  }
0x660: {  	[tilespmem:s1+$0x1B00] =	vst v13  }
0x661: {  	[tilespmem:s1+$0x1F00] =	vst v14  }
0x662: {  	v13 =	vld [tilespmem:s0+$0x180];
	_ =	sdelay $0x4  }
0x663: {  	v14 =	vadd.s32 $0x400, v13;
	_ =	sdelay $0x3  }
0x664: {  	v15 =	vld.idx.msk [tilespmem:v13+s30+$0x0], $0xffff  }
0x665: {  	v14 =	vld.idx.msk [tilespmem:v14+s30+$0x0], $0xffff  }
0x666: {  	v16 =	vld [tilespmem:s0+$0x380];
	_ =	sdelay $0x2  }
0x667: {  	vm14 =	veq.s32 v13, v11  }
0x668: {  	v13 =	vsel vm14, v12, v14;
	v14 =	vcvt.s32.f32 v15  }
0x669: {  	v13 =	vcvt.s32.f32 v13  }
0x66a: {  	v15 =	vadd.s32 $0x400, v16;
	[tilespmem:s0+$0x1400] =	vst v14  }
0x66b: {  	[tilespmem:s0+$0x1800] =	vst v13  }
0x66c: {  	s1 =	simm.s32 $0x10;
	v14 =	vld.idx.msk [tilespmem:v16+s30+$0x0], $0xffff  }
0x66d: {  	v13 =	vld [tilespmem:s1+$0x180];
	_ =	sdelay $0x1  }
0x66e: {  	v15 =	vld.idx.msk [tilespmem:v15+s30+$0x0], $0xffff;
	_ =	sdelay $0x1  }
0x66f: {  	vm15 =	veq.s32 v16, v9  }
0x670: {  	v16 =	vsel vm15, v10, v14;
	v14 =	vadd.s32 $0x400, v13  }
0x671: {  	s2 =	simm.s32 $0x80;
	v16 =	vcvt.s32.f32 v16  }
.LBB2_30:
0x672: {  	p0 =	sne.s32 s2, $0x1C0;
	v15 =	vcvt.s32.f32 v15;
	s3 =	smov.u32 s2;
	s2 =	sadd.s32 $0x40, s2  }
0x673: {  	[tilespmem:s0+$0x1C00] =	vst v16  }
0x674: {  	[tilespmem:s0+$0x2000] =	vst v15;
	s0 =	smov.u32 s1  }
0x675: {  	v14 =	vld.idx.msk [tilespmem:v14+s30+$0x0], $0xffff  }
0x676: {  	v15 =	vld.idx.msk [tilespmem:v13+s30+$0x0], $0xffff  }
0x677: {  	v16 =	vld [tilespmem:s0+$0x380];
	_ =	sdelay $0x2  }
0x678: {  	vm0 =	veq.s32 v13, v11  }
0x679: {  	v13 =	vsel vm0, v12, v14  }
0x67a: {  	v14 =	vcvt.s32.f32 v15;
	v13 =	vcvt.s32.f32 v13;
	v15 =	vadd.s32 $0x400, v16;
	_ =	sdelay $0x1  }
0x67b: {  	[tilespmem:s0+$0x1800] =	vst v13  }
0x67c: {  	[tilespmem:s0+$0x1400] =	vst v14  }
0x67d: {  	s1 =	sshra.s32 s3, $0x2;
	v17 =	vld.idx.msk [tilespmem:v16+s30+$0x0], $0xffff  }
0x67e: {  	v13 =	vld [tilespmem:s1+$0x180]  }
0x67f: {  	v15 =	vld.idx.msk [tilespmem:v15+s30+$0x0], $0xffff  }
.Ltmp14:
0x680: {  	(pc) =	sbr.rel @p0 .LBB2_30-.Ltmp14, $4  }
0x681: {  	_ = 	snop  }
0x682: {  	vm0 =	veq.s32 v16, v9  }
0x683: {  	v16 =	vsel vm0, v10, v17;
	v14 =	vadd.s32 $0x400, v13  }
0x684: {  	v16 =	vcvt.s32.f32 v16  }
0x685: {  	_ = 	snop  }
0x686: {  	v15 =	vcvt.s32.f32 v15  }
0x687: {  	[tilespmem:s0+$0x1C00] =	vst v16  }
0x688: {  	[tilespmem:s0+$0x2000] =	vst v15  }
0x689: {  	v14 =	vld.idx.msk [tilespmem:v14+s30+$0x0], $0xffff  }
0x68a: {  	v15 =	vld.idx.msk [tilespmem:v13+s30+$0x0], $0xffff  }
0x68b: {  	v16 =	vld [tilespmem:s1+$0x380];
	_ =	sdelay $0x2  }
0x68c: {  	vm0 =	veq.s32 v13, v11  }
0x68d: {  	v11 =	vsel vm0, v12, v14;
	v62 =	vcvt.s32.f32 v15  }
0x68e: {  	v63 =	vadd.s32 $0x400, v16;
	v11 =	vcvt.s32.f32 v11  }
0x68f: {  	[tilespmem:s1+$0x1400] =	vst v62  }
0x690: {  	[tilespmem:s1+$0x1800] =	vst v11  }
0x691: {  	v11 =	vld.idx.msk [tilespmem:v16+s30+$0x0], $0xffff;
	_ =	sdelay $0x1  }
0x692: {  	v12 =	vld.idx.msk [tilespmem:v63+s30+$0x0], $0xffff;
	_ =	sdelay $0x1  }
0x693: {  	vm15 =	veq.s32 v16, v9  }
0x694: {  	v9 =	vsel vm15, v10, v11  }
0x695: {  	v9 =	vcvt.s32.f32 v9  }
0x696: {  	v10 =	vcvt.s32.f32 v12  }
0x697: {  	[tilespmem:s1+$0x1C00] =	vst v9  }
0x698: {  	s3 =	simm.s32 $0x1100;
	s0 =	simm.s32 $0x0;
	[tilespmem:s1+$0x2000] =	vst v10  }
0x699: {  	[hbm4b:s14+s0] =	stream.linear.scatter [tilespmem:s3], [sflag:$0x2], $0x80, $0x38;
	[tilespmem:$0x2100] =	vst v63  }
0x69a: {  	s4 =	sadd.s32 $0x80, s14;
	s2 =	simm.s32 $0x1200  }
0x69b: {  	[hbm4b:s4+s0] =	stream.linear.scatter [tilespmem:s2], [sflag:$0x2], $0x80, $0x38;
	[tilespmem:$0x2100] =	vst v63  }
0x69c: {  	s3 =	sadd.s32 $0x100, s14;
	s4 =	simm.s32 $0x1300  }
0x69d: {  	[hbm4b:s3+s0] =	stream.linear.scatter [tilespmem:s4], [sflag:$0x2], $0x80, $0x38;
	[tilespmem:$0x2100] =	vst v63  }
0x69e: {  	s3 =	sadd.s32 $0x180, s14;
	s4 =	simm.s32 $0x1400  }
0x69f: {  	[hbm4b:s3+s0] =	stream.linear.scatter [tilespmem:s4], [sflag:$0x2], $0x80, $0x38;
	[tilespmem:$0x2100] =	vst v63  }
0x6a0: {  	s2 =	simm.s32 $0x1500  }
0x6a1: {  	[hbm4b:s15+s0] =	stream.linear.scatter [tilespmem:s2], [sflag:$0x2], $0x80, $0x38;
	[tilespmem:$0x2100] =	vst v63  }
0x6a2: {  	s3 =	sadd.s32 $0x80, s15;
	s4 =	simm.s32 $0x1600  }
0x6a3: {  	[hbm4b:s3+s0] =	stream.linear.scatter [tilespmem:s4], [sflag:$0x2], $0x80, $0x38;
	[tilespmem:$0x2100] =	vst v63  }
0x6a4: {  	s3 =	sadd.s32 $0x100, s15;
	s4 =	simm.s32 $0x1700  }
0x6a5: {  	[hbm4b:s3+s0] =	stream.linear.scatter [tilespmem:s4], [sflag:$0x2], $0x80, $0x38;
	[tilespmem:$0x2100] =	vst v63  }
0x6a6: {  	s3 =	sadd.s32 $0x180, s15;
	s4 =	simm.s32 $0x1800  }
0x6a7: {  	[hbm4b:s3+s0] =	stream.linear.scatter [tilespmem:s4], [sflag:$0x2], $0x80, $0x38;
	[tilespmem:$0x2100] =	vst v63  }
0x6a8: {  	s2 =	simm.s32 $0x1900  }
0x6a9: {  	[hbm4b:s16+s0] =	stream.linear.scatter [tilespmem:s2], [sflag:$0x2], $0x80, $0x38;
	[tilespmem:$0x2100] =	vst v63  }
0x6aa: {  	s3 =	sadd.s32 $0x80, s16;
	s4 =	simm.s32 $0x1A00  }
0x6ab: {  	[hbm4b:s3+s0] =	stream.linear.scatter [tilespmem:s4], [sflag:$0x2], $0x80, $0x38;
	[tilespmem:$0x2100] =	vst v63  }
0x6ac: {  	s3 =	sadd.s32 $0x100, s16;
	s4 =	simm.s32 $0x1B00  }
0x6ad: {  	[hbm4b:s3+s0] =	stream.linear.scatter [tilespmem:s4], [sflag:$0x2], $0x80, $0x38;
	[tilespmem:$0x2100] =	vst v63  }
0x6ae: {  	s3 =	sadd.s32 $0x180, s16;
	s4 =	simm.s32 $0x1C00  }
0x6af: {  	[hbm4b:s3+s0] =	stream.linear.scatter [tilespmem:s4], [sflag:$0x2], $0x80, $0x38;
	[tilespmem:$0x2100] =	vst v63  }
0x6b0: {  	s2 =	simm.s32 $0x1D00  }
0x6b1: {  	[hbm4b:s17+s0] =	stream.linear.scatter [tilespmem:s2], [sflag:$0x2], $0x80, $0x38;
	[tilespmem:$0x2100] =	vst v63  }
0x6b2: {  	s3 =	sadd.s32 $0x80, s17;
	s4 =	simm.s32 $0x1E00  }
0x6b3: {  	[hbm4b:s3+s0] =	stream.linear.scatter [tilespmem:s4], [sflag:$0x2], $0x80, $0x38;
	[tilespmem:$0x2100] =	vst v63  }
0x6b4: {  	s3 =	sadd.s32 $0x100, s17;
	s4 =	simm.s32 $0x1F00  }
0x6b5: {  	[hbm4b:s3+s0] =	stream.linear.scatter [tilespmem:s4], [sflag:$0x2], $0x80, $0x38;
	[tilespmem:$0x2100] =	vst v63  }
0x6b6: {  	s3 =	sadd.s32 $0x180, s17;
	s4 =	simm.s32 $0x2000  }
0x6b7: {  	[hbm4b:s3+s0] =	stream.linear.scatter [tilespmem:s4], [sflag:$0x2], $0x80, $0x38;
	[tilespmem:$0x2100] =	vst v63  }
0x6b8: {  	s1 =	simm.s32 $0x0;
	s0 =	simm.s32 $0x40  }
.LBB2_32:
0x6b9: {  	p0 =	sne.s32 s0, $0x1FC0;
	[tilespmem:s1+$0x900] =	vst v8;
	s1 =	smov.u32 s0;
	s0 =	sadd.s32 $0x40, s0  }
.Ltmp15:
0x6ba: {  	(pc) =	sbr.rel @p0 .LBB2_32-.Ltmp15, $2  }
0x6bb: {  	_ =	sdelay $0x2  }
0x6bc: {  	s1 =	sshra.s32 s1, $0x2  }
0x6bd: {  	[tilespmem:s1+$0x900] =	vst v8  }
0x6be: {  	_ =	swait.ge [sflag:s28], $0x400  }
0x6bf: {  	[sflag:s28] =	ssyncset.done $0x0  }
0x6c0: {  	[sflag:s28] =	ssyncadd.s32 $0xFFFFFC00  }
0x6c1: {  	v9 =	vld [tilespmem:$0x400];
	_ =	sdelay $0x4  }
0x6c2: {  	(xrf1) =	vunique.msk.u32 $0xffff, v9;
	_ =	sdelay $0xd  }
0x6c3: {  	_, v10, vm0 =	vpop (xrf1);
	_ =	sdelay $0x5  }
0x6c4: {  	[tilespmem:v9+s30+$0x0] =	vst.idx.add.s32.msk vm0, v10  }
0x6c5: {  	v9 =	vld [tilespmem:$0x410];
	_ =	sdelay $0x4  }
0x6c6: {  	(xrf1) =	vunique.msk.u32 $0xffff, v9;
	_ =	sdelay $0xd  }
0x6c7: {  	_, v10, vm0 =	vpop (xrf1);
	_ =	sdelay $0x5  }
0x6c8: {  	[tilespmem:v9+s30+$0x0] =	vst.idx.add.s32.msk vm0, v10  }
0x6c9: {  	v9 =	vld [tilespmem:$0x420];
	_ =	sdelay $0x4  }
0x6ca: {  	(xrf1) =	vunique.msk.u32 $0xffff, v9;
	_ =	sdelay $0xd  }
0x6cb: {  	_, v10, vm0 =	vpop (xrf1);
	_ =	sdelay $0x5  }
0x6cc: {  	[tilespmem:v9+s30+$0x0] =	vst.idx.add.s32.msk vm0, v10  }
0x6cd: {  	v9 =	vld [tilespmem:$0x430];
	_ =	sdelay $0x4  }
0x6ce: {  	(xrf1) =	vunique.msk.u32 $0xffff, v9;
	_ =	sdelay $0xd  }
0x6cf: {  	_, v10, vm0 =	vpop (xrf1);
	_ =	sdelay $0x5  }
0x6d0: {  	[tilespmem:v9+s30+$0x0] =	vst.idx.add.s32.msk vm0, v10  }
0x6d1: {  	v9 =	vld [tilespmem:$0x440];
	_ =	sdelay $0x4  }
0x6d2: {  	(xrf1) =	vunique.msk.u32 $0xffff, v9;
	_ =	sdelay $0xd  }
0x6d3: {  	_, v10, vm0 =	vpop (xrf1);
	_ =	sdelay $0x5  }
0x6d4: {  	[tilespmem:v9+s30+$0x0] =	vst.idx.add.s32.msk vm0, v10  }
0x6d5: {  	v9 =	vld [tilespmem:$0x450];
	_ =	sdelay $0x4  }
0x6d6: {  	(xrf1) =	vunique.msk.u32 $0xffff, v9;
	_ =	sdelay $0xd  }
0x6d7: {  	_, v10, vm0 =	vpop (xrf1);
	_ =	sdelay $0x5  }
0x6d8: {  	[tilespmem:v9+s30+$0x0] =	vst.idx.add.s32.msk vm0, v10  }
0x6d9: {  	v9 =	vld [tilespmem:$0x460];
	_ =	sdelay $0x4  }
0x6da: {  	(xrf1) =	vunique.msk.u32 $0xffff, v9;
	_ =	sdelay $0xd  }
0x6db: {  	_, v10, vm0 =	vpop (xrf1);
	_ =	sdelay $0x5  }
0x6dc: {  	[tilespmem:v9+s30+$0x0] =	vst.idx.add.s32.msk vm0, v10  }
0x6dd: {  	v9 =	vld [tilespmem:$0x470];
	_ =	sdelay $0x4  }
0x6de: {  	(xrf1) =	vunique.msk.u32 $0xffff, v9;
	_ =	sdelay $0xd  }
0x6df: {  	_, v10, vm0 =	vpop (xrf1);
	_ =	sdelay $0x5  }
0x6e0: {  	[tilespmem:v9+s30+$0x0] =	vst.idx.add.s32.msk vm0, v10  }
0x6e1: {  	v9 =	vld [tilespmem:$0x480];
	_ =	sdelay $0x4  }
0x6e2: {  	(xrf1) =	vunique.msk.u32 $0xffff, v9;
	_ =	sdelay $0xd  }
0x6e3: {  	_, v10, vm0 =	vpop (xrf1);
	_ =	sdelay $0x5  }
0x6e4: {  	[tilespmem:v9+s30+$0x0] =	vst.idx.add.s32.msk vm0, v10  }
0x6e5: {  	v9 =	vld [tilespmem:$0x490];
	_ =	sdelay $0x4  }
0x6e6: {  	(xrf1) =	vunique.msk.u32 $0xffff, v9;
	_ =	sdelay $0xd  }
0x6e7: {  	_, v10, vm0 =	vpop (xrf1);
	_ =	sdelay $0x5  }
0x6e8: {  	[tilespmem:v9+s30+$0x0] =	vst.idx.add.s32.msk vm0, v10  }
0x6e9: {  	v9 =	vld [tilespmem:$0x4A0];
	_ =	sdelay $0x4  }
0x6ea: {  	(xrf1) =	vunique.msk.u32 $0xffff, v9;
	_ =	sdelay $0xd  }
0x6eb: {  	_, v10, vm0 =	vpop (xrf1);
	_ =	sdelay $0x5  }
0x6ec: {  	[tilespmem:v9+s30+$0x0] =	vst.idx.add.s32.msk vm0, v10  }
0x6ed: {  	v9 =	vld [tilespmem:$0x4B0];
	_ =	sdelay $0x4  }
0x6ee: {  	(xrf1) =	vunique.msk.u32 $0xffff, v9;
	_ =	sdelay $0xd  }
0x6ef: {  	_, v10, vm0 =	vpop (xrf1);
	_ =	sdelay $0x5  }
0x6f0: {  	[tilespmem:v9+s30+$0x0] =	vst.idx.add.s32.msk vm0, v10  }
0x6f1: {  	v9 =	vld [tilespmem:$0x4C0];
	_ =	sdelay $0x4  }
0x6f2: {  	(xrf1) =	vunique.msk.u32 $0xffff, v9;
	_ =	sdelay $0xd  }
0x6f3: {  	_, v10, vm0 =	vpop (xrf1);
	_ =	sdelay $0x5  }
0x6f4: {  	[tilespmem:v9+s30+$0x0] =	vst.idx.add.s32.msk vm0, v10  }
0x6f5: {  	v9 =	vld [tilespmem:$0x4D0];
	_ =	sdelay $0x4  }
0x6f6: {  	(xrf1) =	vunique.msk.u32 $0xffff, v9;
	_ =	sdelay $0xd  }
0x6f7: {  	_, v10, vm0 =	vpop (xrf1);
	_ =	sdelay $0x5  }
0x6f8: {  	[tilespmem:v9+s30+$0x0] =	vst.idx.add.s32.msk vm0, v10  }
0x6f9: {  	v9 =	vld [tilespmem:$0x4E0];
	_ =	sdelay $0x4  }
0x6fa: {  	(xrf1) =	vunique.msk.u32 $0xffff, v9;
	_ =	sdelay $0xd  }
0x6fb: {  	_, v10, vm0 =	vpop (xrf1);
	_ =	sdelay $0x5  }
0x6fc: {  	[tilespmem:v9+s30+$0x0] =	vst.idx.add.s32.msk vm0, v10  }
0x6fd: {  	v9 =	vld [tilespmem:$0x4F0];
	_ =	sdelay $0x4  }
0x6fe: {  	(xrf1) =	vunique.msk.u32 $0xffff, v9;
	_ =	sdelay $0xd  }
0x6ff: {  	_, v10, vm0 =	vpop (xrf1);
	_ =	sdelay $0x5  }
0x700: {  	[tilespmem:v9+s30+$0x0] =	vst.idx.add.s32.msk vm0, v10  }
0x701: {  	v9 =	vld [tilespmem:$0x500];
	_ =	sdelay $0x4  }
0x702: {  	(xrf1) =	vunique.msk.u32 $0xffff, v9;
	_ =	sdelay $0xd  }
0x703: {  	_, v10, vm0 =	vpop (xrf1);
	_ =	sdelay $0x5  }
0x704: {  	[tilespmem:v9+s30+$0x0] =	vst.idx.add.s32.msk vm0, v10  }
0x705: {  	v9 =	vld [tilespmem:$0x510];
	_ =	sdelay $0x4  }
0x706: {  	(xrf1) =	vunique.msk.u32 $0xffff, v9;
	_ =	sdelay $0xd  }
0x707: {  	_, v10, vm0 =	vpop (xrf1);
	_ =	sdelay $0x5  }
0x708: {  	[tilespmem:v9+s30+$0x0] =	vst.idx.add.s32.msk vm0, v10  }
0x709: {  	v9 =	vld [tilespmem:$0x520];
	_ =	sdelay $0x4  }
0x70a: {  	(xrf1) =	vunique.msk.u32 $0xffff, v9;
	_ =	sdelay $0xd  }
0x70b: {  	_, v10, vm0 =	vpop (xrf1);
	_ =	sdelay $0x5  }
0x70c: {  	[tilespmem:v9+s30+$0x0] =	vst.idx.add.s32.msk vm0, v10  }
0x70d: {  	v9 =	vld [tilespmem:$0x530];
	_ =	sdelay $0x4  }
0x70e: {  	(xrf1) =	vunique.msk.u32 $0xffff, v9;
	_ =	sdelay $0xd  }
0x70f: {  	_, v10, vm0 =	vpop (xrf1);
	_ =	sdelay $0x5  }
0x710: {  	[tilespmem:v9+s30+$0x0] =	vst.idx.add.s32.msk vm0, v10  }
0x711: {  	v9 =	vld [tilespmem:$0x540];
	_ =	sdelay $0x4  }
0x712: {  	(xrf1) =	vunique.msk.u32 $0xffff, v9;
	_ =	sdelay $0xd  }
0x713: {  	_, v10, vm0 =	vpop (xrf1);
	_ =	sdelay $0x5  }
0x714: {  	[tilespmem:v9+s30+$0x0] =	vst.idx.add.s32.msk vm0, v10  }
0x715: {  	v9 =	vld [tilespmem:$0x550];
	_ =	sdelay $0x4  }
0x716: {  	(xrf1) =	vunique.msk.u32 $0xffff, v9;
	_ =	sdelay $0xd  }
0x717: {  	_, v10, vm0 =	vpop (xrf1);
	_ =	sdelay $0x5  }
0x718: {  	[tilespmem:v9+s30+$0x0] =	vst.idx.add.s32.msk vm0, v10  }
0x719: {  	v9 =	vld [tilespmem:$0x560];
	_ =	sdelay $0x4  }
0x71a: {  	(xrf1) =	vunique.msk.u32 $0xffff, v9;
	_ =	sdelay $0xd  }
0x71b: {  	_, v10, vm0 =	vpop (xrf1);
	_ =	sdelay $0x5  }
0x71c: {  	[tilespmem:v9+s30+$0x0] =	vst.idx.add.s32.msk vm0, v10  }
0x71d: {  	v9 =	vld [tilespmem:$0x570];
	_ =	sdelay $0x4  }
0x71e: {  	(xrf1) =	vunique.msk.u32 $0xffff, v9;
	_ =	sdelay $0xd  }
0x71f: {  	_, v10, vm0 =	vpop (xrf1);
	_ =	sdelay $0x5  }
0x720: {  	[tilespmem:v9+s30+$0x0] =	vst.idx.add.s32.msk vm0, v10  }
0x721: {  	v9 =	vld [tilespmem:$0x580];
	_ =	sdelay $0x4  }
0x722: {  	(xrf1) =	vunique.msk.u32 $0xffff, v9;
	_ =	sdelay $0xd  }
0x723: {  	_, v10, vm0 =	vpop (xrf1);
	_ =	sdelay $0x5  }
0x724: {  	[tilespmem:v9+s30+$0x0] =	vst.idx.add.s32.msk vm0, v10  }
0x725: {  	v9 =	vld [tilespmem:$0x590];
	_ =	sdelay $0x4  }
0x726: {  	(xrf1) =	vunique.msk.u32 $0xffff, v9;
	_ =	sdelay $0xd  }
0x727: {  	_, v10, vm0 =	vpop (xrf1);
	_ =	sdelay $0x5  }
0x728: {  	[tilespmem:v9+s30+$0x0] =	vst.idx.add.s32.msk vm0, v10  }
0x729: {  	v9 =	vld [tilespmem:$0x5A0];
	_ =	sdelay $0x4  }
0x72a: {  	(xrf1) =	vunique.msk.u32 $0xffff, v9;
	_ =	sdelay $0xd  }
0x72b: {  	_, v10, vm0 =	vpop (xrf1);
	_ =	sdelay $0x5  }
0x72c: {  	[tilespmem:v9+s30+$0x0] =	vst.idx.add.s32.msk vm0, v10  }
0x72d: {  	v9 =	vld [tilespmem:$0x5B0];
	_ =	sdelay $0x4  }
0x72e: {  	(xrf1) =	vunique.msk.u32 $0xffff, v9;
	_ =	sdelay $0xd  }
0x72f: {  	_, v10, vm0 =	vpop (xrf1);
	_ =	sdelay $0x5  }
0x730: {  	[tilespmem:v9+s30+$0x0] =	vst.idx.add.s32.msk vm0, v10  }
0x731: {  	v9 =	vld [tilespmem:$0x5C0];
	_ =	sdelay $0x4  }
0x732: {  	(xrf1) =	vunique.msk.u32 $0xffff, v9;
	_ =	sdelay $0xd  }
0x733: {  	_, v10, vm0 =	vpop (xrf1);
	_ =	sdelay $0x5  }
0x734: {  	[tilespmem:v9+s30+$0x0] =	vst.idx.add.s32.msk vm0, v10  }
0x735: {  	v9 =	vld [tilespmem:$0x5D0];
	_ =	sdelay $0x4  }
0x736: {  	(xrf1) =	vunique.msk.u32 $0xffff, v9;
	_ =	sdelay $0xd  }
0x737: {  	_, v10, vm0 =	vpop (xrf1);
	_ =	sdelay $0x5  }
0x738: {  	[tilespmem:v9+s30+$0x0] =	vst.idx.add.s32.msk vm0, v10  }
0x739: {  	v9 =	vld [tilespmem:$0x5E0];
	_ =	sdelay $0x4  }
0x73a: {  	(xrf1) =	vunique.msk.u32 $0xffff, v9;
	_ =	sdelay $0xd  }
0x73b: {  	_, v10, vm0 =	vpop (xrf1);
	_ =	sdelay $0x5  }
0x73c: {  	[tilespmem:v9+s30+$0x0] =	vst.idx.add.s32.msk vm0, v10  }
0x73d: {  	v9 =	vld [tilespmem:$0x5F0];
	_ =	sdelay $0x4  }
0x73e: {  	(xrf1) =	vunique.msk.u32 $0xffff, v9;
	_ =	sdelay $0xd  }
0x73f: {  	_, v10, vm0 =	vpop (xrf1);
	_ =	sdelay $0x5  }
0x740: {  	[tilespmem:v9+s30+$0x0] =	vst.idx.add.s32.msk vm0, v10  }
0x741: {  	v9 =	vld [tilespmem:$0x600];
	_ =	sdelay $0x4  }
0x742: {  	v9 =	vadd.s32 $0x400, v9  }
0x743: {  	(xrf1) =	vunique.msk.u32 $0xffff, v9;
	_ =	sdelay $0xd  }
0x744: {  	_, v10, vm0 =	vpop (xrf1);
	_ =	sdelay $0x5  }
0x745: {  	[tilespmem:v9+s30+$0x0] =	vst.idx.add.s32.msk vm0, v10  }
0x746: {  	v9 =	vld [tilespmem:$0x610];
	_ =	sdelay $0x4  }
0x747: {  	v9 =	vadd.s32 $0x400, v9  }
0x748: {  	(xrf1) =	vunique.msk.u32 $0xffff, v9;
	_ =	sdelay $0xd  }
0x749: {  	_, v10, vm0 =	vpop (xrf1);
	_ =	sdelay $0x5  }
0x74a: {  	[tilespmem:v9+s30+$0x0] =	vst.idx.add.s32.msk vm0, v10  }
0x74b: {  	v9 =	vld [tilespmem:$0x620];
	_ =	sdelay $0x4  }
0x74c: {  	v9 =	vadd.s32 $0x400, v9  }
0x74d: {  	(xrf1) =	vunique.msk.u32 $0xffff, v9;
	_ =	sdelay $0xd  }
0x74e: {  	_, v10, vm0 =	vpop (xrf1);
	_ =	sdelay $0x5  }
0x74f: {  	[tilespmem:v9+s30+$0x0] =	vst.idx.add.s32.msk vm0, v10  }
0x750: {  	v9 =	vld [tilespmem:$0x630];
	_ =	sdelay $0x4  }
0x751: {  	v9 =	vadd.s32 $0x400, v9  }
0x752: {  	(xrf1) =	vunique.msk.u32 $0xffff, v9;
	_ =	sdelay $0xd  }
0x753: {  	_, v10, vm0 =	vpop (xrf1);
	_ =	sdelay $0x5  }
0x754: {  	[tilespmem:v9+s30+$0x0] =	vst.idx.add.s32.msk vm0, v10  }
0x755: {  	v9 =	vld [tilespmem:$0x640];
	_ =	sdelay $0x4  }
0x756: {  	v9 =	vadd.s32 $0x400, v9  }
0x757: {  	(xrf1) =	vunique.msk.u32 $0xffff, v9;
	_ =	sdelay $0xd  }
0x758: {  	_, v10, vm0 =	vpop (xrf1);
	_ =	sdelay $0x5  }
0x759: {  	[tilespmem:v9+s30+$0x0] =	vst.idx.add.s32.msk vm0, v10  }
0x75a: {  	v9 =	vld [tilespmem:$0x650];
	_ =	sdelay $0x4  }
0x75b: {  	v9 =	vadd.s32 $0x400, v9  }
0x75c: {  	(xrf1) =	vunique.msk.u32 $0xffff, v9;
	_ =	sdelay $0xd  }
0x75d: {  	_, v10, vm0 =	vpop (xrf1);
	_ =	sdelay $0x5  }
0x75e: {  	[tilespmem:v9+s30+$0x0] =	vst.idx.add.s32.msk vm0, v10  }
0x75f: {  	v9 =	vld [tilespmem:$0x660];
	_ =	sdelay $0x4  }
0x760: {  	v9 =	vadd.s32 $0x400, v9  }
0x761: {  	(xrf1) =	vunique.msk.u32 $0xffff, v9;
	_ =	sdelay $0xd  }
0x762: {  	_, v10, vm0 =	vpop (xrf1);
	_ =	sdelay $0x5  }
0x763: {  	[tilespmem:v9+s30+$0x0] =	vst.idx.add.s32.msk vm0, v10  }
0x764: {  	v9 =	vld [tilespmem:$0x670];
	_ =	sdelay $0x4  }
0x765: {  	v9 =	vadd.s32 $0x400, v9  }
0x766: {  	(xrf1) =	vunique.msk.u32 $0xffff, v9;
	_ =	sdelay $0xd  }
0x767: {  	_, v10, vm0 =	vpop (xrf1);
	_ =	sdelay $0x5  }
0x768: {  	[tilespmem:v9+s30+$0x0] =	vst.idx.add.s32.msk vm0, v10  }
0x769: {  	v9 =	vld [tilespmem:$0x680];
	_ =	sdelay $0x4  }
0x76a: {  	v9 =	vadd.s32 $0x400, v9  }
0x76b: {  	(xrf1) =	vunique.msk.u32 $0xffff, v9;
	_ =	sdelay $0xd  }
0x76c: {  	_, v10, vm0 =	vpop (xrf1);
	_ =	sdelay $0x5  }
0x76d: {  	[tilespmem:v9+s30+$0x0] =	vst.idx.add.s32.msk vm0, v10  }
0x76e: {  	v9 =	vld [tilespmem:$0x690];
	_ =	sdelay $0x4  }
0x76f: {  	v9 =	vadd.s32 $0x400, v9  }
0x770: {  	(xrf1) =	vunique.msk.u32 $0xffff, v9;
	_ =	sdelay $0xd  }
0x771: {  	_, v10, vm0 =	vpop (xrf1);
	_ =	sdelay $0x5  }
0x772: {  	[tilespmem:v9+s30+$0x0] =	vst.idx.add.s32.msk vm0, v10  }
0x773: {  	v9 =	vld [tilespmem:$0x6A0];
	_ =	sdelay $0x4  }
0x774: {  	v9 =	vadd.s32 $0x400, v9  }
0x775: {  	(xrf1) =	vunique.msk.u32 $0xffff, v9;
	_ =	sdelay $0xd  }
0x776: {  	_, v10, vm0 =	vpop (xrf1);
	_ =	sdelay $0x5  }
0x777: {  	[tilespmem:v9+s30+$0x0] =	vst.idx.add.s32.msk vm0, v10  }
0x778: {  	v9 =	vld [tilespmem:$0x6B0];
	_ =	sdelay $0x4  }
0x779: {  	v9 =	vadd.s32 $0x400, v9  }
0x77a: {  	(xrf1) =	vunique.msk.u32 $0xffff, v9;
	_ =	sdelay $0xd  }
0x77b: {  	_, v10, vm0 =	vpop (xrf1);
	_ =	sdelay $0x5  }
0x77c: {  	[tilespmem:v9+s30+$0x0] =	vst.idx.add.s32.msk vm0, v10  }
0x77d: {  	v9 =	vld [tilespmem:$0x6C0];
	_ =	sdelay $0x4  }
0x77e: {  	v9 =	vadd.s32 $0x400, v9  }
0x77f: {  	(xrf1) =	vunique.msk.u32 $0xffff, v9;
	_ =	sdelay $0xd  }
0x780: {  	_, v10, vm0 =	vpop (xrf1);
	_ =	sdelay $0x5  }
0x781: {  	[tilespmem:v9+s30+$0x0] =	vst.idx.add.s32.msk vm0, v10  }
0x782: {  	v9 =	vld [tilespmem:$0x6D0];
	_ =	sdelay $0x4  }
0x783: {  	v9 =	vadd.s32 $0x400, v9  }
0x784: {  	(xrf1) =	vunique.msk.u32 $0xffff, v9;
	_ =	sdelay $0xd  }
0x785: {  	_, v10, vm0 =	vpop (xrf1);
	_ =	sdelay $0x5  }
0x786: {  	[tilespmem:v9+s30+$0x0] =	vst.idx.add.s32.msk vm0, v10  }
0x787: {  	v9 =	vld [tilespmem:$0x6E0];
	_ =	sdelay $0x4  }
0x788: {  	v9 =	vadd.s32 $0x400, v9  }
0x789: {  	(xrf1) =	vunique.msk.u32 $0xffff, v9;
	_ =	sdelay $0xd  }
0x78a: {  	_, v10, vm0 =	vpop (xrf1);
	_ =	sdelay $0x5  }
0x78b: {  	[tilespmem:v9+s30+$0x0] =	vst.idx.add.s32.msk vm0, v10  }
0x78c: {  	v9 =	vld [tilespmem:$0x6F0];
	_ =	sdelay $0x4  }
0x78d: {  	v9 =	vadd.s32 $0x400, v9  }
0x78e: {  	(xrf1) =	vunique.msk.u32 $0xffff, v9;
	_ =	sdelay $0xd  }
0x78f: {  	_, v10, vm0 =	vpop (xrf1);
	_ =	sdelay $0x5  }
0x790: {  	[tilespmem:v9+s30+$0x0] =	vst.idx.add.s32.msk vm0, v10  }
0x791: {  	v9 =	vld [tilespmem:$0x700];
	_ =	sdelay $0x4  }
0x792: {  	v9 =	vadd.s32 $0x400, v9  }
0x793: {  	(xrf1) =	vunique.msk.u32 $0xffff, v9;
	_ =	sdelay $0xd  }
0x794: {  	_, v10, vm0 =	vpop (xrf1);
	_ =	sdelay $0x5  }
0x795: {  	[tilespmem:v9+s30+$0x0] =	vst.idx.add.s32.msk vm0, v10  }
0x796: {  	v9 =	vld [tilespmem:$0x710];
	_ =	sdelay $0x4  }
0x797: {  	v9 =	vadd.s32 $0x400, v9  }
0x798: {  	(xrf1) =	vunique.msk.u32 $0xffff, v9;
	_ =	sdelay $0xd  }
0x799: {  	_, v10, vm0 =	vpop (xrf1);
	_ =	sdelay $0x5  }
0x79a: {  	[tilespmem:v9+s30+$0x0] =	vst.idx.add.s32.msk vm0, v10  }
0x79b: {  	v9 =	vld [tilespmem:$0x720];
	_ =	sdelay $0x4  }
0x79c: {  	v9 =	vadd.s32 $0x400, v9  }
0x79d: {  	(xrf1) =	vunique.msk.u32 $0xffff, v9;
	_ =	sdelay $0xd  }
0x79e: {  	_, v10, vm0 =	vpop (xrf1);
	_ =	sdelay $0x5  }
0x79f: {  	[tilespmem:v9+s30+$0x0] =	vst.idx.add.s32.msk vm0, v10  }
0x7a0: {  	v9 =	vld [tilespmem:$0x730];
	_ =	sdelay $0x4  }
0x7a1: {  	v9 =	vadd.s32 $0x400, v9  }
0x7a2: {  	(xrf1) =	vunique.msk.u32 $0xffff, v9;
	_ =	sdelay $0xd  }
0x7a3: {  	_, v10, vm0 =	vpop (xrf1);
	_ =	sdelay $0x5  }
0x7a4: {  	[tilespmem:v9+s30+$0x0] =	vst.idx.add.s32.msk vm0, v10  }
0x7a5: {  	v9 =	vld [tilespmem:$0x740];
	_ =	sdelay $0x4  }
0x7a6: {  	v9 =	vadd.s32 $0x400, v9  }
0x7a7: {  	(xrf1) =	vunique.msk.u32 $0xffff, v9;
	_ =	sdelay $0xd  }
0x7a8: {  	_, v10, vm0 =	vpop (xrf1);
	_ =	sdelay $0x5  }
0x7a9: {  	[tilespmem:v9+s30+$0x0] =	vst.idx.add.s32.msk vm0, v10  }
0x7aa: {  	v9 =	vld [tilespmem:$0x750];
	_ =	sdelay $0x4  }
0x7ab: {  	v9 =	vadd.s32 $0x400, v9  }
0x7ac: {  	(xrf1) =	vunique.msk.u32 $0xffff, v9;
	_ =	sdelay $0xd  }
0x7ad: {  	_, v10, vm0 =	vpop (xrf1);
	_ =	sdelay $0x5  }
0x7ae: {  	[tilespmem:v9+s30+$0x0] =	vst.idx.add.s32.msk vm0, v10  }
0x7af: {  	v9 =	vld [tilespmem:$0x760];
	_ =	sdelay $0x4  }
0x7b0: {  	v9 =	vadd.s32 $0x400, v9  }
0x7b1: {  	(xrf1) =	vunique.msk.u32 $0xffff, v9;
	_ =	sdelay $0xd  }
0x7b2: {  	_, v10, vm0 =	vpop (xrf1);
	_ =	sdelay $0x5  }
0x7b3: {  	[tilespmem:v9+s30+$0x0] =	vst.idx.add.s32.msk vm0, v10  }
0x7b4: {  	v9 =	vld [tilespmem:$0x770];
	_ =	sdelay $0x4  }
0x7b5: {  	v9 =	vadd.s32 $0x400, v9  }
0x7b6: {  	(xrf1) =	vunique.msk.u32 $0xffff, v9;
	_ =	sdelay $0xd  }
0x7b7: {  	_, v10, vm0 =	vpop (xrf1);
	_ =	sdelay $0x5  }
0x7b8: {  	[tilespmem:v9+s30+$0x0] =	vst.idx.add.s32.msk vm0, v10  }
0x7b9: {  	v9 =	vld [tilespmem:$0x780];
	_ =	sdelay $0x4  }
0x7ba: {  	v9 =	vadd.s32 $0x400, v9  }
0x7bb: {  	(xrf1) =	vunique.msk.u32 $0xffff, v9;
	_ =	sdelay $0xd  }
0x7bc: {  	_, v10, vm0 =	vpop (xrf1);
	_ =	sdelay $0x5  }
0x7bd: {  	[tilespmem:v9+s30+$0x0] =	vst.idx.add.s32.msk vm0, v10  }
0x7be: {  	v9 =	vld [tilespmem:$0x790];
	_ =	sdelay $0x4  }
0x7bf: {  	v9 =	vadd.s32 $0x400, v9  }
0x7c0: {  	(xrf1) =	vunique.msk.u32 $0xffff, v9;
	_ =	sdelay $0xd  }
0x7c1: {  	_, v10, vm0 =	vpop (xrf1);
	_ =	sdelay $0x5  }
0x7c2: {  	[tilespmem:v9+s30+$0x0] =	vst.idx.add.s32.msk vm0, v10  }
0x7c3: {  	v9 =	vld [tilespmem:$0x7A0];
	_ =	sdelay $0x4  }
0x7c4: {  	v9 =	vadd.s32 $0x400, v9  }
0x7c5: {  	(xrf1) =	vunique.msk.u32 $0xffff, v9;
	_ =	sdelay $0xd  }
0x7c6: {  	_, v10, vm0 =	vpop (xrf1);
	_ =	sdelay $0x5  }
0x7c7: {  	[tilespmem:v9+s30+$0x0] =	vst.idx.add.s32.msk vm0, v10  }
0x7c8: {  	v9 =	vld [tilespmem:$0x7B0];
	_ =	sdelay $0x4  }
0x7c9: {  	v9 =	vadd.s32 $0x400, v9  }
0x7ca: {  	(xrf1) =	vunique.msk.u32 $0xffff, v9;
	_ =	sdelay $0xd  }
0x7cb: {  	_, v10, vm0 =	vpop (xrf1);
	_ =	sdelay $0x5  }
0x7cc: {  	[tilespmem:v9+s30+$0x0] =	vst.idx.add.s32.msk vm0, v10  }
0x7cd: {  	v9 =	vld [tilespmem:$0x7C0];
	_ =	sdelay $0x4  }
0x7ce: {  	v9 =	vadd.s32 $0x400, v9  }
0x7cf: {  	(xrf1) =	vunique.msk.u32 $0xffff, v9;
	_ =	sdelay $0xd  }
0x7d0: {  	_, v10, vm0 =	vpop (xrf1);
	_ =	sdelay $0x5  }
0x7d1: {  	[tilespmem:v9+s30+$0x0] =	vst.idx.add.s32.msk vm0, v10  }
0x7d2: {  	v9 =	vld [tilespmem:$0x7D0];
	_ =	sdelay $0x4  }
0x7d3: {  	v9 =	vadd.s32 $0x400, v9  }
0x7d4: {  	(xrf1) =	vunique.msk.u32 $0xffff, v9;
	_ =	sdelay $0xd  }
0x7d5: {  	_, v10, vm0 =	vpop (xrf1);
	_ =	sdelay $0x5  }
0x7d6: {  	[tilespmem:v9+s30+$0x0] =	vst.idx.add.s32.msk vm0, v10  }
0x7d7: {  	v9 =	vld [tilespmem:$0x7E0];
	_ =	sdelay $0x4  }
0x7d8: {  	v9 =	vadd.s32 $0x400, v9  }
0x7d9: {  	(xrf1) =	vunique.msk.u32 $0xffff, v9;
	_ =	sdelay $0xd  }
0x7da: {  	_, v10, vm0 =	vpop (xrf1);
	_ =	sdelay $0x5  }
0x7db: {  	[tilespmem:v9+s30+$0x0] =	vst.idx.add.s32.msk vm0, v10  }
0x7dc: {  	v9 =	vld [tilespmem:$0x7F0];
	_ =	sdelay $0x4  }
0x7dd: {  	v9 =	vadd.s32 $0x400, v9  }
0x7de: {  	(xrf1) =	vunique.msk.u32 $0xffff, v9;
	_ =	sdelay $0xd  }
0x7df: {  	_, v10, vm0 =	vpop (xrf1);
	_ =	sdelay $0x5  }
0x7e0: {  	[tilespmem:v9+s30+$0x0] =	vst.idx.add.s32.msk vm0, v10  }
0x7e1: {  	v9 =	vld.idx.msk [tilespmem:v3+s25+$0x0], $0xffff  }
0x7e2: {  	v11 =	vld.idx.msk [tilespmem:v7+s25+$0x0], $0xffff;
	_ =	sdelay $0x3  }
0x7e3: {  	v10 =	vadd.s32 $0x400, v9;
	_ =	sdelay $0x3  }
0x7e4: {  	v12 =	vld.idx.msk [tilespmem:v11+s30+$0x0], $0xffff  }
0x7e5: {  	v10 =	vld.idx.msk [tilespmem:v10+s30+$0x0], $0xffff;
	_ =	swait.ge [sflag:s31], $0x200  }
0x7e6: {  	[sflag:s31] =	ssyncset.done $0x0  }
0x7e7: {  	[sflag:s31] =	ssyncadd.s32 $0xFFFFFE00  }
0x7e8: {  	_ =	swait.ge [sflag:s31], $0x200  }
0x7e9: {  	[sflag:s31] =	ssyncset.done $0x0  }
0x7ea: {  	[sflag:s31] =	ssyncadd.s32 $0xFFFFFE00  }
0x7eb: {  	_ =	swait.ge [sflag:s31], $0x200  }
0x7ec: {  	[sflag:s31] =	ssyncset.done $0x0  }
0x7ed: {  	[sflag:s31] =	ssyncadd.s32 $0xFFFFFE00  }
0x7ee: {  	_ =	swait.ge [sflag:s31], $0x200  }
0x7ef: {  	[sflag:s31] =	ssyncset.done $0x0  }
0x7f0: {  	s0 =	simm.s32 $0x0;
	[sflag:s31] =	ssyncadd.s32 $0xFFFFFE00  }
0x7f1: {  	v13 =	vld [tilespmem:s0+$0x400];
	_ =	sdelay $0x4  }
0x7f2: {  	v14 =	vadd.s32 $0x400, v13;
	_ =	sdelay $0x3  }
0x7f3: {  	v15 =	vld.idx.msk [tilespmem:v13+s30+$0x0], $0xffff  }
0x7f4: {  	v14 =	vld.idx.msk [tilespmem:v14+s30+$0x0], $0xffff  }
0x7f5: {  	v16 =	vld [tilespmem:s0+$0x600]  }
0x7f6: {  	vm13 =	veq.s32 v9, v11;
	vm1 =	vgt.s32 v10, $0x0  }
0x7f7: {  	vm0 =	vmand vm13, vm1  }
0x7f8: {  	v12 =	vsel vm0, v10, v12;
	vm14 =	veq.s32 v13, v11  }
0x7f9: {  	v13 =	vsel vm14, v12, v14;
	v14 =	vcvt.s32.f32 v15  }
0x7fa: {  	v13 =	vcvt.s32.f32 v13  }
0x7fb: {  	v15 =	vadd.s32 $0x400, v16;
	[tilespmem:s0+$0x1180] =	vst v14  }
0x7fc: {  	[tilespmem:s0+$0x1580] =	vst v13  }
0x7fd: {  	s1 =	simm.s32 $0x10;
	v14 =	vld.idx.msk [tilespmem:v16+s30+$0x0], $0xffff  }
0x7fe: {  	v13 =	vld [tilespmem:s1+$0x400];
	_ =	sdelay $0x1  }
0x7ff: {  	v15 =	vld.idx.msk [tilespmem:v15+s30+$0x0], $0xffff;
	_ =	sdelay $0x1  }
0x800: {  	vm15 =	veq.s32 v16, v9  }
0x801: {  	v16 =	vsel vm15, v10, v14;
	v14 =	vadd.s32 $0x400, v13  }
0x802: {  	s2 =	simm.s32 $0x80;
	s3 =	simm.s32 $0x0;
	v16 =	vcvt.s32.f32 v16  }
.LBB2_34:
0x803: {  	p0 =	sne.s32 s2, $0x1C0;
	v15 =	vcvt.s32.f32 v15;
	s4 =	smov.u32 s2;
	s2 =	sadd.s32 $0x40, s2  }
0x804: {  	[tilespmem:s3+$0x1980] =	vst v16  }
0x805: {  	[tilespmem:s3+$0x1D80] =	vst v15;
	s3 =	smov.u32 s1  }
0x806: {  	v14 =	vld.idx.msk [tilespmem:v14+s30+$0x0], $0xffff  }
0x807: {  	v15 =	vld.idx.msk [tilespmem:v13+s30+$0x0], $0xffff  }
0x808: {  	v16 =	vld [tilespmem:s3+$0x600];
	_ =	sdelay $0x2  }
0x809: {  	vm0 =	veq.s32 v13, v11  }
0x80a: {  	v13 =	vsel vm0, v12, v14  }
0x80b: {  	v14 =	vcvt.s32.f32 v15;
	v13 =	vcvt.s32.f32 v13;
	v15 =	vadd.s32 $0x400, v16;
	_ =	sdelay $0x1  }
0x80c: {  	[tilespmem:s3+$0x1580] =	vst v13  }
0x80d: {  	[tilespmem:s3+$0x1180] =	vst v14  }
0x80e: {  	s1 =	sshra.s32 s4, $0x2;
	v17 =	vld.idx.msk [tilespmem:v16+s30+$0x0], $0xffff  }
0x80f: {  	v13 =	vld [tilespmem:s1+$0x400]  }
0x810: {  	v15 =	vld.idx.msk [tilespmem:v15+s30+$0x0], $0xffff  }
.Ltmp16:
0x811: {  	(pc) =	sbr.rel @p0 .LBB2_34-.Ltmp16, $4  }
0x812: {  	_ = 	snop  }
0x813: {  	vm0 =	veq.s32 v16, v9  }
0x814: {  	v16 =	vsel vm0, v10, v17;
	v14 =	vadd.s32 $0x400, v13  }
0x815: {  	v16 =	vcvt.s32.f32 v16  }
0x816: {  	_ = 	snop  }
0x817: {  	v15 =	vcvt.s32.f32 v15  }
0x818: {  	[tilespmem:s3+$0x1980] =	vst v16  }
0x819: {  	[tilespmem:s3+$0x1D80] =	vst v15  }
0x81a: {  	v14 =	vld.idx.msk [tilespmem:v14+s30+$0x0], $0xffff  }
0x81b: {  	v15 =	vld.idx.msk [tilespmem:v13+s30+$0x0], $0xffff  }
0x81c: {  	v16 =	vld [tilespmem:s1+$0x600];
	_ =	sdelay $0x2  }
0x81d: {  	vm0 =	veq.s32 v13, v11  }
0x81e: {  	v13 =	vsel vm0, v12, v14;
	v14 =	vcvt.s32.f32 v15  }
0x81f: {  	v15 =	vadd.s32 $0x400, v16;
	v13 =	vcvt.s32.f32 v13  }
0x820: {  	[tilespmem:s1+$0x1180] =	vst v14  }
0x821: {  	[tilespmem:s1+$0x1580] =	vst v13  }
0x822: {  	v13 =	vld.idx.msk [tilespmem:v16+s30+$0x0], $0xffff;
	_ =	sdelay $0x1  }
0x823: {  	v14 =	vld.idx.msk [tilespmem:v15+s30+$0x0], $0xffff;
	_ =	sdelay $0x1  }
0x824: {  	vm13 =	veq.s32 v16, v9  }
0x825: {  	v13 =	vsel vm13, v10, v13  }
0x826: {  	v13 =	vcvt.s32.f32 v13  }
0x827: {  	v14 =	vcvt.s32.f32 v14  }
0x828: {  	[tilespmem:s1+$0x1980] =	vst v13  }
0x829: {  	[tilespmem:s1+$0x1D80] =	vst v14  }
0x82a: {  	v13 =	vld [tilespmem:s0+$0x480];
	_ =	sdelay $0x4  }
0x82b: {  	v14 =	vadd.s32 $0x400, v13;
	_ =	sdelay $0x3  }
0x82c: {  	v15 =	vld.idx.msk [tilespmem:v13+s30+$0x0], $0xffff  }
0x82d: {  	v14 =	vld.idx.msk [tilespmem:v14+s30+$0x0], $0xffff  }
0x82e: {  	v16 =	vld [tilespmem:s0+$0x680];
	_ =	sdelay $0x2  }
0x82f: {  	vm14 =	veq.s32 v13, v11  }
0x830: {  	v13 =	vsel vm14, v12, v14;
	v14 =	vcvt.s32.f32 v15  }
0x831: {  	v13 =	vcvt.s32.f32 v13  }
0x832: {  	v15 =	vadd.s32 $0x400, v16;
	[tilespmem:s0+$0x1280] =	vst v14  }
0x833: {  	[tilespmem:s0+$0x1680] =	vst v13  }
0x834: {  	s1 =	simm.s32 $0x10;
	v14 =	vld.idx.msk [tilespmem:v16+s30+$0x0], $0xffff  }
0x835: {  	v13 =	vld [tilespmem:s1+$0x480];
	_ =	sdelay $0x1  }
0x836: {  	v15 =	vld.idx.msk [tilespmem:v15+s30+$0x0], $0xffff;
	_ =	sdelay $0x1  }
0x837: {  	vm15 =	veq.s32 v16, v9  }
0x838: {  	v16 =	vsel vm15, v10, v14;
	v14 =	vadd.s32 $0x400, v13  }
0x839: {  	s2 =	simm.s32 $0x80;
	v16 =	vcvt.s32.f32 v16  }
.LBB2_36:
0x83a: {  	p0 =	sne.s32 s2, $0x1C0;
	v15 =	vcvt.s32.f32 v15;
	s3 =	smov.u32 s2;
	s2 =	sadd.s32 $0x40, s2  }
0x83b: {  	[tilespmem:s0+$0x1A80] =	vst v16  }
0x83c: {  	[tilespmem:s0+$0x1E80] =	vst v15;
	s0 =	smov.u32 s1  }
0x83d: {  	v14 =	vld.idx.msk [tilespmem:v14+s30+$0x0], $0xffff  }
0x83e: {  	v15 =	vld.idx.msk [tilespmem:v13+s30+$0x0], $0xffff  }
0x83f: {  	v16 =	vld [tilespmem:s0+$0x680];
	_ =	sdelay $0x2  }
0x840: {  	vm0 =	veq.s32 v13, v11  }
0x841: {  	v13 =	vsel vm0, v12, v14  }
0x842: {  	v14 =	vcvt.s32.f32 v15;
	v13 =	vcvt.s32.f32 v13;
	v15 =	vadd.s32 $0x400, v16;
	_ =	sdelay $0x1  }
0x843: {  	[tilespmem:s0+$0x1680] =	vst v13  }
0x844: {  	[tilespmem:s0+$0x1280] =	vst v14  }
0x845: {  	s1 =	sshra.s32 s3, $0x2;
	v17 =	vld.idx.msk [tilespmem:v16+s30+$0x0], $0xffff  }
0x846: {  	v13 =	vld [tilespmem:s1+$0x480]  }
0x847: {  	v15 =	vld.idx.msk [tilespmem:v15+s30+$0x0], $0xffff  }
.Ltmp17:
0x848: {  	(pc) =	sbr.rel @p0 .LBB2_36-.Ltmp17, $4  }
0x849: {  	_ = 	snop  }
0x84a: {  	vm0 =	veq.s32 v16, v9  }
0x84b: {  	v16 =	vsel vm0, v10, v17;
	v14 =	vadd.s32 $0x400, v13  }
0x84c: {  	v16 =	vcvt.s32.f32 v16  }
0x84d: {  	_ = 	snop  }
0x84e: {  	v15 =	vcvt.s32.f32 v15  }
0x84f: {  	[tilespmem:s0+$0x1A80] =	vst v16  }
0x850: {  	[tilespmem:s0+$0x1E80] =	vst v15  }
0x851: {  	v14 =	vld.idx.msk [tilespmem:v14+s30+$0x0], $0xffff  }
0x852: {  	v15 =	vld.idx.msk [tilespmem:v13+s30+$0x0], $0xffff  }
0x853: {  	v16 =	vld [tilespmem:s1+$0x680];
	_ =	sdelay $0x2  }
0x854: {  	vm0 =	veq.s32 v13, v11  }
0x855: {  	v13 =	vsel vm0, v12, v14;
	v14 =	vcvt.s32.f32 v15  }
0x856: {  	v15 =	vadd.s32 $0x400, v16;
	v13 =	vcvt.s32.f32 v13  }
0x857: {  	[tilespmem:s1+$0x1280] =	vst v14  }
0x858: {  	[tilespmem:s1+$0x1680] =	vst v13  }
0x859: {  	v13 =	vld.idx.msk [tilespmem:v16+s30+$0x0], $0xffff;
	_ =	sdelay $0x1  }
0x85a: {  	v14 =	vld.idx.msk [tilespmem:v15+s30+$0x0], $0xffff;
	_ =	sdelay $0x1  }
0x85b: {  	vm13 =	veq.s32 v16, v9  }
0x85c: {  	v13 =	vsel vm13, v10, v13  }
0x85d: {  	v13 =	vcvt.s32.f32 v13  }
0x85e: {  	v14 =	vcvt.s32.f32 v14  }
0x85f: {  	[tilespmem:s1+$0x1A80] =	vst v13  }
0x860: {  	s0 =	simm.s32 $0x0;
	[tilespmem:s1+$0x1E80] =	vst v14  }
0x861: {  	v13 =	vld [tilespmem:s0+$0x500];
	_ =	sdelay $0x4  }
0x862: {  	v14 =	vadd.s32 $0x400, v13;
	_ =	sdelay $0x3  }
0x863: {  	v15 =	vld.idx.msk [tilespmem:v13+s30+$0x0], $0xffff  }
0x864: {  	v14 =	vld.idx.msk [tilespmem:v14+s30+$0x0], $0xffff  }
0x865: {  	v16 =	vld [tilespmem:s0+$0x700];
	_ =	sdelay $0x2  }
0x866: {  	vm14 =	veq.s32 v13, v11  }
0x867: {  	v13 =	vsel vm14, v12, v14;
	v14 =	vcvt.s32.f32 v15  }
0x868: {  	v13 =	vcvt.s32.f32 v13  }
0x869: {  	v15 =	vadd.s32 $0x400, v16;
	[tilespmem:s0+$0x1380] =	vst v14  }
0x86a: {  	[tilespmem:s0+$0x1780] =	vst v13  }
0x86b: {  	s1 =	simm.s32 $0x10;
	v14 =	vld.idx.msk [tilespmem:v16+s30+$0x0], $0xffff  }
0x86c: {  	v13 =	vld [tilespmem:s1+$0x500];
	_ =	sdelay $0x1  }
0x86d: {  	v15 =	vld.idx.msk [tilespmem:v15+s30+$0x0], $0xffff;
	_ =	sdelay $0x1  }
0x86e: {  	vm15 =	veq.s32 v16, v9  }
0x86f: {  	v16 =	vsel vm15, v10, v14;
	v14 =	vadd.s32 $0x400, v13  }
0x870: {  	s2 =	simm.s32 $0x80;
	s3 =	simm.s32 $0x0;
	v16 =	vcvt.s32.f32 v16  }
.LBB2_38:
0x871: {  	p0 =	sne.s32 s2, $0x1C0;
	v15 =	vcvt.s32.f32 v15;
	s4 =	smov.u32 s2;
	s2 =	sadd.s32 $0x40, s2  }
0x872: {  	[tilespmem:s3+$0x1B80] =	vst v16  }
0x873: {  	[tilespmem:s3+$0x1F80] =	vst v15;
	s3 =	smov.u32 s1  }
0x874: {  	v14 =	vld.idx.msk [tilespmem:v14+s30+$0x0], $0xffff  }
0x875: {  	v15 =	vld.idx.msk [tilespmem:v13+s30+$0x0], $0xffff  }
0x876: {  	v16 =	vld [tilespmem:s3+$0x700];
	_ =	sdelay $0x2  }
0x877: {  	vm0 =	veq.s32 v13, v11  }
0x878: {  	v13 =	vsel vm0, v12, v14  }
0x879: {  	v14 =	vcvt.s32.f32 v15;
	v13 =	vcvt.s32.f32 v13;
	v15 =	vadd.s32 $0x400, v16;
	_ =	sdelay $0x1  }
0x87a: {  	[tilespmem:s3+$0x1780] =	vst v13  }
0x87b: {  	[tilespmem:s3+$0x1380] =	vst v14  }
0x87c: {  	s1 =	sshra.s32 s4, $0x2;
	v17 =	vld.idx.msk [tilespmem:v16+s30+$0x0], $0xffff  }
0x87d: {  	v13 =	vld [tilespmem:s1+$0x500]  }
0x87e: {  	v15 =	vld.idx.msk [tilespmem:v15+s30+$0x0], $0xffff  }
.Ltmp18:
0x87f: {  	(pc) =	sbr.rel @p0 .LBB2_38-.Ltmp18, $4  }
0x880: {  	_ = 	snop  }
0x881: {  	vm0 =	veq.s32 v16, v9  }
0x882: {  	v16 =	vsel vm0, v10, v17;
	v14 =	vadd.s32 $0x400, v13  }
0x883: {  	v16 =	vcvt.s32.f32 v16  }
0x884: {  	_ = 	snop  }
0x885: {  	v15 =	vcvt.s32.f32 v15  }
0x886: {  	[tilespmem:s3+$0x1B80] =	vst v16  }
0x887: {  	[tilespmem:s3+$0x1F80] =	vst v15  }
0x888: {  	v14 =	vld.idx.msk [tilespmem:v14+s30+$0x0], $0xffff  }
0x889: {  	v15 =	vld.idx.msk [tilespmem:v13+s30+$0x0], $0xffff  }
0x88a: {  	v16 =	vld [tilespmem:s1+$0x700];
	_ =	sdelay $0x2  }
0x88b: {  	vm0 =	veq.s32 v13, v11  }
0x88c: {  	v13 =	vsel vm0, v12, v14;
	v14 =	vcvt.s32.f32 v15  }
0x88d: {  	v15 =	vadd.s32 $0x400, v16;
	v13 =	vcvt.s32.f32 v13  }
0x88e: {  	[tilespmem:s1+$0x1380] =	vst v14  }
0x88f: {  	[tilespmem:s1+$0x1780] =	vst v13  }
0x890: {  	v13 =	vld.idx.msk [tilespmem:v16+s30+$0x0], $0xffff;
	_ =	sdelay $0x1  }
0x891: {  	v14 =	vld.idx.msk [tilespmem:v15+s30+$0x0], $0xffff;
	_ =	sdelay $0x1  }
0x892: {  	vm13 =	veq.s32 v16, v9  }
0x893: {  	v13 =	vsel vm13, v10, v13  }
0x894: {  	v13 =	vcvt.s32.f32 v13  }
0x895: {  	v14 =	vcvt.s32.f32 v14  }
0x896: {  	[tilespmem:s1+$0x1B80] =	vst v13  }
0x897: {  	[tilespmem:s1+$0x1F80] =	vst v14  }
0x898: {  	v13 =	vld [tilespmem:s0+$0x580];
	_ =	sdelay $0x4  }
0x899: {  	v14 =	vadd.s32 $0x400, v13;
	_ =	sdelay $0x3  }
0x89a: {  	v15 =	vld.idx.msk [tilespmem:v13+s30+$0x0], $0xffff  }
0x89b: {  	v14 =	vld.idx.msk [tilespmem:v14+s30+$0x0], $0xffff  }
0x89c: {  	v16 =	vld [tilespmem:s0+$0x780];
	_ =	sdelay $0x2  }
0x89d: {  	vm14 =	veq.s32 v13, v11  }
0x89e: {  	v13 =	vsel vm14, v12, v14;
	v14 =	vcvt.s32.f32 v15  }
0x89f: {  	v13 =	vcvt.s32.f32 v13  }
0x8a0: {  	v15 =	vadd.s32 $0x400, v16;
	[tilespmem:s0+$0x1480] =	vst v14  }
0x8a1: {  	[tilespmem:s0+$0x1880] =	vst v13  }
0x8a2: {  	s1 =	simm.s32 $0x10;
	v14 =	vld.idx.msk [tilespmem:v16+s30+$0x0], $0xffff  }
0x8a3: {  	v13 =	vld [tilespmem:s1+$0x580];
	_ =	sdelay $0x1  }
0x8a4: {  	v15 =	vld.idx.msk [tilespmem:v15+s30+$0x0], $0xffff;
	_ =	sdelay $0x1  }
0x8a5: {  	vm15 =	veq.s32 v16, v9  }
0x8a6: {  	v16 =	vsel vm15, v10, v14;
	v14 =	vadd.s32 $0x400, v13  }
0x8a7: {  	s2 =	simm.s32 $0x80;
	v16 =	vcvt.s32.f32 v16  }
.LBB2_40:
0x8a8: {  	p0 =	sne.s32 s2, $0x1C0;
	v15 =	vcvt.s32.f32 v15;
	s3 =	smov.u32 s2;
	s2 =	sadd.s32 $0x40, s2  }
0x8a9: {  	[tilespmem:s0+$0x1C80] =	vst v16  }
0x8aa: {  	[tilespmem:s0+$0x2080] =	vst v15;
	s0 =	smov.u32 s1  }
0x8ab: {  	v14 =	vld.idx.msk [tilespmem:v14+s30+$0x0], $0xffff  }
0x8ac: {  	v15 =	vld.idx.msk [tilespmem:v13+s30+$0x0], $0xffff  }
0x8ad: {  	v16 =	vld [tilespmem:s0+$0x780];
	_ =	sdelay $0x2  }
0x8ae: {  	vm0 =	veq.s32 v13, v11  }
0x8af: {  	v13 =	vsel vm0, v12, v14  }
0x8b0: {  	v14 =	vcvt.s32.f32 v15;
	v13 =	vcvt.s32.f32 v13;
	v15 =	vadd.s32 $0x400, v16;
	_ =	sdelay $0x1  }
0x8b1: {  	[tilespmem:s0+$0x1880] =	vst v13  }
0x8b2: {  	[tilespmem:s0+$0x1480] =	vst v14  }
0x8b3: {  	s1 =	sshra.s32 s3, $0x2;
	v17 =	vld.idx.msk [tilespmem:v16+s30+$0x0], $0xffff  }
0x8b4: {  	v13 =	vld [tilespmem:s1+$0x580]  }
0x8b5: {  	v15 =	vld.idx.msk [tilespmem:v15+s30+$0x0], $0xffff  }
.Ltmp19:
0x8b6: {  	(pc) =	sbr.rel @p0 .LBB2_40-.Ltmp19, $4  }
0x8b7: {  	_ = 	snop  }
0x8b8: {  	vm0 =	veq.s32 v16, v9  }
0x8b9: {  	v16 =	vsel vm0, v10, v17;
	v14 =	vadd.s32 $0x400, v13  }
0x8ba: {  	v16 =	vcvt.s32.f32 v16  }
0x8bb: {  	_ = 	snop  }
0x8bc: {  	v15 =	vcvt.s32.f32 v15  }
0x8bd: {  	[tilespmem:s0+$0x1C80] =	vst v16  }
0x8be: {  	[tilespmem:s0+$0x2080] =	vst v15  }
0x8bf: {  	v14 =	vld.idx.msk [tilespmem:v14+s30+$0x0], $0xffff  }
0x8c0: {  	v15 =	vld.idx.msk [tilespmem:v13+s30+$0x0], $0xffff  }
0x8c1: {  	v16 =	vld [tilespmem:s1+$0x780];
	_ =	sdelay $0x2  }
0x8c2: {  	vm0 =	veq.s32 v13, v11  }
0x8c3: {  	v11 =	vsel vm0, v12, v14;
	v62 =	vcvt.s32.f32 v15  }
0x8c4: {  	v63 =	vadd.s32 $0x400, v16;
	v11 =	vcvt.s32.f32 v11  }
0x8c5: {  	[tilespmem:s1+$0x1480] =	vst v62  }
0x8c6: {  	[tilespmem:s1+$0x1880] =	vst v11  }
0x8c7: {  	v11 =	vld.idx.msk [tilespmem:v16+s30+$0x0], $0xffff;
	_ =	sdelay $0x1  }
0x8c8: {  	v12 =	vld.idx.msk [tilespmem:v63+s30+$0x0], $0xffff;
	_ =	sdelay $0x1  }
0x8c9: {  	vm15 =	veq.s32 v16, v9  }
0x8ca: {  	v9 =	vsel vm15, v10, v11  }
0x8cb: {  	v9 =	vcvt.s32.f32 v9  }
0x8cc: {  	v10 =	vcvt.s32.f32 v12  }
0x8cd: {  	[tilespmem:s1+$0x1C80] =	vst v9  }
0x8ce: {  	s2 =	simm.s32 $0x1180;
	[tilespmem:s1+$0x2080] =	vst v10  }
0x8cf: {  	[hbm4b:s18+s5] =	stream.linear.scatter [tilespmem:s2], [sflag:$0x2], $0x80, $0x38;
	[tilespmem:$0x2100] =	vst v63  }
0x8d0: {  	s3 =	sadd.s32 $0x80, s18;
	s4 =	simm.s32 $0x1280  }
0x8d1: {  	[hbm4b:s3+s5] =	stream.linear.scatter [tilespmem:s4], [sflag:$0x2], $0x80, $0x38;
	[tilespmem:$0x2100] =	vst v63  }
0x8d2: {  	s1 =	sadd.s32 $0x100, s18;
	s2 =	simm.s32 $0x1380  }
0x8d3: {  	[hbm4b:s1+s5] =	stream.linear.scatter [tilespmem:s2], [sflag:$0x2], $0x80, $0x38;
	[tilespmem:$0x2100] =	vst v63  }
0x8d4: {  	s3 =	sadd.s32 $0x180, s18;
	s4 =	simm.s32 $0x1480  }
0x8d5: {  	[hbm4b:s3+s5] =	stream.linear.scatter [tilespmem:s4], [sflag:$0x2], $0x80, $0x38;
	[tilespmem:$0x2100] =	vst v63  }
0x8d6: {  	s2 =	simm.s32 $0x1580  }
0x8d7: {  	[hbm4b:s20+s5] =	stream.linear.scatter [tilespmem:s2], [sflag:$0x2], $0x80, $0x38;
	[tilespmem:$0x2100] =	vst v63  }
0x8d8: {  	s3 =	sadd.s32 $0x80, s20;
	s4 =	simm.s32 $0x1680  }
0x8d9: {  	[hbm4b:s3+s5] =	stream.linear.scatter [tilespmem:s4], [sflag:$0x2], $0x80, $0x38;
	[tilespmem:$0x2100] =	vst v63  }
0x8da: {  	s1 =	sadd.s32 $0x100, s20;
	s2 =	simm.s32 $0x1780  }
0x8db: {  	[hbm4b:s1+s5] =	stream.linear.scatter [tilespmem:s2], [sflag:$0x2], $0x80, $0x38;
	[tilespmem:$0x2100] =	vst v63  }
0x8dc: {  	s3 =	sadd.s32 $0x180, s20;
	s4 =	simm.s32 $0x1880  }
0x8dd: {  	[hbm4b:s3+s5] =	stream.linear.scatter [tilespmem:s4], [sflag:$0x2], $0x80, $0x38;
	[tilespmem:$0x2100] =	vst v63  }
0x8de: {  	s2 =	simm.s32 $0x1980  }
0x8df: {  	[hbm4b:s21+s5] =	stream.linear.scatter [tilespmem:s2], [sflag:$0x2], $0x80, $0x38;
	[tilespmem:$0x2100] =	vst v63  }
0x8e0: {  	s3 =	sadd.s32 $0x80, s21;
	s4 =	simm.s32 $0x1A80  }
0x8e1: {  	[hbm4b:s3+s5] =	stream.linear.scatter [tilespmem:s4], [sflag:$0x2], $0x80, $0x38;
	[tilespmem:$0x2100] =	vst v63  }
0x8e2: {  	s1 =	sadd.s32 $0x100, s21;
	s2 =	simm.s32 $0x1B80  }
0x8e3: {  	[hbm4b:s1+s5] =	stream.linear.scatter [tilespmem:s2], [sflag:$0x2], $0x80, $0x38;
	[tilespmem:$0x2100] =	vst v63  }
0x8e4: {  	s3 =	sadd.s32 $0x180, s21;
	s4 =	simm.s32 $0x1C80  }
0x8e5: {  	[hbm4b:s3+s5] =	stream.linear.scatter [tilespmem:s4], [sflag:$0x2], $0x80, $0x38;
	[tilespmem:$0x2100] =	vst v63  }
0x8e6: {  	s2 =	simm.s32 $0x1D80  }
0x8e7: {  	[hbm4b:s22+s5] =	stream.linear.scatter [tilespmem:s2], [sflag:$0x2], $0x80, $0x38;
	[tilespmem:$0x2100] =	vst v63  }
0x8e8: {  	s3 =	sadd.s32 $0x80, s22;
	s4 =	simm.s32 $0x1E80  }
0x8e9: {  	[hbm4b:s3+s5] =	stream.linear.scatter [tilespmem:s4], [sflag:$0x2], $0x80, $0x38;
	[tilespmem:$0x2100] =	vst v63  }
0x8ea: {  	s2 =	sadd.s32 $0x100, s22;
	s3 =	simm.s32 $0x1F80  }
0x8eb: {  	[hbm4b:s2+s5] =	stream.linear.scatter [tilespmem:s3], [sflag:$0x2], $0x80, $0x38;
	[tilespmem:$0x2100] =	vst v63  }
0x8ec: {  	s4 =	sadd.s32 $0x180, s22  }
0x8ed: {  	[hbm4b:s4+s5] =	stream.linear.scatter [tilespmem:s29], [sflag:$0x2], $0x80, $0x38;
	[tilespmem:$0x2100] =	vst v63  }
0x8ee: {  	_ =	swait.ge [sflag:s31], $0x200  }
0x8ef: {  	[sflag:s31] =	ssyncset.done $0x0  }
0x8f0: {  	[sflag:s31] =	ssyncadd.s32 $0xFFFFFE00  }
0x8f1: {  	_ =	swait.ge [sflag:s31], $0x200  }
0x8f2: {  	[sflag:s31] =	ssyncset.done $0x0  }
0x8f3: {  	[sflag:s31] =	ssyncadd.s32 $0xFFFFFE00  }
0x8f4: {  	_ =	swait.ge [sflag:s31], $0x200  }
0x8f5: {  	[sflag:s31] =	ssyncset.done $0x0  }
0x8f6: {  	[sflag:s31] =	ssyncadd.s32 $0xFFFFFE00  }
0x8f7: {  	_ =	swait.ge [sflag:s31], $0x200  }
0x8f8: {  	[sflag:s31] =	ssyncset.done $0x0  }
0x8f9: {  	[sflag:s31] =	ssyncadd.s32 $0xFFFFFE00  }
0x8fa: {  	_ =	swait.ge [sflag:s31], $0x200  }
0x8fb: {  	[sflag:s31] =	ssyncset.done $0x0  }
0x8fc: {  	[sflag:s31] =	ssyncadd.s32 $0xFFFFFE00  }
0x8fd: {  	_ =	swait.ge [sflag:s31], $0x200  }
0x8fe: {  	[sflag:s31] =	ssyncset.done $0x0  }
0x8ff: {  	s19 =	sadd.s32 $0x1, s19;
	[sflag:s31] =	ssyncadd.s32 $0xFFFFFE00  }
0x900: {  	p0 =	sne.s32 s19, s24;
	_ =	swait.ge [sflag:s31], $0x200  }
.Ltmp20:
0x901: {  	[sflag:s31] =	ssyncset.done $0x0;
	(pc) =	sbr.rel @p0 .LBB2_1-.Ltmp20, $4  }
0x902: {  	[sflag:s31] =	ssyncadd.s32 $0xFFFFFE00  }
0x903: {  	_ =	swait.ge [sflag:s31], $0x200  }
0x904: {  	[sflag:s31] =	ssyncset.done $0x0  }
0x905: {  	[sflag:s31] =	ssyncadd.s32 $0xFFFFFE00  }
0x906: {  	_ =	sfence.sel $0x180000  }
0x907: {  	[bflag:$0x0] =	sbarrier.arrive $0xFFFF  }
0x908: {  	_ =	strace $0x90000047  }
0x909: {  	s0 =	stileid.u32;
	[bflag:$0x2] =	sbarrier.arrive $0xFFFF  }
0x90a: {  	p0 =	sne.s32 s0, $0x0;
	s0 =	rddreg [dreg:$0x3]  }
0x90b: {  	s0 =	sadd.s32 @!p0 $0x100000, s0  }
0x90c: {  	[sflag:s0] =	ssyncadd.tile.s32 @!p0 $0x1;
	_ =	shalt  }
.Lfunc_end2:
_tile_overlayer_lowered:
.L_overlay_start_2:
0x90d: {  	(tag) =	ssettag $0x2  }
0x90e: {  	s0 =	rddreg [dreg:$0x0];
	s2 =	stileid.u32  }
0x90f: {  	s1 =	rddreg [dreg:$0x1];
	p0 =	sne.s32 s2, $0x0  }
0x910: {  	s3 =	rddreg [dreg:$0x2];
	[bflag:$0x3] =	sbarrier.arrive $0xFFFF;
	s2 =	simm.s32 @!p0 $0x1C03  }
0x911: {  	[timem:s3], [sflag:s2] =	dma.local @!p0 [hbm:s0], s1  }
0x912: {  	s0 =	simm.s32 @!p0 $0x3  }
0x913: {  	_ =	swait.ge @!p0 [sflag:s0], s1  }
0x914: {  	s1 =	ssub.s32 @!p0 $0x0, s1;
	[sflag:s0] =	ssyncset.done @!p0 $0x0  }
0x915: {  	[sflag:s0] =	ssyncadd.s32 @!p0 s1  }
0x916: {  	[bflag:$0x3] =	sbarrier.arrive $0xFFFF  }
0x917: {  	_ =	shalt  }

</sc_bundles>
